<compile_context>
chip_gen: v7x
topology: tpu7x:2x2x1
jax: 0.10.2.dev20260603
libtpu: 0.0.44.dev20260713+nightly
codegen_flags: <defaults>
</compile_context>

<pallas_src>
import functools

import jax
import jax.numpy as jnp
from jax import lax
from jax.experimental import pallas as pl
from jax.experimental.pallas import tpu as pltpu
from jax.experimental.pallas import tpu_sc as plsc

N = 10000
NP = 10240
D = 256
NR2 = 400
NE_HALF = 80000
EP = 81920
NT = 16
NCH = 20
CK = 256
ROWS_PT = NP // NT
CROWS = NP * NR2 // 128
CQROWS = CROWS // 4
CPADR = 128
CACC_R = CQROWS + CPADR
CZ_R = 512
CF_R = 504

@functools.cache
def _mesh():
    return plsc.VectorSubcoreMesh(core_axis_name="c", subcore_axis_name="s")



def _sc_deg_body(deg_src, ones_hbm, z2d, deg_out, idx_v, ones_v, dacc, sem):
    c = lax.axis_index("c")
    s = lax.axis_index("s")
    pltpu.sync_copy(z2d, dacc.at[pl.ds(s * ROWS_PT, ROWS_PT)])
    pltpu.sync_copy(ones_hbm, ones_v)
    plsc.subcore_barrier()
    base = (c * NT + s) * NCH * CK

    def chunk(j, carry):
        pltpu.sync_copy(deg_src.at[pl.ds(base + j * CK, CK)], idx_v)
        pltpu.sync_copy(ones_v, dacc.at[idx_v], add=True)
        return carry

    lax.fori_loop(0, NCH, chunk, 0)
    plsc.subcore_barrier()
    pltpu.sync_copy(dacc.at[pl.ds(s * ROWS_PT, ROWS_PT)],
                    deg_out.at[pl.ds(c * NP + s * ROWS_PT, ROWS_PT)])


def _sc_deg(deg_src, ones_hbm, z2d):
    return pl.kernel(
        _sc_deg_body,
        out_type=jax.ShapeDtypeStruct((2 * NP, 128), jnp.float32),
        mesh=_mesh(),
        scratch_types=[
            pltpu.VMEM((CK,), jnp.int32),
            pltpu.VMEM((CK, 128), jnp.float32),
            pltpu.VMEM_SHARED((NP, 128), jnp.float32),
            pltpu.SemaphoreType.DMA,
        ],
    )(deg_src, ones_hbm, z2d)


def _sc_dval_body(dinv_t, didx, dval_out, idx_v0, idx_v1,
                  rows_v0, rows_v1, sem0, sem1):
    c = lax.axis_index("c")
    s = lax.axis_index("s")
    base = c * EP + s * NCH * CK
    pltpu.sync_copy(didx.at[pl.ds(base, CK)], idx_v0)
    pltpu.async_copy(dinv_t.at[idx_v0], rows_v0, sem0)

    def pair(jj, carry):
        j0 = 2 * jj
        pltpu.sync_copy(didx.at[pl.ds(base + (j0 + 1) * CK, CK)], idx_v1)
        pltpu.async_copy(dinv_t.at[idx_v1], rows_v1, sem1)
        pltpu.make_async_copy(dinv_t.at[idx_v0], rows_v0, sem0).wait()
        pltpu.sync_copy(rows_v0, dval_out.at[pl.ds(base + j0 * CK, CK)])

        @pl.when(jj < NCH // 2 - 1)
        def _():
            pltpu.sync_copy(didx.at[pl.ds(base + (j0 + 2) * CK, CK)], idx_v0)
            pltpu.async_copy(dinv_t.at[idx_v0], rows_v0, sem0)

        pltpu.make_async_copy(dinv_t.at[idx_v1], rows_v1, sem1).wait()
        pltpu.sync_copy(rows_v1, dval_out.at[pl.ds(base + (j0 + 1) * CK, CK)])
        return carry

    lax.fori_loop(0, NCH // 2, pair, 0)


def _sc_dval(dinv_t, didx):
    return pl.kernel(
        _sc_dval_body,
        out_type=jax.ShapeDtypeStruct((2 * EP, 128), jnp.float32),
        mesh=_mesh(),
        scratch_types=[
            pltpu.VMEM((CK,), jnp.int32),
            pltpu.VMEM((CK,), jnp.int32),
            pltpu.VMEM((CK, 128), jnp.float32),
            pltpu.VMEM((CK, 128), jnp.float32),
            pltpu.SemaphoreType.DMA,
            pltpu.SemaphoreType.DMA,
        ],
    )(dinv_t, didx)


def _sc_cbuild_body(rowidx, oh, zcb, cin_out, cout_out,
                    rowb, rows_v0, rows_v1, cacc, sem0, sem1):
    c = lax.axis_index("c")
    s = lax.axis_index("s")
    for d, out in ((0, cin_out), (1, cout_out)):
        for p in (0, 1):
            q = 2 * p + c

            @pl.when(s < NT - 1)
            def _():
                pltpu.sync_copy(zcb, cacc.at[pl.ds(s * CZ_R, CZ_R)])

            @pl.when(s == NT - 1)
            def _():
                pltpu.sync_copy(zcb.at[pl.ds(0, CACC_R - (NT - 1) * CZ_R)],
                                cacc.at[pl.ds((NT - 1) * CZ_R,
                                              CACC_R - (NT - 1) * CZ_R)])

            plsc.subcore_barrier()
            ribase = (d * 4 + q) * EP
            ohbase = d * EP
            tbase = s * NCH * CK

            pltpu.async_copy(oh.at[pl.ds(ohbase + tbase, CK)], rows_v0, sem0)

            def pair(jj, carry):
                j0 = 2 * jj
                pltpu.async_copy(
                    oh.at[pl.ds(ohbase + tbase + (j0 + 1) * CK, CK)],
                    rows_v1, sem1)
                pltpu.make_async_copy(
                    oh.at[pl.ds(ohbase + tbase + j0 * CK, CK)],
                    rows_v0, sem0).wait()
                pltpu.sync_copy(rowidx.at[pl.ds(ribase + tbase + j0 * CK, CK)],
                                rowb)
                pltpu.sync_copy(
                    rows_v0,
                    cacc.at[plsc.Indices(rowb, ignored_value=-1)], add=True)

                @pl.when(jj < NCH // 2 - 1)
                def _():
                    pltpu.async_copy(
                        oh.at[pl.ds(ohbase + tbase + (j0 + 2) * CK, CK)],
                        rows_v0, sem0)

                pltpu.make_async_copy(
                    oh.at[pl.ds(ohbase + tbase + (j0 + 1) * CK, CK)],
                    rows_v1, sem1).wait()
                pltpu.sync_copy(
                    rowidx.at[pl.ds(ribase + tbase + (j0 + 1) * CK, CK)],
                    rowb)
                pltpu.sync_copy(
                    rows_v1,
                    cacc.at[plsc.Indices(rowb, ignored_value=-1)], add=True)
                return carry

            lax.fori_loop(0, NCH // 2, pair, 0)
            plsc.subcore_barrier()

            @pl.when(s < NT - 1)
            def _():
                pltpu.sync_copy(
                    cacc.at[pl.ds(s * CF_R, CF_R)],
                    out.at[pl.ds(q * CQROWS + s * CF_R, CF_R)])

            @pl.when(s == NT - 1)
            def _():
                rem = CQROWS - (NT - 1) * CF_R
                pltpu.sync_copy(
                    cacc.at[pl.ds((NT - 1) * CF_R, rem)],
                    out.at[pl.ds(q * CQROWS + (NT - 1) * CF_R, rem)])

            plsc.subcore_barrier()


def _sc_cbuild(rowidx, oh, zcb):
    return pl.kernel(
        _sc_cbuild_body,
        out_type=(jax.ShapeDtypeStruct((CROWS, 128), jnp.float32),
                  jax.ShapeDtypeStruct((CROWS, 128), jnp.float32)),
        mesh=_mesh(),
        scratch_types=[
            pltpu.VMEM((CK,), jnp.int32),
            pltpu.VMEM((CK, 128), jnp.float32),
            pltpu.VMEM((CK, 128), jnp.float32),
            pltpu.VMEM_SHARED((CACC_R, 128), jnp.float32),
            pltpu.SemaphoreType.DMA,
            pltpu.SemaphoreType.DMA,
        ],
    )(rowidx, oh, zcb)


AGG_CK = 128
AGG_NCH = (NCH * CK) // AGG_CK


def _sc_agg_body(u_in0, u_in1, u_out0, u_out1, src_in, dst_in, src_out,
                 dst_out, z2d, a_out, src_v0, src_v1, dst_v, rows_v0, rows_v1,
                 acc, sem0, sem1):
    c = lax.axis_index("c")
    s = lax.axis_index("s")
    for d, tabs, srcs, dsts in ((0, (u_in0, u_in1), src_in, dst_in),
                                (1, (u_out0, u_out1), src_out, dst_out)):
        pltpu.sync_copy(z2d, acc.at[pl.ds(s * ROWS_PT, ROWS_PT)])
        plsc.subcore_barrier()
        base = s * AGG_NCH * AGG_CK

        def run(u):
            pltpu.sync_copy(srcs.at[pl.ds(base, AGG_CK)], src_v0)
            pltpu.async_copy(u.at[src_v0], rows_v0, sem0)

            def pair(jj, carry):
                j0 = 2 * jj
                pltpu.sync_copy(
                    srcs.at[pl.ds(base + (j0 + 1) * AGG_CK, AGG_CK)], src_v1)
                pltpu.async_copy(u.at[src_v1], rows_v1, sem1)
                pltpu.make_async_copy(u.at[src_v0], rows_v0, sem0).wait()
                pltpu.sync_copy(dsts.at[pl.ds(base + j0 * AGG_CK, AGG_CK)],
                                dst_v)
                pltpu.sync_copy(rows_v0, acc.at[dst_v], add=True)

                @pl.when(jj < AGG_NCH // 2 - 1)
                def _():
                    pltpu.sync_copy(
                        srcs.at[pl.ds(base + (j0 + 2) * AGG_CK, AGG_CK)],
                        src_v0)
                    pltpu.async_copy(u.at[src_v0], rows_v0, sem0)

                pltpu.make_async_copy(u.at[src_v1], rows_v1, sem1).wait()
                pltpu.sync_copy(
                    dsts.at[pl.ds(base + (j0 + 1) * AGG_CK, AGG_CK)], dst_v)
                pltpu.sync_copy(rows_v1, acc.at[dst_v], add=True)
                return carry

            lax.fori_loop(0, AGG_NCH // 2, pair, 0)

        @pl.when(c == 0)
        def _():
            run(tabs[0])

        @pl.when(c == 1)
        def _():
            run(tabs[1])

        plsc.subcore_barrier()
        pltpu.sync_copy(
            acc.at[pl.ds(s * ROWS_PT, ROWS_PT)],
            a_out.at[pl.ds((d * 2 + c) * NP + s * ROWS_PT, ROWS_PT)])
        plsc.subcore_barrier()


def _sc_agg(u_in0, u_in1, u_out0, u_out1, src_in, dst_in, src_out, dst_out,
            z2d):
    return pl.kernel(
        _sc_agg_body,
        out_type=jax.ShapeDtypeStruct((4 * NP, 128), jnp.float32),
        mesh=_mesh(),
        scratch_types=[
            pltpu.VMEM((AGG_CK,), jnp.int32),
            pltpu.VMEM((AGG_CK,), jnp.int32),
            pltpu.VMEM((AGG_CK,), jnp.int32),
            pltpu.VMEM((AGG_CK, 128), jnp.float32),
            pltpu.VMEM((AGG_CK, 128), jnp.float32),
            pltpu.VMEM_SHARED((NP, 128), jnp.float32),
            pltpu.SemaphoreType.DMA,
            pltpu.SemaphoreType.DMA,
        ],
    )(u_in0, u_in1, u_out0, u_out1, src_in, dst_in, src_out, dst_out, z2d)



def _dinv_body(deg_ref, o_ref, ot_ref):
    deg = deg_ref[:, 0:1]
    dv = jnp.where(deg > 0, lax.rsqrt(deg), 0.0)
    o_ref[...] = dv.reshape(2, NP)
    ot_ref[...] = jnp.broadcast_to(dv, (2 * NP, 128))


def _tc_dinv(deg):
    return pl.pallas_call(
        _dinv_body,
        out_shape=[jax.ShapeDtypeStruct((2, NP), jnp.float32),
                   jax.ShapeDtypeStruct((2 * NP, 128), jnp.float32)],
    )(deg)


def _oh_body(dval_ref, lane_ref, o_ref):
    iota = lax.broadcasted_iota(jnp.int32, (dval_ref.shape[0], 128), 1)
    o_ref[...] = jnp.where(iota == lane_ref[...], dval_ref[...], 0.0)


def _tc_oh(dval1, lane1):
    bm = 2048
    return pl.pallas_call(
        _oh_body,
        grid=(2 * EP // bm,),
        in_specs=[
            pl.BlockSpec((bm, 1), lambda i: (i, 0)),
            pl.BlockSpec((bm, 1), lambda i: (i, 0)),
        ],
        out_specs=pl.BlockSpec((bm, 128), lambda i: (i, 0)),
        out_shape=jax.ShapeDtypeStruct((2 * EP, 128), jnp.float32),
    )(dval1, lane1)


def _split_out(h, dv_ref, t0, t1, t2, t3, ml):
    din = dv_ref[:, 0:1]
    dout = dv_ref[:, 1:2]
    t0[...] = h[:, 0:128] * din
    t1[...] = h[:, 128:256] * din
    t2[...] = h[:, 256:384] * dout
    t3[...] = h[:, 384:512] * dout
    ml[...] = h[:, 512:768]


_MM_OUT = [jax.ShapeDtypeStruct((NP, 128), jnp.float32)] * 4 + [
    jax.ShapeDtypeStruct((NP, 256), jnp.float32)]


def _mm_out_specs():
    return [pl.BlockSpec((512, 128), lambda i: (i, 0))] * 4 + [
        pl.BlockSpec((512, 256), lambda i: (i, 0))]


def _mm_scaled_body(x_ref, w_ref, dv_ref, t0, t1, t2, t3, ml):
    h = jnp.dot(x_ref[...], w_ref[...], preferred_element_type=jnp.float32)
    _split_out(h, dv_ref, t0, t1, t2, t3, ml)


def _tc_mm_scaled(x, w3, dinv2):
    bm = 512
    return pl.pallas_call(
        _mm_scaled_body,
        grid=(NP // bm,),
        in_specs=[
            pl.BlockSpec((bm, D), lambda i: (i, 0)),
            pl.BlockSpec((D, 768), lambda i: (0, 0)),
            pl.BlockSpec((bm, 2), lambda i: (i, 0)),
        ],
        out_specs=_mm_out_specs(),
        out_shape=list(_MM_OUT),
    )(x, w3, dinv2)


def _mm_norm_scaled_body(pre_ref, st_ref, w_ref, dv_ref, t0, t1, t2, t3, ml):
    i = pl.program_id(0)
    m = st_ref[0:1, :] * (1.0 / N)
    var = st_ref[1:2, :] * (1.0 / N) - m * m
    rs = lax.rsqrt(var + 1e-5)
    xa = jnp.maximum((pre_ref[...] - m) * rs, 0.0)
    rows = i * pre_ref.shape[0] + lax.broadcasted_iota(
        jnp.int32, (pre_ref.shape[0], 1), 0)
    xa = jnp.where(rows < N, xa, 0.0)
    h = jnp.dot(xa, w_ref[...], preferred_element_type=jnp.float32)
    _split_out(h, dv_ref, t0, t1, t2, t3, ml)


def _tc_mm_norm_scaled(pre, stats, w3, dinv2):
    bm = 512
    return pl.pallas_call(
        _mm_norm_scaled_body,
        grid=(NP // bm,),
        in_specs=[
            pl.BlockSpec((bm, D), lambda i: (i, 0)),
            pl.BlockSpec((2, D), lambda i: (0, 0)),
            pl.BlockSpec((D, 768), lambda i: (0, 0)),
            pl.BlockSpec((bm, 2), lambda i: (i, 0)),
        ],
        out_specs=_mm_out_specs(),
        out_shape=list(_MM_OUT),
    )(pre, stats, w3, dinv2)


def _mm_small_body(a_ref, b_ref, o_ref):
    o_ref[...] = jnp.dot(a_ref[...], b_ref[...],
                         preferred_element_type=jnp.float32)


def _tc_mm_small(a, b):
    return pl.pallas_call(
        _mm_small_body,
        out_shape=jax.ShapeDtypeStruct((a.shape[0], b.shape[1]), jnp.float32),
    )(a, b)


def _tc_mm(a, b):
    bm = 512
    m, k = a.shape
    n = b.shape[1]
    return pl.pallas_call(
        _mm_small_body,
        grid=(m // bm,),
        in_specs=[
            pl.BlockSpec((bm, k), lambda i: (i, 0)),
            pl.BlockSpec((k, n), lambda i: (0, 0)),
        ],
        out_specs=pl.BlockSpec((bm, n), lambda i: (i, 0)),
        out_shape=jax.ShapeDtypeStruct((m, n), jnp.float32),
    )(a, b)


def _combine_body(ain_ref, aout_ref, bin_ref, bout_ref, ml_ref, lr_ref, dv_ref,
                  pre_ref, st_ref):
    i = pl.program_id(1)
    din = dv_ref[:, 0:1]
    dout = dv_ref[:, 1:2]
    pre = (din * (ain_ref[0, 0] - bin_ref[...])
           + dout * (aout_ref[0, 0] - bout_ref[...])
           + (ml_ref[...] - lr_ref[...])) * (1.0 / 3.0)
    pre_ref[...] = pre
    bm = pre.shape[0]
    rows = i * bm + lax.broadcasted_iota(jnp.int32, (bm, 1), 0)
    prem = jnp.where(rows < N, pre, 0.0)
    s1 = jnp.sum(prem, axis=0, keepdims=True)
    s2 = jnp.sum(prem * prem, axis=0, keepdims=True)
    st = jnp.concatenate([s1, s2], axis=0)

    @pl.when(i == 0)
    def _():
        st_ref[...] = st

    @pl.when(i > 0)
    def _():
        st_ref[...] += st


def _tc_combine(a4, b_in, b_out, mloop, lr, dinv2):
    bm = 128
    grid = (2, NP // bm)
    return pl.pallas_call(
        _combine_body,
        grid=grid,
        in_specs=[
            pl.BlockSpec((1, 1, bm, 128), lambda j, i: (0, j, i, 0)),
            pl.BlockSpec((1, 1, bm, 128), lambda j, i: (1, j, i, 0)),
            pl.BlockSpec((bm, 128), lambda j, i: (i, j)),
            pl.BlockSpec((bm, 128), lambda j, i: (i, j)),
            pl.BlockSpec((bm, 128), lambda j, i: (i, j)),
            pl.BlockSpec((1, 128), lambda j, i: (0, j)),
            pl.BlockSpec((bm, 2), lambda j, i: (i, 0)),
        ],
        out_specs=[
            pl.BlockSpec((bm, 128), lambda j, i: (i, j)),
            pl.BlockSpec((2, 128), lambda j, i: (0, j)),
        ],
        out_shape=[
            jax.ShapeDtypeStruct((NP, D), jnp.float32),
            jax.ShapeDtypeStruct((2, D), jnp.float32),
        ],
    )(a4, a4, b_in, b_out, mloop, lr, dinv2)


def _norm_body(pre_ref, st_ref, o_ref):
    m = st_ref[0:1, :] * (1.0 / N)
    var = st_ref[1:2, :] * (1.0 / N) - m * m
    rs = lax.rsqrt(var + 1e-5)
    o_ref[...] = jnp.maximum((pre_ref[...] - m) * rs, 0.0)


def _tc_normalize(pre, stats):
    bm = 400
    return pl.pallas_call(
        _norm_body,
        grid=(N // bm,),
        in_specs=[
            pl.BlockSpec((bm, D), lambda i: (i, 0)),
            pl.BlockSpec((2, D), lambda i: (0, 0)),
        ],
        out_specs=pl.BlockSpec((bm, D), lambda i: (i, 0)),
        out_shape=jax.ShapeDtypeStruct((N, D), jnp.float32),
    )(pre, stats)



def kernel(x, rels, edge_index, edge_type, w_in1, w_out1, w_loop1, w_rel1,
           w_in2, w_out2, w_loop2, w_rel2, loop_rel1, loop_rel2):
    ne = NE_HALF
    pad_e = EP - ne
    ei = edge_index.astype(jnp.int32)
    et = edge_type.astype(jnp.int32)
    pad_rows = N + (jnp.arange(pad_e, dtype=jnp.int32) % (NP - N))

    def prep(src, dst, t):
        srcp = jnp.concatenate([src, pad_rows])
        dstp = jnp.concatenate([dst, pad_rows])
        tp = jnp.concatenate([t, jnp.zeros((pad_e,), jnp.int32)])
        flat = dstp * NR2 + tp
        lane = flat % 128
        rfull = flat // 128
        ridx = []
        for q in range(4):
            loc = rfull - q * CQROWS
            ok = (loc >= 0) & (loc < CQROWS)
            ridx.append(jnp.where(ok, loc, -1))
        return srcp, dstp, lane, jnp.concatenate(ridx)

    in_srcp, in_dstp, in_lane, in_ridx = prep(
        ei[0, :ne], ei[1, :ne], et[:ne])
    out_srcp, out_dstp, out_lane, out_ridx = prep(
        ei[0, ne:], ei[1, ne:], et[ne:])

    ones_hbm = jnp.ones((CK, 128), jnp.float32)
    z2d = jnp.zeros((ROWS_PT, 128), jnp.float32)
    zcb = jnp.zeros((CZ_R, 128), jnp.float32)

    deg_src = jnp.concatenate([in_srcp, out_srcp])
    deg = _sc_deg(deg_src, ones_hbm, z2d)
    dinv, dinv_t = _tc_dinv(deg)
    dinv2 = dinv.T

    didx = jnp.concatenate([in_srcp, out_srcp + NP])
    dval = _sc_dval(dinv_t, didx)
    lane1 = jnp.concatenate([in_lane, out_lane]).reshape(2 * EP, 1)
    oh = _tc_oh(dval[:, 0:1], lane1)
    rowidx = jnp.concatenate([in_ridx, out_ridx])
    cin_r, cout_r = _sc_cbuild(rowidx, oh, zcb)
    c_in = cin_r.reshape(NP, NR2)
    c_out = cout_r.reshape(NP, NR2)

    x_pad = jnp.pad(x, ((0, NP - N), (0, 0)))

    def layer(big_mm, big_args, rel_table, loop_rel, w_in, w_out, w_loop, w_rel):
        w4 = jnp.concatenate([w_in, w_out, w_loop, w_rel], axis=1)
        t_in0, t_in1, t_out0, t_out1, mloop = big_mm(*big_args, w4[:, :768],
                                                     dinv2)
        ra = jnp.concatenate([rel_table, loop_rel], axis=0)
        ra = jnp.pad(ra, ((0, 512 - ra.shape[0]), (0, 0)))
        r4 = _tc_mm_small(ra, w4)
        rw_in = r4[:NR2, 0:256]
        rw_out = r4[:NR2, 256:512]
        lr = r4[NR2:NR2 + 1, 512:768]
        r_next = r4[:NR2, 768:1024]
        a4 = _sc_agg(t_in0, t_in1, t_out0, t_out1, in_srcp, in_dstp,
                     out_srcp, out_dstp, z2d).reshape(2, 2, NP, 128)
        b_in = _tc_mm(c_in, rw_in)
        b_out = _tc_mm(c_out, rw_out)
        pre, stats = _tc_combine(a4, b_in, b_out, mloop, lr, dinv2)
        return pre, stats, r_next

    pre1, st1, r1 = layer(_tc_mm_scaled, (x_pad,), rels, loop_rel1,
                          w_in1, w_out1, w_loop1, w_rel1)
    pre2, st2, r2 = layer(_tc_mm_norm_scaled, (pre1, st1), r1, loop_rel2,
                          w_in2, w_out2, w_loop2, w_rel2)
    x2 = _tc_normalize(pre2, st2)
    return (x2, r2)

# --- scband reference (transcript-rebuilt; emitter-appended) ---
"""Pipeline reference for scband-star-e-py-g-encoder-15994458211054 (READ-ONLY COPY).

The authoritative reference and input builder live on the scoring server;
editing this copy changes nothing except your own understanding.
"""

import jax, jax.numpy as jnp
import numpy as np

N_NODES = 10000
N_EDGES = 160000
D = 256
NUM_REL = 200


def _bn(x, eps=1e-5):
    m = jnp.mean(x, axis=0, keepdims=True)
    v = jnp.var(x, axis=0, keepdims=True)
    return (x - m) / jnp.sqrt(v + eps)


def _compute_norm(idx, num_ent):
    row, col = idx[0], idx[1]
    deg = jnp.zeros((num_ent,), jnp.float32).at[row].add(1.0)
    dinv = jnp.where(deg > 0, deg ** -0.5, 0.0)
    return dinv[row] * dinv[col]


def _propagate(x, rel_all, idx, etype, norm, w, num_ent):
    src, dst = idx[0], idx[1]
    # composition opn='sub' (CompGCN/StarE triple mode): phi(e_s, e_r) = e_s - e_r
    msg = (x[src] - rel_all[etype]) @ w
    if norm is not None:
        msg = msg * norm[:, None]
    return jnp.zeros((num_ent, w.shape[1]), msg.dtype).at[dst].add(msg)


def _stare_conv(x, edge_index, edge_type, rel_embed, w_in, w_out, w_loop, w_rel, loop_rel):
    num_ent = x.shape[0]
    rel_all = jnp.concatenate([rel_embed, loop_rel], axis=0)
    ne = edge_index.shape[1] // 2
    in_idx = edge_index[:, :ne]
    out_idx = edge_index[:, ne:]
    in_t = edge_type[:ne]
    out_t = edge_type[ne:]
    ar = jnp.arange(num_ent, dtype=edge_index.dtype)
    loop_idx = jnp.stack([ar, ar])
    loop_t = jnp.full((num_ent,), rel_all.shape[0] - 1, dtype=edge_type.dtype)
    in_norm = _compute_norm(in_idx, num_ent)
    out_norm = _compute_norm(out_idx, num_ent)
    in_res = _propagate(x, rel_all, in_idx, in_t, in_norm, w_in, num_ent)
    loop_res = _propagate(x, rel_all, loop_idx, loop_t, None, w_loop, num_ent)
    out_res = _propagate(x, rel_all, out_idx, out_t, out_norm, w_out, num_ent)
    out = (in_res + loop_res + out_res) / 3.0
    out = _bn(out)
    return jax.nn.relu(out), rel_all[:-1] @ w_rel


def setup_inputs(seed: int = 0):
    key = jax.random.key(seed)
    ks = jax.random.split(key, 16)
    s = 1.0 / np.sqrt(D)
    inp = {}
    inp["x"] = jax.random.normal(ks[0], (N_NODES, D), jnp.float32)
    inp["rels"] = jax.random.normal(ks[1], (2 * NUM_REL, D), jnp.float32)
    inp["edge_index"] = jax.random.randint(ks[2], (2, N_EDGES), 0, N_NODES, dtype=jnp.int32)
    inp["edge_type"] = jax.random.randint(ks[3], (N_EDGES,), 0, 2 * NUM_REL, dtype=jnp.int32)
    names = ["w_in1", "w_out1", "w_loop1", "w_rel1", "w_in2", "w_out2", "w_loop2", "w_rel2"]
    for i, n in enumerate(names):
        inp[n] = jax.random.normal(ks[4 + i], (D, D), jnp.float32) * s
    inp["loop_rel1"] = jax.random.normal(ks[12], (1, D), jnp.float32) * s
    inp["loop_rel2"] = jax.random.normal(ks[13], (1, D), jnp.float32) * s
    return inp


def reference(x, rels, edge_index, edge_type, w_in1, w_out1, w_loop1, w_rel1, w_in2, w_out2, w_loop2, w_rel2, loop_rel1, loop_rel2):
    # StarE_PyG_Encoder.forward_base, triple_mode=True, num_layers=2,
    # use_lrga=False, residual=False, jk=False, dropout = identity (eval)
    x1, r1 = _stare_conv(x, edge_index, edge_type, rels, w_in1, w_out1, w_loop1, w_rel1, loop_rel1)
    x2, r2 = _stare_conv(x1, edge_index, edge_type, r1, w_in2, w_out2, w_loop2, w_rel2, loop_rel2)
    return (x2, r2)

if __name__ == "__main__":
    import jax
    _d = setup_inputs()
    print(jax.jit(kernel)(*tuple(_d.values())))

</pallas_src>

<mosaic_0001>
#map = affine_map<(d0, d1) -> (0)>
#map1 = affine_map<(d0, d1) -> (0, 0)>
module attributes {stable_mosaic.version = 14 : i64} {
  func.func @_sc_deg_body(%arg0: i32, %arg1: i32, %arg2: memref<163840xi32, #tpu.memory_space<hbm>>, %arg3: memref<256x128xf32, #tpu.memory_space<hbm>>, %arg4: memref<640x128xf32, #tpu.memory_space<hbm>>, %arg5: memref<20480x128xf32, #tpu.memory_space<hbm>>, %arg6: memref<256xi32, #tpu.memory_space<vmem>>, %arg7: memref<256x128xf32, #tpu.memory_space<vmem>>, %arg8: memref<10240x128xf32, #tpu.memory_space<vmem_shared>>, %arg9: memref<!tpu.dma_semaphore, #tpu.memory_space<semaphore_mem>>) attributes {dimension_semantics = [#tpu.dimension_semantics<core_parallel>, #tpu.dimension_semantics<subcore_parallel>], iteration_bounds = array<i64: 2, 16>, scalar_prefetch = 0 : i64, scratch_operands = 4 : i64, tpu.core_type = #tpu.core_type<sc_vector_subcore>, window_params = [{transform_indices = #map}, {transform_indices = #map1}, {transform_indices = #map1}, {transform_indices = #map1}]} {
    %mul3A = arith.constant 640 : i32
    %mul3A_0 = arith.muli %arg1, %mul3A : i32
    "tpu.region"() ({
      %run_scoped3A = tpu.sem_alloc : memref<!tpu.dma_semaphore, #tpu.memory_space<semaphore_mem>>
      %dma_start3A = arith.constant 0 : i32
      %dma_start3A_20 = tpu.memref_slice %arg8[%mul3A_0, %dma_start3A] : memref<10240x128xf32, #tpu.memory_space<vmem_shared>> -> memref<640x128xf32, #tpu.memory_space<vmem_shared>>
      tpu.enqueue_dma source(%arg4 : memref<640x128xf32, #tpu.memory_space<hbm>>) target(%dma_start3A_20 : memref<640x128xf32, #tpu.memory_space<vmem_shared>>) target_semaphore(%run_scoped3A : memref<!tpu.dma_semaphore, #tpu.memory_space<semaphore_mem>>)
      %dma_wait3A = arith.constant 0 : i32
      %dma_wait3A_21 = tpu.memref_slice %arg8[%mul3A_0, %dma_wait3A] : memref<10240x128xf32, #tpu.memory_space<vmem_shared>> -> memref<640x128xf32, #tpu.memory_space<vmem_shared>>
      tpu.wait_dma2 semaphore(%run_scoped3A : memref<!tpu.dma_semaphore, #tpu.memory_space<semaphore_mem>>) src(%arg4 : memref<640x128xf32, #tpu.memory_space<hbm>>) dst(%dma_wait3A_21 : memref<640x128xf32, #tpu.memory_space<vmem_shared>>)
      tpu.yield
    }) : () -> ()
    "tpu.region"() ({
      %run_scoped3A = tpu.sem_alloc : memref<!tpu.dma_semaphore, #tpu.memory_space<semaphore_mem>>
      tpu.enqueue_dma source(%arg3 : memref<256x128xf32, #tpu.memory_space<hbm>>) target(%arg7 : memref<256x128xf32, #tpu.memory_space<vmem>>) target_semaphore(%run_scoped3A : memref<!tpu.dma_semaphore, #tpu.memory_space<semaphore_mem>>)
      tpu.wait_dma2 semaphore(%run_scoped3A : memref<!tpu.dma_semaphore, #tpu.memory_space<semaphore_mem>>) src(%arg3 : memref<256x128xf32, #tpu.memory_space<hbm>>) dst(%arg7 : memref<256x128xf32, #tpu.memory_space<vmem>>)
      tpu.yield
    }) : () -> ()
    %barrier3A = arith.constant 0 : index
    tpu.barrier barrier_id(%barrier3A)
    %mul3A_1 = arith.constant 16 : i32
    %mul3A_2 = arith.muli %arg0, %mul3A_1 : i32
    %add3A = arith.addi %mul3A_2, %arg1 : i32
    %mul3A_3 = arith.constant 20 : i32
    %mul3A_4 = arith.muli %add3A, %mul3A_3 : i32
    %mul3A_5 = arith.constant 256 : i32
    %mul3A_6 = arith.muli %mul3A_4, %mul3A_5 : i32
    %scan3A = arith.constant 0 : i32
    %scan3A_7 = arith.constant 0 : i32
    %scan3A_8 = arith.constant 20 : i32
    %scan3A_9 = arith.addi %scan3A_7, %scan3A_8 : i32
    %scan3A_10 = arith.constant 1 : i32
    scf.for %scan3A_20 = %scan3A_7 to %scan3A_9 step %scan3A_10  : i32 {
      %mul3A_21 = arith.constant 256 : i32
      %mul3A_22 = arith.muli %scan3A_20, %mul3A_21 : i32
      %add3A_23 = arith.addi %mul3A_6, %mul3A_22 : i32
      "tpu.region"() ({
        %run_scoped3A = tpu.sem_alloc : memref<!tpu.dma_semaphore, #tpu.memory_space<semaphore_mem>>
        %dma_start3A = tpu.memref_slice %arg2[%add3A_23] : memref<163840xi32, #tpu.memory_space<hbm>> -> memref<256xi32, #tpu.memory_space<hbm>>
        %dma_start3A_24 = tpu.memref_slice %arg2[%add3A_23] : memref<163840xi32, #tpu.memory_space<hbm>> -> memref<256xi32, #tpu.memory_space<hbm>>
        tpu.enqueue_dma source(%dma_start3A_24 : memref<256xi32, #tpu.memory_space<hbm>>) target(%arg6 : memref<256xi32, #tpu.memory_space<vmem>>) target_semaphore(%run_scoped3A : memref<!tpu.dma_semaphore, #tpu.memory_space<semaphore_mem>>)
        %dma_wait3A = tpu.memref_slice %arg2[%add3A_23] : memref<163840xi32, #tpu.memory_space<hbm>> -> memref<256xi32, #tpu.memory_space<hbm>>
        %dma_wait3A_25 = tpu.memref_slice %arg2[%add3A_23] : memref<163840xi32, #tpu.memory_space<hbm>> -> memref<256xi32, #tpu.memory_space<hbm>>
        tpu.wait_dma2 semaphore(%run_scoped3A : memref<!tpu.dma_semaphore, #tpu.memory_space<semaphore_mem>>) src(%dma_wait3A_25 : memref<256xi32, #tpu.memory_space<hbm>>) dst(%arg6 : memref<256xi32, #tpu.memory_space<vmem>>)
        tpu.yield
      }) : () -> ()
      "tpu.region"() ({
        %run_scoped3A = tpu.sem_alloc : memref<!tpu.dma_semaphore, #tpu.memory_space<semaphore_mem>>
        %dma_start3A = arith.constant 0 : i32
        %dma_start3A_24 = arith.constant 0 : i32
        %dma_start3A_25 = tpu.memref_slice %arg8[%dma_start3A, %dma_start3A_24] : memref<10240x128xf32, #tpu.memory_space<vmem_shared>> -> memref<10240x128xf32, #tpu.memory_space<vmem_shared>>
        tpu.enqueue_indirect_dma source(%arg7 : memref<256x128xf32, #tpu.memory_space<vmem>>) target(%dma_start3A_25 : memref<10240x128xf32, #tpu.memory_space<vmem_shared>>) offsets(%arg6 : memref<256xi32, #tpu.memory_space<vmem>>) semaphore(%run_scoped3A : memref<!tpu.dma_semaphore, #tpu.memory_space<semaphore_mem>>) {add = true}
        %dma_wait3A = arith.constant 0 : i32
        %dma_wait3A_26 = arith.constant 0 : i32
        %dma_wait3A_27 = tpu.memref_slice %arg8[%dma_wait3A, %dma_wait3A_26] : memref<10240x128xf32, #tpu.memory_space<vmem_shared>> -> memref<10240x128xf32, #tpu.memory_space<vmem_shared>>
        tpu.wait_indirect_dma semaphore(%run_scoped3A : memref<!tpu.dma_semaphore, #tpu.memory_space<semaphore_mem>>) src(%arg7 : memref<256x128xf32, #tpu.memory_space<vmem>>) dst(%dma_wait3A_27 : memref<10240x128xf32, #tpu.memory_space<vmem_shared>>)
        tpu.yield
      }) : () -> ()
    }
    %scan3A_11 = arith.constant 20 : i32
    %barrier3A_12 = arith.constant 0 : index
    tpu.barrier barrier_id(%barrier3A_12)
    %mul3A_13 = arith.constant 640 : i32
    %mul3A_14 = arith.muli %arg1, %mul3A_13 : i32
    %mul3A_15 = arith.constant 10240 : i32
    %mul3A_16 = arith.muli %arg0, %mul3A_15 : i32
    %mul3A_17 = arith.constant 640 : i32
    %mul3A_18 = arith.muli %arg1, %mul3A_17 : i32
    %add3A_19 = arith.addi %mul3A_16, %mul3A_18 : i32
    "tpu.region"() ({
      %run_scoped3A = tpu.sem_alloc : memref<!tpu.dma_semaphore, #tpu.memory_space<semaphore_mem>>
      %dma_start3A = arith.constant 0 : i32
      %dma_start3A_20 = tpu.memref_slice %arg5[%add3A_19, %dma_start3A] : memref<20480x128xf32, #tpu.memory_space<hbm>> -> memref<640x128xf32, #tpu.memory_space<hbm>>
      %dma_start3A_21 = arith.constant 0 : i32
      %dma_start3A_22 = tpu.memref_slice %arg8[%mul3A_14, %dma_start3A_21] : memref<10240x128xf32, #tpu.memory_space<vmem_shared>> -> memref<640x128xf32, #tpu.memory_space<vmem_shared>>
      tpu.enqueue_dma source(%dma_start3A_22 : memref<640x128xf32, #tpu.memory_space<vmem_shared>>) target(%dma_start3A_20 : memref<640x128xf32, #tpu.memory_space<hbm>>) target_semaphore(%run_scoped3A : memref<!tpu.dma_semaphore, #tpu.memory_space<semaphore_mem>>)
      %dma_wait3A = arith.constant 0 : i32
      %dma_wait3A_23 = tpu.memref_slice %arg5[%add3A_19, %dma_wait3A] : memref<20480x128xf32, #tpu.memory_space<hbm>> -> memref<640x128xf32, #tpu.memory_space<hbm>>
      %dma_wait3A_24 = arith.constant 0 : i32
      %dma_wait3A_25 = tpu.memref_slice %arg8[%mul3A_14, %dma_wait3A_24] : memref<10240x128xf32, #tpu.memory_space<vmem_shared>> -> memref<640x128xf32, #tpu.memory_space<vmem_shared>>
      tpu.wait_dma2 semaphore(%run_scoped3A : memref<!tpu.dma_semaphore, #tpu.memory_space<semaphore_mem>>) src(%dma_wait3A_25 : memref<640x128xf32, #tpu.memory_space<vmem_shared>>) dst(%dma_wait3A_23 : memref<640x128xf32, #tpu.memory_space<hbm>>)
      tpu.yield
    }) : () -> ()
    return
  }
}

#map = affine_map<(d0, d1) -> (0, 0)>
#map1 = affine_map<(d0, d1) -> (0)>
module attributes {stable_mosaic.version = 14 : i64} {
  func.func @_sc_dval_body(%arg0: i32, %arg1: i32, %arg2: memref<20480x128xf32, #tpu.memory_space<hbm>>, %arg3: memref<163840xi32, #tpu.memory_space<hbm>>, %arg4: memref<163840x128xf32, #tpu.memory_space<hbm>>, %arg5: memref<256xi32, #tpu.memory_space<vmem>>, %arg6: memref<256xi32, #tpu.memory_space<vmem>>, %arg7: memref<256x128xf32, #tpu.memory_space<vmem>>, %arg8: memref<256x128xf32, #tpu.memory_space<vmem>>, %arg9: memref<!tpu.dma_semaphore, #tpu.memory_space<semaphore_mem>>, %arg10: memref<!tpu.dma_semaphore, #tpu.memory_space<semaphore_mem>>) attributes {dimension_semantics = [#tpu.dimension_semantics<core_parallel>, #tpu.dimension_semantics<subcore_parallel>], iteration_bounds = array<i64: 2, 16>, scalar_prefetch = 0 : i64, scratch_operands = 6 : i64, tpu.core_type = #tpu.core_type<sc_vector_subcore>, window_params = [{transform_indices = #map}, {transform_indices = #map1}, {transform_indices = #map}]} {
    %mul3A = arith.constant 81920 : i32
    %mul3A_0 = arith.muli %arg0, %mul3A : i32
    %mul3A_1 = arith.constant 20 : i32
    %mul3A_2 = arith.muli %arg1, %mul3A_1 : i32
    %mul3A_3 = arith.constant 256 : i32
    %mul3A_4 = arith.muli %mul3A_2, %mul3A_3 : i32
    %add3A = arith.addi %mul3A_0, %mul3A_4 : i32
    "tpu.region"() ({
      %run_scoped3A = tpu.sem_alloc : memref<!tpu.dma_semaphore, #tpu.memory_space<semaphore_mem>>
      %dma_start3A_12 = tpu.memref_slice %arg3[%add3A] : memref<163840xi32, #tpu.memory_space<hbm>> -> memref<256xi32, #tpu.memory_space<hbm>>
      %dma_start3A_13 = tpu.memref_slice %arg3[%add3A] : memref<163840xi32, #tpu.memory_space<hbm>> -> memref<256xi32, #tpu.memory_space<hbm>>
      tpu.enqueue_dma source(%dma_start3A_13 : memref<256xi32, #tpu.memory_space<hbm>>) target(%arg5 : memref<256xi32, #tpu.memory_space<vmem>>) target_semaphore(%run_scoped3A : memref<!tpu.dma_semaphore, #tpu.memory_space<semaphore_mem>>)
      %dma_wait3A = tpu.memref_slice %arg3[%add3A] : memref<163840xi32, #tpu.memory_space<hbm>> -> memref<256xi32, #tpu.memory_space<hbm>>
      %dma_wait3A_14 = tpu.memref_slice %arg3[%add3A] : memref<163840xi32, #tpu.memory_space<hbm>> -> memref<256xi32, #tpu.memory_space<hbm>>
      tpu.wait_dma2 semaphore(%run_scoped3A : memref<!tpu.dma_semaphore, #tpu.memory_space<semaphore_mem>>) src(%dma_wait3A_14 : memref<256xi32, #tpu.memory_space<hbm>>) dst(%arg5 : memref<256xi32, #tpu.memory_space<vmem>>)
      tpu.yield
    }) : () -> ()
    %dma_start3A = arith.constant 0 : i32
    %dma_start3A_5 = arith.constant 0 : i32
    %dma_start3A_6 = tpu.memref_slice %arg2[%dma_start3A, %dma_start3A_5] : memref<20480x128xf32, #tpu.memory_space<hbm>> -> memref<20480x128xf32, #tpu.memory_space<hbm>>
    tpu.enqueue_indirect_dma source(%dma_start3A_6 : memref<20480x128xf32, #tpu.memory_space<hbm>>) target(%arg7 : memref<256x128xf32, #tpu.memory_space<vmem>>) offsets(%arg5 : memref<256xi32, #tpu.memory_space<vmem>>) semaphore(%arg9 : memref<!tpu.dma_semaphore, #tpu.memory_space<semaphore_mem>>)
    %scan3A = arith.constant 0 : i32
    %scan3A_7 = arith.constant 0 : i32
    %scan3A_8 = arith.constant 10 : i32
    %scan3A_9 = arith.addi %scan3A_7, %scan3A_8 : i32
    %scan3A_10 = arith.constant 1 : i32
    scf.for %scan3A_12 = %scan3A_7 to %scan3A_9 step %scan3A_10  : i32 {
      %mul3A_13 = arith.constant 2 : i32
      %mul3A_14 = arith.muli %mul3A_13, %scan3A_12 : i32
      %add3A_15 = arith.constant 1 : i32
      %add3A_16 = arith.addi %mul3A_14, %add3A_15 : i32
      %mul3A_17 = arith.constant 256 : i32
      %mul3A_18 = arith.muli %add3A_16, %mul3A_17 : i32
      %add3A_19 = arith.addi %add3A, %mul3A_18 : i32
      "tpu.region"() ({
        %run_scoped3A = tpu.sem_alloc : memref<!tpu.dma_semaphore, #tpu.memory_space<semaphore_mem>>
        %dma_start3A_38 = tpu.memref_slice %arg3[%add3A_19] : memref<163840xi32, #tpu.memory_space<hbm>> -> memref<256xi32, #tpu.memory_space<hbm>>
        %dma_start3A_39 = tpu.memref_slice %arg3[%add3A_19] : memref<163840xi32, #tpu.memory_space<hbm>> -> memref<256xi32, #tpu.memory_space<hbm>>
        tpu.enqueue_dma source(%dma_start3A_39 : memref<256xi32, #tpu.memory_space<hbm>>) target(%arg6 : memref<256xi32, #tpu.memory_space<vmem>>) target_semaphore(%run_scoped3A : memref<!tpu.dma_semaphore, #tpu.memory_space<semaphore_mem>>)
        %dma_wait3A_40 = tpu.memref_slice %arg3[%add3A_19] : memref<163840xi32, #tpu.memory_space<hbm>> -> memref<256xi32, #tpu.memory_space<hbm>>
        %dma_wait3A_41 = tpu.memref_slice %arg3[%add3A_19] : memref<163840xi32, #tpu.memory_space<hbm>> -> memref<256xi32, #tpu.memory_space<hbm>>
        tpu.wait_dma2 semaphore(%run_scoped3A : memref<!tpu.dma_semaphore, #tpu.memory_space<semaphore_mem>>) src(%dma_wait3A_41 : memref<256xi32, #tpu.memory_space<hbm>>) dst(%arg6 : memref<256xi32, #tpu.memory_space<vmem>>)
        tpu.yield
      }) : () -> ()
      %dma_start3A_20 = arith.constant 0 : i32
      %dma_start3A_21 = arith.constant 0 : i32
      %dma_start3A_22 = tpu.memref_slice %arg2[%dma_start3A_20, %dma_start3A_21] : memref<20480x128xf32, #tpu.memory_space<hbm>> -> memref<20480x128xf32, #tpu.memory_space<hbm>>
      tpu.enqueue_indirect_dma source(%dma_start3A_22 : memref<20480x128xf32, #tpu.memory_space<hbm>>) target(%arg8 : memref<256x128xf32, #tpu.memory_space<vmem>>) offsets(%arg6 : memref<256xi32, #tpu.memory_space<vmem>>) semaphore(%arg10 : memref<!tpu.dma_semaphore, #tpu.memory_space<semaphore_mem>>)
      %dma_wait3A = arith.constant 0 : i32
      %dma_wait3A_23 = arith.constant 0 : i32
      %dma_wait3A_24 = tpu.memref_slice %arg2[%dma_wait3A, %dma_wait3A_23] : memref<20480x128xf32, #tpu.memory_space<hbm>> -> memref<20480x128xf32, #tpu.memory_space<hbm>>
      tpu.wait_indirect_dma semaphore(%arg9 : memref<!tpu.dma_semaphore, #tpu.memory_space<semaphore_mem>>) src(%dma_wait3A_24 : memref<20480x128xf32, #tpu.memory_space<hbm>>) dst(%arg7 : memref<256x128xf32, #tpu.memory_space<vmem>>)
      %mul3A_25 = arith.constant 256 : i32
      %mul3A_26 = arith.muli %mul3A_14, %mul3A_25 : i32
      %add3A_27 = arith.addi %add3A, %mul3A_26 : i32
      "tpu.region"() ({
        %run_scoped3A = tpu.sem_alloc : memref<!tpu.dma_semaphore, #tpu.memory_space<semaphore_mem>>
        %dma_start3A_38 = arith.constant 0 : i32
        %dma_start3A_39 = tpu.memref_slice %arg4[%add3A_27, %dma_start3A_38] : memref<163840x128xf32, #tpu.memory_space<hbm>> -> memref<256x128xf32, #tpu.memory_space<hbm>>
        %dma_start3A_40 = arith.constant 0 : i32
        %dma_start3A_41 = tpu.memref_slice %arg4[%add3A_27, %dma_start3A_40] : memref<163840x128xf32, #tpu.memory_space<hbm>> -> memref<256x128xf32, #tpu.memory_space<hbm>>
        tpu.enqueue_dma source(%arg7 : memref<256x128xf32, #tpu.memory_space<vmem>>) target(%dma_start3A_41 : memref<256x128xf32, #tpu.memory_space<hbm>>) target_semaphore(%run_scoped3A : memref<!tpu.dma_semaphore, #tpu.memory_space<semaphore_mem>>)
        %dma_wait3A_42 = arith.constant 0 : i32
        %dma_wait3A_43 = tpu.memref_slice %arg4[%add3A_27, %dma_wait3A_42] : memref<163840x128xf32, #tpu.memory_space<hbm>> -> memref<256x128xf32, #tpu.memory_space<hbm>>
        %dma_wait3A_44 = arith.constant 0 : i32
        %dma_wait3A_45 = tpu.memref_slice %arg4[%add3A_27, %dma_wait3A_44] : memref<163840x128xf32, #tpu.memory_space<hbm>> -> memref<256x128xf32, #tpu.memory_space<hbm>>
        tpu.wait_dma2 semaphore(%run_scoped3A : memref<!tpu.dma_semaphore, #tpu.memory_space<semaphore_mem>>) src(%arg7 : memref<256x128xf32, #tpu.memory_space<vmem>>) dst(%dma_wait3A_45 : memref<256x128xf32, #tpu.memory_space<hbm>>)
        tpu.yield
      }) : () -> ()
      %lt3A = arith.constant 9 : i32
      %lt3A_28 = arith.cmpi slt, %scan3A_12, %lt3A : i32
      %convert_element_type3A = arith.extui %lt3A_28 : i1 to i32
      %cond3A = arith.constant 0 : i32
      %cond3A_29 = arith.cmpi ne, %convert_element_type3A, %cond3A : i32
      scf.if %cond3A_29 {
        %add3A_38 = arith.constant 2 : i32
        %add3A_39 = arith.addi %mul3A_14, %add3A_38 : i32
        %mul3A_40 = arith.constant 256 : i32
        %mul3A_41 = arith.muli %add3A_39, %mul3A_40 : i32
        %add3A_42 = arith.addi %add3A, %mul3A_41 : i32
        "tpu.region"() ({
          %run_scoped3A = tpu.sem_alloc : memref<!tpu.dma_semaphore, #tpu.memory_space<semaphore_mem>>
          %dma_start3A_46 = tpu.memref_slice %arg3[%add3A_42] : memref<163840xi32, #tpu.memory_space<hbm>> -> memref<256xi32, #tpu.memory_space<hbm>>
          %dma_start3A_47 = tpu.memref_slice %arg3[%add3A_42] : memref<163840xi32, #tpu.memory_space<hbm>> -> memref<256xi32, #tpu.memory_space<hbm>>
          tpu.enqueue_dma source(%dma_start3A_47 : memref<256xi32, #tpu.memory_space<hbm>>) target(%arg5 : memref<256xi32, #tpu.memory_space<vmem>>) target_semaphore(%run_scoped3A : memref<!tpu.dma_semaphore, #tpu.memory_space<semaphore_mem>>)
          %dma_wait3A_48 = tpu.memref_slice %arg3[%add3A_42] : memref<163840xi32, #tpu.memory_space<hbm>> -> memref<256xi32, #tpu.memory_space<hbm>>
          %dma_wait3A_49 = tpu.memref_slice %arg3[%add3A_42] : memref<163840xi32, #tpu.memory_space<hbm>> -> memref<256xi32, #tpu.memory_space<hbm>>
          tpu.wait_dma2 semaphore(%run_scoped3A : memref<!tpu.dma_semaphore, #tpu.memory_space<semaphore_mem>>) src(%dma_wait3A_49 : memref<256xi32, #tpu.memory_space<hbm>>) dst(%arg5 : memref<256xi32, #tpu.memory_space<vmem>>)
          tpu.yield
        }) : () -> ()
        %dma_start3A_43 = arith.constant 0 : i32
        %dma_start3A_44 = arith.constant 0 : i32
        %dma_start3A_45 = tpu.memref_slice %arg2[%dma_start3A_43, %dma_start3A_44] : memref<20480x128xf32, #tpu.memory_space<hbm>> -> memref<20480x128xf32, #tpu.memory_space<hbm>>
        tpu.enqueue_indirect_dma source(%dma_start3A_45 : memref<20480x128xf32, #tpu.memory_space<hbm>>) target(%arg7 : memref<256x128xf32, #tpu.memory_space<vmem>>) offsets(%arg5 : memref<256xi32, #tpu.memory_space<vmem>>) semaphore(%arg9 : memref<!tpu.dma_semaphore, #tpu.memory_space<semaphore_mem>>)
      } else {
      }
      %dma_wait3A_30 = arith.constant 0 : i32
      %dma_wait3A_31 = arith.constant 0 : i32
      %dma_wait3A_32 = tpu.memref_slice %arg2[%dma_wait3A_30, %dma_wait3A_31] : memref<20480x128xf32, #tpu.memory_space<hbm>> -> memref<20480x128xf32, #tpu.memory_space<hbm>>
      tpu.wait_indirect_dma semaphore(%arg10 : memref<!tpu.dma_semaphore, #tpu.memory_space<semaphore_mem>>) src(%dma_wait3A_32 : memref<20480x128xf32, #tpu.memory_space<hbm>>) dst(%arg8 : memref<256x128xf32, #tpu.memory_space<vmem>>)
      %add3A_33 = arith.constant 1 : i32
      %add3A_34 = arith.addi %mul3A_14, %add3A_33 : i32
      %mul3A_35 = arith.constant 256 : i32
      %mul3A_36 = arith.muli %add3A_34, %mul3A_35 : i32
      %add3A_37 = arith.addi %add3A, %mul3A_36 : i32
      "tpu.region"() ({
        %run_scoped3A = tpu.sem_alloc : memref<!tpu.dma_semaphore, #tpu.memory_space<semaphore_mem>>
        %dma_start3A_38 = arith.constant 0 : i32
        %dma_start3A_39 = tpu.memref_slice %arg4[%add3A_37, %dma_start3A_38] : memref<163840x128xf32, #tpu.memory_space<hbm>> -> memref<256x128xf32, #tpu.memory_space<hbm>>
        %dma_start3A_40 = arith.constant 0 : i32
        %dma_start3A_41 = tpu.memref_slice %arg4[%add3A_37, %dma_start3A_40] : memref<163840x128xf32, #tpu.memory_space<hbm>> -> memref<256x128xf32, #tpu.memory_space<hbm>>
        tpu.enqueue_dma source(%arg8 : memref<256x128xf32, #tpu.memory_space<vmem>>) target(%dma_start3A_41 : memref<256x128xf32, #tpu.memory_space<hbm>>) target_semaphore(%run_scoped3A : memref<!tpu.dma_semaphore, #tpu.memory_space<semaphore_mem>>)
        %dma_wait3A_42 = arith.constant 0 : i32
        %dma_wait3A_43 = tpu.memref_slice %arg4[%add3A_37, %dma_wait3A_42] : memref<163840x128xf32, #tpu.memory_space<hbm>> -> memref<256x128xf32, #tpu.memory_space<hbm>>
        %dma_wait3A_44 = arith.constant 0 : i32
        %dma_wait3A_45 = tpu.memref_slice %arg4[%add3A_37, %dma_wait3A_44] : memref<163840x128xf32, #tpu.memory_space<hbm>> -> memref<256x128xf32, #tpu.memory_space<hbm>>
        tpu.wait_dma2 semaphore(%run_scoped3A : memref<!tpu.dma_semaphore, #tpu.memory_space<semaphore_mem>>) src(%arg8 : memref<256x128xf32, #tpu.memory_space<vmem>>) dst(%dma_wait3A_45 : memref<256x128xf32, #tpu.memory_space<hbm>>)
        tpu.yield
      }) : () -> ()
    }
    %scan3A_11 = arith.constant 10 : i32
    return
  }
}

#map = affine_map<(d0, d1) -> (0)>
#map1 = affine_map<(d0, d1) -> (0, 0)>
module attributes {stable_mosaic.version = 14 : i64} {
  func.func @_sc_cbuild_body(%arg0: i32, %arg1: i32, %arg2: memref<655360xi32, #tpu.memory_space<hbm>>, %arg3: memref<163840x128xf32, #tpu.memory_space<hbm>>, %arg4: memref<512x128xf32, #tpu.memory_space<hbm>>, %arg5: memref<32000x128xf32, #tpu.memory_space<hbm>>, %arg6: memref<32000x128xf32, #tpu.memory_space<hbm>>, %arg7: memref<256xi32, #tpu.memory_space<vmem>>, %arg8: memref<256x128xf32, #tpu.memory_space<vmem>>, %arg9: memref<256x128xf32, #tpu.memory_space<vmem>>, %arg10: memref<8128x128xf32, #tpu.memory_space<vmem_shared>>, %arg11: memref<!tpu.dma_semaphore, #tpu.memory_space<semaphore_mem>>, %arg12: memref<!tpu.dma_semaphore, #tpu.memory_space<semaphore_mem>>) attributes {dimension_semantics = [#tpu.dimension_semantics<core_parallel>, #tpu.dimension_semantics<subcore_parallel>], iteration_bounds = array<i64: 2, 16>, scalar_prefetch = 0 : i64, scratch_operands = 6 : i64, tpu.core_type = #tpu.core_type<sc_vector_subcore>, window_params = [{transform_indices = #map}, {transform_indices = #map1}, {transform_indices = #map1}, {transform_indices = #map1}, {transform_indices = #map1}]} {
    %add3A = arith.constant 0 : i32
    %add3A_0 = arith.addi %add3A, %arg0 : i32
    %lt3A = arith.constant 15 : i32
    %lt3A_1 = arith.cmpi slt, %arg1, %lt3A : i32
    %convert_element_type3A = arith.extui %lt3A_1 : i1 to i32
    %cond3A = arith.constant 0 : i32
    %cond3A_2 = arith.cmpi ne, %convert_element_type3A, %cond3A : i32
    scf.if %cond3A_2 {
      %mul3A_171 = arith.constant 512 : i32
      %mul3A_172 = arith.muli %arg1, %mul3A_171 : i32
      "tpu.region"() ({
        %run_scoped3A = tpu.sem_alloc : memref<!tpu.dma_semaphore, #tpu.memory_space<semaphore_mem>>
        %dma_start3A_173 = arith.constant 0 : i32
        %dma_start3A_174 = tpu.memref_slice %arg10[%mul3A_172, %dma_start3A_173] : memref<8128x128xf32, #tpu.memory_space<vmem_shared>> -> memref<512x128xf32, #tpu.memory_space<vmem_shared>>
        tpu.enqueue_dma source(%arg4 : memref<512x128xf32, #tpu.memory_space<hbm>>) target(%dma_start3A_174 : memref<512x128xf32, #tpu.memory_space<vmem_shared>>) target_semaphore(%run_scoped3A : memref<!tpu.dma_semaphore, #tpu.memory_space<semaphore_mem>>)
        %dma_wait3A = arith.constant 0 : i32
        %dma_wait3A_175 = tpu.memref_slice %arg10[%mul3A_172, %dma_wait3A] : memref<8128x128xf32, #tpu.memory_space<vmem_shared>> -> memref<512x128xf32, #tpu.memory_space<vmem_shared>>
        tpu.wait_dma2 semaphore(%run_scoped3A : memref<!tpu.dma_semaphore, #tpu.memory_space<semaphore_mem>>) src(%arg4 : memref<512x128xf32, #tpu.memory_space<hbm>>) dst(%dma_wait3A_175 : memref<512x128xf32, #tpu.memory_space<vmem_shared>>)
        tpu.yield
      }) : () -> ()
    } else {
    }
    %eq3A = arith.constant 15 : i32
    %eq3A_3 = arith.cmpi eq, %arg1, %eq3A : i32
    %convert_element_type3A_4 = arith.extui %eq3A_3 : i1 to i32
    %cond3A_5 = arith.constant 0 : i32
    %cond3A_6 = arith.cmpi ne, %convert_element_type3A_4, %cond3A_5 : i32
    scf.if %cond3A_6 {
      "tpu.region"() ({
        %run_scoped3A = tpu.sem_alloc : memref<!tpu.dma_semaphore, #tpu.memory_space<semaphore_mem>>
        %dma_start3A_171 = arith.constant 7680 : i32
        %dma_start3A_172 = arith.constant 0 : i32
        %dma_start3A_173 = tpu.memref_slice %arg10[%dma_start3A_171, %dma_start3A_172] : memref<8128x128xf32, #tpu.memory_space<vmem_shared>> -> memref<448x128xf32, #tpu.memory_space<vmem_shared>>
        %dma_start3A_174 = arith.constant 0 : i32
        %dma_start3A_175 = arith.constant 0 : i32
        %dma_start3A_176 = tpu.memref_slice %arg4[%dma_start3A_174, %dma_start3A_175] : memref<512x128xf32, #tpu.memory_space<hbm>> -> memref<448x128xf32, #tpu.memory_space<hbm>>
        tpu.enqueue_dma source(%dma_start3A_176 : memref<448x128xf32, #tpu.memory_space<hbm>>) target(%dma_start3A_173 : memref<448x128xf32, #tpu.memory_space<vmem_shared>>) target_semaphore(%run_scoped3A : memref<!tpu.dma_semaphore, #tpu.memory_space<semaphore_mem>>)
        %dma_wait3A = arith.constant 7680 : i32
        %dma_wait3A_177 = arith.constant 0 : i32
        %dma_wait3A_178 = tpu.memref_slice %arg10[%dma_wait3A, %dma_wait3A_177] : memref<8128x128xf32, #tpu.memory_space<vmem_shared>> -> memref<448x128xf32, #tpu.memory_space<vmem_shared>>
        %dma_wait3A_179 = arith.constant 0 : i32
        %dma_wait3A_180 = arith.constant 0 : i32
        %dma_wait3A_181 = tpu.memref_slice %arg4[%dma_wait3A_179, %dma_wait3A_180] : memref<512x128xf32, #tpu.memory_space<hbm>> -> memref<448x128xf32, #tpu.memory_space<hbm>>
        tpu.wait_dma2 semaphore(%run_scoped3A : memref<!tpu.dma_semaphore, #tpu.memory_space<semaphore_mem>>) src(%dma_wait3A_181 : memref<448x128xf32, #tpu.memory_space<hbm>>) dst(%dma_wait3A_178 : memref<448x128xf32, #tpu.memory_space<vmem_shared>>)
        tpu.yield
      }) : () -> ()
    } else {
    }
    %barrier3A = arith.constant 0 : index
    tpu.barrier barrier_id(%barrier3A)
    %add3A_7 = arith.constant 0 : i32
    %add3A_8 = arith.addi %add3A_7, %add3A_0 : i32
    %mul3A = arith.constant 81920 : i32
    %mul3A_9 = arith.muli %add3A_8, %mul3A : i32
    %mul3A_10 = arith.constant 20 : i32
    %mul3A_11 = arith.muli %arg1, %mul3A_10 : i32
    %mul3A_12 = arith.constant 256 : i32
    %mul3A_13 = arith.muli %mul3A_11, %mul3A_12 : i32
    %add3A_14 = arith.constant 0 : i32
    %add3A_15 = arith.addi %add3A_14, %mul3A_13 : i32
    %dma_start3A = arith.constant 0 : i32
    %dma_start3A_16 = tpu.memref_slice %arg3[%add3A_15, %dma_start3A] : memref<163840x128xf32, #tpu.memory_space<hbm>> -> memref<256x128xf32, #tpu.memory_space<hbm>>
    %dma_start3A_17 = arith.constant 0 : i32
    %dma_start3A_18 = tpu.memref_slice %arg3[%add3A_15, %dma_start3A_17] : memref<163840x128xf32, #tpu.memory_space<hbm>> -> memref<256x128xf32, #tpu.memory_space<hbm>>
    tpu.enqueue_dma source(%dma_start3A_18 : memref<256x128xf32, #tpu.memory_space<hbm>>) target(%arg8 : memref<256x128xf32, #tpu.memory_space<vmem>>) target_semaphore(%arg11 : memref<!tpu.dma_semaphore, #tpu.memory_space<semaphore_mem>>)
    %scan3A = arith.constant 0 : i32
    %scan3A_19 = arith.constant 0 : i32
    %scan3A_20 = arith.constant 10 : i32
    %scan3A_21 = arith.addi %scan3A_19, %scan3A_20 : i32
    %scan3A_22 = arith.constant 1 : i32
    scf.for %scan3A_171 = %scan3A_19 to %scan3A_21 step %scan3A_22  : i32 {
      %mul3A_172 = arith.constant 2 : i32
      %mul3A_173 = arith.muli %mul3A_172, %scan3A_171 : i32
      %add3A_174 = arith.constant 0 : i32
      %add3A_175 = arith.addi %add3A_174, %mul3A_13 : i32
      %add3A_176 = arith.constant 1 : i32
      %add3A_177 = arith.addi %mul3A_173, %add3A_176 : i32
      %mul3A_178 = arith.constant 256 : i32
      %mul3A_179 = arith.muli %add3A_177, %mul3A_178 : i32
      %add3A_180 = arith.addi %add3A_175, %mul3A_179 : i32
      %dma_start3A_181 = arith.constant 0 : i32
      %dma_start3A_182 = tpu.memref_slice %arg3[%add3A_180, %dma_start3A_181] : memref<163840x128xf32, #tpu.memory_space<hbm>> -> memref<256x128xf32, #tpu.memory_space<hbm>>
      %dma_start3A_183 = arith.constant 0 : i32
      %dma_start3A_184 = tpu.memref_slice %arg3[%add3A_180, %dma_start3A_183] : memref<163840x128xf32, #tpu.memory_space<hbm>> -> memref<256x128xf32, #tpu.memory_space<hbm>>
      tpu.enqueue_dma source(%dma_start3A_184 : memref<256x128xf32, #tpu.memory_space<hbm>>) target(%arg9 : memref<256x128xf32, #tpu.memory_space<vmem>>) target_semaphore(%arg12 : memref<!tpu.dma_semaphore, #tpu.memory_space<semaphore_mem>>)
      %add3A_185 = arith.constant 0 : i32
      %add3A_186 = arith.addi %add3A_185, %mul3A_13 : i32
      %mul3A_187 = arith.constant 256 : i32
      %mul3A_188 = arith.muli %mul3A_173, %mul3A_187 : i32
      %add3A_189 = arith.addi %add3A_186, %mul3A_188 : i32
      %dma_wait3A = arith.constant 0 : i32
      %dma_wait3A_190 = tpu.memref_slice %arg3[%add3A_189, %dma_wait3A] : memref<163840x128xf32, #tpu.memory_space<hbm>> -> memref<256x128xf32, #tpu.memory_space<hbm>>
      %dma_wait3A_191 = arith.constant 0 : i32
      %dma_wait3A_192 = tpu.memref_slice %arg3[%add3A_189, %dma_wait3A_191] : memref<163840x128xf32, #tpu.memory_space<hbm>> -> memref<256x128xf32, #tpu.memory_space<hbm>>
      tpu.wait_dma2 semaphore(%arg11 : memref<!tpu.dma_semaphore, #tpu.memory_space<semaphore_mem>>) src(%dma_wait3A_192 : memref<256x128xf32, #tpu.memory_space<hbm>>) dst(%arg8 : memref<256x128xf32, #tpu.memory_space<vmem>>)
      %add3A_193 = arith.addi %mul3A_9, %mul3A_13 : i32
      %mul3A_194 = arith.constant 256 : i32
      %mul3A_195 = arith.muli %mul3A_173, %mul3A_194 : i32
      %add3A_196 = arith.addi %add3A_193, %mul3A_195 : i32
      "tpu.region"() ({
        %run_scoped3A = tpu.sem_alloc : memref<!tpu.dma_semaphore, #tpu.memory_space<semaphore_mem>>
        %dma_start3A_219 = tpu.memref_slice %arg2[%add3A_196] : memref<655360xi32, #tpu.memory_space<hbm>> -> memref<256xi32, #tpu.memory_space<hbm>>
        %dma_start3A_220 = tpu.memref_slice %arg2[%add3A_196] : memref<655360xi32, #tpu.memory_space<hbm>> -> memref<256xi32, #tpu.memory_space<hbm>>
        tpu.enqueue_dma source(%dma_start3A_220 : memref<256xi32, #tpu.memory_space<hbm>>) target(%arg7 : memref<256xi32, #tpu.memory_space<vmem>>) target_semaphore(%run_scoped3A : memref<!tpu.dma_semaphore, #tpu.memory_space<semaphore_mem>>)
        %dma_wait3A_221 = tpu.memref_slice %arg2[%add3A_196] : memref<655360xi32, #tpu.memory_space<hbm>> -> memref<256xi32, #tpu.memory_space<hbm>>
        %dma_wait3A_222 = tpu.memref_slice %arg2[%add3A_196] : memref<655360xi32, #tpu.memory_space<hbm>> -> memref<256xi32, #tpu.memory_space<hbm>>
        tpu.wait_dma2 semaphore(%run_scoped3A : memref<!tpu.dma_semaphore, #tpu.memory_space<semaphore_mem>>) src(%dma_wait3A_222 : memref<256xi32, #tpu.memory_space<hbm>>) dst(%arg7 : memref<256xi32, #tpu.memory_space<vmem>>)
        tpu.yield
      }) : () -> ()
      "tpu.region"() ({
        %run_scoped3A = tpu.sem_alloc : memref<!tpu.dma_semaphore, #tpu.memory_space<semaphore_mem>>
        %dma_start3A_219 = arith.constant 0 : i32
        %dma_start3A_220 = arith.constant 0 : i32
        %dma_start3A_221 = tpu.memref_slice %arg10[%dma_start3A_219, %dma_start3A_220] : memref<8128x128xf32, #tpu.memory_space<vmem_shared>> -> memref<8128x128xf32, #tpu.memory_space<vmem_shared>>
        %dma_start3A_222 = arith.constant -1 : i32
        tpu.enqueue_indirect_dma source(%arg8 : memref<256x128xf32, #tpu.memory_space<vmem>>) target(%dma_start3A_221 : memref<8128x128xf32, #tpu.memory_space<vmem_shared>>) offsets(%arg7 : memref<256xi32, #tpu.memory_space<vmem>>) offset_filter(%dma_start3A_222) semaphore(%run_scoped3A : memref<!tpu.dma_semaphore, #tpu.memory_space<semaphore_mem>>) {add = true}
        %dma_wait3A_223 = arith.constant 0 : i32
        %dma_wait3A_224 = arith.constant 0 : i32
        %dma_wait3A_225 = tpu.memref_slice %arg10[%dma_wait3A_223, %dma_wait3A_224] : memref<8128x128xf32, #tpu.memory_space<vmem_shared>> -> memref<8128x128xf32, #tpu.memory_space<vmem_shared>>
        tpu.wait_indirect_dma semaphore(%run_scoped3A : memref<!tpu.dma_semaphore, #tpu.memory_space<semaphore_mem>>) src(%arg8 : memref<256x128xf32, #tpu.memory_space<vmem>>) dst(%dma_wait3A_225 : memref<8128x128xf32, #tpu.memory_space<vmem_shared>>)
        tpu.yield
      }) : () -> ()
      %lt3A_197 = arith.constant 9 : i32
      %lt3A_198 = arith.cmpi slt, %scan3A_171, %lt3A_197 : i32
      %convert_element_type3A_199 = arith.extui %lt3A_198 : i1 to i32
      %cond3A_200 = arith.constant 0 : i32
      %cond3A_201 = arith.cmpi ne, %convert_element_type3A_199, %cond3A_200 : i32
      scf.if %cond3A_201 {
        %add3A_219 = arith.constant 0 : i32
        %add3A_220 = arith.addi %add3A_219, %mul3A_13 : i32
        %add3A_221 = arith.constant 2 : i32
        %add3A_222 = arith.addi %mul3A_173, %add3A_221 : i32
        %mul3A_223 = arith.constant 256 : i32
        %mul3A_224 = arith.muli %add3A_222, %mul3A_223 : i32
        %add3A_225 = arith.addi %add3A_220, %mul3A_224 : i32
        %dma_start3A_226 = arith.constant 0 : i32
        %dma_start3A_227 = tpu.memref_slice %arg3[%add3A_225, %dma_start3A_226] : memref<163840x128xf32, #tpu.memory_space<hbm>> -> memref<256x128xf32, #tpu.memory_space<hbm>>
        %dma_start3A_228 = arith.constant 0 : i32
        %dma_start3A_229 = tpu.memref_slice %arg3[%add3A_225, %dma_start3A_228] : memref<163840x128xf32, #tpu.memory_space<hbm>> -> memref<256x128xf32, #tpu.memory_space<hbm>>
        tpu.enqueue_dma source(%dma_start3A_229 : memref<256x128xf32, #tpu.memory_space<hbm>>) target(%arg8 : memref<256x128xf32, #tpu.memory_space<vmem>>) target_semaphore(%arg11 : memref<!tpu.dma_semaphore, #tpu.memory_space<semaphore_mem>>)
      } else {
      }
      %add3A_202 = arith.constant 0 : i32
      %add3A_203 = arith.addi %add3A_202, %mul3A_13 : i32
      %add3A_204 = arith.constant 1 : i32
      %add3A_205 = arith.addi %mul3A_173, %add3A_204 : i32
      %mul3A_206 = arith.constant 256 : i32
      %mul3A_207 = arith.muli %add3A_205, %mul3A_206 : i32
      %add3A_208 = arith.addi %add3A_203, %mul3A_207 : i32
      %dma_wait3A_209 = arith.constant 0 : i32
      %dma_wait3A_210 = tpu.memref_slice %arg3[%add3A_208, %dma_wait3A_209] : memref<163840x128xf32, #tpu.memory_space<hbm>> -> memref<256x128xf32, #tpu.memory_space<hbm>>
      %dma_wait3A_211 = arith.constant 0 : i32
      %dma_wait3A_212 = tpu.memref_slice %arg3[%add3A_208, %dma_wait3A_211] : memref<163840x128xf32, #tpu.memory_space<hbm>> -> memref<256x128xf32, #tpu.memory_space<hbm>>
      tpu.wait_dma2 semaphore(%arg12 : memref<!tpu.dma_semaphore, #tpu.memory_space<semaphore_mem>>) src(%dma_wait3A_212 : memref<256x128xf32, #tpu.memory_space<hbm>>) dst(%arg9 : memref<256x128xf32, #tpu.memory_space<vmem>>)
      %add3A_213 = arith.addi %mul3A_9, %mul3A_13 : i32
      %add3A_214 = arith.constant 1 : i32
      %add3A_215 = arith.addi %mul3A_173, %add3A_214 : i32
      %mul3A_216 = arith.constant 256 : i32
      %mul3A_217 = arith.muli %add3A_215, %mul3A_216 : i32
      %add3A_218 = arith.addi %add3A_213, %mul3A_217 : i32
      "tpu.region"() ({
        %run_scoped3A = tpu.sem_alloc : memref<!tpu.dma_semaphore, #tpu.memory_space<semaphore_mem>>
        %dma_start3A_219 = tpu.memref_slice %arg2[%add3A_218] : memref<655360xi32, #tpu.memory_space<hbm>> -> memref<256xi32, #tpu.memory_space<hbm>>
        %dma_start3A_220 = tpu.memref_slice %arg2[%add3A_218] : memref<655360xi32, #tpu.memory_space<hbm>> -> memref<256xi32, #tpu.memory_space<hbm>>
        tpu.enqueue_dma source(%dma_start3A_220 : memref<256xi32, #tpu.memory_space<hbm>>) target(%arg7 : memref<256xi32, #tpu.memory_space<vmem>>) target_semaphore(%run_scoped3A : memref<!tpu.dma_semaphore, #tpu.memory_space<semaphore_mem>>)
        %dma_wait3A_221 = tpu.memref_slice %arg2[%add3A_218] : memref<655360xi32, #tpu.memory_space<hbm>> -> memref<256xi32, #tpu.memory_space<hbm>>
        %dma_wait3A_222 = tpu.memref_slice %arg2[%add3A_218] : memref<655360xi32, #tpu.memory_space<hbm>> -> memref<256xi32, #tpu.memory_space<hbm>>
        tpu.wait_dma2 semaphore(%run_scoped3A : memref<!tpu.dma_semaphore, #tpu.memory_space<semaphore_mem>>) src(%dma_wait3A_222 : memref<256xi32, #tpu.memory_space<hbm>>) dst(%arg7 : memref<256xi32, #tpu.memory_space<vmem>>)
        tpu.yield
      }) : () -> ()
      "tpu.region"() ({
        %run_scoped3A = tpu.sem_alloc : memref<!tpu.dma_semaphore, #tpu.memory_space<semaphore_mem>>
        %dma_start3A_219 = arith.constant 0 : i32
        %dma_start3A_220 = arith.constant 0 : i32
        %dma_start3A_221 = tpu.memref_slice %arg10[%dma_start3A_219, %dma_start3A_220] : memref<8128x128xf32, #tpu.memory_space<vmem_shared>> -> memref<8128x128xf32, #tpu.memory_space<vmem_shared>>
        %dma_start3A_222 = arith.constant -1 : i32
        tpu.enqueue_indirect_dma source(%arg9 : memref<256x128xf32, #tpu.memory_space<vmem>>) target(%dma_start3A_221 : memref<8128x128xf32, #tpu.memory_space<vmem_shared>>) offsets(%arg7 : memref<256xi32, #tpu.memory_space<vmem>>) offset_filter(%dma_start3A_222) semaphore(%run_scoped3A : memref<!tpu.dma_semaphore, #tpu.memory_space<semaphore_mem>>) {add = true}
        %dma_wait3A_223 = arith.constant 0 : i32
        %dma_wait3A_224 = arith.constant 0 : i32
        %dma_wait3A_225 = tpu.memref_slice %arg10[%dma_wait3A_223, %dma_wait3A_224] : memref<8128x128xf32, #tpu.memory_space<vmem_shared>> -> memref<8128x128xf32, #tpu.memory_space<vmem_shared>>
        tpu.wait_indirect_dma semaphore(%run_scoped3A : memref<!tpu.dma_semaphore, #tpu.memory_space<semaphore_mem>>) src(%arg9 : memref<256x128xf32, #tpu.memory_space<vmem>>) dst(%dma_wait3A_225 : memref<8128x128xf32, #tpu.memory_space<vmem_shared>>)
        tpu.yield
      }) : () -> ()
    }
    %scan3A_23 = arith.constant 10 : i32
    %barrier3A_24 = arith.constant 0 : index
    tpu.barrier barrier_id(%barrier3A_24)
    %lt3A_25 = arith.constant 15 : i32
    %lt3A_26 = arith.cmpi slt, %arg1, %lt3A_25 : i32
    %convert_element_type3A_27 = arith.extui %lt3A_26 : i1 to i32
    %cond3A_28 = arith.constant 0 : i32
    %cond3A_29 = arith.cmpi ne, %convert_element_type3A_27, %cond3A_28 : i32
    scf.if %cond3A_29 {
      %mul3A_171 = arith.constant 504 : i32
      %mul3A_172 = arith.muli %arg1, %mul3A_171 : i32
      %mul3A_173 = arith.constant 8000 : i32
      %mul3A_174 = arith.muli %add3A_0, %mul3A_173 : i32
      %mul3A_175 = arith.constant 504 : i32
      %mul3A_176 = arith.muli %arg1, %mul3A_175 : i32
      %add3A_177 = arith.addi %mul3A_174, %mul3A_176 : i32
      "tpu.region"() ({
        %run_scoped3A = tpu.sem_alloc : memref<!tpu.dma_semaphore, #tpu.memory_space<semaphore_mem>>
        %dma_start3A_178 = arith.constant 0 : i32
        %dma_start3A_179 = tpu.memref_slice %arg5[%add3A_177, %dma_start3A_178] : memref<32000x128xf32, #tpu.memory_space<hbm>> -> memref<504x128xf32, #tpu.memory_space<hbm>>
        %dma_start3A_180 = arith.constant 0 : i32
        %dma_start3A_181 = tpu.memref_slice %arg10[%mul3A_172, %dma_start3A_180] : memref<8128x128xf32, #tpu.memory_space<vmem_shared>> -> memref<504x128xf32, #tpu.memory_space<vmem_shared>>
        tpu.enqueue_dma source(%dma_start3A_181 : memref<504x128xf32, #tpu.memory_space<vmem_shared>>) target(%dma_start3A_179 : memref<504x128xf32, #tpu.memory_space<hbm>>) target_semaphore(%run_scoped3A : memref<!tpu.dma_semaphore, #tpu.memory_space<semaphore_mem>>)
        %dma_wait3A = arith.constant 0 : i32
        %dma_wait3A_182 = tpu.memref_slice %arg5[%add3A_177, %dma_wait3A] : memref<32000x128xf32, #tpu.memory_space<hbm>> -> memref<504x128xf32, #tpu.memory_space<hbm>>
        %dma_wait3A_183 = arith.constant 0 : i32
        %dma_wait3A_184 = tpu.memref_slice %arg10[%mul3A_172, %dma_wait3A_183] : memref<8128x128xf32, #tpu.memory_space<vmem_shared>> -> memref<504x128xf32, #tpu.memory_space<vmem_shared>>
        tpu.wait_dma2 semaphore(%run_scoped3A : memref<!tpu.dma_semaphore, #tpu.memory_space<semaphore_mem>>) src(%dma_wait3A_184 : memref<504x128xf32, #tpu.memory_space<vmem_shared>>) dst(%dma_wait3A_182 : memref<504x128xf32, #tpu.memory_space<hbm>>)
        tpu.yield
      }) : () -> ()
    } else {
    }
    %eq3A_30 = arith.constant 15 : i32
    %eq3A_31 = arith.cmpi eq, %arg1, %eq3A_30 : i32
    %convert_element_type3A_32 = arith.extui %eq3A_31 : i1 to i32
    %cond3A_33 = arith.constant 0 : i32
    %cond3A_34 = arith.cmpi ne, %convert_element_type3A_32, %cond3A_33 : i32
    scf.if %cond3A_34 {
      %mul3A_171 = arith.constant 8000 : i32
      %mul3A_172 = arith.muli %add3A_0, %mul3A_171 : i32
      %add3A_173 = arith.constant 7560 : i32
      %add3A_174 = arith.addi %mul3A_172, %add3A_173 : i32
      "tpu.region"() ({
        %run_scoped3A = tpu.sem_alloc : memref<!tpu.dma_semaphore, #tpu.memory_space<semaphore_mem>>
        %dma_start3A_175 = arith.constant 0 : i32
        %dma_start3A_176 = tpu.memref_slice %arg5[%add3A_174, %dma_start3A_175] : memref<32000x128xf32, #tpu.memory_space<hbm>> -> memref<440x128xf32, #tpu.memory_space<hbm>>
        %dma_start3A_177 = arith.constant 7560 : i32
        %dma_start3A_178 = arith.constant 0 : i32
        %dma_start3A_179 = tpu.memref_slice %arg10[%dma_start3A_177, %dma_start3A_178] : memref<8128x128xf32, #tpu.memory_space<vmem_shared>> -> memref<440x128xf32, #tpu.memory_space<vmem_shared>>
        tpu.enqueue_dma source(%dma_start3A_179 : memref<440x128xf32, #tpu.memory_space<vmem_shared>>) target(%dma_start3A_176 : memref<440x128xf32, #tpu.memory_space<hbm>>) target_semaphore(%run_scoped3A : memref<!tpu.dma_semaphore, #tpu.memory_space<semaphore_mem>>)
        %dma_wait3A = arith.constant 0 : i32
        %dma_wait3A_180 = tpu.memref_slice %arg5[%add3A_174, %dma_wait3A] : memref<32000x128xf32, #tpu.memory_space<hbm>> -> memref<440x128xf32, #tpu.memory_space<hbm>>
        %dma_wait3A_181 = arith.constant 7560 : i32
        %dma_wait3A_182 = arith.constant 0 : i32
        %dma_wait3A_183 = tpu.memref_slice %arg10[%dma_wait3A_181, %dma_wait3A_182] : memref<8128x128xf32, #tpu.memory_space<vmem_shared>> -> memref<440x128xf32, #tpu.memory_space<vmem_shared>>
        tpu.wait_dma2 semaphore(%run_scoped3A : memref<!tpu.dma_semaphore, #tpu.memory_space<semaphore_mem>>) src(%dma_wait3A_183 : memref<440x128xf32, #tpu.memory_space<vmem_shared>>) dst(%dma_wait3A_180 : memref<440x128xf32, #tpu.memory_space<hbm>>)
        tpu.yield
      }) : () -> ()
    } else {
    }
    %barrier3A_35 = arith.constant 0 : index
    tpu.barrier barrier_id(%barrier3A_35)
    %add3A_36 = arith.constant 2 : i32
    %add3A_37 = arith.addi %add3A_36, %arg0 : i32
    %lt3A_38 = arith.constant 15 : i32
    %lt3A_39 = arith.cmpi slt, %arg1, %lt3A_38 : i32
    %convert_element_type3A_40 = arith.extui %lt3A_39 : i1 to i32
    %cond3A_41 = arith.constant 0 : i32
    %cond3A_42 = arith.cmpi ne, %convert_element_type3A_40, %cond3A_41 : i32
    scf.if %cond3A_42 {
      %mul3A_171 = arith.constant 512 : i32
      %mul3A_172 = arith.muli %arg1, %mul3A_171 : i32
      "tpu.region"() ({
        %run_scoped3A = tpu.sem_alloc : memref<!tpu.dma_semaphore, #tpu.memory_space<semaphore_mem>>
        %dma_start3A_173 = arith.constant 0 : i32
        %dma_start3A_174 = tpu.memref_slice %arg10[%mul3A_172, %dma_start3A_173] : memref<8128x128xf32, #tpu.memory_space<vmem_shared>> -> memref<512x128xf32, #tpu.memory_space<vmem_shared>>
        tpu.enqueue_dma source(%arg4 : memref<512x128xf32, #tpu.memory_space<hbm>>) target(%dma_start3A_174 : memref<512x128xf32, #tpu.memory_space<vmem_shared>>) target_semaphore(%run_scoped3A : memref<!tpu.dma_semaphore, #tpu.memory_space<semaphore_mem>>)
        %dma_wait3A = arith.constant 0 : i32
        %dma_wait3A_175 = tpu.memref_slice %arg10[%mul3A_172, %dma_wait3A] : memref<8128x128xf32, #tpu.memory_space<vmem_shared>> -> memref<512x128xf32, #tpu.memory_space<vmem_shared>>
        tpu.wait_dma2 semaphore(%run_scoped3A : memref<!tpu.dma_semaphore, #tpu.memory_space<semaphore_mem>>) src(%arg4 : memref<512x128xf32, #tpu.memory_space<hbm>>) dst(%dma_wait3A_175 : memref<512x128xf32, #tpu.memory_space<vmem_shared>>)
        tpu.yield
      }) : () -> ()
    } else {
    }
    %eq3A_43 = arith.constant 15 : i32
    %eq3A_44 = arith.cmpi eq, %arg1, %eq3A_43 : i32
    %convert_element_type3A_45 = arith.extui %eq3A_44 : i1 to i32
    %cond3A_46 = arith.constant 0 : i32
    %cond3A_47 = arith.cmpi ne, %convert_element_type3A_45, %cond3A_46 : i32
    scf.if %cond3A_47 {
      "tpu.region"() ({
        %run_scoped3A = tpu.sem_alloc : memref<!tpu.dma_semaphore, #tpu.memory_space<semaphore_mem>>
        %dma_start3A_171 = arith.constant 7680 : i32
        %dma_start3A_172 = arith.constant 0 : i32
        %dma_start3A_173 = tpu.memref_slice %arg10[%dma_start3A_171, %dma_start3A_172] : memref<8128x128xf32, #tpu.memory_space<vmem_shared>> -> memref<448x128xf32, #tpu.memory_space<vmem_shared>>
        %dma_start3A_174 = arith.constant 0 : i32
        %dma_start3A_175 = arith.constant 0 : i32
        %dma_start3A_176 = tpu.memref_slice %arg4[%dma_start3A_174, %dma_start3A_175] : memref<512x128xf32, #tpu.memory_space<hbm>> -> memref<448x128xf32, #tpu.memory_space<hbm>>
        tpu.enqueue_dma source(%dma_start3A_176 : memref<448x128xf32, #tpu.memory_space<hbm>>) target(%dma_start3A_173 : memref<448x128xf32, #tpu.memory_space<vmem_shared>>) target_semaphore(%run_scoped3A : memref<!tpu.dma_semaphore, #tpu.memory_space<semaphore_mem>>)
        %dma_wait3A = arith.constant 7680 : i32
        %dma_wait3A_177 = arith.constant 0 : i32
        %dma_wait3A_178 = tpu.memref_slice %arg10[%dma_wait3A, %dma_wait3A_177] : memref<8128x128xf32, #tpu.memory_space<vmem_shared>> -> memref<448x128xf32, #tpu.memory_space<vmem_shared>>
        %dma_wait3A_179 = arith.constant 0 : i32
        %dma_wait3A_180 = arith.constant 0 : i32
        %dma_wait3A_181 = tpu.memref_slice %arg4[%dma_wait3A_179, %dma_wait3A_180] : memref<512x128xf32, #tpu.memory_space<hbm>> -> memref<448x128xf32, #tpu.memory_space<hbm>>
        tpu.wait_dma2 semaphore(%run_scoped3A : memref<!tpu.dma_semaphore, #tpu.memory_space<semaphore_mem>>) src(%dma_wait3A_181 : memref<448x128xf32, #tpu.memory_space<hbm>>) dst(%dma_wait3A_178 : memref<448x128xf32, #tpu.memory_space<vmem_shared>>)
        tpu.yield
      }) : () -> ()
    } else {
    }
    %barrier3A_48 = arith.constant 0 : index
    tpu.barrier barrier_id(%barrier3A_48)
    %add3A_49 = arith.constant 0 : i32
    %add3A_50 = arith.addi %add3A_49, %add3A_37 : i32
    %mul3A_51 = arith.constant 81920 : i32
    %mul3A_52 = arith.muli %add3A_50, %mul3A_51 : i32
    %mul3A_53 = arith.constant 20 : i32
    %mul3A_54 = arith.muli %arg1, %mul3A_53 : i32
    %mul3A_55 = arith.constant 256 : i32
    %mul3A_56 = arith.muli %mul3A_54, %mul3A_55 : i32
    %add3A_57 = arith.constant 0 : i32
    %add3A_58 = arith.addi %add3A_57, %mul3A_56 : i32
    %dma_start3A_59 = arith.constant 0 : i32
    %dma_start3A_60 = tpu.memref_slice %arg3[%add3A_58, %dma_start3A_59] : memref<163840x128xf32, #tpu.memory_space<hbm>> -> memref<256x128xf32, #tpu.memory_space<hbm>>
    %dma_start3A_61 = arith.constant 0 : i32
    %dma_start3A_62 = tpu.memref_slice %arg3[%add3A_58, %dma_start3A_61] : memref<163840x128xf32, #tpu.memory_space<hbm>> -> memref<256x128xf32, #tpu.memory_space<hbm>>
    tpu.enqueue_dma source(%dma_start3A_62 : memref<256x128xf32, #tpu.memory_space<hbm>>) target(%arg8 : memref<256x128xf32, #tpu.memory_space<vmem>>) target_semaphore(%arg11 : memref<!tpu.dma_semaphore, #tpu.memory_space<semaphore_mem>>)
    %scan3A_63 = arith.constant 0 : i32
    %scan3A_64 = arith.constant 0 : i32
    %scan3A_65 = arith.constant 10 : i32
    %scan3A_66 = arith.addi %scan3A_64, %scan3A_65 : i32
    %scan3A_67 = arith.constant 1 : i32
    scf.for %scan3A_171 = %scan3A_64 to %scan3A_66 step %scan3A_67  : i32 {
      %mul3A_172 = arith.constant 2 : i32
      %mul3A_173 = arith.muli %mul3A_172, %scan3A_171 : i32
      %add3A_174 = arith.constant 0 : i32
      %add3A_175 = arith.addi %add3A_174, %mul3A_56 : i32
      %add3A_176 = arith.constant 1 : i32
      %add3A_177 = arith.addi %mul3A_173, %add3A_176 : i32
      %mul3A_178 = arith.constant 256 : i32
      %mul3A_179 = arith.muli %add3A_177, %mul3A_178 : i32
      %add3A_180 = arith.addi %add3A_175, %mul3A_179 : i32
      %dma_start3A_181 = arith.constant 0 : i32
      %dma_start3A_182 = tpu.memref_slice %arg3[%add3A_180, %dma_start3A_181] : memref<163840x128xf32, #tpu.memory_space<hbm>> -> memref<256x128xf32, #tpu.memory_space<hbm>>
      %dma_start3A_183 = arith.constant 0 : i32
      %dma_start3A_184 = tpu.memref_slice %arg3[%add3A_180, %dma_start3A_183] : memref<163840x128xf32, #tpu.memory_space<hbm>> -> memref<256x128xf32, #tpu.memory_space<hbm>>
      tpu.enqueue_dma source(%dma_start3A_184 : memref<256x128xf32, #tpu.memory_space<hbm>>) target(%arg9 : memref<256x128xf32, #tpu.memory_space<vmem>>) target_semaphore(%arg12 : memref<!tpu.dma_semaphore, #tpu.memory_space<semaphore_mem>>)
      %add3A_185 = arith.constant 0 : i32
      %add3A_186 = arith.addi %add3A_185, %mul3A_56 : i32
      %mul3A_187 = arith.constant 256 : i32
      %mul3A_188 = arith.muli %mul3A_173, %mul3A_187 : i32
      %add3A_189 = arith.addi %add3A_186, %mul3A_188 : i32
      %dma_wait3A = arith.constant 0 : i32
      %dma_wait3A_190 = tpu.memref_slice %arg3[%add3A_189, %dma_wait3A] : memref<163840x128xf32, #tpu.memory_space<hbm>> -> memref<256x128xf32, #tpu.memory_space<hbm>>
      %dma_wait3A_191 = arith.constant 0 : i32
      %dma_wait3A_192 = tpu.memref_slice %arg3[%add3A_189, %dma_wait3A_191] : memref<163840x128xf32, #tpu.memory_space<hbm>> -> memref<256x128xf32, #tpu.memory_space<hbm>>
      tpu.wait_dma2 semaphore(%arg11 : memref<!tpu.dma_semaphore, #tpu.memory_space<semaphore_mem>>) src(%dma_wait3A_192 : memref<256x128xf32, #tpu.memory_space<hbm>>) dst(%arg8 : memref<256x128xf32, #tpu.memory_space<vmem>>)
      %add3A_193 = arith.addi %mul3A_52, %mul3A_56 : i32
      %mul3A_194 = arith.constant 256 : i32
      %mul3A_195 = arith.muli %mul3A_173, %mul3A_194 : i32
      %add3A_196 = arith.addi %add3A_193, %mul3A_195 : i32
      "tpu.region"() ({
        %run_scoped3A = tpu.sem_alloc : memref<!tpu.dma_semaphore, #tpu.memory_space<semaphore_mem>>
        %dma_start3A_219 = tpu.memref_slice %arg2[%add3A_196] : memref<655360xi32, #tpu.memory_space<hbm>> -> memref<256xi32, #tpu.memory_space<hbm>>
        %dma_start3A_220 = tpu.memref_slice %arg2[%add3A_196] : memref<655360xi32, #tpu.memory_space<hbm>> -> memref<256xi32, #tpu.memory_space<hbm>>
        tpu.enqueue_dma source(%dma_start3A_220 : memref<256xi32, #tpu.memory_space<hbm>>) target(%arg7 : memref<256xi32, #tpu.memory_space<vmem>>) target_semaphore(%run_scoped3A : memref<!tpu.dma_semaphore, #tpu.memory_space<semaphore_mem>>)
        %dma_wait3A_221 = tpu.memref_slice %arg2[%add3A_196] : memref<655360xi32, #tpu.memory_space<hbm>> -> memref<256xi32, #tpu.memory_space<hbm>>
        %dma_wait3A_222 = tpu.memref_slice %arg2[%add3A_196] : memref<655360xi32, #tpu.memory_space<hbm>> -> memref<256xi32, #tpu.memory_space<hbm>>
        tpu.wait_dma2 semaphore(%run_scoped3A : memref<!tpu.dma_semaphore, #tpu.memory_space<semaphore_mem>>) src(%dma_wait3A_222 : memref<256xi32, #tpu.memory_space<hbm>>) dst(%arg7 : memref<256xi32, #tpu.memory_space<vmem>>)
        tpu.yield
      }) : () -> ()
      "tpu.region"() ({
        %run_scoped3A = tpu.sem_alloc : memref<!tpu.dma_semaphore, #tpu.memory_space<semaphore_mem>>
        %dma_start3A_219 = arith.constant 0 : i32
        %dma_start3A_220 = arith.constant 0 : i32
        %dma_start3A_221 = tpu.memref_slice %arg10[%dma_start3A_219, %dma_start3A_220] : memref<8128x128xf32, #tpu.memory_space<vmem_shared>> -> memref<8128x128xf32, #tpu.memory_space<vmem_shared>>
        %dma_start3A_222 = arith.constant -1 : i32
        tpu.enqueue_indirect_dma source(%arg8 : memref<256x128xf32, #tpu.memory_space<vmem>>) target(%dma_start3A_221 : memref<8128x128xf32, #tpu.memory_space<vmem_shared>>) offsets(%arg7 : memref<256xi32, #tpu.memory_space<vmem>>) offset_filter(%dma_start3A_222) semaphore(%run_scoped3A : memref<!tpu.dma_semaphore, #tpu.memory_space<semaphore_mem>>) {add = true}
        %dma_wait3A_223 = arith.constant 0 : i32
        %dma_wait3A_224 = arith.constant 0 : i32
        %dma_wait3A_225 = tpu.memref_slice %arg10[%dma_wait3A_223, %dma_wait3A_224] : memref<8128x128xf32, #tpu.memory_space<vmem_shared>> -> memref<8128x128xf32, #tpu.memory_space<vmem_shared>>
        tpu.wait_indirect_dma semaphore(%run_scoped3A : memref<!tpu.dma_semaphore, #tpu.memory_space<semaphore_mem>>) src(%arg8 : memref<256x128xf32, #tpu.memory_space<vmem>>) dst(%dma_wait3A_225 : memref<8128x128xf32, #tpu.memory_space<vmem_shared>>)
        tpu.yield
      }) : () -> ()
      %lt3A_197 = arith.constant 9 : i32
      %lt3A_198 = arith.cmpi slt, %scan3A_171, %lt3A_197 : i32
      %convert_element_type3A_199 = arith.extui %lt3A_198 : i1 to i32
      %cond3A_200 = arith.constant 0 : i32
      %cond3A_201 = arith.cmpi ne, %convert_element_type3A_199, %cond3A_200 : i32
      scf.if %cond3A_201 {
        %add3A_219 = arith.constant 0 : i32
        %add3A_220 = arith.addi %add3A_219, %mul3A_56 : i32
        %add3A_221 = arith.constant 2 : i32
        %add3A_222 = arith.addi %mul3A_173, %add3A_221 : i32
        %mul3A_223 = arith.constant 256 : i32
        %mul3A_224 = arith.muli %add3A_222, %mul3A_223 : i32
        %add3A_225 = arith.addi %add3A_220, %mul3A_224 : i32
        %dma_start3A_226 = arith.constant 0 : i32
        %dma_start3A_227 = tpu.memref_slice %arg3[%add3A_225, %dma_start3A_226] : memref<163840x128xf32, #tpu.memory_space<hbm>> -> memref<256x128xf32, #tpu.memory_space<hbm>>
        %dma_start3A_228 = arith.constant 0 : i32
        %dma_start3A_229 = tpu.memref_slice %arg3[%add3A_225, %dma_start3A_228] : memref<163840x128xf32, #tpu.memory_space<hbm>> -> memref<256x128xf32, #tpu.memory_space<hbm>>
        tpu.enqueue_dma source(%dma_start3A_229 : memref<256x128xf32, #tpu.memory_space<hbm>>) target(%arg8 : memref<256x128xf32, #tpu.memory_space<vmem>>) target_semaphore(%arg11 : memref<!tpu.dma_semaphore, #tpu.memory_space<semaphore_mem>>)
      } else {
      }
      %add3A_202 = arith.constant 0 : i32
      %add3A_203 = arith.addi %add3A_202, %mul3A_56 : i32
      %add3A_204 = arith.constant 1 : i32
      %add3A_205 = arith.addi %mul3A_173, %add3A_204 : i32
      %mul3A_206 = arith.constant 256 : i32
      %mul3A_207 = arith.muli %add3A_205, %mul3A_206 : i32
      %add3A_208 = arith.addi %add3A_203, %mul3A_207 : i32
      %dma_wait3A_209 = arith.constant 0 : i32
      %dma_wait3A_210 = tpu.memref_slice %arg3[%add3A_208, %dma_wait3A_209] : memref<163840x128xf32, #tpu.memory_space<hbm>> -> memref<256x128xf32, #tpu.memory_space<hbm>>
      %dma_wait3A_211 = arith.constant 0 : i32
      %dma_wait3A_212 = tpu.memref_slice %arg3[%add3A_208, %dma_wait3A_211] : memref<163840x128xf32, #tpu.memory_space<hbm>> -> memref<256x128xf32, #tpu.memory_space<hbm>>
      tpu.wait_dma2 semaphore(%arg12 : memref<!tpu.dma_semaphore, #tpu.memory_space<semaphore_mem>>) src(%dma_wait3A_212 : memref<256x128xf32, #tpu.memory_space<hbm>>) dst(%arg9 : memref<256x128xf32, #tpu.memory_space<vmem>>)
      %add3A_213 = arith.addi %mul3A_52, %mul3A_56 : i32
      %add3A_214 = arith.constant 1 : i32
      %add3A_215 = arith.addi %mul3A_173, %add3A_214 : i32
      %mul3A_216 = arith.constant 256 : i32
      %mul3A_217 = arith.muli %add3A_215, %mul3A_216 : i32
      %add3A_218 = arith.addi %add3A_213, %mul3A_217 : i32
      "tpu.region"() ({
        %run_scoped3A = tpu.sem_alloc : memref<!tpu.dma_semaphore, #tpu.memory_space<semaphore_mem>>
        %dma_start3A_219 = tpu.memref_slice %arg2[%add3A_218] : memref<655360xi32, #tpu.memory_space<hbm>> -> memref<256xi32, #tpu.memory_space<hbm>>
        %dma_start3A_220 = tpu.memref_slice %arg2[%add3A_218] : memref<655360xi32, #tpu.memory_space<hbm>> -> memref<256xi32, #tpu.memory_space<hbm>>
        tpu.enqueue_dma source(%dma_start3A_220 : memref<256xi32, #tpu.memory_space<hbm>>) target(%arg7 : memref<256xi32, #tpu.memory_space<vmem>>) target_semaphore(%run_scoped3A : memref<!tpu.dma_semaphore, #tpu.memory_space<semaphore_mem>>)
        %dma_wait3A_221 = tpu.memref_slice %arg2[%add3A_218] : memref<655360xi32, #tpu.memory_space<hbm>> -> memref<256xi32, #tpu.memory_space<hbm>>
        %dma_wait3A_222 = tpu.memref_slice %arg2[%add3A_218] : memref<655360xi32, #tpu.memory_space<hbm>> -> memref<256xi32, #tpu.memory_space<hbm>>
        tpu.wait_dma2 semaphore(%run_scoped3A : memref<!tpu.dma_semaphore, #tpu.memory_space<semaphore_mem>>) src(%dma_wait3A_222 : memref<256xi32, #tpu.memory_space<hbm>>) dst(%arg7 : memref<256xi32, #tpu.memory_space<vmem>>)
        tpu.yield
      }) : () -> ()
      "tpu.region"() ({
        %run_scoped3A = tpu.sem_alloc : memref<!tpu.dma_semaphore, #tpu.memory_space<semaphore_mem>>
        %dma_start3A_219 = arith.constant 0 : i32
        %dma_start3A_220 = arith.constant 0 : i32
        %dma_start3A_221 = tpu.memref_slice %arg10[%dma_start3A_219, %dma_start3A_220] : memref<8128x128xf32, #tpu.memory_space<vmem_shared>> -> memref<8128x128xf32, #tpu.memory_space<vmem_shared>>
        %dma_start3A_222 = arith.constant -1 : i32
        tpu.enqueue_indirect_dma source(%arg9 : memref<256x128xf32, #tpu.memory_space<vmem>>) target(%dma_start3A_221 : memref<8128x128xf32, #tpu.memory_space<vmem_shared>>) offsets(%arg7 : memref<256xi32, #tpu.memory_space<vmem>>) offset_filter(%dma_start3A_222) semaphore(%run_scoped3A : memref<!tpu.dma_semaphore, #tpu.memory_space<semaphore_mem>>) {add = true}
        %dma_wait3A_223 = arith.constant 0 : i32
        %dma_wait3A_224 = arith.constant 0 : i32
        %dma_wait3A_225 = tpu.memref_slice %arg10[%dma_wait3A_223, %dma_wait3A_224] : memref<8128x128xf32, #tpu.memory_space<vmem_shared>> -> memref<8128x128xf32, #tpu.memory_space<vmem_shared>>
        tpu.wait_indirect_dma semaphore(%run_scoped3A : memref<!tpu.dma_semaphore, #tpu.memory_space<semaphore_mem>>) src(%arg9 : memref<256x128xf32, #tpu.memory_space<vmem>>) dst(%dma_wait3A_225 : memref<8128x128xf32, #tpu.memory_space<vmem_shared>>)
        tpu.yield
      }) : () -> ()
    }
    %scan3A_68 = arith.constant 10 : i32
    %barrier3A_69 = arith.constant 0 : index
    tpu.barrier barrier_id(%barrier3A_69)
    %lt3A_70 = arith.constant 15 : i32
    %lt3A_71 = arith.cmpi slt, %arg1, %lt3A_70 : i32
    %convert_element_type3A_72 = arith.extui %lt3A_71 : i1 to i32
    %cond3A_73 = arith.constant 0 : i32
    %cond3A_74 = arith.cmpi ne, %convert_element_type3A_72, %cond3A_73 : i32
    scf.if %cond3A_74 {
      %mul3A_171 = arith.constant 504 : i32
      %mul3A_172 = arith.muli %arg1, %mul3A_171 : i32
      %mul3A_173 = arith.constant 8000 : i32
      %mul3A_174 = arith.muli %add3A_37, %mul3A_173 : i32
      %mul3A_175 = arith.constant 504 : i32
      %mul3A_176 = arith.muli %arg1, %mul3A_175 : i32
      %add3A_177 = arith.addi %mul3A_174, %mul3A_176 : i32
      "tpu.region"() ({
        %run_scoped3A = tpu.sem_alloc : memref<!tpu.dma_semaphore, #tpu.memory_space<semaphore_mem>>
        %dma_start3A_178 = arith.constant 0 : i32
        %dma_start3A_179 = tpu.memref_slice %arg5[%add3A_177, %dma_start3A_178] : memref<32000x128xf32, #tpu.memory_space<hbm>> -> memref<504x128xf32, #tpu.memory_space<hbm>>
        %dma_start3A_180 = arith.constant 0 : i32
        %dma_start3A_181 = tpu.memref_slice %arg10[%mul3A_172, %dma_start3A_180] : memref<8128x128xf32, #tpu.memory_space<vmem_shared>> -> memref<504x128xf32, #tpu.memory_space<vmem_shared>>
        tpu.enqueue_dma source(%dma_start3A_181 : memref<504x128xf32, #tpu.memory_space<vmem_shared>>) target(%dma_start3A_179 : memref<504x128xf32, #tpu.memory_space<hbm>>) target_semaphore(%run_scoped3A : memref<!tpu.dma_semaphore, #tpu.memory_space<semaphore_mem>>)
        %dma_wait3A = arith.constant 0 : i32
        %dma_wait3A_182 = tpu.memref_slice %arg5[%add3A_177, %dma_wait3A] : memref<32000x128xf32, #tpu.memory_space<hbm>> -> memref<504x128xf32, #tpu.memory_space<hbm>>
        %dma_wait3A_183 = arith.constant 0 : i32
        %dma_wait3A_184 = tpu.memref_slice %arg10[%mul3A_172, %dma_wait3A_183] : memref<8128x128xf32, #tpu.memory_space<vmem_shared>> -> memref<504x128xf32, #tpu.memory_space<vmem_shared>>
        tpu.wait_dma2 semaphore(%run_scoped3A : memref<!tpu.dma_semaphore, #tpu.memory_space<semaphore_mem>>) src(%dma_wait3A_184 : memref<504x128xf32, #tpu.memory_space<vmem_shared>>) dst(%dma_wait3A_182 : memref<504x128xf32, #tpu.memory_space<hbm>>)
        tpu.yield
      }) : () -> ()
    } else {
    }
    %eq3A_75 = arith.constant 15 : i32
    %eq3A_76 = arith.cmpi eq, %arg1, %eq3A_75 : i32
    %convert_element_type3A_77 = arith.extui %eq3A_76 : i1 to i32
    %cond3A_78 = arith.constant 0 : i32
    %cond3A_79 = arith.cmpi ne, %convert_element_type3A_77, %cond3A_78 : i32
    scf.if %cond3A_79 {
      %mul3A_171 = arith.constant 8000 : i32
      %mul3A_172 = arith.muli %add3A_37, %mul3A_171 : i32
      %add3A_173 = arith.constant 7560 : i32
      %add3A_174 = arith.addi %mul3A_172, %add3A_173 : i32
      "tpu.region"() ({
        %run_scoped3A = tpu.sem_alloc : memref<!tpu.dma_semaphore, #tpu.memory_space<semaphore_mem>>
        %dma_start3A_175 = arith.constant 0 : i32
        %dma_start3A_176 = tpu.memref_slice %arg5[%add3A_174, %dma_start3A_175] : memref<32000x128xf32, #tpu.memory_space<hbm>> -> memref<440x128xf32, #tpu.memory_space<hbm>>
        %dma_start3A_177 = arith.constant 7560 : i32
        %dma_start3A_178 = arith.constant 0 : i32
        %dma_start3A_179 = tpu.memref_slice %arg10[%dma_start3A_177, %dma_start3A_178] : memref<8128x128xf32, #tpu.memory_space<vmem_shared>> -> memref<440x128xf32, #tpu.memory_space<vmem_shared>>
        tpu.enqueue_dma source(%dma_start3A_179 : memref<440x128xf32, #tpu.memory_space<vmem_shared>>) target(%dma_start3A_176 : memref<440x128xf32, #tpu.memory_space<hbm>>) target_semaphore(%run_scoped3A : memref<!tpu.dma_semaphore, #tpu.memory_space<semaphore_mem>>)
        %dma_wait3A = arith.constant 0 : i32
        %dma_wait3A_180 = tpu.memref_slice %arg5[%add3A_174, %dma_wait3A] : memref<32000x128xf32, #tpu.memory_space<hbm>> -> memref<440x128xf32, #tpu.memory_space<hbm>>
        %dma_wait3A_181 = arith.constant 7560 : i32
        %dma_wait3A_182 = arith.constant 0 : i32
        %dma_wait3A_183 = tpu.memref_slice %arg10[%dma_wait3A_181, %dma_wait3A_182] : memref<8128x128xf32, #tpu.memory_space<vmem_shared>> -> memref<440x128xf32, #tpu.memory_space<vmem_shared>>
        tpu.wait_dma2 semaphore(%run_scoped3A : memref<!tpu.dma_semaphore, #tpu.memory_space<semaphore_mem>>) src(%dma_wait3A_183 : memref<440x128xf32, #tpu.memory_space<vmem_shared>>) dst(%dma_wait3A_180 : memref<440x128xf32, #tpu.memory_space<hbm>>)
        tpu.yield
      }) : () -> ()
    } else {
    }
    %barrier3A_80 = arith.constant 0 : index
    tpu.barrier barrier_id(%barrier3A_80)
    %add3A_81 = arith.constant 0 : i32
    %add3A_82 = arith.addi %add3A_81, %arg0 : i32
    %lt3A_83 = arith.constant 15 : i32
    %lt3A_84 = arith.cmpi slt, %arg1, %lt3A_83 : i32
    %convert_element_type3A_85 = arith.extui %lt3A_84 : i1 to i32
    %cond3A_86 = arith.constant 0 : i32
    %cond3A_87 = arith.cmpi ne, %convert_element_type3A_85, %cond3A_86 : i32
    scf.if %cond3A_87 {
      %mul3A_171 = arith.constant 512 : i32
      %mul3A_172 = arith.muli %arg1, %mul3A_171 : i32
      "tpu.region"() ({
        %run_scoped3A = tpu.sem_alloc : memref<!tpu.dma_semaphore, #tpu.memory_space<semaphore_mem>>
        %dma_start3A_173 = arith.constant 0 : i32
        %dma_start3A_174 = tpu.memref_slice %arg10[%mul3A_172, %dma_start3A_173] : memref<8128x128xf32, #tpu.memory_space<vmem_shared>> -> memref<512x128xf32, #tpu.memory_space<vmem_shared>>
        tpu.enqueue_dma source(%arg4 : memref<512x128xf32, #tpu.memory_space<hbm>>) target(%dma_start3A_174 : memref<512x128xf32, #tpu.memory_space<vmem_shared>>) target_semaphore(%run_scoped3A : memref<!tpu.dma_semaphore, #tpu.memory_space<semaphore_mem>>)
        %dma_wait3A = arith.constant 0 : i32
        %dma_wait3A_175 = tpu.memref_slice %arg10[%mul3A_172, %dma_wait3A] : memref<8128x128xf32, #tpu.memory_space<vmem_shared>> -> memref<512x128xf32, #tpu.memory_space<vmem_shared>>
        tpu.wait_dma2 semaphore(%run_scoped3A : memref<!tpu.dma_semaphore, #tpu.memory_space<semaphore_mem>>) src(%arg4 : memref<512x128xf32, #tpu.memory_space<hbm>>) dst(%dma_wait3A_175 : memref<512x128xf32, #tpu.memory_space<vmem_shared>>)
        tpu.yield
      }) : () -> ()
    } else {
    }
    %eq3A_88 = arith.constant 15 : i32
    %eq3A_89 = arith.cmpi eq, %arg1, %eq3A_88 : i32
    %convert_element_type3A_90 = arith.extui %eq3A_89 : i1 to i32
    %cond3A_91 = arith.constant 0 : i32
    %cond3A_92 = arith.cmpi ne, %convert_element_type3A_90, %cond3A_91 : i32
    scf.if %cond3A_92 {
      "tpu.region"() ({
        %run_scoped3A = tpu.sem_alloc : memref<!tpu.dma_semaphore, #tpu.memory_space<semaphore_mem>>
        %dma_start3A_171 = arith.constant 7680 : i32
        %dma_start3A_172 = arith.constant 0 : i32
        %dma_start3A_173 = tpu.memref_slice %arg10[%dma_start3A_171, %dma_start3A_172] : memref<8128x128xf32, #tpu.memory_space<vmem_shared>> -> memref<448x128xf32, #tpu.memory_space<vmem_shared>>
        %dma_start3A_174 = arith.constant 0 : i32
        %dma_start3A_175 = arith.constant 0 : i32
        %dma_start3A_176 = tpu.memref_slice %arg4[%dma_start3A_174, %dma_start3A_175] : memref<512x128xf32, #tpu.memory_space<hbm>> -> memref<448x128xf32, #tpu.memory_space<hbm>>
        tpu.enqueue_dma source(%dma_start3A_176 : memref<448x128xf32, #tpu.memory_space<hbm>>) target(%dma_start3A_173 : memref<448x128xf32, #tpu.memory_space<vmem_shared>>) target_semaphore(%run_scoped3A : memref<!tpu.dma_semaphore, #tpu.memory_space<semaphore_mem>>)
        %dma_wait3A = arith.constant 7680 : i32
        %dma_wait3A_177 = arith.constant 0 : i32
        %dma_wait3A_178 = tpu.memref_slice %arg10[%dma_wait3A, %dma_wait3A_177] : memref<8128x128xf32, #tpu.memory_space<vmem_shared>> -> memref<448x128xf32, #tpu.memory_space<vmem_shared>>
        %dma_wait3A_179 = arith.constant 0 : i32
        %dma_wait3A_180 = arith.constant 0 : i32
        %dma_wait3A_181 = tpu.memref_slice %arg4[%dma_wait3A_179, %dma_wait3A_180] : memref<512x128xf32, #tpu.memory_space<hbm>> -> memref<448x128xf32, #tpu.memory_space<hbm>>
        tpu.wait_dma2 semaphore(%run_scoped3A : memref<!tpu.dma_semaphore, #tpu.memory_space<semaphore_mem>>) src(%dma_wait3A_181 : memref<448x128xf32, #tpu.memory_space<hbm>>) dst(%dma_wait3A_178 : memref<448x128xf32, #tpu.memory_space<vmem_shared>>)
        tpu.yield
      }) : () -> ()
    } else {
    }
    %barrier3A_93 = arith.constant 0 : index
    tpu.barrier barrier_id(%barrier3A_93)
    %add3A_94 = arith.constant 4 : i32
    %add3A_95 = arith.addi %add3A_94, %add3A_82 : i32
    %mul3A_96 = arith.constant 81920 : i32
    %mul3A_97 = arith.muli %add3A_95, %mul3A_96 : i32
    %mul3A_98 = arith.constant 20 : i32
    %mul3A_99 = arith.muli %arg1, %mul3A_98 : i32
    %mul3A_100 = arith.constant 256 : i32
    %mul3A_101 = arith.muli %mul3A_99, %mul3A_100 : i32
    %add3A_102 = arith.constant 81920 : i32
    %add3A_103 = arith.addi %add3A_102, %mul3A_101 : i32
    %dma_start3A_104 = arith.constant 0 : i32
    %dma_start3A_105 = tpu.memref_slice %arg3[%add3A_103, %dma_start3A_104] : memref<163840x128xf32, #tpu.memory_space<hbm>> -> memref<256x128xf32, #tpu.memory_space<hbm>>
    %dma_start3A_106 = arith.constant 0 : i32
    %dma_start3A_107 = tpu.memref_slice %arg3[%add3A_103, %dma_start3A_106] : memref<163840x128xf32, #tpu.memory_space<hbm>> -> memref<256x128xf32, #tpu.memory_space<hbm>>
    tpu.enqueue_dma source(%dma_start3A_107 : memref<256x128xf32, #tpu.memory_space<hbm>>) target(%arg8 : memref<256x128xf32, #tpu.memory_space<vmem>>) target_semaphore(%arg11 : memref<!tpu.dma_semaphore, #tpu.memory_space<semaphore_mem>>)
    %scan3A_108 = arith.constant 0 : i32
    %scan3A_109 = arith.constant 0 : i32
    %scan3A_110 = arith.constant 10 : i32
    %scan3A_111 = arith.addi %scan3A_109, %scan3A_110 : i32
    %scan3A_112 = arith.constant 1 : i32
    scf.for %scan3A_171 = %scan3A_109 to %scan3A_111 step %scan3A_112  : i32 {
      %mul3A_172 = arith.constant 2 : i32
      %mul3A_173 = arith.muli %mul3A_172, %scan3A_171 : i32
      %add3A_174 = arith.constant 81920 : i32
      %add3A_175 = arith.addi %add3A_174, %mul3A_101 : i32
      %add3A_176 = arith.constant 1 : i32
      %add3A_177 = arith.addi %mul3A_173, %add3A_176 : i32
      %mul3A_178 = arith.constant 256 : i32
      %mul3A_179 = arith.muli %add3A_177, %mul3A_178 : i32
      %add3A_180 = arith.addi %add3A_175, %mul3A_179 : i32
      %dma_start3A_181 = arith.constant 0 : i32
      %dma_start3A_182 = tpu.memref_slice %arg3[%add3A_180, %dma_start3A_181] : memref<163840x128xf32, #tpu.memory_space<hbm>> -> memref<256x128xf32, #tpu.memory_space<hbm>>
      %dma_start3A_183 = arith.constant 0 : i32
      %dma_start3A_184 = tpu.memref_slice %arg3[%add3A_180, %dma_start3A_183] : memref<163840x128xf32, #tpu.memory_space<hbm>> -> memref<256x128xf32, #tpu.memory_space<hbm>>
      tpu.enqueue_dma source(%dma_start3A_184 : memref<256x128xf32, #tpu.memory_space<hbm>>) target(%arg9 : memref<256x128xf32, #tpu.memory_space<vmem>>) target_semaphore(%arg12 : memref<!tpu.dma_semaphore, #tpu.memory_space<semaphore_mem>>)
      %add3A_185 = arith.constant 81920 : i32
      %add3A_186 = arith.addi %add3A_185, %mul3A_101 : i32
      %mul3A_187 = arith.constant 256 : i32
      %mul3A_188 = arith.muli %mul3A_173, %mul3A_187 : i32
      %add3A_189 = arith.addi %add3A_186, %mul3A_188 : i32
      %dma_wait3A = arith.constant 0 : i32
      %dma_wait3A_190 = tpu.memref_slice %arg3[%add3A_189, %dma_wait3A] : memref<163840x128xf32, #tpu.memory_space<hbm>> -> memref<256x128xf32, #tpu.memory_space<hbm>>
      %dma_wait3A_191 = arith.constant 0 : i32
      %dma_wait3A_192 = tpu.memref_slice %arg3[%add3A_189, %dma_wait3A_191] : memref<163840x128xf32, #tpu.memory_space<hbm>> -> memref<256x128xf32, #tpu.memory_space<hbm>>
      tpu.wait_dma2 semaphore(%arg11 : memref<!tpu.dma_semaphore, #tpu.memory_space<semaphore_mem>>) src(%dma_wait3A_192 : memref<256x128xf32, #tpu.memory_space<hbm>>) dst(%arg8 : memref<256x128xf32, #tpu.memory_space<vmem>>)
      %add3A_193 = arith.addi %mul3A_97, %mul3A_101 : i32
      %mul3A_194 = arith.constant 256 : i32
      %mul3A_195 = arith.muli %mul3A_173, %mul3A_194 : i32
      %add3A_196 = arith.addi %add3A_193, %mul3A_195 : i32
      "tpu.region"() ({
        %run_scoped3A = tpu.sem_alloc : memref<!tpu.dma_semaphore, #tpu.memory_space<semaphore_mem>>
        %dma_start3A_219 = tpu.memref_slice %arg2[%add3A_196] : memref<655360xi32, #tpu.memory_space<hbm>> -> memref<256xi32, #tpu.memory_space<hbm>>
        %dma_start3A_220 = tpu.memref_slice %arg2[%add3A_196] : memref<655360xi32, #tpu.memory_space<hbm>> -> memref<256xi32, #tpu.memory_space<hbm>>
        tpu.enqueue_dma source(%dma_start3A_220 : memref<256xi32, #tpu.memory_space<hbm>>) target(%arg7 : memref<256xi32, #tpu.memory_space<vmem>>) target_semaphore(%run_scoped3A : memref<!tpu.dma_semaphore, #tpu.memory_space<semaphore_mem>>)
        %dma_wait3A_221 = tpu.memref_slice %arg2[%add3A_196] : memref<655360xi32, #tpu.memory_space<hbm>> -> memref<256xi32, #tpu.memory_space<hbm>>
        %dma_wait3A_222 = tpu.memref_slice %arg2[%add3A_196] : memref<655360xi32, #tpu.memory_space<hbm>> -> memref<256xi32, #tpu.memory_space<hbm>>
        tpu.wait_dma2 semaphore(%run_scoped3A : memref<!tpu.dma_semaphore, #tpu.memory_space<semaphore_mem>>) src(%dma_wait3A_222 : memref<256xi32, #tpu.memory_space<hbm>>) dst(%arg7 : memref<256xi32, #tpu.memory_space<vmem>>)
        tpu.yield
      }) : () -> ()
      "tpu.region"() ({
        %run_scoped3A = tpu.sem_alloc : memref<!tpu.dma_semaphore, #tpu.memory_space<semaphore_mem>>
        %dma_start3A_219 = arith.constant 0 : i32
        %dma_start3A_220 = arith.constant 0 : i32
        %dma_start3A_221 = tpu.memref_slice %arg10[%dma_start3A_219, %dma_start3A_220] : memref<8128x128xf32, #tpu.memory_space<vmem_shared>> -> memref<8128x128xf32, #tpu.memory_space<vmem_shared>>
        %dma_start3A_222 = arith.constant -1 : i32
        tpu.enqueue_indirect_dma source(%arg8 : memref<256x128xf32, #tpu.memory_space<vmem>>) target(%dma_start3A_221 : memref<8128x128xf32, #tpu.memory_space<vmem_shared>>) offsets(%arg7 : memref<256xi32, #tpu.memory_space<vmem>>) offset_filter(%dma_start3A_222) semaphore(%run_scoped3A : memref<!tpu.dma_semaphore, #tpu.memory_space<semaphore_mem>>) {add = true}
        %dma_wait3A_223 = arith.constant 0 : i32
        %dma_wait3A_224 = arith.constant 0 : i32
        %dma_wait3A_225 = tpu.memref_slice %arg10[%dma_wait3A_223, %dma_wait3A_224] : memref<8128x128xf32, #tpu.memory_space<vmem_shared>> -> memref<8128x128xf32, #tpu.memory_space<vmem_shared>>
        tpu.wait_indirect_dma semaphore(%run_scoped3A : memref<!tpu.dma_semaphore, #tpu.memory_space<semaphore_mem>>) src(%arg8 : memref<256x128xf32, #tpu.memory_space<vmem>>) dst(%dma_wait3A_225 : memref<8128x128xf32, #tpu.memory_space<vmem_shared>>)
        tpu.yield
      }) : () -> ()
      %lt3A_197 = arith.constant 9 : i32
      %lt3A_198 = arith.cmpi slt, %scan3A_171, %lt3A_197 : i32
      %convert_element_type3A_199 = arith.extui %lt3A_198 : i1 to i32
      %cond3A_200 = arith.constant 0 : i32
      %cond3A_201 = arith.cmpi ne, %convert_element_type3A_199, %cond3A_200 : i32
      scf.if %cond3A_201 {
        %add3A_219 = arith.constant 81920 : i32
        %add3A_220 = arith.addi %add3A_219, %mul3A_101 : i32
        %add3A_221 = arith.constant 2 : i32
        %add3A_222 = arith.addi %mul3A_173, %add3A_221 : i32
        %mul3A_223 = arith.constant 256 : i32
        %mul3A_224 = arith.muli %add3A_222, %mul3A_223 : i32
        %add3A_225 = arith.addi %add3A_220, %mul3A_224 : i32
        %dma_start3A_226 = arith.constant 0 : i32
        %dma_start3A_227 = tpu.memref_slice %arg3[%add3A_225, %dma_start3A_226] : memref<163840x128xf32, #tpu.memory_space<hbm>> -> memref<256x128xf32, #tpu.memory_space<hbm>>
        %dma_start3A_228 = arith.constant 0 : i32
        %dma_start3A_229 = tpu.memref_slice %arg3[%add3A_225, %dma_start3A_228] : memref<163840x128xf32, #tpu.memory_space<hbm>> -> memref<256x128xf32, #tpu.memory_space<hbm>>
        tpu.enqueue_dma source(%dma_start3A_229 : memref<256x128xf32, #tpu.memory_space<hbm>>) target(%arg8 : memref<256x128xf32, #tpu.memory_space<vmem>>) target_semaphore(%arg11 : memref<!tpu.dma_semaphore, #tpu.memory_space<semaphore_mem>>)
      } else {
      }
      %add3A_202 = arith.constant 81920 : i32
      %add3A_203 = arith.addi %add3A_202, %mul3A_101 : i32
      %add3A_204 = arith.constant 1 : i32
      %add3A_205 = arith.addi %mul3A_173, %add3A_204 : i32
      %mul3A_206 = arith.constant 256 : i32
      %mul3A_207 = arith.muli %add3A_205, %mul3A_206 : i32
      %add3A_208 = arith.addi %add3A_203, %mul3A_207 : i32
      %dma_wait3A_209 = arith.constant 0 : i32
      %dma_wait3A_210 = tpu.memref_slice %arg3[%add3A_208, %dma_wait3A_209] : memref<163840x128xf32, #tpu.memory_space<hbm>> -> memref<256x128xf32, #tpu.memory_space<hbm>>
      %dma_wait3A_211 = arith.constant 0 : i32
      %dma_wait3A_212 = tpu.memref_slice %arg3[%add3A_208, %dma_wait3A_211] : memref<163840x128xf32, #tpu.memory_space<hbm>> -> memref<256x128xf32, #tpu.memory_space<hbm>>
      tpu.wait_dma2 semaphore(%arg12 : memref<!tpu.dma_semaphore, #tpu.memory_space<semaphore_mem>>) src(%dma_wait3A_212 : memref<256x128xf32, #tpu.memory_space<hbm>>) dst(%arg9 : memref<256x128xf32, #tpu.memory_space<vmem>>)
      %add3A_213 = arith.addi %mul3A_97, %mul3A_101 : i32
      %add3A_214 = arith.constant 1 : i32
      %add3A_215 = arith.addi %mul3A_173, %add3A_214 : i32
      %mul3A_216 = arith.constant 256 : i32
      %mul3A_217 = arith.muli %add3A_215, %mul3A_216 : i32
      %add3A_218 = arith.addi %add3A_213, %mul3A_217 : i32
      "tpu.region"() ({
        %run_scoped3A = tpu.sem_alloc : memref<!tpu.dma_semaphore, #tpu.memory_space<semaphore_mem>>
        %dma_start3A_219 = tpu.memref_slice %arg2[%add3A_218] : memref<655360xi32, #tpu.memory_space<hbm>> -> memref<256xi32, #tpu.memory_space<hbm>>
        %dma_start3A_220 = tpu.memref_slice %arg2[%add3A_218] : memref<655360xi32, #tpu.memory_space<hbm>> -> memref<256xi32, #tpu.memory_space<hbm>>
        tpu.enqueue_dma source(%dma_start3A_220 : memref<256xi32, #tpu.memory_space<hbm>>) target(%arg7 : memref<256xi32, #tpu.memory_space<vmem>>) target_semaphore(%run_scoped3A : memref<!tpu.dma_semaphore, #tpu.memory_space<semaphore_mem>>)
        %dma_wait3A_221 = tpu.memref_slice %arg2[%add3A_218] : memref<655360xi32, #tpu.memory_space<hbm>> -> memref<256xi32, #tpu.memory_space<hbm>>
        %dma_wait3A_222 = tpu.memref_slice %arg2[%add3A_218] : memref<655360xi32, #tpu.memory_space<hbm>> -> memref<256xi32, #tpu.memory_space<hbm>>
        tpu.wait_dma2 semaphore(%run_scoped3A : memref<!tpu.dma_semaphore, #tpu.memory_space<semaphore_mem>>) src(%dma_wait3A_222 : memref<256xi32, #tpu.memory_space<hbm>>) dst(%arg7 : memref<256xi32, #tpu.memory_space<vmem>>)
        tpu.yield
      }) : () -> ()
      "tpu.region"() ({
        %run_scoped3A = tpu.sem_alloc : memref<!tpu.dma_semaphore, #tpu.memory_space<semaphore_mem>>
        %dma_start3A_219 = arith.constant 0 : i32
        %dma_start3A_220 = arith.constant 0 : i32
        %dma_start3A_221 = tpu.memref_slice %arg10[%dma_start3A_219, %dma_start3A_220] : memref<8128x128xf32, #tpu.memory_space<vmem_shared>> -> memref<8128x128xf32, #tpu.memory_space<vmem_shared>>
        %dma_start3A_222 = arith.constant -1 : i32
        tpu.enqueue_indirect_dma source(%arg9 : memref<256x128xf32, #tpu.memory_space<vmem>>) target(%dma_start3A_221 : memref<8128x128xf32, #tpu.memory_space<vmem_shared>>) offsets(%arg7 : memref<256xi32, #tpu.memory_space<vmem>>) offset_filter(%dma_start3A_222) semaphore(%run_scoped3A : memref<!tpu.dma_semaphore, #tpu.memory_space<semaphore_mem>>) {add = true}
        %dma_wait3A_223 = arith.constant 0 : i32
        %dma_wait3A_224 = arith.constant 0 : i32
        %dma_wait3A_225 = tpu.memref_slice %arg10[%dma_wait3A_223, %dma_wait3A_224] : memref<8128x128xf32, #tpu.memory_space<vmem_shared>> -> memref<8128x128xf32, #tpu.memory_space<vmem_shared>>
        tpu.wait_indirect_dma semaphore(%run_scoped3A : memref<!tpu.dma_semaphore, #tpu.memory_space<semaphore_mem>>) src(%arg9 : memref<256x128xf32, #tpu.memory_space<vmem>>) dst(%dma_wait3A_225 : memref<8128x128xf32, #tpu.memory_space<vmem_shared>>)
        tpu.yield
      }) : () -> ()
    }
    %scan3A_113 = arith.constant 10 : i32
    %barrier3A_114 = arith.constant 0 : index
    tpu.barrier barrier_id(%barrier3A_114)
    %lt3A_115 = arith.constant 15 : i32
    %lt3A_116 = arith.cmpi slt, %arg1, %lt3A_115 : i32
    %convert_element_type3A_117 = arith.extui %lt3A_116 : i1 to i32
    %cond3A_118 = arith.constant 0 : i32
    %cond3A_119 = arith.cmpi ne, %convert_element_type3A_117, %cond3A_118 : i32
    scf.if %cond3A_119 {
      %mul3A_171 = arith.constant 504 : i32
      %mul3A_172 = arith.muli %arg1, %mul3A_171 : i32
      %mul3A_173 = arith.constant 8000 : i32
      %mul3A_174 = arith.muli %add3A_82, %mul3A_173 : i32
      %mul3A_175 = arith.constant 504 : i32
      %mul3A_176 = arith.muli %arg1, %mul3A_175 : i32
      %add3A_177 = arith.addi %mul3A_174, %mul3A_176 : i32
      "tpu.region"() ({
        %run_scoped3A = tpu.sem_alloc : memref<!tpu.dma_semaphore, #tpu.memory_space<semaphore_mem>>
        %dma_start3A_178 = arith.constant 0 : i32
        %dma_start3A_179 = tpu.memref_slice %arg6[%add3A_177, %dma_start3A_178] : memref<32000x128xf32, #tpu.memory_space<hbm>> -> memref<504x128xf32, #tpu.memory_space<hbm>>
        %dma_start3A_180 = arith.constant 0 : i32
        %dma_start3A_181 = tpu.memref_slice %arg10[%mul3A_172, %dma_start3A_180] : memref<8128x128xf32, #tpu.memory_space<vmem_shared>> -> memref<504x128xf32, #tpu.memory_space<vmem_shared>>
        tpu.enqueue_dma source(%dma_start3A_181 : memref<504x128xf32, #tpu.memory_space<vmem_shared>>) target(%dma_start3A_179 : memref<504x128xf32, #tpu.memory_space<hbm>>) target_semaphore(%run_scoped3A : memref<!tpu.dma_semaphore, #tpu.memory_space<semaphore_mem>>)
        %dma_wait3A = arith.constant 0 : i32
        %dma_wait3A_182 = tpu.memref_slice %arg6[%add3A_177, %dma_wait3A] : memref<32000x128xf32, #tpu.memory_space<hbm>> -> memref<504x128xf32, #tpu.memory_space<hbm>>
        %dma_wait3A_183 = arith.constant 0 : i32
        %dma_wait3A_184 = tpu.memref_slice %arg10[%mul3A_172, %dma_wait3A_183] : memref<8128x128xf32, #tpu.memory_space<vmem_shared>> -> memref<504x128xf32, #tpu.memory_space<vmem_shared>>
        tpu.wait_dma2 semaphore(%run_scoped3A : memref<!tpu.dma_semaphore, #tpu.memory_space<semaphore_mem>>) src(%dma_wait3A_184 : memref<504x128xf32, #tpu.memory_space<vmem_shared>>) dst(%dma_wait3A_182 : memref<504x128xf32, #tpu.memory_space<hbm>>)
        tpu.yield
      }) : () -> ()
    } else {
    }
    %eq3A_120 = arith.constant 15 : i32
    %eq3A_121 = arith.cmpi eq, %arg1, %eq3A_120 : i32
    %convert_element_type3A_122 = arith.extui %eq3A_121 : i1 to i32
    %cond3A_123 = arith.constant 0 : i32
    %cond3A_124 = arith.cmpi ne, %convert_element_type3A_122, %cond3A_123 : i32
    scf.if %cond3A_124 {
      %mul3A_171 = arith.constant 8000 : i32
      %mul3A_172 = arith.muli %add3A_82, %mul3A_171 : i32
      %add3A_173 = arith.constant 7560 : i32
      %add3A_174 = arith.addi %mul3A_172, %add3A_173 : i32
      "tpu.region"() ({
        %run_scoped3A = tpu.sem_alloc : memref<!tpu.dma_semaphore, #tpu.memory_space<semaphore_mem>>
        %dma_start3A_175 = arith.constant 0 : i32
        %dma_start3A_176 = tpu.memref_slice %arg6[%add3A_174, %dma_start3A_175] : memref<32000x128xf32, #tpu.memory_space<hbm>> -> memref<440x128xf32, #tpu.memory_space<hbm>>
        %dma_start3A_177 = arith.constant 7560 : i32
        %dma_start3A_178 = arith.constant 0 : i32
        %dma_start3A_179 = tpu.memref_slice %arg10[%dma_start3A_177, %dma_start3A_178] : memref<8128x128xf32, #tpu.memory_space<vmem_shared>> -> memref<440x128xf32, #tpu.memory_space<vmem_shared>>
        tpu.enqueue_dma source(%dma_start3A_179 : memref<440x128xf32, #tpu.memory_space<vmem_shared>>) target(%dma_start3A_176 : memref<440x128xf32, #tpu.memory_space<hbm>>) target_semaphore(%run_scoped3A : memref<!tpu.dma_semaphore, #tpu.memory_space<semaphore_mem>>)
        %dma_wait3A = arith.constant 0 : i32
        %dma_wait3A_180 = tpu.memref_slice %arg6[%add3A_174, %dma_wait3A] : memref<32000x128xf32, #tpu.memory_space<hbm>> -> memref<440x128xf32, #tpu.memory_space<hbm>>
        %dma_wait3A_181 = arith.constant 7560 : i32
        %dma_wait3A_182 = arith.constant 0 : i32
        %dma_wait3A_183 = tpu.memref_slice %arg10[%dma_wait3A_181, %dma_wait3A_182] : memref<8128x128xf32, #tpu.memory_space<vmem_shared>> -> memref<440x128xf32, #tpu.memory_space<vmem_shared>>
        tpu.wait_dma2 semaphore(%run_scoped3A : memref<!tpu.dma_semaphore, #tpu.memory_space<semaphore_mem>>) src(%dma_wait3A_183 : memref<440x128xf32, #tpu.memory_space<vmem_shared>>) dst(%dma_wait3A_180 : memref<440x128xf32, #tpu.memory_space<hbm>>)
        tpu.yield
      }) : () -> ()
    } else {
    }
    %barrier3A_125 = arith.constant 0 : index
    tpu.barrier barrier_id(%barrier3A_125)
    %add3A_126 = arith.constant 2 : i32
    %add3A_127 = arith.addi %add3A_126, %arg0 : i32
    %lt3A_128 = arith.constant 15 : i32
    %lt3A_129 = arith.cmpi slt, %arg1, %lt3A_128 : i32
    %convert_element_type3A_130 = arith.extui %lt3A_129 : i1 to i32
    %cond3A_131 = arith.constant 0 : i32
    %cond3A_132 = arith.cmpi ne, %convert_element_type3A_130, %cond3A_131 : i32
    scf.if %cond3A_132 {
      %mul3A_171 = arith.constant 512 : i32
      %mul3A_172 = arith.muli %arg1, %mul3A_171 : i32
      "tpu.region"() ({
        %run_scoped3A = tpu.sem_alloc : memref<!tpu.dma_semaphore, #tpu.memory_space<semaphore_mem>>
        %dma_start3A_173 = arith.constant 0 : i32
        %dma_start3A_174 = tpu.memref_slice %arg10[%mul3A_172, %dma_start3A_173] : memref<8128x128xf32, #tpu.memory_space<vmem_shared>> -> memref<512x128xf32, #tpu.memory_space<vmem_shared>>
        tpu.enqueue_dma source(%arg4 : memref<512x128xf32, #tpu.memory_space<hbm>>) target(%dma_start3A_174 : memref<512x128xf32, #tpu.memory_space<vmem_shared>>) target_semaphore(%run_scoped3A : memref<!tpu.dma_semaphore, #tpu.memory_space<semaphore_mem>>)
        %dma_wait3A = arith.constant 0 : i32
        %dma_wait3A_175 = tpu.memref_slice %arg10[%mul3A_172, %dma_wait3A] : memref<8128x128xf32, #tpu.memory_space<vmem_shared>> -> memref<512x128xf32, #tpu.memory_space<vmem_shared>>
        tpu.wait_dma2 semaphore(%run_scoped3A : memref<!tpu.dma_semaphore, #tpu.memory_space<semaphore_mem>>) src(%arg4 : memref<512x128xf32, #tpu.memory_space<hbm>>) dst(%dma_wait3A_175 : memref<512x128xf32, #tpu.memory_space<vmem_shared>>)
        tpu.yield
      }) : () -> ()
    } else {
    }
    %eq3A_133 = arith.constant 15 : i32
    %eq3A_134 = arith.cmpi eq, %arg1, %eq3A_133 : i32
    %convert_element_type3A_135 = arith.extui %eq3A_134 : i1 to i32
    %cond3A_136 = arith.constant 0 : i32
    %cond3A_137 = arith.cmpi ne, %convert_element_type3A_135, %cond3A_136 : i32
    scf.if %cond3A_137 {
      "tpu.region"() ({
        %run_scoped3A = tpu.sem_alloc : memref<!tpu.dma_semaphore, #tpu.memory_space<semaphore_mem>>
        %dma_start3A_171 = arith.constant 7680 : i32
        %dma_start3A_172 = arith.constant 0 : i32
        %dma_start3A_173 = tpu.memref_slice %arg10[%dma_start3A_171, %dma_start3A_172] : memref<8128x128xf32, #tpu.memory_space<vmem_shared>> -> memref<448x128xf32, #tpu.memory_space<vmem_shared>>
        %dma_start3A_174 = arith.constant 0 : i32
        %dma_start3A_175 = arith.constant 0 : i32
        %dma_start3A_176 = tpu.memref_slice %arg4[%dma_start3A_174, %dma_start3A_175] : memref<512x128xf32, #tpu.memory_space<hbm>> -> memref<448x128xf32, #tpu.memory_space<hbm>>
        tpu.enqueue_dma source(%dma_start3A_176 : memref<448x128xf32, #tpu.memory_space<hbm>>) target(%dma_start3A_173 : memref<448x128xf32, #tpu.memory_space<vmem_shared>>) target_semaphore(%run_scoped3A : memref<!tpu.dma_semaphore, #tpu.memory_space<semaphore_mem>>)
        %dma_wait3A = arith.constant 7680 : i32
        %dma_wait3A_177 = arith.constant 0 : i32
        %dma_wait3A_178 = tpu.memref_slice %arg10[%dma_wait3A, %dma_wait3A_177] : memref<8128x128xf32, #tpu.memory_space<vmem_shared>> -> memref<448x128xf32, #tpu.memory_space<vmem_shared>>
        %dma_wait3A_179 = arith.constant 0 : i32
        %dma_wait3A_180 = arith.constant 0 : i32
        %dma_wait3A_181 = tpu.memref_slice %arg4[%dma_wait3A_179, %dma_wait3A_180] : memref<512x128xf32, #tpu.memory_space<hbm>> -> memref<448x128xf32, #tpu.memory_space<hbm>>
        tpu.wait_dma2 semaphore(%run_scoped3A : memref<!tpu.dma_semaphore, #tpu.memory_space<semaphore_mem>>) src(%dma_wait3A_181 : memref<448x128xf32, #tpu.memory_space<hbm>>) dst(%dma_wait3A_178 : memref<448x128xf32, #tpu.memory_space<vmem_shared>>)
        tpu.yield
      }) : () -> ()
    } else {
    }
    %barrier3A_138 = arith.constant 0 : index
    tpu.barrier barrier_id(%barrier3A_138)
    %add3A_139 = arith.constant 4 : i32
    %add3A_140 = arith.addi %add3A_139, %add3A_127 : i32
    %mul3A_141 = arith.constant 81920 : i32
    %mul3A_142 = arith.muli %add3A_140, %mul3A_141 : i32
    %mul3A_143 = arith.constant 20 : i32
    %mul3A_144 = arith.muli %arg1, %mul3A_143 : i32
    %mul3A_145 = arith.constant 256 : i32
    %mul3A_146 = arith.muli %mul3A_144, %mul3A_145 : i32
    %add3A_147 = arith.constant 81920 : i32
    %add3A_148 = arith.addi %add3A_147, %mul3A_146 : i32
    %dma_start3A_149 = arith.constant 0 : i32
    %dma_start3A_150 = tpu.memref_slice %arg3[%add3A_148, %dma_start3A_149] : memref<163840x128xf32, #tpu.memory_space<hbm>> -> memref<256x128xf32, #tpu.memory_space<hbm>>
    %dma_start3A_151 = arith.constant 0 : i32
    %dma_start3A_152 = tpu.memref_slice %arg3[%add3A_148, %dma_start3A_151] : memref<163840x128xf32, #tpu.memory_space<hbm>> -> memref<256x128xf32, #tpu.memory_space<hbm>>
    tpu.enqueue_dma source(%dma_start3A_152 : memref<256x128xf32, #tpu.memory_space<hbm>>) target(%arg8 : memref<256x128xf32, #tpu.memory_space<vmem>>) target_semaphore(%arg11 : memref<!tpu.dma_semaphore, #tpu.memory_space<semaphore_mem>>)
    %scan3A_153 = arith.constant 0 : i32
    %scan3A_154 = arith.constant 0 : i32
    %scan3A_155 = arith.constant 10 : i32
    %scan3A_156 = arith.addi %scan3A_154, %scan3A_155 : i32
    %scan3A_157 = arith.constant 1 : i32
    scf.for %scan3A_171 = %scan3A_154 to %scan3A_156 step %scan3A_157  : i32 {
      %mul3A_172 = arith.constant 2 : i32
      %mul3A_173 = arith.muli %mul3A_172, %scan3A_171 : i32
      %add3A_174 = arith.constant 81920 : i32
      %add3A_175 = arith.addi %add3A_174, %mul3A_146 : i32
      %add3A_176 = arith.constant 1 : i32
      %add3A_177 = arith.addi %mul3A_173, %add3A_176 : i32
      %mul3A_178 = arith.constant 256 : i32
      %mul3A_179 = arith.muli %add3A_177, %mul3A_178 : i32
      %add3A_180 = arith.addi %add3A_175, %mul3A_179 : i32
      %dma_start3A_181 = arith.constant 0 : i32
      %dma_start3A_182 = tpu.memref_slice %arg3[%add3A_180, %dma_start3A_181] : memref<163840x128xf32, #tpu.memory_space<hbm>> -> memref<256x128xf32, #tpu.memory_space<hbm>>
      %dma_start3A_183 = arith.constant 0 : i32
      %dma_start3A_184 = tpu.memref_slice %arg3[%add3A_180, %dma_start3A_183] : memref<163840x128xf32, #tpu.memory_space<hbm>> -> memref<256x128xf32, #tpu.memory_space<hbm>>
      tpu.enqueue_dma source(%dma_start3A_184 : memref<256x128xf32, #tpu.memory_space<hbm>>) target(%arg9 : memref<256x128xf32, #tpu.memory_space<vmem>>) target_semaphore(%arg12 : memref<!tpu.dma_semaphore, #tpu.memory_space<semaphore_mem>>)
      %add3A_185 = arith.constant 81920 : i32
      %add3A_186 = arith.addi %add3A_185, %mul3A_146 : i32
      %mul3A_187 = arith.constant 256 : i32
      %mul3A_188 = arith.muli %mul3A_173, %mul3A_187 : i32
      %add3A_189 = arith.addi %add3A_186, %mul3A_188 : i32
      %dma_wait3A = arith.constant 0 : i32
      %dma_wait3A_190 = tpu.memref_slice %arg3[%add3A_189, %dma_wait3A] : memref<163840x128xf32, #tpu.memory_space<hbm>> -> memref<256x128xf32, #tpu.memory_space<hbm>>
      %dma_wait3A_191 = arith.constant 0 : i32
      %dma_wait3A_192 = tpu.memref_slice %arg3[%add3A_189, %dma_wait3A_191] : memref<163840x128xf32, #tpu.memory_space<hbm>> -> memref<256x128xf32, #tpu.memory_space<hbm>>
      tpu.wait_dma2 semaphore(%arg11 : memref<!tpu.dma_semaphore, #tpu.memory_space<semaphore_mem>>) src(%dma_wait3A_192 : memref<256x128xf32, #tpu.memory_space<hbm>>) dst(%arg8 : memref<256x128xf32, #tpu.memory_space<vmem>>)
      %add3A_193 = arith.addi %mul3A_142, %mul3A_146 : i32
      %mul3A_194 = arith.constant 256 : i32
      %mul3A_195 = arith.muli %mul3A_173, %mul3A_194 : i32
      %add3A_196 = arith.addi %add3A_193, %mul3A_195 : i32
      "tpu.region"() ({
        %run_scoped3A = tpu.sem_alloc : memref<!tpu.dma_semaphore, #tpu.memory_space<semaphore_mem>>
        %dma_start3A_219 = tpu.memref_slice %arg2[%add3A_196] : memref<655360xi32, #tpu.memory_space<hbm>> -> memref<256xi32, #tpu.memory_space<hbm>>
        %dma_start3A_220 = tpu.memref_slice %arg2[%add3A_196] : memref<655360xi32, #tpu.memory_space<hbm>> -> memref<256xi32, #tpu.memory_space<hbm>>
        tpu.enqueue_dma source(%dma_start3A_220 : memref<256xi32, #tpu.memory_space<hbm>>) target(%arg7 : memref<256xi32, #tpu.memory_space<vmem>>) target_semaphore(%run_scoped3A : memref<!tpu.dma_semaphore, #tpu.memory_space<semaphore_mem>>)
        %dma_wait3A_221 = tpu.memref_slice %arg2[%add3A_196] : memref<655360xi32, #tpu.memory_space<hbm>> -> memref<256xi32, #tpu.memory_space<hbm>>
        %dma_wait3A_222 = tpu.memref_slice %arg2[%add3A_196] : memref<655360xi32, #tpu.memory_space<hbm>> -> memref<256xi32, #tpu.memory_space<hbm>>
        tpu.wait_dma2 semaphore(%run_scoped3A : memref<!tpu.dma_semaphore, #tpu.memory_space<semaphore_mem>>) src(%dma_wait3A_222 : memref<256xi32, #tpu.memory_space<hbm>>) dst(%arg7 : memref<256xi32, #tpu.memory_space<vmem>>)
        tpu.yield
      }) : () -> ()
      "tpu.region"() ({
        %run_scoped3A = tpu.sem_alloc : memref<!tpu.dma_semaphore, #tpu.memory_space<semaphore_mem>>
        %dma_start3A_219 = arith.constant 0 : i32
        %dma_start3A_220 = arith.constant 0 : i32
        %dma_start3A_221 = tpu.memref_slice %arg10[%dma_start3A_219, %dma_start3A_220] : memref<8128x128xf32, #tpu.memory_space<vmem_shared>> -> memref<8128x128xf32, #tpu.memory_space<vmem_shared>>
        %dma_start3A_222 = arith.constant -1 : i32
        tpu.enqueue_indirect_dma source(%arg8 : memref<256x128xf32, #tpu.memory_space<vmem>>) target(%dma_start3A_221 : memref<8128x128xf32, #tpu.memory_space<vmem_shared>>) offsets(%arg7 : memref<256xi32, #tpu.memory_space<vmem>>) offset_filter(%dma_start3A_222) semaphore(%run_scoped3A : memref<!tpu.dma_semaphore, #tpu.memory_space<semaphore_mem>>) {add = true}
        %dma_wait3A_223 = arith.constant 0 : i32
        %dma_wait3A_224 = arith.constant 0 : i32
        %dma_wait3A_225 = tpu.memref_slice %arg10[%dma_wait3A_223, %dma_wait3A_224] : memref<8128x128xf32, #tpu.memory_space<vmem_shared>> -> memref<8128x128xf32, #tpu.memory_space<vmem_shared>>
        tpu.wait_indirect_dma semaphore(%run_scoped3A : memref<!tpu.dma_semaphore, #tpu.memory_space<semaphore_mem>>) src(%arg8 : memref<256x128xf32, #tpu.memory_space<vmem>>) dst(%dma_wait3A_225 : memref<8128x128xf32, #tpu.memory_space<vmem_shared>>)
        tpu.yield
      }) : () -> ()
      %lt3A_197 = arith.constant 9 : i32
      %lt3A_198 = arith.cmpi slt, %scan3A_171, %lt3A_197 : i32
      %convert_element_type3A_199 = arith.extui %lt3A_198 : i1 to i32
      %cond3A_200 = arith.constant 0 : i32
      %cond3A_201 = arith.cmpi ne, %convert_element_type3A_199, %cond3A_200 : i32
      scf.if %cond3A_201 {
        %add3A_219 = arith.constant 81920 : i32
        %add3A_220 = arith.addi %add3A_219, %mul3A_146 : i32
        %add3A_221 = arith.constant 2 : i32
        %add3A_222 = arith.addi %mul3A_173, %add3A_221 : i32
        %mul3A_223 = arith.constant 256 : i32
        %mul3A_224 = arith.muli %add3A_222, %mul3A_223 : i32
        %add3A_225 = arith.addi %add3A_220, %mul3A_224 : i32
        %dma_start3A_226 = arith.constant 0 : i32
        %dma_start3A_227 = tpu.memref_slice %arg3[%add3A_225, %dma_start3A_226] : memref<163840x128xf32, #tpu.memory_space<hbm>> -> memref<256x128xf32, #tpu.memory_space<hbm>>
        %dma_start3A_228 = arith.constant 0 : i32
        %dma_start3A_229 = tpu.memref_slice %arg3[%add3A_225, %dma_start3A_228] : memref<163840x128xf32, #tpu.memory_space<hbm>> -> memref<256x128xf32, #tpu.memory_space<hbm>>
        tpu.enqueue_dma source(%dma_start3A_229 : memref<256x128xf32, #tpu.memory_space<hbm>>) target(%arg8 : memref<256x128xf32, #tpu.memory_space<vmem>>) target_semaphore(%arg11 : memref<!tpu.dma_semaphore, #tpu.memory_space<semaphore_mem>>)
      } else {
      }
      %add3A_202 = arith.constant 81920 : i32
      %add3A_203 = arith.addi %add3A_202, %mul3A_146 : i32
      %add3A_204 = arith.constant 1 : i32
      %add3A_205 = arith.addi %mul3A_173, %add3A_204 : i32
      %mul3A_206 = arith.constant 256 : i32
      %mul3A_207 = arith.muli %add3A_205, %mul3A_206 : i32
      %add3A_208 = arith.addi %add3A_203, %mul3A_207 : i32
      %dma_wait3A_209 = arith.constant 0 : i32
      %dma_wait3A_210 = tpu.memref_slice %arg3[%add3A_208, %dma_wait3A_209] : memref<163840x128xf32, #tpu.memory_space<hbm>> -> memref<256x128xf32, #tpu.memory_space<hbm>>
      %dma_wait3A_211 = arith.constant 0 : i32
      %dma_wait3A_212 = tpu.memref_slice %arg3[%add3A_208, %dma_wait3A_211] : memref<163840x128xf32, #tpu.memory_space<hbm>> -> memref<256x128xf32, #tpu.memory_space<hbm>>
      tpu.wait_dma2 semaphore(%arg12 : memref<!tpu.dma_semaphore, #tpu.memory_space<semaphore_mem>>) src(%dma_wait3A_212 : memref<256x128xf32, #tpu.memory_space<hbm>>) dst(%arg9 : memref<256x128xf32, #tpu.memory_space<vmem>>)
      %add3A_213 = arith.addi %mul3A_142, %mul3A_146 : i32
      %add3A_214 = arith.constant 1 : i32
      %add3A_215 = arith.addi %mul3A_173, %add3A_214 : i32
      %mul3A_216 = arith.constant 256 : i32
      %mul3A_217 = arith.muli %add3A_215, %mul3A_216 : i32
      %add3A_218 = arith.addi %add3A_213, %mul3A_217 : i32
      "tpu.region"() ({
        %run_scoped3A = tpu.sem_alloc : memref<!tpu.dma_semaphore, #tpu.memory_space<semaphore_mem>>
        %dma_start3A_219 = tpu.memref_slice %arg2[%add3A_218] : memref<655360xi32, #tpu.memory_space<hbm>> -> memref<256xi32, #tpu.memory_space<hbm>>
        %dma_start3A_220 = tpu.memref_slice %arg2[%add3A_218] : memref<655360xi32, #tpu.memory_space<hbm>> -> memref<256xi32, #tpu.memory_space<hbm>>
        tpu.enqueue_dma source(%dma_start3A_220 : memref<256xi32, #tpu.memory_space<hbm>>) target(%arg7 : memref<256xi32, #tpu.memory_space<vmem>>) target_semaphore(%run_scoped3A : memref<!tpu.dma_semaphore, #tpu.memory_space<semaphore_mem>>)
        %dma_wait3A_221 = tpu.memref_slice %arg2[%add3A_218] : memref<655360xi32, #tpu.memory_space<hbm>> -> memref<256xi32, #tpu.memory_space<hbm>>
        %dma_wait3A_222 = tpu.memref_slice %arg2[%add3A_218] : memref<655360xi32, #tpu.memory_space<hbm>> -> memref<256xi32, #tpu.memory_space<hbm>>
        tpu.wait_dma2 semaphore(%run_scoped3A : memref<!tpu.dma_semaphore, #tpu.memory_space<semaphore_mem>>) src(%dma_wait3A_222 : memref<256xi32, #tpu.memory_space<hbm>>) dst(%arg7 : memref<256xi32, #tpu.memory_space<vmem>>)
        tpu.yield
      }) : () -> ()
      "tpu.region"() ({
        %run_scoped3A = tpu.sem_alloc : memref<!tpu.dma_semaphore, #tpu.memory_space<semaphore_mem>>
        %dma_start3A_219 = arith.constant 0 : i32
        %dma_start3A_220 = arith.constant 0 : i32
        %dma_start3A_221 = tpu.memref_slice %arg10[%dma_start3A_219, %dma_start3A_220] : memref<8128x128xf32, #tpu.memory_space<vmem_shared>> -> memref<8128x128xf32, #tpu.memory_space<vmem_shared>>
        %dma_start3A_222 = arith.constant -1 : i32
        tpu.enqueue_indirect_dma source(%arg9 : memref<256x128xf32, #tpu.memory_space<vmem>>) target(%dma_start3A_221 : memref<8128x128xf32, #tpu.memory_space<vmem_shared>>) offsets(%arg7 : memref<256xi32, #tpu.memory_space<vmem>>) offset_filter(%dma_start3A_222) semaphore(%run_scoped3A : memref<!tpu.dma_semaphore, #tpu.memory_space<semaphore_mem>>) {add = true}
        %dma_wait3A_223 = arith.constant 0 : i32
        %dma_wait3A_224 = arith.constant 0 : i32
        %dma_wait3A_225 = tpu.memref_slice %arg10[%dma_wait3A_223, %dma_wait3A_224] : memref<8128x128xf32, #tpu.memory_space<vmem_shared>> -> memref<8128x128xf32, #tpu.memory_space<vmem_shared>>
        tpu.wait_indirect_dma semaphore(%run_scoped3A : memref<!tpu.dma_semaphore, #tpu.memory_space<semaphore_mem>>) src(%arg9 : memref<256x128xf32, #tpu.memory_space<vmem>>) dst(%dma_wait3A_225 : memref<8128x128xf32, #tpu.memory_space<vmem_shared>>)
        tpu.yield
      }) : () -> ()
    }
    %scan3A_158 = arith.constant 10 : i32
    %barrier3A_159 = arith.constant 0 : index
    tpu.barrier barrier_id(%barrier3A_159)
    %lt3A_160 = arith.constant 15 : i32
    %lt3A_161 = arith.cmpi slt, %arg1, %lt3A_160 : i32
    %convert_element_type3A_162 = arith.extui %lt3A_161 : i1 to i32
    %cond3A_163 = arith.constant 0 : i32
    %cond3A_164 = arith.cmpi ne, %convert_element_type3A_162, %cond3A_163 : i32
    scf.if %cond3A_164 {
      %mul3A_171 = arith.constant 504 : i32
      %mul3A_172 = arith.muli %arg1, %mul3A_171 : i32
      %mul3A_173 = arith.constant 8000 : i32
      %mul3A_174 = arith.muli %add3A_127, %mul3A_173 : i32
      %mul3A_175 = arith.constant 504 : i32
      %mul3A_176 = arith.muli %arg1, %mul3A_175 : i32
      %add3A_177 = arith.addi %mul3A_174, %mul3A_176 : i32
      "tpu.region"() ({
        %run_scoped3A = tpu.sem_alloc : memref<!tpu.dma_semaphore, #tpu.memory_space<semaphore_mem>>
        %dma_start3A_178 = arith.constant 0 : i32
        %dma_start3A_179 = tpu.memref_slice %arg6[%add3A_177, %dma_start3A_178] : memref<32000x128xf32, #tpu.memory_space<hbm>> -> memref<504x128xf32, #tpu.memory_space<hbm>>
        %dma_start3A_180 = arith.constant 0 : i32
        %dma_start3A_181 = tpu.memref_slice %arg10[%mul3A_172, %dma_start3A_180] : memref<8128x128xf32, #tpu.memory_space<vmem_shared>> -> memref<504x128xf32, #tpu.memory_space<vmem_shared>>
        tpu.enqueue_dma source(%dma_start3A_181 : memref<504x128xf32, #tpu.memory_space<vmem_shared>>) target(%dma_start3A_179 : memref<504x128xf32, #tpu.memory_space<hbm>>) target_semaphore(%run_scoped3A : memref<!tpu.dma_semaphore, #tpu.memory_space<semaphore_mem>>)
        %dma_wait3A = arith.constant 0 : i32
        %dma_wait3A_182 = tpu.memref_slice %arg6[%add3A_177, %dma_wait3A] : memref<32000x128xf32, #tpu.memory_space<hbm>> -> memref<504x128xf32, #tpu.memory_space<hbm>>
        %dma_wait3A_183 = arith.constant 0 : i32
        %dma_wait3A_184 = tpu.memref_slice %arg10[%mul3A_172, %dma_wait3A_183] : memref<8128x128xf32, #tpu.memory_space<vmem_shared>> -> memref<504x128xf32, #tpu.memory_space<vmem_shared>>
        tpu.wait_dma2 semaphore(%run_scoped3A : memref<!tpu.dma_semaphore, #tpu.memory_space<semaphore_mem>>) src(%dma_wait3A_184 : memref<504x128xf32, #tpu.memory_space<vmem_shared>>) dst(%dma_wait3A_182 : memref<504x128xf32, #tpu.memory_space<hbm>>)
        tpu.yield
      }) : () -> ()
    } else {
    }
    %eq3A_165 = arith.constant 15 : i32
    %eq3A_166 = arith.cmpi eq, %arg1, %eq3A_165 : i32
    %convert_element_type3A_167 = arith.extui %eq3A_166 : i1 to i32
    %cond3A_168 = arith.constant 0 : i32
    %cond3A_169 = arith.cmpi ne, %convert_element_type3A_167, %cond3A_168 : i32
    scf.if %cond3A_169 {
      %mul3A_171 = arith.constant 8000 : i32
      %mul3A_172 = arith.muli %add3A_127, %mul3A_171 : i32
      %add3A_173 = arith.constant 7560 : i32
      %add3A_174 = arith.addi %mul3A_172, %add3A_173 : i32
      "tpu.region"() ({
        %run_scoped3A = tpu.sem_alloc : memref<!tpu.dma_semaphore, #tpu.memory_space<semaphore_mem>>
        %dma_start3A_175 = arith.constant 0 : i32
        %dma_start3A_176 = tpu.memref_slice %arg6[%add3A_174, %dma_start3A_175] : memref<32000x128xf32, #tpu.memory_space<hbm>> -> memref<440x128xf32, #tpu.memory_space<hbm>>
        %dma_start3A_177 = arith.constant 7560 : i32
        %dma_start3A_178 = arith.constant 0 : i32
        %dma_start3A_179 = tpu.memref_slice %arg10[%dma_start3A_177, %dma_start3A_178] : memref<8128x128xf32, #tpu.memory_space<vmem_shared>> -> memref<440x128xf32, #tpu.memory_space<vmem_shared>>
        tpu.enqueue_dma source(%dma_start3A_179 : memref<440x128xf32, #tpu.memory_space<vmem_shared>>) target(%dma_start3A_176 : memref<440x128xf32, #tpu.memory_space<hbm>>) target_semaphore(%run_scoped3A : memref<!tpu.dma_semaphore, #tpu.memory_space<semaphore_mem>>)
        %dma_wait3A = arith.constant 0 : i32
        %dma_wait3A_180 = tpu.memref_slice %arg6[%add3A_174, %dma_wait3A] : memref<32000x128xf32, #tpu.memory_space<hbm>> -> memref<440x128xf32, #tpu.memory_space<hbm>>
        %dma_wait3A_181 = arith.constant 7560 : i32
        %dma_wait3A_182 = arith.constant 0 : i32
        %dma_wait3A_183 = tpu.memref_slice %arg10[%dma_wait3A_181, %dma_wait3A_182] : memref<8128x128xf32, #tpu.memory_space<vmem_shared>> -> memref<440x128xf32, #tpu.memory_space<vmem_shared>>
        tpu.wait_dma2 semaphore(%run_scoped3A : memref<!tpu.dma_semaphore, #tpu.memory_space<semaphore_mem>>) src(%dma_wait3A_183 : memref<440x128xf32, #tpu.memory_space<vmem_shared>>) dst(%dma_wait3A_180 : memref<440x128xf32, #tpu.memory_space<hbm>>)
        tpu.yield
      }) : () -> ()
    } else {
    }
    %barrier3A_170 = arith.constant 0 : index
    tpu.barrier barrier_id(%barrier3A_170)
    return
  }
}

#map = affine_map<(d0, d1) -> (0, 0)>
#map1 = affine_map<(d0, d1) -> (0)>
module attributes {stable_mosaic.version = 14 : i64} {
  func.func @_sc_agg_body(%arg0: i32, %arg1: i32, %arg2: memref<10240x128xf32, #tpu.memory_space<hbm>>, %arg3: memref<10240x128xf32, #tpu.memory_space<hbm>>, %arg4: memref<10240x128xf32, #tpu.memory_space<hbm>>, %arg5: memref<10240x128xf32, #tpu.memory_space<hbm>>, %arg6: memref<81920xi32, #tpu.memory_space<hbm>>, %arg7: memref<81920xi32, #tpu.memory_space<hbm>>, %arg8: memref<81920xi32, #tpu.memory_space<hbm>>, %arg9: memref<81920xi32, #tpu.memory_space<hbm>>, %arg10: memref<640x128xf32, #tpu.memory_space<hbm>>, %arg11: memref<40960x128xf32, #tpu.memory_space<hbm>>, %arg12: memref<128xi32, #tpu.memory_space<vmem>>, %arg13: memref<128xi32, #tpu.memory_space<vmem>>, %arg14: memref<128xi32, #tpu.memory_space<vmem>>, %arg15: memref<128x128xf32, #tpu.memory_space<vmem>>, %arg16: memref<128x128xf32, #tpu.memory_space<vmem>>, %arg17: memref<10240x128xf32, #tpu.memory_space<vmem_shared>>, %arg18: memref<!tpu.dma_semaphore, #tpu.memory_space<semaphore_mem>>, %arg19: memref<!tpu.dma_semaphore, #tpu.memory_space<semaphore_mem>>) attributes {dimension_semantics = [#tpu.dimension_semantics<core_parallel>, #tpu.dimension_semantics<subcore_parallel>], iteration_bounds = array<i64: 2, 16>, scalar_prefetch = 0 : i64, scratch_operands = 8 : i64, tpu.core_type = #tpu.core_type<sc_vector_subcore>, window_params = [{transform_indices = #map}, {transform_indices = #map}, {transform_indices = #map}, {transform_indices = #map}, {transform_indices = #map1}, {transform_indices = #map1}, {transform_indices = #map1}, {transform_indices = #map1}, {transform_indices = #map}, {transform_indices = #map}]} {
    %mul3A = arith.constant 640 : i32
    %mul3A_0 = arith.muli %arg1, %mul3A : i32
    "tpu.region"() ({
      %run_scoped3A = tpu.sem_alloc : memref<!tpu.dma_semaphore, #tpu.memory_space<semaphore_mem>>
      %dma_start3A = arith.constant 0 : i32
      %dma_start3A_50 = tpu.memref_slice %arg17[%mul3A_0, %dma_start3A] : memref<10240x128xf32, #tpu.memory_space<vmem_shared>> -> memref<640x128xf32, #tpu.memory_space<vmem_shared>>
      tpu.enqueue_dma source(%arg10 : memref<640x128xf32, #tpu.memory_space<hbm>>) target(%dma_start3A_50 : memref<640x128xf32, #tpu.memory_space<vmem_shared>>) target_semaphore(%run_scoped3A : memref<!tpu.dma_semaphore, #tpu.memory_space<semaphore_mem>>)
      %dma_wait3A = arith.constant 0 : i32
      %dma_wait3A_51 = tpu.memref_slice %arg17[%mul3A_0, %dma_wait3A] : memref<10240x128xf32, #tpu.memory_space<vmem_shared>> -> memref<640x128xf32, #tpu.memory_space<vmem_shared>>
      tpu.wait_dma2 semaphore(%run_scoped3A : memref<!tpu.dma_semaphore, #tpu.memory_space<semaphore_mem>>) src(%arg10 : memref<640x128xf32, #tpu.memory_space<hbm>>) dst(%dma_wait3A_51 : memref<640x128xf32, #tpu.memory_space<vmem_shared>>)
      tpu.yield
    }) : () -> ()
    %barrier3A = arith.constant 0 : index
    tpu.barrier barrier_id(%barrier3A)
    %mul3A_1 = arith.constant 40 : i32
    %mul3A_2 = arith.muli %arg1, %mul3A_1 : i32
    %mul3A_3 = arith.constant 128 : i32
    %mul3A_4 = arith.muli %mul3A_2, %mul3A_3 : i32
    %eq3A = arith.constant 0 : i32
    %eq3A_5 = arith.cmpi eq, %arg0, %eq3A : i32
    %convert_element_type3A = arith.extui %eq3A_5 : i1 to i32
    %cond3A = arith.constant 0 : i32
    %cond3A_6 = arith.cmpi ne, %convert_element_type3A, %cond3A : i32
    scf.if %cond3A_6 {
      "tpu.region"() ({
        %run_scoped3A = tpu.sem_alloc : memref<!tpu.dma_semaphore, #tpu.memory_space<semaphore_mem>>
        %dma_start3A_57 = tpu.memref_slice %arg6[%mul3A_4] : memref<81920xi32, #tpu.memory_space<hbm>> -> memref<128xi32, #tpu.memory_space<hbm>>
        %dma_start3A_58 = tpu.memref_slice %arg6[%mul3A_4] : memref<81920xi32, #tpu.memory_space<hbm>> -> memref<128xi32, #tpu.memory_space<hbm>>
        tpu.enqueue_dma source(%dma_start3A_58 : memref<128xi32, #tpu.memory_space<hbm>>) target(%arg12 : memref<128xi32, #tpu.memory_space<vmem>>) target_semaphore(%run_scoped3A : memref<!tpu.dma_semaphore, #tpu.memory_space<semaphore_mem>>)
        %dma_wait3A = tpu.memref_slice %arg6[%mul3A_4] : memref<81920xi32, #tpu.memory_space<hbm>> -> memref<128xi32, #tpu.memory_space<hbm>>
        %dma_wait3A_59 = tpu.memref_slice %arg6[%mul3A_4] : memref<81920xi32, #tpu.memory_space<hbm>> -> memref<128xi32, #tpu.memory_space<hbm>>
        tpu.wait_dma2 semaphore(%run_scoped3A : memref<!tpu.dma_semaphore, #tpu.memory_space<semaphore_mem>>) src(%dma_wait3A_59 : memref<128xi32, #tpu.memory_space<hbm>>) dst(%arg12 : memref<128xi32, #tpu.memory_space<vmem>>)
        tpu.yield
      }) : () -> ()
      %dma_start3A = arith.constant 0 : i32
      %dma_start3A_50 = arith.constant 0 : i32
      %dma_start3A_51 = tpu.memref_slice %arg2[%dma_start3A, %dma_start3A_50] : memref<10240x128xf32, #tpu.memory_space<hbm>> -> memref<10240x128xf32, #tpu.memory_space<hbm>>
      tpu.enqueue_indirect_dma source(%dma_start3A_51 : memref<10240x128xf32, #tpu.memory_space<hbm>>) target(%arg15 : memref<128x128xf32, #tpu.memory_space<vmem>>) offsets(%arg12 : memref<128xi32, #tpu.memory_space<vmem>>) semaphore(%arg18 : memref<!tpu.dma_semaphore, #tpu.memory_space<semaphore_mem>>)
      %scan3A = arith.constant 0 : i32
      %scan3A_52 = arith.constant 0 : i32
      %scan3A_53 = arith.constant 20 : i32
      %scan3A_54 = arith.addi %scan3A_52, %scan3A_53 : i32
      %scan3A_55 = arith.constant 1 : i32
      scf.for %scan3A_57 = %scan3A_52 to %scan3A_54 step %scan3A_55  : i32 {
        %mul3A_58 = arith.constant 2 : i32
        %mul3A_59 = arith.muli %mul3A_58, %scan3A_57 : i32
        %add3A_60 = arith.constant 1 : i32
        %add3A_61 = arith.addi %mul3A_59, %add3A_60 : i32
        %mul3A_62 = arith.constant 128 : i32
        %mul3A_63 = arith.muli %add3A_61, %mul3A_62 : i32
        %add3A_64 = arith.addi %mul3A_4, %mul3A_63 : i32
        "tpu.region"() ({
          %run_scoped3A = tpu.sem_alloc : memref<!tpu.dma_semaphore, #tpu.memory_space<semaphore_mem>>
          %dma_start3A_85 = tpu.memref_slice %arg6[%add3A_64] : memref<81920xi32, #tpu.memory_space<hbm>> -> memref<128xi32, #tpu.memory_space<hbm>>
          %dma_start3A_86 = tpu.memref_slice %arg6[%add3A_64] : memref<81920xi32, #tpu.memory_space<hbm>> -> memref<128xi32, #tpu.memory_space<hbm>>
          tpu.enqueue_dma source(%dma_start3A_86 : memref<128xi32, #tpu.memory_space<hbm>>) target(%arg13 : memref<128xi32, #tpu.memory_space<vmem>>) target_semaphore(%run_scoped3A : memref<!tpu.dma_semaphore, #tpu.memory_space<semaphore_mem>>)
          %dma_wait3A_87 = tpu.memref_slice %arg6[%add3A_64] : memref<81920xi32, #tpu.memory_space<hbm>> -> memref<128xi32, #tpu.memory_space<hbm>>
          %dma_wait3A_88 = tpu.memref_slice %arg6[%add3A_64] : memref<81920xi32, #tpu.memory_space<hbm>> -> memref<128xi32, #tpu.memory_space<hbm>>
          tpu.wait_dma2 semaphore(%run_scoped3A : memref<!tpu.dma_semaphore, #tpu.memory_space<semaphore_mem>>) src(%dma_wait3A_88 : memref<128xi32, #tpu.memory_space<hbm>>) dst(%arg13 : memref<128xi32, #tpu.memory_space<vmem>>)
          tpu.yield
        }) : () -> ()
        %dma_start3A_65 = arith.constant 0 : i32
        %dma_start3A_66 = arith.constant 0 : i32
        %dma_start3A_67 = tpu.memref_slice %arg2[%dma_start3A_65, %dma_start3A_66] : memref<10240x128xf32, #tpu.memory_space<hbm>> -> memref<10240x128xf32, #tpu.memory_space<hbm>>
        tpu.enqueue_indirect_dma source(%dma_start3A_67 : memref<10240x128xf32, #tpu.memory_space<hbm>>) target(%arg16 : memref<128x128xf32, #tpu.memory_space<vmem>>) offsets(%arg13 : memref<128xi32, #tpu.memory_space<vmem>>) semaphore(%arg19 : memref<!tpu.dma_semaphore, #tpu.memory_space<semaphore_mem>>)
        %dma_wait3A = arith.constant 0 : i32
        %dma_wait3A_68 = arith.constant 0 : i32
        %dma_wait3A_69 = tpu.memref_slice %arg2[%dma_wait3A, %dma_wait3A_68] : memref<10240x128xf32, #tpu.memory_space<hbm>> -> memref<10240x128xf32, #tpu.memory_space<hbm>>
        tpu.wait_indirect_dma semaphore(%arg18 : memref<!tpu.dma_semaphore, #tpu.memory_space<semaphore_mem>>) src(%dma_wait3A_69 : memref<10240x128xf32, #tpu.memory_space<hbm>>) dst(%arg15 : memref<128x128xf32, #tpu.memory_space<vmem>>)
        %mul3A_70 = arith.constant 128 : i32
        %mul3A_71 = arith.muli %mul3A_59, %mul3A_70 : i32
        %add3A_72 = arith.addi %mul3A_4, %mul3A_71 : i32
        "tpu.region"() ({
          %run_scoped3A = tpu.sem_alloc : memref<!tpu.dma_semaphore, #tpu.memory_space<semaphore_mem>>
          %dma_start3A_85 = tpu.memref_slice %arg7[%add3A_72] : memref<81920xi32, #tpu.memory_space<hbm>> -> memref<128xi32, #tpu.memory_space<hbm>>
          %dma_start3A_86 = tpu.memref_slice %arg7[%add3A_72] : memref<81920xi32, #tpu.memory_space<hbm>> -> memref<128xi32, #tpu.memory_space<hbm>>
          tpu.enqueue_dma source(%dma_start3A_86 : memref<128xi32, #tpu.memory_space<hbm>>) target(%arg14 : memref<128xi32, #tpu.memory_space<vmem>>) target_semaphore(%run_scoped3A : memref<!tpu.dma_semaphore, #tpu.memory_space<semaphore_mem>>)
          %dma_wait3A_87 = tpu.memref_slice %arg7[%add3A_72] : memref<81920xi32, #tpu.memory_space<hbm>> -> memref<128xi32, #tpu.memory_space<hbm>>
          %dma_wait3A_88 = tpu.memref_slice %arg7[%add3A_72] : memref<81920xi32, #tpu.memory_space<hbm>> -> memref<128xi32, #tpu.memory_space<hbm>>
          tpu.wait_dma2 semaphore(%run_scoped3A : memref<!tpu.dma_semaphore, #tpu.memory_space<semaphore_mem>>) src(%dma_wait3A_88 : memref<128xi32, #tpu.memory_space<hbm>>) dst(%arg14 : memref<128xi32, #tpu.memory_space<vmem>>)
          tpu.yield
        }) : () -> ()
        "tpu.region"() ({
          %run_scoped3A = tpu.sem_alloc : memref<!tpu.dma_semaphore, #tpu.memory_space<semaphore_mem>>
          %dma_start3A_85 = arith.constant 0 : i32
          %dma_start3A_86 = arith.constant 0 : i32
          %dma_start3A_87 = tpu.memref_slice %arg17[%dma_start3A_85, %dma_start3A_86] : memref<10240x128xf32, #tpu.memory_space<vmem_shared>> -> memref<10240x128xf32, #tpu.memory_space<vmem_shared>>
          tpu.enqueue_indirect_dma source(%arg15 : memref<128x128xf32, #tpu.memory_space<vmem>>) target(%dma_start3A_87 : memref<10240x128xf32, #tpu.memory_space<vmem_shared>>) offsets(%arg14 : memref<128xi32, #tpu.memory_space<vmem>>) semaphore(%run_scoped3A : memref<!tpu.dma_semaphore, #tpu.memory_space<semaphore_mem>>) {add = true}
          %dma_wait3A_88 = arith.constant 0 : i32
          %dma_wait3A_89 = arith.constant 0 : i32
          %dma_wait3A_90 = tpu.memref_slice %arg17[%dma_wait3A_88, %dma_wait3A_89] : memref<10240x128xf32, #tpu.memory_space<vmem_shared>> -> memref<10240x128xf32, #tpu.memory_space<vmem_shared>>
          tpu.wait_indirect_dma semaphore(%run_scoped3A : memref<!tpu.dma_semaphore, #tpu.memory_space<semaphore_mem>>) src(%arg15 : memref<128x128xf32, #tpu.memory_space<vmem>>) dst(%dma_wait3A_90 : memref<10240x128xf32, #tpu.memory_space<vmem_shared>>)
          tpu.yield
        }) : () -> ()
        %lt3A = arith.constant 19 : i32
        %lt3A_73 = arith.cmpi slt, %scan3A_57, %lt3A : i32
        %convert_element_type3A_74 = arith.extui %lt3A_73 : i1 to i32
        %cond3A_75 = arith.constant 0 : i32
        %cond3A_76 = arith.cmpi ne, %convert_element_type3A_74, %cond3A_75 : i32
        scf.if %cond3A_76 {
          %add3A_85 = arith.constant 2 : i32
          %add3A_86 = arith.addi %mul3A_59, %add3A_85 : i32
          %mul3A_87 = arith.constant 128 : i32
          %mul3A_88 = arith.muli %add3A_86, %mul3A_87 : i32
          %add3A_89 = arith.addi %mul3A_4, %mul3A_88 : i32
          "tpu.region"() ({
            %run_scoped3A = tpu.sem_alloc : memref<!tpu.dma_semaphore, #tpu.memory_space<semaphore_mem>>
            %dma_start3A_93 = tpu.memref_slice %arg6[%add3A_89] : memref<81920xi32, #tpu.memory_space<hbm>> -> memref<128xi32, #tpu.memory_space<hbm>>
            %dma_start3A_94 = tpu.memref_slice %arg6[%add3A_89] : memref<81920xi32, #tpu.memory_space<hbm>> -> memref<128xi32, #tpu.memory_space<hbm>>
            tpu.enqueue_dma source(%dma_start3A_94 : memref<128xi32, #tpu.memory_space<hbm>>) target(%arg12 : memref<128xi32, #tpu.memory_space<vmem>>) target_semaphore(%run_scoped3A : memref<!tpu.dma_semaphore, #tpu.memory_space<semaphore_mem>>)
            %dma_wait3A_95 = tpu.memref_slice %arg6[%add3A_89] : memref<81920xi32, #tpu.memory_space<hbm>> -> memref<128xi32, #tpu.memory_space<hbm>>
            %dma_wait3A_96 = tpu.memref_slice %arg6[%add3A_89] : memref<81920xi32, #tpu.memory_space<hbm>> -> memref<128xi32, #tpu.memory_space<hbm>>
            tpu.wait_dma2 semaphore(%run_scoped3A : memref<!tpu.dma_semaphore, #tpu.memory_space<semaphore_mem>>) src(%dma_wait3A_96 : memref<128xi32, #tpu.memory_space<hbm>>) dst(%arg12 : memref<128xi32, #tpu.memory_space<vmem>>)
            tpu.yield
          }) : () -> ()
          %dma_start3A_90 = arith.constant 0 : i32
          %dma_start3A_91 = arith.constant 0 : i32
          %dma_start3A_92 = tpu.memref_slice %arg2[%dma_start3A_90, %dma_start3A_91] : memref<10240x128xf32, #tpu.memory_space<hbm>> -> memref<10240x128xf32, #tpu.memory_space<hbm>>
          tpu.enqueue_indirect_dma source(%dma_start3A_92 : memref<10240x128xf32, #tpu.memory_space<hbm>>) target(%arg15 : memref<128x128xf32, #tpu.memory_space<vmem>>) offsets(%arg12 : memref<128xi32, #tpu.memory_space<vmem>>) semaphore(%arg18 : memref<!tpu.dma_semaphore, #tpu.memory_space<semaphore_mem>>)
        } else {
        }
        %dma_wait3A_77 = arith.constant 0 : i32
        %dma_wait3A_78 = arith.constant 0 : i32
        %dma_wait3A_79 = tpu.memref_slice %arg2[%dma_wait3A_77, %dma_wait3A_78] : memref<10240x128xf32, #tpu.memory_space<hbm>> -> memref<10240x128xf32, #tpu.memory_space<hbm>>
        tpu.wait_indirect_dma semaphore(%arg19 : memref<!tpu.dma_semaphore, #tpu.memory_space<semaphore_mem>>) src(%dma_wait3A_79 : memref<10240x128xf32, #tpu.memory_space<hbm>>) dst(%arg16 : memref<128x128xf32, #tpu.memory_space<vmem>>)
        %add3A_80 = arith.constant 1 : i32
        %add3A_81 = arith.addi %mul3A_59, %add3A_80 : i32
        %mul3A_82 = arith.constant 128 : i32
        %mul3A_83 = arith.muli %add3A_81, %mul3A_82 : i32
        %add3A_84 = arith.addi %mul3A_4, %mul3A_83 : i32
        "tpu.region"() ({
          %run_scoped3A = tpu.sem_alloc : memref<!tpu.dma_semaphore, #tpu.memory_space<semaphore_mem>>
          %dma_start3A_85 = tpu.memref_slice %arg7[%add3A_84] : memref<81920xi32, #tpu.memory_space<hbm>> -> memref<128xi32, #tpu.memory_space<hbm>>
          %dma_start3A_86 = tpu.memref_slice %arg7[%add3A_84] : memref<81920xi32, #tpu.memory_space<hbm>> -> memref<128xi32, #tpu.memory_space<hbm>>
          tpu.enqueue_dma source(%dma_start3A_86 : memref<128xi32, #tpu.memory_space<hbm>>) target(%arg14 : memref<128xi32, #tpu.memory_space<vmem>>) target_semaphore(%run_scoped3A : memref<!tpu.dma_semaphore, #tpu.memory_space<semaphore_mem>>)
          %dma_wait3A_87 = tpu.memref_slice %arg7[%add3A_84] : memref<81920xi32, #tpu.memory_space<hbm>> -> memref<128xi32, #tpu.memory_space<hbm>>
          %dma_wait3A_88 = tpu.memref_slice %arg7[%add3A_84] : memref<81920xi32, #tpu.memory_space<hbm>> -> memref<128xi32, #tpu.memory_space<hbm>>
          tpu.wait_dma2 semaphore(%run_scoped3A : memref<!tpu.dma_semaphore, #tpu.memory_space<semaphore_mem>>) src(%dma_wait3A_88 : memref<128xi32, #tpu.memory_space<hbm>>) dst(%arg14 : memref<128xi32, #tpu.memory_space<vmem>>)
          tpu.yield
        }) : () -> ()
        "tpu.region"() ({
          %run_scoped3A = tpu.sem_alloc : memref<!tpu.dma_semaphore, #tpu.memory_space<semaphore_mem>>
          %dma_start3A_85 = arith.constant 0 : i32
          %dma_start3A_86 = arith.constant 0 : i32
          %dma_start3A_87 = tpu.memref_slice %arg17[%dma_start3A_85, %dma_start3A_86] : memref<10240x128xf32, #tpu.memory_space<vmem_shared>> -> memref<10240x128xf32, #tpu.memory_space<vmem_shared>>
          tpu.enqueue_indirect_dma source(%arg16 : memref<128x128xf32, #tpu.memory_space<vmem>>) target(%dma_start3A_87 : memref<10240x128xf32, #tpu.memory_space<vmem_shared>>) offsets(%arg14 : memref<128xi32, #tpu.memory_space<vmem>>) semaphore(%run_scoped3A : memref<!tpu.dma_semaphore, #tpu.memory_space<semaphore_mem>>) {add = true}
          %dma_wait3A_88 = arith.constant 0 : i32
          %dma_wait3A_89 = arith.constant 0 : i32
          %dma_wait3A_90 = tpu.memref_slice %arg17[%dma_wait3A_88, %dma_wait3A_89] : memref<10240x128xf32, #tpu.memory_space<vmem_shared>> -> memref<10240x128xf32, #tpu.memory_space<vmem_shared>>
          tpu.wait_indirect_dma semaphore(%run_scoped3A : memref<!tpu.dma_semaphore, #tpu.memory_space<semaphore_mem>>) src(%arg16 : memref<128x128xf32, #tpu.memory_space<vmem>>) dst(%dma_wait3A_90 : memref<10240x128xf32, #tpu.memory_space<vmem_shared>>)
          tpu.yield
        }) : () -> ()
      }
      %scan3A_56 = arith.constant 20 : i32
    } else {
    }
    %eq3A_7 = arith.constant 1 : i32
    %eq3A_8 = arith.cmpi eq, %arg0, %eq3A_7 : i32
    %convert_element_type3A_9 = arith.extui %eq3A_8 : i1 to i32
    %cond3A_10 = arith.constant 0 : i32
    %cond3A_11 = arith.cmpi ne, %convert_element_type3A_9, %cond3A_10 : i32
    scf.if %cond3A_11 {
      "tpu.region"() ({
        %run_scoped3A = tpu.sem_alloc : memref<!tpu.dma_semaphore, #tpu.memory_space<semaphore_mem>>
        %dma_start3A_57 = tpu.memref_slice %arg6[%mul3A_4] : memref<81920xi32, #tpu.memory_space<hbm>> -> memref<128xi32, #tpu.memory_space<hbm>>
        %dma_start3A_58 = tpu.memref_slice %arg6[%mul3A_4] : memref<81920xi32, #tpu.memory_space<hbm>> -> memref<128xi32, #tpu.memory_space<hbm>>
        tpu.enqueue_dma source(%dma_start3A_58 : memref<128xi32, #tpu.memory_space<hbm>>) target(%arg12 : memref<128xi32, #tpu.memory_space<vmem>>) target_semaphore(%run_scoped3A : memref<!tpu.dma_semaphore, #tpu.memory_space<semaphore_mem>>)
        %dma_wait3A = tpu.memref_slice %arg6[%mul3A_4] : memref<81920xi32, #tpu.memory_space<hbm>> -> memref<128xi32, #tpu.memory_space<hbm>>
        %dma_wait3A_59 = tpu.memref_slice %arg6[%mul3A_4] : memref<81920xi32, #tpu.memory_space<hbm>> -> memref<128xi32, #tpu.memory_space<hbm>>
        tpu.wait_dma2 semaphore(%run_scoped3A : memref<!tpu.dma_semaphore, #tpu.memory_space<semaphore_mem>>) src(%dma_wait3A_59 : memref<128xi32, #tpu.memory_space<hbm>>) dst(%arg12 : memref<128xi32, #tpu.memory_space<vmem>>)
        tpu.yield
      }) : () -> ()
      %dma_start3A = arith.constant 0 : i32
      %dma_start3A_50 = arith.constant 0 : i32
      %dma_start3A_51 = tpu.memref_slice %arg3[%dma_start3A, %dma_start3A_50] : memref<10240x128xf32, #tpu.memory_space<hbm>> -> memref<10240x128xf32, #tpu.memory_space<hbm>>
      tpu.enqueue_indirect_dma source(%dma_start3A_51 : memref<10240x128xf32, #tpu.memory_space<hbm>>) target(%arg15 : memref<128x128xf32, #tpu.memory_space<vmem>>) offsets(%arg12 : memref<128xi32, #tpu.memory_space<vmem>>) semaphore(%arg18 : memref<!tpu.dma_semaphore, #tpu.memory_space<semaphore_mem>>)
      %scan3A = arith.constant 0 : i32
      %scan3A_52 = arith.constant 0 : i32
      %scan3A_53 = arith.constant 20 : i32
      %scan3A_54 = arith.addi %scan3A_52, %scan3A_53 : i32
      %scan3A_55 = arith.constant 1 : i32
      scf.for %scan3A_57 = %scan3A_52 to %scan3A_54 step %scan3A_55  : i32 {
        %mul3A_58 = arith.constant 2 : i32
        %mul3A_59 = arith.muli %mul3A_58, %scan3A_57 : i32
        %add3A_60 = arith.constant 1 : i32
        %add3A_61 = arith.addi %mul3A_59, %add3A_60 : i32
        %mul3A_62 = arith.constant 128 : i32
        %mul3A_63 = arith.muli %add3A_61, %mul3A_62 : i32
        %add3A_64 = arith.addi %mul3A_4, %mul3A_63 : i32
        "tpu.region"() ({
          %run_scoped3A = tpu.sem_alloc : memref<!tpu.dma_semaphore, #tpu.memory_space<semaphore_mem>>
          %dma_start3A_85 = tpu.memref_slice %arg6[%add3A_64] : memref<81920xi32, #tpu.memory_space<hbm>> -> memref<128xi32, #tpu.memory_space<hbm>>
          %dma_start3A_86 = tpu.memref_slice %arg6[%add3A_64] : memref<81920xi32, #tpu.memory_space<hbm>> -> memref<128xi32, #tpu.memory_space<hbm>>
          tpu.enqueue_dma source(%dma_start3A_86 : memref<128xi32, #tpu.memory_space<hbm>>) target(%arg13 : memref<128xi32, #tpu.memory_space<vmem>>) target_semaphore(%run_scoped3A : memref<!tpu.dma_semaphore, #tpu.memory_space<semaphore_mem>>)
          %dma_wait3A_87 = tpu.memref_slice %arg6[%add3A_64] : memref<81920xi32, #tpu.memory_space<hbm>> -> memref<128xi32, #tpu.memory_space<hbm>>
          %dma_wait3A_88 = tpu.memref_slice %arg6[%add3A_64] : memref<81920xi32, #tpu.memory_space<hbm>> -> memref<128xi32, #tpu.memory_space<hbm>>
          tpu.wait_dma2 semaphore(%run_scoped3A : memref<!tpu.dma_semaphore, #tpu.memory_space<semaphore_mem>>) src(%dma_wait3A_88 : memref<128xi32, #tpu.memory_space<hbm>>) dst(%arg13 : memref<128xi32, #tpu.memory_space<vmem>>)
          tpu.yield
        }) : () -> ()
        %dma_start3A_65 = arith.constant 0 : i32
        %dma_start3A_66 = arith.constant 0 : i32
        %dma_start3A_67 = tpu.memref_slice %arg3[%dma_start3A_65, %dma_start3A_66] : memref<10240x128xf32, #tpu.memory_space<hbm>> -> memref<10240x128xf32, #tpu.memory_space<hbm>>
        tpu.enqueue_indirect_dma source(%dma_start3A_67 : memref<10240x128xf32, #tpu.memory_space<hbm>>) target(%arg16 : memref<128x128xf32, #tpu.memory_space<vmem>>) offsets(%arg13 : memref<128xi32, #tpu.memory_space<vmem>>) semaphore(%arg19 : memref<!tpu.dma_semaphore, #tpu.memory_space<semaphore_mem>>)
        %dma_wait3A = arith.constant 0 : i32
        %dma_wait3A_68 = arith.constant 0 : i32
        %dma_wait3A_69 = tpu.memref_slice %arg3[%dma_wait3A, %dma_wait3A_68] : memref<10240x128xf32, #tpu.memory_space<hbm>> -> memref<10240x128xf32, #tpu.memory_space<hbm>>
        tpu.wait_indirect_dma semaphore(%arg18 : memref<!tpu.dma_semaphore, #tpu.memory_space<semaphore_mem>>) src(%dma_wait3A_69 : memref<10240x128xf32, #tpu.memory_space<hbm>>) dst(%arg15 : memref<128x128xf32, #tpu.memory_space<vmem>>)
        %mul3A_70 = arith.constant 128 : i32
        %mul3A_71 = arith.muli %mul3A_59, %mul3A_70 : i32
        %add3A_72 = arith.addi %mul3A_4, %mul3A_71 : i32
        "tpu.region"() ({
          %run_scoped3A = tpu.sem_alloc : memref<!tpu.dma_semaphore, #tpu.memory_space<semaphore_mem>>
          %dma_start3A_85 = tpu.memref_slice %arg7[%add3A_72] : memref<81920xi32, #tpu.memory_space<hbm>> -> memref<128xi32, #tpu.memory_space<hbm>>
          %dma_start3A_86 = tpu.memref_slice %arg7[%add3A_72] : memref<81920xi32, #tpu.memory_space<hbm>> -> memref<128xi32, #tpu.memory_space<hbm>>
          tpu.enqueue_dma source(%dma_start3A_86 : memref<128xi32, #tpu.memory_space<hbm>>) target(%arg14 : memref<128xi32, #tpu.memory_space<vmem>>) target_semaphore(%run_scoped3A : memref<!tpu.dma_semaphore, #tpu.memory_space<semaphore_mem>>)
          %dma_wait3A_87 = tpu.memref_slice %arg7[%add3A_72] : memref<81920xi32, #tpu.memory_space<hbm>> -> memref<128xi32, #tpu.memory_space<hbm>>
          %dma_wait3A_88 = tpu.memref_slice %arg7[%add3A_72] : memref<81920xi32, #tpu.memory_space<hbm>> -> memref<128xi32, #tpu.memory_space<hbm>>
          tpu.wait_dma2 semaphore(%run_scoped3A : memref<!tpu.dma_semaphore, #tpu.memory_space<semaphore_mem>>) src(%dma_wait3A_88 : memref<128xi32, #tpu.memory_space<hbm>>) dst(%arg14 : memref<128xi32, #tpu.memory_space<vmem>>)
          tpu.yield
        }) : () -> ()
        "tpu.region"() ({
          %run_scoped3A = tpu.sem_alloc : memref<!tpu.dma_semaphore, #tpu.memory_space<semaphore_mem>>
          %dma_start3A_85 = arith.constant 0 : i32
          %dma_start3A_86 = arith.constant 0 : i32
          %dma_start3A_87 = tpu.memref_slice %arg17[%dma_start3A_85, %dma_start3A_86] : memref<10240x128xf32, #tpu.memory_space<vmem_shared>> -> memref<10240x128xf32, #tpu.memory_space<vmem_shared>>
          tpu.enqueue_indirect_dma source(%arg15 : memref<128x128xf32, #tpu.memory_space<vmem>>) target(%dma_start3A_87 : memref<10240x128xf32, #tpu.memory_space<vmem_shared>>) offsets(%arg14 : memref<128xi32, #tpu.memory_space<vmem>>) semaphore(%run_scoped3A : memref<!tpu.dma_semaphore, #tpu.memory_space<semaphore_mem>>) {add = true}
          %dma_wait3A_88 = arith.constant 0 : i32
          %dma_wait3A_89 = arith.constant 0 : i32
          %dma_wait3A_90 = tpu.memref_slice %arg17[%dma_wait3A_88, %dma_wait3A_89] : memref<10240x128xf32, #tpu.memory_space<vmem_shared>> -> memref<10240x128xf32, #tpu.memory_space<vmem_shared>>
          tpu.wait_indirect_dma semaphore(%run_scoped3A : memref<!tpu.dma_semaphore, #tpu.memory_space<semaphore_mem>>) src(%arg15 : memref<128x128xf32, #tpu.memory_space<vmem>>) dst(%dma_wait3A_90 : memref<10240x128xf32, #tpu.memory_space<vmem_shared>>)
          tpu.yield
        }) : () -> ()
        %lt3A = arith.constant 19 : i32
        %lt3A_73 = arith.cmpi slt, %scan3A_57, %lt3A : i32
        %convert_element_type3A_74 = arith.extui %lt3A_73 : i1 to i32
        %cond3A_75 = arith.constant 0 : i32
        %cond3A_76 = arith.cmpi ne, %convert_element_type3A_74, %cond3A_75 : i32
        scf.if %cond3A_76 {
          %add3A_85 = arith.constant 2 : i32
          %add3A_86 = arith.addi %mul3A_59, %add3A_85 : i32
          %mul3A_87 = arith.constant 128 : i32
          %mul3A_88 = arith.muli %add3A_86, %mul3A_87 : i32
          %add3A_89 = arith.addi %mul3A_4, %mul3A_88 : i32
          "tpu.region"() ({
            %run_scoped3A = tpu.sem_alloc : memref<!tpu.dma_semaphore, #tpu.memory_space<semaphore_mem>>
            %dma_start3A_93 = tpu.memref_slice %arg6[%add3A_89] : memref<81920xi32, #tpu.memory_space<hbm>> -> memref<128xi32, #tpu.memory_space<hbm>>
            %dma_start3A_94 = tpu.memref_slice %arg6[%add3A_89] : memref<81920xi32, #tpu.memory_space<hbm>> -> memref<128xi32, #tpu.memory_space<hbm>>
            tpu.enqueue_dma source(%dma_start3A_94 : memref<128xi32, #tpu.memory_space<hbm>>) target(%arg12 : memref<128xi32, #tpu.memory_space<vmem>>) target_semaphore(%run_scoped3A : memref<!tpu.dma_semaphore, #tpu.memory_space<semaphore_mem>>)
            %dma_wait3A_95 = tpu.memref_slice %arg6[%add3A_89] : memref<81920xi32, #tpu.memory_space<hbm>> -> memref<128xi32, #tpu.memory_space<hbm>>
            %dma_wait3A_96 = tpu.memref_slice %arg6[%add3A_89] : memref<81920xi32, #tpu.memory_space<hbm>> -> memref<128xi32, #tpu.memory_space<hbm>>
            tpu.wait_dma2 semaphore(%run_scoped3A : memref<!tpu.dma_semaphore, #tpu.memory_space<semaphore_mem>>) src(%dma_wait3A_96 : memref<128xi32, #tpu.memory_space<hbm>>) dst(%arg12 : memref<128xi32, #tpu.memory_space<vmem>>)
            tpu.yield
          }) : () -> ()
          %dma_start3A_90 = arith.constant 0 : i32
          %dma_start3A_91 = arith.constant 0 : i32
          %dma_start3A_92 = tpu.memref_slice %arg3[%dma_start3A_90, %dma_start3A_91] : memref<10240x128xf32, #tpu.memory_space<hbm>> -> memref<10240x128xf32, #tpu.memory_space<hbm>>
          tpu.enqueue_indirect_dma source(%dma_start3A_92 : memref<10240x128xf32, #tpu.memory_space<hbm>>) target(%arg15 : memref<128x128xf32, #tpu.memory_space<vmem>>) offsets(%arg12 : memref<128xi32, #tpu.memory_space<vmem>>) semaphore(%arg18 : memref<!tpu.dma_semaphore, #tpu.memory_space<semaphore_mem>>)
        } else {
        }
        %dma_wait3A_77 = arith.constant 0 : i32
        %dma_wait3A_78 = arith.constant 0 : i32
        %dma_wait3A_79 = tpu.memref_slice %arg3[%dma_wait3A_77, %dma_wait3A_78] : memref<10240x128xf32, #tpu.memory_space<hbm>> -> memref<10240x128xf32, #tpu.memory_space<hbm>>
        tpu.wait_indirect_dma semaphore(%arg19 : memref<!tpu.dma_semaphore, #tpu.memory_space<semaphore_mem>>) src(%dma_wait3A_79 : memref<10240x128xf32, #tpu.memory_space<hbm>>) dst(%arg16 : memref<128x128xf32, #tpu.memory_space<vmem>>)
        %add3A_80 = arith.constant 1 : i32
        %add3A_81 = arith.addi %mul3A_59, %add3A_80 : i32
        %mul3A_82 = arith.constant 128 : i32
        %mul3A_83 = arith.muli %add3A_81, %mul3A_82 : i32
        %add3A_84 = arith.addi %mul3A_4, %mul3A_83 : i32
        "tpu.region"() ({
          %run_scoped3A = tpu.sem_alloc : memref<!tpu.dma_semaphore, #tpu.memory_space<semaphore_mem>>
          %dma_start3A_85 = tpu.memref_slice %arg7[%add3A_84] : memref<81920xi32, #tpu.memory_space<hbm>> -> memref<128xi32, #tpu.memory_space<hbm>>
          %dma_start3A_86 = tpu.memref_slice %arg7[%add3A_84] : memref<81920xi32, #tpu.memory_space<hbm>> -> memref<128xi32, #tpu.memory_space<hbm>>
          tpu.enqueue_dma source(%dma_start3A_86 : memref<128xi32, #tpu.memory_space<hbm>>) target(%arg14 : memref<128xi32, #tpu.memory_space<vmem>>) target_semaphore(%run_scoped3A : memref<!tpu.dma_semaphore, #tpu.memory_space<semaphore_mem>>)
          %dma_wait3A_87 = tpu.memref_slice %arg7[%add3A_84] : memref<81920xi32, #tpu.memory_space<hbm>> -> memref<128xi32, #tpu.memory_space<hbm>>
          %dma_wait3A_88 = tpu.memref_slice %arg7[%add3A_84] : memref<81920xi32, #tpu.memory_space<hbm>> -> memref<128xi32, #tpu.memory_space<hbm>>
          tpu.wait_dma2 semaphore(%run_scoped3A : memref<!tpu.dma_semaphore, #tpu.memory_space<semaphore_mem>>) src(%dma_wait3A_88 : memref<128xi32, #tpu.memory_space<hbm>>) dst(%arg14 : memref<128xi32, #tpu.memory_space<vmem>>)
          tpu.yield
        }) : () -> ()
        "tpu.region"() ({
          %run_scoped3A = tpu.sem_alloc : memref<!tpu.dma_semaphore, #tpu.memory_space<semaphore_mem>>
          %dma_start3A_85 = arith.constant 0 : i32
          %dma_start3A_86 = arith.constant 0 : i32
          %dma_start3A_87 = tpu.memref_slice %arg17[%dma_start3A_85, %dma_start3A_86] : memref<10240x128xf32, #tpu.memory_space<vmem_shared>> -> memref<10240x128xf32, #tpu.memory_space<vmem_shared>>
          tpu.enqueue_indirect_dma source(%arg16 : memref<128x128xf32, #tpu.memory_space<vmem>>) target(%dma_start3A_87 : memref<10240x128xf32, #tpu.memory_space<vmem_shared>>) offsets(%arg14 : memref<128xi32, #tpu.memory_space<vmem>>) semaphore(%run_scoped3A : memref<!tpu.dma_semaphore, #tpu.memory_space<semaphore_mem>>) {add = true}
          %dma_wait3A_88 = arith.constant 0 : i32
          %dma_wait3A_89 = arith.constant 0 : i32
          %dma_wait3A_90 = tpu.memref_slice %arg17[%dma_wait3A_88, %dma_wait3A_89] : memref<10240x128xf32, #tpu.memory_space<vmem_shared>> -> memref<10240x128xf32, #tpu.memory_space<vmem_shared>>
          tpu.wait_indirect_dma semaphore(%run_scoped3A : memref<!tpu.dma_semaphore, #tpu.memory_space<semaphore_mem>>) src(%arg16 : memref<128x128xf32, #tpu.memory_space<vmem>>) dst(%dma_wait3A_90 : memref<10240x128xf32, #tpu.memory_space<vmem_shared>>)
          tpu.yield
        }) : () -> ()
      }
      %scan3A_56 = arith.constant 20 : i32
    } else {
    }
    %barrier3A_12 = arith.constant 0 : index
    tpu.barrier barrier_id(%barrier3A_12)
    %mul3A_13 = arith.constant 640 : i32
    %mul3A_14 = arith.muli %arg1, %mul3A_13 : i32
    %add3A = arith.constant 0 : i32
    %add3A_15 = arith.addi %add3A, %arg0 : i32
    %mul3A_16 = arith.constant 10240 : i32
    %mul3A_17 = arith.muli %add3A_15, %mul3A_16 : i32
    %mul3A_18 = arith.constant 640 : i32
    %mul3A_19 = arith.muli %arg1, %mul3A_18 : i32
    %add3A_20 = arith.addi %mul3A_17, %mul3A_19 : i32
    "tpu.region"() ({
      %run_scoped3A = tpu.sem_alloc : memref<!tpu.dma_semaphore, #tpu.memory_space<semaphore_mem>>
      %dma_start3A = arith.constant 0 : i32
      %dma_start3A_50 = tpu.memref_slice %arg11[%add3A_20, %dma_start3A] : memref<40960x128xf32, #tpu.memory_space<hbm>> -> memref<640x128xf32, #tpu.memory_space<hbm>>
      %dma_start3A_51 = arith.constant 0 : i32
      %dma_start3A_52 = tpu.memref_slice %arg17[%mul3A_14, %dma_start3A_51] : memref<10240x128xf32, #tpu.memory_space<vmem_shared>> -> memref<640x128xf32, #tpu.memory_space<vmem_shared>>
      tpu.enqueue_dma source(%dma_start3A_52 : memref<640x128xf32, #tpu.memory_space<vmem_shared>>) target(%dma_start3A_50 : memref<640x128xf32, #tpu.memory_space<hbm>>) target_semaphore(%run_scoped3A : memref<!tpu.dma_semaphore, #tpu.memory_space<semaphore_mem>>)
      %dma_wait3A = arith.constant 0 : i32
      %dma_wait3A_53 = tpu.memref_slice %arg11[%add3A_20, %dma_wait3A] : memref<40960x128xf32, #tpu.memory_space<hbm>> -> memref<640x128xf32, #tpu.memory_space<hbm>>
      %dma_wait3A_54 = arith.constant 0 : i32
      %dma_wait3A_55 = tpu.memref_slice %arg17[%mul3A_14, %dma_wait3A_54] : memref<10240x128xf32, #tpu.memory_space<vmem_shared>> -> memref<640x128xf32, #tpu.memory_space<vmem_shared>>
      tpu.wait_dma2 semaphore(%run_scoped3A : memref<!tpu.dma_semaphore, #tpu.memory_space<semaphore_mem>>) src(%dma_wait3A_55 : memref<640x128xf32, #tpu.memory_space<vmem_shared>>) dst(%dma_wait3A_53 : memref<640x128xf32, #tpu.memory_space<hbm>>)
      tpu.yield
    }) : () -> ()
    %barrier3A_21 = arith.constant 0 : index
    tpu.barrier barrier_id(%barrier3A_21)
    %mul3A_22 = arith.constant 640 : i32
    %mul3A_23 = arith.muli %arg1, %mul3A_22 : i32
    "tpu.region"() ({
      %run_scoped3A = tpu.sem_alloc : memref<!tpu.dma_semaphore, #tpu.memory_space<semaphore_mem>>
      %dma_start3A = arith.constant 0 : i32
      %dma_start3A_50 = tpu.memref_slice %arg17[%mul3A_23, %dma_start3A] : memref<10240x128xf32, #tpu.memory_space<vmem_shared>> -> memref<640x128xf32, #tpu.memory_space<vmem_shared>>
      tpu.enqueue_dma source(%arg10 : memref<640x128xf32, #tpu.memory_space<hbm>>) target(%dma_start3A_50 : memref<640x128xf32, #tpu.memory_space<vmem_shared>>) target_semaphore(%run_scoped3A : memref<!tpu.dma_semaphore, #tpu.memory_space<semaphore_mem>>)
      %dma_wait3A = arith.constant 0 : i32
      %dma_wait3A_51 = tpu.memref_slice %arg17[%mul3A_23, %dma_wait3A] : memref<10240x128xf32, #tpu.memory_space<vmem_shared>> -> memref<640x128xf32, #tpu.memory_space<vmem_shared>>
      tpu.wait_dma2 semaphore(%run_scoped3A : memref<!tpu.dma_semaphore, #tpu.memory_space<semaphore_mem>>) src(%arg10 : memref<640x128xf32, #tpu.memory_space<hbm>>) dst(%dma_wait3A_51 : memref<640x128xf32, #tpu.memory_space<vmem_shared>>)
      tpu.yield
    }) : () -> ()
    %barrier3A_24 = arith.constant 0 : index
    tpu.barrier barrier_id(%barrier3A_24)
    %mul3A_25 = arith.constant 40 : i32
    %mul3A_26 = arith.muli %arg1, %mul3A_25 : i32
    %mul3A_27 = arith.constant 128 : i32
    %mul3A_28 = arith.muli %mul3A_26, %mul3A_27 : i32
    %eq3A_29 = arith.constant 0 : i32
    %eq3A_30 = arith.cmpi eq, %arg0, %eq3A_29 : i32
    %convert_element_type3A_31 = arith.extui %eq3A_30 : i1 to i32
    %cond3A_32 = arith.constant 0 : i32
    %cond3A_33 = arith.cmpi ne, %convert_element_type3A_31, %cond3A_32 : i32
    scf.if %cond3A_33 {
      "tpu.region"() ({
        %run_scoped3A = tpu.sem_alloc : memref<!tpu.dma_semaphore, #tpu.memory_space<semaphore_mem>>
        %dma_start3A_57 = tpu.memref_slice %arg8[%mul3A_28] : memref<81920xi32, #tpu.memory_space<hbm>> -> memref<128xi32, #tpu.memory_space<hbm>>
        %dma_start3A_58 = tpu.memref_slice %arg8[%mul3A_28] : memref<81920xi32, #tpu.memory_space<hbm>> -> memref<128xi32, #tpu.memory_space<hbm>>
        tpu.enqueue_dma source(%dma_start3A_58 : memref<128xi32, #tpu.memory_space<hbm>>) target(%arg12 : memref<128xi32, #tpu.memory_space<vmem>>) target_semaphore(%run_scoped3A : memref<!tpu.dma_semaphore, #tpu.memory_space<semaphore_mem>>)
        %dma_wait3A = tpu.memref_slice %arg8[%mul3A_28] : memref<81920xi32, #tpu.memory_space<hbm>> -> memref<128xi32, #tpu.memory_space<hbm>>
        %dma_wait3A_59 = tpu.memref_slice %arg8[%mul3A_28] : memref<81920xi32, #tpu.memory_space<hbm>> -> memref<128xi32, #tpu.memory_space<hbm>>
        tpu.wait_dma2 semaphore(%run_scoped3A : memref<!tpu.dma_semaphore, #tpu.memory_space<semaphore_mem>>) src(%dma_wait3A_59 : memref<128xi32, #tpu.memory_space<hbm>>) dst(%arg12 : memref<128xi32, #tpu.memory_space<vmem>>)
        tpu.yield
      }) : () -> ()
      %dma_start3A = arith.constant 0 : i32
      %dma_start3A_50 = arith.constant 0 : i32
      %dma_start3A_51 = tpu.memref_slice %arg4[%dma_start3A, %dma_start3A_50] : memref<10240x128xf32, #tpu.memory_space<hbm>> -> memref<10240x128xf32, #tpu.memory_space<hbm>>
      tpu.enqueue_indirect_dma source(%dma_start3A_51 : memref<10240x128xf32, #tpu.memory_space<hbm>>) target(%arg15 : memref<128x128xf32, #tpu.memory_space<vmem>>) offsets(%arg12 : memref<128xi32, #tpu.memory_space<vmem>>) semaphore(%arg18 : memref<!tpu.dma_semaphore, #tpu.memory_space<semaphore_mem>>)
      %scan3A = arith.constant 0 : i32
      %scan3A_52 = arith.constant 0 : i32
      %scan3A_53 = arith.constant 20 : i32
      %scan3A_54 = arith.addi %scan3A_52, %scan3A_53 : i32
      %scan3A_55 = arith.constant 1 : i32
      scf.for %scan3A_57 = %scan3A_52 to %scan3A_54 step %scan3A_55  : i32 {
        %mul3A_58 = arith.constant 2 : i32
        %mul3A_59 = arith.muli %mul3A_58, %scan3A_57 : i32
        %add3A_60 = arith.constant 1 : i32
        %add3A_61 = arith.addi %mul3A_59, %add3A_60 : i32
        %mul3A_62 = arith.constant 128 : i32
        %mul3A_63 = arith.muli %add3A_61, %mul3A_62 : i32
        %add3A_64 = arith.addi %mul3A_28, %mul3A_63 : i32
        "tpu.region"() ({
          %run_scoped3A = tpu.sem_alloc : memref<!tpu.dma_semaphore, #tpu.memory_space<semaphore_mem>>
          %dma_start3A_85 = tpu.memref_slice %arg8[%add3A_64] : memref<81920xi32, #tpu.memory_space<hbm>> -> memref<128xi32, #tpu.memory_space<hbm>>
          %dma_start3A_86 = tpu.memref_slice %arg8[%add3A_64] : memref<81920xi32, #tpu.memory_space<hbm>> -> memref<128xi32, #tpu.memory_space<hbm>>
          tpu.enqueue_dma source(%dma_start3A_86 : memref<128xi32, #tpu.memory_space<hbm>>) target(%arg13 : memref<128xi32, #tpu.memory_space<vmem>>) target_semaphore(%run_scoped3A : memref<!tpu.dma_semaphore, #tpu.memory_space<semaphore_mem>>)
          %dma_wait3A_87 = tpu.memref_slice %arg8[%add3A_64] : memref<81920xi32, #tpu.memory_space<hbm>> -> memref<128xi32, #tpu.memory_space<hbm>>
          %dma_wait3A_88 = tpu.memref_slice %arg8[%add3A_64] : memref<81920xi32, #tpu.memory_space<hbm>> -> memref<128xi32, #tpu.memory_space<hbm>>
          tpu.wait_dma2 semaphore(%run_scoped3A : memref<!tpu.dma_semaphore, #tpu.memory_space<semaphore_mem>>) src(%dma_wait3A_88 : memref<128xi32, #tpu.memory_space<hbm>>) dst(%arg13 : memref<128xi32, #tpu.memory_space<vmem>>)
          tpu.yield
        }) : () -> ()
        %dma_start3A_65 = arith.constant 0 : i32
        %dma_start3A_66 = arith.constant 0 : i32
        %dma_start3A_67 = tpu.memref_slice %arg4[%dma_start3A_65, %dma_start3A_66] : memref<10240x128xf32, #tpu.memory_space<hbm>> -> memref<10240x128xf32, #tpu.memory_space<hbm>>
        tpu.enqueue_indirect_dma source(%dma_start3A_67 : memref<10240x128xf32, #tpu.memory_space<hbm>>) target(%arg16 : memref<128x128xf32, #tpu.memory_space<vmem>>) offsets(%arg13 : memref<128xi32, #tpu.memory_space<vmem>>) semaphore(%arg19 : memref<!tpu.dma_semaphore, #tpu.memory_space<semaphore_mem>>)
        %dma_wait3A = arith.constant 0 : i32
        %dma_wait3A_68 = arith.constant 0 : i32
        %dma_wait3A_69 = tpu.memref_slice %arg4[%dma_wait3A, %dma_wait3A_68] : memref<10240x128xf32, #tpu.memory_space<hbm>> -> memref<10240x128xf32, #tpu.memory_space<hbm>>
        tpu.wait_indirect_dma semaphore(%arg18 : memref<!tpu.dma_semaphore, #tpu.memory_space<semaphore_mem>>) src(%dma_wait3A_69 : memref<10240x128xf32, #tpu.memory_space<hbm>>) dst(%arg15 : memref<128x128xf32, #tpu.memory_space<vmem>>)
        %mul3A_70 = arith.constant 128 : i32
        %mul3A_71 = arith.muli %mul3A_59, %mul3A_70 : i32
        %add3A_72 = arith.addi %mul3A_28, %mul3A_71 : i32
        "tpu.region"() ({
          %run_scoped3A = tpu.sem_alloc : memref<!tpu.dma_semaphore, #tpu.memory_space<semaphore_mem>>
          %dma_start3A_85 = tpu.memref_slice %arg9[%add3A_72] : memref<81920xi32, #tpu.memory_space<hbm>> -> memref<128xi32, #tpu.memory_space<hbm>>
          %dma_start3A_86 = tpu.memref_slice %arg9[%add3A_72] : memref<81920xi32, #tpu.memory_space<hbm>> -> memref<128xi32, #tpu.memory_space<hbm>>
          tpu.enqueue_dma source(%dma_start3A_86 : memref<128xi32, #tpu.memory_space<hbm>>) target(%arg14 : memref<128xi32, #tpu.memory_space<vmem>>) target_semaphore(%run_scoped3A : memref<!tpu.dma_semaphore, #tpu.memory_space<semaphore_mem>>)
          %dma_wait3A_87 = tpu.memref_slice %arg9[%add3A_72] : memref<81920xi32, #tpu.memory_space<hbm>> -> memref<128xi32, #tpu.memory_space<hbm>>
          %dma_wait3A_88 = tpu.memref_slice %arg9[%add3A_72] : memref<81920xi32, #tpu.memory_space<hbm>> -> memref<128xi32, #tpu.memory_space<hbm>>
          tpu.wait_dma2 semaphore(%run_scoped3A : memref<!tpu.dma_semaphore, #tpu.memory_space<semaphore_mem>>) src(%dma_wait3A_88 : memref<128xi32, #tpu.memory_space<hbm>>) dst(%arg14 : memref<128xi32, #tpu.memory_space<vmem>>)
          tpu.yield
        }) : () -> ()
        "tpu.region"() ({
          %run_scoped3A = tpu.sem_alloc : memref<!tpu.dma_semaphore, #tpu.memory_space<semaphore_mem>>
          %dma_start3A_85 = arith.constant 0 : i32
          %dma_start3A_86 = arith.constant 0 : i32
          %dma_start3A_87 = tpu.memref_slice %arg17[%dma_start3A_85, %dma_start3A_86] : memref<10240x128xf32, #tpu.memory_space<vmem_shared>> -> memref<10240x128xf32, #tpu.memory_space<vmem_shared>>
          tpu.enqueue_indirect_dma source(%arg15 : memref<128x128xf32, #tpu.memory_space<vmem>>) target(%dma_start3A_87 : memref<10240x128xf32, #tpu.memory_space<vmem_shared>>) offsets(%arg14 : memref<128xi32, #tpu.memory_space<vmem>>) semaphore(%run_scoped3A : memref<!tpu.dma_semaphore, #tpu.memory_space<semaphore_mem>>) {add = true}
          %dma_wait3A_88 = arith.constant 0 : i32
          %dma_wait3A_89 = arith.constant 0 : i32
          %dma_wait3A_90 = tpu.memref_slice %arg17[%dma_wait3A_88, %dma_wait3A_89] : memref<10240x128xf32, #tpu.memory_space<vmem_shared>> -> memref<10240x128xf32, #tpu.memory_space<vmem_shared>>
          tpu.wait_indirect_dma semaphore(%run_scoped3A : memref<!tpu.dma_semaphore, #tpu.memory_space<semaphore_mem>>) src(%arg15 : memref<128x128xf32, #tpu.memory_space<vmem>>) dst(%dma_wait3A_90 : memref<10240x128xf32, #tpu.memory_space<vmem_shared>>)
          tpu.yield
        }) : () -> ()
        %lt3A = arith.constant 19 : i32
        %lt3A_73 = arith.cmpi slt, %scan3A_57, %lt3A : i32
        %convert_element_type3A_74 = arith.extui %lt3A_73 : i1 to i32
        %cond3A_75 = arith.constant 0 : i32
        %cond3A_76 = arith.cmpi ne, %convert_element_type3A_74, %cond3A_75 : i32
        scf.if %cond3A_76 {
          %add3A_85 = arith.constant 2 : i32
          %add3A_86 = arith.addi %mul3A_59, %add3A_85 : i32
          %mul3A_87 = arith.constant 128 : i32
          %mul3A_88 = arith.muli %add3A_86, %mul3A_87 : i32
          %add3A_89 = arith.addi %mul3A_28, %mul3A_88 : i32
          "tpu.region"() ({
            %run_scoped3A = tpu.sem_alloc : memref<!tpu.dma_semaphore, #tpu.memory_space<semaphore_mem>>
            %dma_start3A_93 = tpu.memref_slice %arg8[%add3A_89] : memref<81920xi32, #tpu.memory_space<hbm>> -> memref<128xi32, #tpu.memory_space<hbm>>
            %dma_start3A_94 = tpu.memref_slice %arg8[%add3A_89] : memref<81920xi32, #tpu.memory_space<hbm>> -> memref<128xi32, #tpu.memory_space<hbm>>
            tpu.enqueue_dma source(%dma_start3A_94 : memref<128xi32, #tpu.memory_space<hbm>>) target(%arg12 : memref<128xi32, #tpu.memory_space<vmem>>) target_semaphore(%run_scoped3A : memref<!tpu.dma_semaphore, #tpu.memory_space<semaphore_mem>>)
            %dma_wait3A_95 = tpu.memref_slice %arg8[%add3A_89] : memref<81920xi32, #tpu.memory_space<hbm>> -> memref<128xi32, #tpu.memory_space<hbm>>
            %dma_wait3A_96 = tpu.memref_slice %arg8[%add3A_89] : memref<81920xi32, #tpu.memory_space<hbm>> -> memref<128xi32, #tpu.memory_space<hbm>>
            tpu.wait_dma2 semaphore(%run_scoped3A : memref<!tpu.dma_semaphore, #tpu.memory_space<semaphore_mem>>) src(%dma_wait3A_96 : memref<128xi32, #tpu.memory_space<hbm>>) dst(%arg12 : memref<128xi32, #tpu.memory_space<vmem>>)
            tpu.yield
          }) : () -> ()
          %dma_start3A_90 = arith.constant 0 : i32
          %dma_start3A_91 = arith.constant 0 : i32
          %dma_start3A_92 = tpu.memref_slice %arg4[%dma_start3A_90, %dma_start3A_91] : memref<10240x128xf32, #tpu.memory_space<hbm>> -> memref<10240x128xf32, #tpu.memory_space<hbm>>
          tpu.enqueue_indirect_dma source(%dma_start3A_92 : memref<10240x128xf32, #tpu.memory_space<hbm>>) target(%arg15 : memref<128x128xf32, #tpu.memory_space<vmem>>) offsets(%arg12 : memref<128xi32, #tpu.memory_space<vmem>>) semaphore(%arg18 : memref<!tpu.dma_semaphore, #tpu.memory_space<semaphore_mem>>)
        } else {
        }
        %dma_wait3A_77 = arith.constant 0 : i32
        %dma_wait3A_78 = arith.constant 0 : i32
        %dma_wait3A_79 = tpu.memref_slice %arg4[%dma_wait3A_77, %dma_wait3A_78] : memref<10240x128xf32, #tpu.memory_space<hbm>> -> memref<10240x128xf32, #tpu.memory_space<hbm>>
        tpu.wait_indirect_dma semaphore(%arg19 : memref<!tpu.dma_semaphore, #tpu.memory_space<semaphore_mem>>) src(%dma_wait3A_79 : memref<10240x128xf32, #tpu.memory_space<hbm>>) dst(%arg16 : memref<128x128xf32, #tpu.memory_space<vmem>>)
        %add3A_80 = arith.constant 1 : i32
        %add3A_81 = arith.addi %mul3A_59, %add3A_80 : i32
        %mul3A_82 = arith.constant 128 : i32
        %mul3A_83 = arith.muli %add3A_81, %mul3A_82 : i32
        %add3A_84 = arith.addi %mul3A_28, %mul3A_83 : i32
        "tpu.region"() ({
          %run_scoped3A = tpu.sem_alloc : memref<!tpu.dma_semaphore, #tpu.memory_space<semaphore_mem>>
          %dma_start3A_85 = tpu.memref_slice %arg9[%add3A_84] : memref<81920xi32, #tpu.memory_space<hbm>> -> memref<128xi32, #tpu.memory_space<hbm>>
          %dma_start3A_86 = tpu.memref_slice %arg9[%add3A_84] : memref<81920xi32, #tpu.memory_space<hbm>> -> memref<128xi32, #tpu.memory_space<hbm>>
          tpu.enqueue_dma source(%dma_start3A_86 : memref<128xi32, #tpu.memory_space<hbm>>) target(%arg14 : memref<128xi32, #tpu.memory_space<vmem>>) target_semaphore(%run_scoped3A : memref<!tpu.dma_semaphore, #tpu.memory_space<semaphore_mem>>)
          %dma_wait3A_87 = tpu.memref_slice %arg9[%add3A_84] : memref<81920xi32, #tpu.memory_space<hbm>> -> memref<128xi32, #tpu.memory_space<hbm>>
          %dma_wait3A_88 = tpu.memref_slice %arg9[%add3A_84] : memref<81920xi32, #tpu.memory_space<hbm>> -> memref<128xi32, #tpu.memory_space<hbm>>
          tpu.wait_dma2 semaphore(%run_scoped3A : memref<!tpu.dma_semaphore, #tpu.memory_space<semaphore_mem>>) src(%dma_wait3A_88 : memref<128xi32, #tpu.memory_space<hbm>>) dst(%arg14 : memref<128xi32, #tpu.memory_space<vmem>>)
          tpu.yield
        }) : () -> ()
        "tpu.region"() ({
          %run_scoped3A = tpu.sem_alloc : memref<!tpu.dma_semaphore, #tpu.memory_space<semaphore_mem>>
          %dma_start3A_85 = arith.constant 0 : i32
          %dma_start3A_86 = arith.constant 0 : i32
          %dma_start3A_87 = tpu.memref_slice %arg17[%dma_start3A_85, %dma_start3A_86] : memref<10240x128xf32, #tpu.memory_space<vmem_shared>> -> memref<10240x128xf32, #tpu.memory_space<vmem_shared>>
          tpu.enqueue_indirect_dma source(%arg16 : memref<128x128xf32, #tpu.memory_space<vmem>>) target(%dma_start3A_87 : memref<10240x128xf32, #tpu.memory_space<vmem_shared>>) offsets(%arg14 : memref<128xi32, #tpu.memory_space<vmem>>) semaphore(%run_scoped3A : memref<!tpu.dma_semaphore, #tpu.memory_space<semaphore_mem>>) {add = true}
          %dma_wait3A_88 = arith.constant 0 : i32
          %dma_wait3A_89 = arith.constant 0 : i32
          %dma_wait3A_90 = tpu.memref_slice %arg17[%dma_wait3A_88, %dma_wait3A_89] : memref<10240x128xf32, #tpu.memory_space<vmem_shared>> -> memref<10240x128xf32, #tpu.memory_space<vmem_shared>>
          tpu.wait_indirect_dma semaphore(%run_scoped3A : memref<!tpu.dma_semaphore, #tpu.memory_space<semaphore_mem>>) src(%arg16 : memref<128x128xf32, #tpu.memory_space<vmem>>) dst(%dma_wait3A_90 : memref<10240x128xf32, #tpu.memory_space<vmem_shared>>)
          tpu.yield
        }) : () -> ()
      }
      %scan3A_56 = arith.constant 20 : i32
    } else {
    }
    %eq3A_34 = arith.constant 1 : i32
    %eq3A_35 = arith.cmpi eq, %arg0, %eq3A_34 : i32
    %convert_element_type3A_36 = arith.extui %eq3A_35 : i1 to i32
    %cond3A_37 = arith.constant 0 : i32
    %cond3A_38 = arith.cmpi ne, %convert_element_type3A_36, %cond3A_37 : i32
    scf.if %cond3A_38 {
      "tpu.region"() ({
        %run_scoped3A = tpu.sem_alloc : memref<!tpu.dma_semaphore, #tpu.memory_space<semaphore_mem>>
        %dma_start3A_57 = tpu.memref_slice %arg8[%mul3A_28] : memref<81920xi32, #tpu.memory_space<hbm>> -> memref<128xi32, #tpu.memory_space<hbm>>
        %dma_start3A_58 = tpu.memref_slice %arg8[%mul3A_28] : memref<81920xi32, #tpu.memory_space<hbm>> -> memref<128xi32, #tpu.memory_space<hbm>>
        tpu.enqueue_dma source(%dma_start3A_58 : memref<128xi32, #tpu.memory_space<hbm>>) target(%arg12 : memref<128xi32, #tpu.memory_space<vmem>>) target_semaphore(%run_scoped3A : memref<!tpu.dma_semaphore, #tpu.memory_space<semaphore_mem>>)
        %dma_wait3A = tpu.memref_slice %arg8[%mul3A_28] : memref<81920xi32, #tpu.memory_space<hbm>> -> memref<128xi32, #tpu.memory_space<hbm>>
        %dma_wait3A_59 = tpu.memref_slice %arg8[%mul3A_28] : memref<81920xi32, #tpu.memory_space<hbm>> -> memref<128xi32, #tpu.memory_space<hbm>>
        tpu.wait_dma2 semaphore(%run_scoped3A : memref<!tpu.dma_semaphore, #tpu.memory_space<semaphore_mem>>) src(%dma_wait3A_59 : memref<128xi32, #tpu.memory_space<hbm>>) dst(%arg12 : memref<128xi32, #tpu.memory_space<vmem>>)
        tpu.yield
      }) : () -> ()
      %dma_start3A = arith.constant 0 : i32
      %dma_start3A_50 = arith.constant 0 : i32
      %dma_start3A_51 = tpu.memref_slice %arg5[%dma_start3A, %dma_start3A_50] : memref<10240x128xf32, #tpu.memory_space<hbm>> -> memref<10240x128xf32, #tpu.memory_space<hbm>>
      tpu.enqueue_indirect_dma source(%dma_start3A_51 : memref<10240x128xf32, #tpu.memory_space<hbm>>) target(%arg15 : memref<128x128xf32, #tpu.memory_space<vmem>>) offsets(%arg12 : memref<128xi32, #tpu.memory_space<vmem>>) semaphore(%arg18 : memref<!tpu.dma_semaphore, #tpu.memory_space<semaphore_mem>>)
      %scan3A = arith.constant 0 : i32
      %scan3A_52 = arith.constant 0 : i32
      %scan3A_53 = arith.constant 20 : i32
      %scan3A_54 = arith.addi %scan3A_52, %scan3A_53 : i32
      %scan3A_55 = arith.constant 1 : i32
      scf.for %scan3A_57 = %scan3A_52 to %scan3A_54 step %scan3A_55  : i32 {
        %mul3A_58 = arith.constant 2 : i32
        %mul3A_59 = arith.muli %mul3A_58, %scan3A_57 : i32
        %add3A_60 = arith.constant 1 : i32
        %add3A_61 = arith.addi %mul3A_59, %add3A_60 : i32
        %mul3A_62 = arith.constant 128 : i32
        %mul3A_63 = arith.muli %add3A_61, %mul3A_62 : i32
        %add3A_64 = arith.addi %mul3A_28, %mul3A_63 : i32
        "tpu.region"() ({
          %run_scoped3A = tpu.sem_alloc : memref<!tpu.dma_semaphore, #tpu.memory_space<semaphore_mem>>
          %dma_start3A_85 = tpu.memref_slice %arg8[%add3A_64] : memref<81920xi32, #tpu.memory_space<hbm>> -> memref<128xi32, #tpu.memory_space<hbm>>
          %dma_start3A_86 = tpu.memref_slice %arg8[%add3A_64] : memref<81920xi32, #tpu.memory_space<hbm>> -> memref<128xi32, #tpu.memory_space<hbm>>
          tpu.enqueue_dma source(%dma_start3A_86 : memref<128xi32, #tpu.memory_space<hbm>>) target(%arg13 : memref<128xi32, #tpu.memory_space<vmem>>) target_semaphore(%run_scoped3A : memref<!tpu.dma_semaphore, #tpu.memory_space<semaphore_mem>>)
          %dma_wait3A_87 = tpu.memref_slice %arg8[%add3A_64] : memref<81920xi32, #tpu.memory_space<hbm>> -> memref<128xi32, #tpu.memory_space<hbm>>
          %dma_wait3A_88 = tpu.memref_slice %arg8[%add3A_64] : memref<81920xi32, #tpu.memory_space<hbm>> -> memref<128xi32, #tpu.memory_space<hbm>>
          tpu.wait_dma2 semaphore(%run_scoped3A : memref<!tpu.dma_semaphore, #tpu.memory_space<semaphore_mem>>) src(%dma_wait3A_88 : memref<128xi32, #tpu.memory_space<hbm>>) dst(%arg13 : memref<128xi32, #tpu.memory_space<vmem>>)
          tpu.yield
        }) : () -> ()
        %dma_start3A_65 = arith.constant 0 : i32
        %dma_start3A_66 = arith.constant 0 : i32
        %dma_start3A_67 = tpu.memref_slice %arg5[%dma_start3A_65, %dma_start3A_66] : memref<10240x128xf32, #tpu.memory_space<hbm>> -> memref<10240x128xf32, #tpu.memory_space<hbm>>
        tpu.enqueue_indirect_dma source(%dma_start3A_67 : memref<10240x128xf32, #tpu.memory_space<hbm>>) target(%arg16 : memref<128x128xf32, #tpu.memory_space<vmem>>) offsets(%arg13 : memref<128xi32, #tpu.memory_space<vmem>>) semaphore(%arg19 : memref<!tpu.dma_semaphore, #tpu.memory_space<semaphore_mem>>)
        %dma_wait3A = arith.constant 0 : i32
        %dma_wait3A_68 = arith.constant 0 : i32
        %dma_wait3A_69 = tpu.memref_slice %arg5[%dma_wait3A, %dma_wait3A_68] : memref<10240x128xf32, #tpu.memory_space<hbm>> -> memref<10240x128xf32, #tpu.memory_space<hbm>>
        tpu.wait_indirect_dma semaphore(%arg18 : memref<!tpu.dma_semaphore, #tpu.memory_space<semaphore_mem>>) src(%dma_wait3A_69 : memref<10240x128xf32, #tpu.memory_space<hbm>>) dst(%arg15 : memref<128x128xf32, #tpu.memory_space<vmem>>)
        %mul3A_70 = arith.constant 128 : i32
        %mul3A_71 = arith.muli %mul3A_59, %mul3A_70 : i32
        %add3A_72 = arith.addi %mul3A_28, %mul3A_71 : i32
        "tpu.region"() ({
          %run_scoped3A = tpu.sem_alloc : memref<!tpu.dma_semaphore, #tpu.memory_space<semaphore_mem>>
          %dma_start3A_85 = tpu.memref_slice %arg9[%add3A_72] : memref<81920xi32, #tpu.memory_space<hbm>> -> memref<128xi32, #tpu.memory_space<hbm>>
          %dma_start3A_86 = tpu.memref_slice %arg9[%add3A_72] : memref<81920xi32, #tpu.memory_space<hbm>> -> memref<128xi32, #tpu.memory_space<hbm>>
          tpu.enqueue_dma source(%dma_start3A_86 : memref<128xi32, #tpu.memory_space<hbm>>) target(%arg14 : memref<128xi32, #tpu.memory_space<vmem>>) target_semaphore(%run_scoped3A : memref<!tpu.dma_semaphore, #tpu.memory_space<semaphore_mem>>)
          %dma_wait3A_87 = tpu.memref_slice %arg9[%add3A_72] : memref<81920xi32, #tpu.memory_space<hbm>> -> memref<128xi32, #tpu.memory_space<hbm>>
          %dma_wait3A_88 = tpu.memref_slice %arg9[%add3A_72] : memref<81920xi32, #tpu.memory_space<hbm>> -> memref<128xi32, #tpu.memory_space<hbm>>
          tpu.wait_dma2 semaphore(%run_scoped3A : memref<!tpu.dma_semaphore, #tpu.memory_space<semaphore_mem>>) src(%dma_wait3A_88 : memref<128xi32, #tpu.memory_space<hbm>>) dst(%arg14 : memref<128xi32, #tpu.memory_space<vmem>>)
          tpu.yield
        }) : () -> ()
        "tpu.region"() ({
          %run_scoped3A = tpu.sem_alloc : memref<!tpu.dma_semaphore, #tpu.memory_space<semaphore_mem>>
          %dma_start3A_85 = arith.constant 0 : i32
          %dma_start3A_86 = arith.constant 0 : i32
          %dma_start3A_87 = tpu.memref_slice %arg17[%dma_start3A_85, %dma_start3A_86] : memref<10240x128xf32, #tpu.memory_space<vmem_shared>> -> memref<10240x128xf32, #tpu.memory_space<vmem_shared>>
          tpu.enqueue_indirect_dma source(%arg15 : memref<128x128xf32, #tpu.memory_space<vmem>>) target(%dma_start3A_87 : memref<10240x128xf32, #tpu.memory_space<vmem_shared>>) offsets(%arg14 : memref<128xi32, #tpu.memory_space<vmem>>) semaphore(%run_scoped3A : memref<!tpu.dma_semaphore, #tpu.memory_space<semaphore_mem>>) {add = true}
          %dma_wait3A_88 = arith.constant 0 : i32
          %dma_wait3A_89 = arith.constant 0 : i32
          %dma_wait3A_90 = tpu.memref_slice %arg17[%dma_wait3A_88, %dma_wait3A_89] : memref<10240x128xf32, #tpu.memory_space<vmem_shared>> -> memref<10240x128xf32, #tpu.memory_space<vmem_shared>>
          tpu.wait_indirect_dma semaphore(%run_scoped3A : memref<!tpu.dma_semaphore, #tpu.memory_space<semaphore_mem>>) src(%arg15 : memref<128x128xf32, #tpu.memory_space<vmem>>) dst(%dma_wait3A_90 : memref<10240x128xf32, #tpu.memory_space<vmem_shared>>)
          tpu.yield
        }) : () -> ()
        %lt3A = arith.constant 19 : i32
        %lt3A_73 = arith.cmpi slt, %scan3A_57, %lt3A : i32
        %convert_element_type3A_74 = arith.extui %lt3A_73 : i1 to i32
        %cond3A_75 = arith.constant 0 : i32
        %cond3A_76 = arith.cmpi ne, %convert_element_type3A_74, %cond3A_75 : i32
        scf.if %cond3A_76 {
          %add3A_85 = arith.constant 2 : i32
          %add3A_86 = arith.addi %mul3A_59, %add3A_85 : i32
          %mul3A_87 = arith.constant 128 : i32
          %mul3A_88 = arith.muli %add3A_86, %mul3A_87 : i32
          %add3A_89 = arith.addi %mul3A_28, %mul3A_88 : i32
          "tpu.region"() ({
            %run_scoped3A = tpu.sem_alloc : memref<!tpu.dma_semaphore, #tpu.memory_space<semaphore_mem>>
            %dma_start3A_93 = tpu.memref_slice %arg8[%add3A_89] : memref<81920xi32, #tpu.memory_space<hbm>> -> memref<128xi32, #tpu.memory_space<hbm>>
            %dma_start3A_94 = tpu.memref_slice %arg8[%add3A_89] : memref<81920xi32, #tpu.memory_space<hbm>> -> memref<128xi32, #tpu.memory_space<hbm>>
            tpu.enqueue_dma source(%dma_start3A_94 : memref<128xi32, #tpu.memory_space<hbm>>) target(%arg12 : memref<128xi32, #tpu.memory_space<vmem>>) target_semaphore(%run_scoped3A : memref<!tpu.dma_semaphore, #tpu.memory_space<semaphore_mem>>)
            %dma_wait3A_95 = tpu.memref_slice %arg8[%add3A_89] : memref<81920xi32, #tpu.memory_space<hbm>> -> memref<128xi32, #tpu.memory_space<hbm>>
            %dma_wait3A_96 = tpu.memref_slice %arg8[%add3A_89] : memref<81920xi32, #tpu.memory_space<hbm>> -> memref<128xi32, #tpu.memory_space<hbm>>
            tpu.wait_dma2 semaphore(%run_scoped3A : memref<!tpu.dma_semaphore, #tpu.memory_space<semaphore_mem>>) src(%dma_wait3A_96 : memref<128xi32, #tpu.memory_space<hbm>>) dst(%arg12 : memref<128xi32, #tpu.memory_space<vmem>>)
            tpu.yield
          }) : () -> ()
          %dma_start3A_90 = arith.constant 0 : i32
          %dma_start3A_91 = arith.constant 0 : i32
          %dma_start3A_92 = tpu.memref_slice %arg5[%dma_start3A_90, %dma_start3A_91] : memref<10240x128xf32, #tpu.memory_space<hbm>> -> memref<10240x128xf32, #tpu.memory_space<hbm>>
          tpu.enqueue_indirect_dma source(%dma_start3A_92 : memref<10240x128xf32, #tpu.memory_space<hbm>>) target(%arg15 : memref<128x128xf32, #tpu.memory_space<vmem>>) offsets(%arg12 : memref<128xi32, #tpu.memory_space<vmem>>) semaphore(%arg18 : memref<!tpu.dma_semaphore, #tpu.memory_space<semaphore_mem>>)
        } else {
        }
        %dma_wait3A_77 = arith.constant 0 : i32
        %dma_wait3A_78 = arith.constant 0 : i32
        %dma_wait3A_79 = tpu.memref_slice %arg5[%dma_wait3A_77, %dma_wait3A_78] : memref<10240x128xf32, #tpu.memory_space<hbm>> -> memref<10240x128xf32, #tpu.memory_space<hbm>>
        tpu.wait_indirect_dma semaphore(%arg19 : memref<!tpu.dma_semaphore, #tpu.memory_space<semaphore_mem>>) src(%dma_wait3A_79 : memref<10240x128xf32, #tpu.memory_space<hbm>>) dst(%arg16 : memref<128x128xf32, #tpu.memory_space<vmem>>)
        %add3A_80 = arith.constant 1 : i32
        %add3A_81 = arith.addi %mul3A_59, %add3A_80 : i32
        %mul3A_82 = arith.constant 128 : i32
        %mul3A_83 = arith.muli %add3A_81, %mul3A_82 : i32
        %add3A_84 = arith.addi %mul3A_28, %mul3A_83 : i32
        "tpu.region"() ({
          %run_scoped3A = tpu.sem_alloc : memref<!tpu.dma_semaphore, #tpu.memory_space<semaphore_mem>>
          %dma_start3A_85 = tpu.memref_slice %arg9[%add3A_84] : memref<81920xi32, #tpu.memory_space<hbm>> -> memref<128xi32, #tpu.memory_space<hbm>>
          %dma_start3A_86 = tpu.memref_slice %arg9[%add3A_84] : memref<81920xi32, #tpu.memory_space<hbm>> -> memref<128xi32, #tpu.memory_space<hbm>>
          tpu.enqueue_dma source(%dma_start3A_86 : memref<128xi32, #tpu.memory_space<hbm>>) target(%arg14 : memref<128xi32, #tpu.memory_space<vmem>>) target_semaphore(%run_scoped3A : memref<!tpu.dma_semaphore, #tpu.memory_space<semaphore_mem>>)
          %dma_wait3A_87 = tpu.memref_slice %arg9[%add3A_84] : memref<81920xi32, #tpu.memory_space<hbm>> -> memref<128xi32, #tpu.memory_space<hbm>>
          %dma_wait3A_88 = tpu.memref_slice %arg9[%add3A_84] : memref<81920xi32, #tpu.memory_space<hbm>> -> memref<128xi32, #tpu.memory_space<hbm>>
          tpu.wait_dma2 semaphore(%run_scoped3A : memref<!tpu.dma_semaphore, #tpu.memory_space<semaphore_mem>>) src(%dma_wait3A_88 : memref<128xi32, #tpu.memory_space<hbm>>) dst(%arg14 : memref<128xi32, #tpu.memory_space<vmem>>)
          tpu.yield
        }) : () -> ()
        "tpu.region"() ({
          %run_scoped3A = tpu.sem_alloc : memref<!tpu.dma_semaphore, #tpu.memory_space<semaphore_mem>>
          %dma_start3A_85 = arith.constant 0 : i32
          %dma_start3A_86 = arith.constant 0 : i32
          %dma_start3A_87 = tpu.memref_slice %arg17[%dma_start3A_85, %dma_start3A_86] : memref<10240x128xf32, #tpu.memory_space<vmem_shared>> -> memref<10240x128xf32, #tpu.memory_space<vmem_shared>>
          tpu.enqueue_indirect_dma source(%arg16 : memref<128x128xf32, #tpu.memory_space<vmem>>) target(%dma_start3A_87 : memref<10240x128xf32, #tpu.memory_space<vmem_shared>>) offsets(%arg14 : memref<128xi32, #tpu.memory_space<vmem>>) semaphore(%run_scoped3A : memref<!tpu.dma_semaphore, #tpu.memory_space<semaphore_mem>>) {add = true}
          %dma_wait3A_88 = arith.constant 0 : i32
          %dma_wait3A_89 = arith.constant 0 : i32
          %dma_wait3A_90 = tpu.memref_slice %arg17[%dma_wait3A_88, %dma_wait3A_89] : memref<10240x128xf32, #tpu.memory_space<vmem_shared>> -> memref<10240x128xf32, #tpu.memory_space<vmem_shared>>
          tpu.wait_indirect_dma semaphore(%run_scoped3A : memref<!tpu.dma_semaphore, #tpu.memory_space<semaphore_mem>>) src(%arg16 : memref<128x128xf32, #tpu.memory_space<vmem>>) dst(%dma_wait3A_90 : memref<10240x128xf32, #tpu.memory_space<vmem_shared>>)
          tpu.yield
        }) : () -> ()
      }
      %scan3A_56 = arith.constant 20 : i32
    } else {
    }
    %barrier3A_39 = arith.constant 0 : index
    tpu.barrier barrier_id(%barrier3A_39)
    %mul3A_40 = arith.constant 640 : i32
    %mul3A_41 = arith.muli %arg1, %mul3A_40 : i32
    %add3A_42 = arith.constant 2 : i32
    %add3A_43 = arith.addi %add3A_42, %arg0 : i32
    %mul3A_44 = arith.constant 10240 : i32
    %mul3A_45 = arith.muli %add3A_43, %mul3A_44 : i32
    %mul3A_46 = arith.constant 640 : i32
    %mul3A_47 = arith.muli %arg1, %mul3A_46 : i32
    %add3A_48 = arith.addi %mul3A_45, %mul3A_47 : i32
    "tpu.region"() ({
      %run_scoped3A = tpu.sem_alloc : memref<!tpu.dma_semaphore, #tpu.memory_space<semaphore_mem>>
      %dma_start3A = arith.constant 0 : i32
      %dma_start3A_50 = tpu.memref_slice %arg11[%add3A_48, %dma_start3A] : memref<40960x128xf32, #tpu.memory_space<hbm>> -> memref<640x128xf32, #tpu.memory_space<hbm>>
      %dma_start3A_51 = arith.constant 0 : i32
      %dma_start3A_52 = tpu.memref_slice %arg17[%mul3A_41, %dma_start3A_51] : memref<10240x128xf32, #tpu.memory_space<vmem_shared>> -> memref<640x128xf32, #tpu.memory_space<vmem_shared>>
      tpu.enqueue_dma source(%dma_start3A_52 : memref<640x128xf32, #tpu.memory_space<vmem_shared>>) target(%dma_start3A_50 : memref<640x128xf32, #tpu.memory_space<hbm>>) target_semaphore(%run_scoped3A : memref<!tpu.dma_semaphore, #tpu.memory_space<semaphore_mem>>)
      %dma_wait3A = arith.constant 0 : i32
      %dma_wait3A_53 = tpu.memref_slice %arg11[%add3A_48, %dma_wait3A] : memref<40960x128xf32, #tpu.memory_space<hbm>> -> memref<640x128xf32, #tpu.memory_space<hbm>>
      %dma_wait3A_54 = arith.constant 0 : i32
      %dma_wait3A_55 = tpu.memref_slice %arg17[%mul3A_41, %dma_wait3A_54] : memref<10240x128xf32, #tpu.memory_space<vmem_shared>> -> memref<640x128xf32, #tpu.memory_space<vmem_shared>>
      tpu.wait_dma2 semaphore(%run_scoped3A : memref<!tpu.dma_semaphore, #tpu.memory_space<semaphore_mem>>) src(%dma_wait3A_55 : memref<640x128xf32, #tpu.memory_space<vmem_shared>>) dst(%dma_wait3A_53 : memref<640x128xf32, #tpu.memory_space<hbm>>)
      tpu.yield
    }) : () -> ()
    %barrier3A_49 = arith.constant 0 : index
    tpu.barrier barrier_id(%barrier3A_49)
    return
  }
}

#map = affine_map<(d0, d1) -> (0, 0)>
#map1 = affine_map<(d0, d1) -> (0)>
module attributes {stable_mosaic.version = 14 : i64} {
  func.func @_sc_agg_body(%arg0: i32, %arg1: i32, %arg2: memref<10240x128xf32, #tpu.memory_space<hbm>>, %arg3: memref<10240x128xf32, #tpu.memory_space<hbm>>, %arg4: memref<10240x128xf32, #tpu.memory_space<hbm>>, %arg5: memref<10240x128xf32, #tpu.memory_space<hbm>>, %arg6: memref<81920xi32, #tpu.memory_space<hbm>>, %arg7: memref<81920xi32, #tpu.memory_space<hbm>>, %arg8: memref<81920xi32, #tpu.memory_space<hbm>>, %arg9: memref<81920xi32, #tpu.memory_space<hbm>>, %arg10: memref<640x128xf32, #tpu.memory_space<hbm>>, %arg11: memref<40960x128xf32, #tpu.memory_space<hbm>>, %arg12: memref<128xi32, #tpu.memory_space<vmem>>, %arg13: memref<128xi32, #tpu.memory_space<vmem>>, %arg14: memref<128xi32, #tpu.memory_space<vmem>>, %arg15: memref<128x128xf32, #tpu.memory_space<vmem>>, %arg16: memref<128x128xf32, #tpu.memory_space<vmem>>, %arg17: memref<10240x128xf32, #tpu.memory_space<vmem_shared>>, %arg18: memref<!tpu.dma_semaphore, #tpu.memory_space<semaphore_mem>>, %arg19: memref<!tpu.dma_semaphore, #tpu.memory_space<semaphore_mem>>) attributes {dimension_semantics = [#tpu.dimension_semantics<core_parallel>, #tpu.dimension_semantics<subcore_parallel>], iteration_bounds = array<i64: 2, 16>, scalar_prefetch = 0 : i64, scratch_operands = 8 : i64, tpu.core_type = #tpu.core_type<sc_vector_subcore>, window_params = [{transform_indices = #map}, {transform_indices = #map}, {transform_indices = #map}, {transform_indices = #map}, {transform_indices = #map1}, {transform_indices = #map1}, {transform_indices = #map1}, {transform_indices = #map1}, {transform_indices = #map}, {transform_indices = #map}]} {
    %mul3A = arith.constant 640 : i32
    %mul3A_0 = arith.muli %arg1, %mul3A : i32
    "tpu.region"() ({
      %run_scoped3A = tpu.sem_alloc : memref<!tpu.dma_semaphore, #tpu.memory_space<semaphore_mem>>
      %dma_start3A = arith.constant 0 : i32
      %dma_start3A_50 = tpu.memref_slice %arg17[%mul3A_0, %dma_start3A] : memref<10240x128xf32, #tpu.memory_space<vmem_shared>> -> memref<640x128xf32, #tpu.memory_space<vmem_shared>>
      tpu.enqueue_dma source(%arg10 : memref<640x128xf32, #tpu.memory_space<hbm>>) target(%dma_start3A_50 : memref<640x128xf32, #tpu.memory_space<vmem_shared>>) target_semaphore(%run_scoped3A : memref<!tpu.dma_semaphore, #tpu.memory_space<semaphore_mem>>)
      %dma_wait3A = arith.constant 0 : i32
      %dma_wait3A_51 = tpu.memref_slice %arg17[%mul3A_0, %dma_wait3A] : memref<10240x128xf32, #tpu.memory_space<vmem_shared>> -> memref<640x128xf32, #tpu.memory_space<vmem_shared>>
      tpu.wait_dma2 semaphore(%run_scoped3A : memref<!tpu.dma_semaphore, #tpu.memory_space<semaphore_mem>>) src(%arg10 : memref<640x128xf32, #tpu.memory_space<hbm>>) dst(%dma_wait3A_51 : memref<640x128xf32, #tpu.memory_space<vmem_shared>>)
      tpu.yield
    }) : () -> ()
    %barrier3A = arith.constant 0 : index
    tpu.barrier barrier_id(%barrier3A)
    %mul3A_1 = arith.constant 40 : i32
    %mul3A_2 = arith.muli %arg1, %mul3A_1 : i32
    %mul3A_3 = arith.constant 128 : i32
    %mul3A_4 = arith.muli %mul3A_2, %mul3A_3 : i32
    %eq3A = arith.constant 0 : i32
    %eq3A_5 = arith.cmpi eq, %arg0, %eq3A : i32
    %convert_element_type3A = arith.extui %eq3A_5 : i1 to i32
    %cond3A = arith.constant 0 : i32
    %cond3A_6 = arith.cmpi ne, %convert_element_type3A, %cond3A : i32
    scf.if %cond3A_6 {
      "tpu.region"() ({
        %run_scoped3A = tpu.sem_alloc : memref<!tpu.dma_semaphore, #tpu.memory_space<semaphore_mem>>
        %dma_start3A_57 = tpu.memref_slice %arg6[%mul3A_4] : memref<81920xi32, #tpu.memory_space<hbm>> -> memref<128xi32, #tpu.memory_space<hbm>>
        %dma_start3A_58 = tpu.memref_slice %arg6[%mul3A_4] : memref<81920xi32, #tpu.memory_space<hbm>> -> memref<128xi32, #tpu.memory_space<hbm>>
        tpu.enqueue_dma source(%dma_start3A_58 : memref<128xi32, #tpu.memory_space<hbm>>) target(%arg12 : memref<128xi32, #tpu.memory_space<vmem>>) target_semaphore(%run_scoped3A : memref<!tpu.dma_semaphore, #tpu.memory_space<semaphore_mem>>)
        %dma_wait3A = tpu.memref_slice %arg6[%mul3A_4] : memref<81920xi32, #tpu.memory_space<hbm>> -> memref<128xi32, #tpu.memory_space<hbm>>
        %dma_wait3A_59 = tpu.memref_slice %arg6[%mul3A_4] : memref<81920xi32, #tpu.memory_space<hbm>> -> memref<128xi32, #tpu.memory_space<hbm>>
        tpu.wait_dma2 semaphore(%run_scoped3A : memref<!tpu.dma_semaphore, #tpu.memory_space<semaphore_mem>>) src(%dma_wait3A_59 : memref<128xi32, #tpu.memory_space<hbm>>) dst(%arg12 : memref<128xi32, #tpu.memory_space<vmem>>)
        tpu.yield
      }) : () -> ()
      %dma_start3A = arith.constant 0 : i32
      %dma_start3A_50 = arith.constant 0 : i32
      %dma_start3A_51 = tpu.memref_slice %arg2[%dma_start3A, %dma_start3A_50] : memref<10240x128xf32, #tpu.memory_space<hbm>> -> memref<10240x128xf32, #tpu.memory_space<hbm>>
      tpu.enqueue_indirect_dma source(%dma_start3A_51 : memref<10240x128xf32, #tpu.memory_space<hbm>>) target(%arg15 : memref<128x128xf32, #tpu.memory_space<vmem>>) offsets(%arg12 : memref<128xi32, #tpu.memory_space<vmem>>) semaphore(%arg18 : memref<!tpu.dma_semaphore, #tpu.memory_space<semaphore_mem>>)
      %scan3A = arith.constant 0 : i32
      %scan3A_52 = arith.constant 0 : i32
      %scan3A_53 = arith.constant 20 : i32
      %scan3A_54 = arith.addi %scan3A_52, %scan3A_53 : i32
      %scan3A_55 = arith.constant 1 : i32
      scf.for %scan3A_57 = %scan3A_52 to %scan3A_54 step %scan3A_55  : i32 {
        %mul3A_58 = arith.constant 2 : i32
        %mul3A_59 = arith.muli %mul3A_58, %scan3A_57 : i32
        %add3A_60 = arith.constant 1 : i32
        %add3A_61 = arith.addi %mul3A_59, %add3A_60 : i32
        %mul3A_62 = arith.constant 128 : i32
        %mul3A_63 = arith.muli %add3A_61, %mul3A_62 : i32
        %add3A_64 = arith.addi %mul3A_4, %mul3A_63 : i32
        "tpu.region"() ({
          %run_scoped3A = tpu.sem_alloc : memref<!tpu.dma_semaphore, #tpu.memory_space<semaphore_mem>>
          %dma_start3A_85 = tpu.memref_slice %arg6[%add3A_64] : memref<81920xi32, #tpu.memory_space<hbm>> -> memref<128xi32, #tpu.memory_space<hbm>>
          %dma_start3A_86 = tpu.memref_slice %arg6[%add3A_64] : memref<81920xi32, #tpu.memory_space<hbm>> -> memref<128xi32, #tpu.memory_space<hbm>>
          tpu.enqueue_dma source(%dma_start3A_86 : memref<128xi32, #tpu.memory_space<hbm>>) target(%arg13 : memref<128xi32, #tpu.memory_space<vmem>>) target_semaphore(%run_scoped3A : memref<!tpu.dma_semaphore, #tpu.memory_space<semaphore_mem>>)
          %dma_wait3A_87 = tpu.memref_slice %arg6[%add3A_64] : memref<81920xi32, #tpu.memory_space<hbm>> -> memref<128xi32, #tpu.memory_space<hbm>>
          %dma_wait3A_88 = tpu.memref_slice %arg6[%add3A_64] : memref<81920xi32, #tpu.memory_space<hbm>> -> memref<128xi32, #tpu.memory_space<hbm>>
          tpu.wait_dma2 semaphore(%run_scoped3A : memref<!tpu.dma_semaphore, #tpu.memory_space<semaphore_mem>>) src(%dma_wait3A_88 : memref<128xi32, #tpu.memory_space<hbm>>) dst(%arg13 : memref<128xi32, #tpu.memory_space<vmem>>)
          tpu.yield
        }) : () -> ()
        %dma_start3A_65 = arith.constant 0 : i32
        %dma_start3A_66 = arith.constant 0 : i32
        %dma_start3A_67 = tpu.memref_slice %arg2[%dma_start3A_65, %dma_start3A_66] : memref<10240x128xf32, #tpu.memory_space<hbm>> -> memref<10240x128xf32, #tpu.memory_space<hbm>>
        tpu.enqueue_indirect_dma source(%dma_start3A_67 : memref<10240x128xf32, #tpu.memory_space<hbm>>) target(%arg16 : memref<128x128xf32, #tpu.memory_space<vmem>>) offsets(%arg13 : memref<128xi32, #tpu.memory_space<vmem>>) semaphore(%arg19 : memref<!tpu.dma_semaphore, #tpu.memory_space<semaphore_mem>>)
        %dma_wait3A = arith.constant 0 : i32
        %dma_wait3A_68 = arith.constant 0 : i32
        %dma_wait3A_69 = tpu.memref_slice %arg2[%dma_wait3A, %dma_wait3A_68] : memref<10240x128xf32, #tpu.memory_space<hbm>> -> memref<10240x128xf32, #tpu.memory_space<hbm>>
        tpu.wait_indirect_dma semaphore(%arg18 : memref<!tpu.dma_semaphore, #tpu.memory_space<semaphore_mem>>) src(%dma_wait3A_69 : memref<10240x128xf32, #tpu.memory_space<hbm>>) dst(%arg15 : memref<128x128xf32, #tpu.memory_space<vmem>>)
        %mul3A_70 = arith.constant 128 : i32
        %mul3A_71 = arith.muli %mul3A_59, %mul3A_70 : i32
        %add3A_72 = arith.addi %mul3A_4, %mul3A_71 : i32
        "tpu.region"() ({
          %run_scoped3A = tpu.sem_alloc : memref<!tpu.dma_semaphore, #tpu.memory_space<semaphore_mem>>
          %dma_start3A_85 = tpu.memref_slice %arg7[%add3A_72] : memref<81920xi32, #tpu.memory_space<hbm>> -> memref<128xi32, #tpu.memory_space<hbm>>
          %dma_start3A_86 = tpu.memref_slice %arg7[%add3A_72] : memref<81920xi32, #tpu.memory_space<hbm>> -> memref<128xi32, #tpu.memory_space<hbm>>
          tpu.enqueue_dma source(%dma_start3A_86 : memref<128xi32, #tpu.memory_space<hbm>>) target(%arg14 : memref<128xi32, #tpu.memory_space<vmem>>) target_semaphore(%run_scoped3A : memref<!tpu.dma_semaphore, #tpu.memory_space<semaphore_mem>>)
          %dma_wait3A_87 = tpu.memref_slice %arg7[%add3A_72] : memref<81920xi32, #tpu.memory_space<hbm>> -> memref<128xi32, #tpu.memory_space<hbm>>
          %dma_wait3A_88 = tpu.memref_slice %arg7[%add3A_72] : memref<81920xi32, #tpu.memory_space<hbm>> -> memref<128xi32, #tpu.memory_space<hbm>>
          tpu.wait_dma2 semaphore(%run_scoped3A : memref<!tpu.dma_semaphore, #tpu.memory_space<semaphore_mem>>) src(%dma_wait3A_88 : memref<128xi32, #tpu.memory_space<hbm>>) dst(%arg14 : memref<128xi32, #tpu.memory_space<vmem>>)
          tpu.yield
        }) : () -> ()
        "tpu.region"() ({
          %run_scoped3A = tpu.sem_alloc : memref<!tpu.dma_semaphore, #tpu.memory_space<semaphore_mem>>
          %dma_start3A_85 = arith.constant 0 : i32
          %dma_start3A_86 = arith.constant 0 : i32
          %dma_start3A_87 = tpu.memref_slice %arg17[%dma_start3A_85, %dma_start3A_86] : memref<10240x128xf32, #tpu.memory_space<vmem_shared>> -> memref<10240x128xf32, #tpu.memory_space<vmem_shared>>
          tpu.enqueue_indirect_dma source(%arg15 : memref<128x128xf32, #tpu.memory_space<vmem>>) target(%dma_start3A_87 : memref<10240x128xf32, #tpu.memory_space<vmem_shared>>) offsets(%arg14 : memref<128xi32, #tpu.memory_space<vmem>>) semaphore(%run_scoped3A : memref<!tpu.dma_semaphore, #tpu.memory_space<semaphore_mem>>) {add = true}
          %dma_wait3A_88 = arith.constant 0 : i32
          %dma_wait3A_89 = arith.constant 0 : i32
          %dma_wait3A_90 = tpu.memref_slice %arg17[%dma_wait3A_88, %dma_wait3A_89] : memref<10240x128xf32, #tpu.memory_space<vmem_shared>> -> memref<10240x128xf32, #tpu.memory_space<vmem_shared>>
          tpu.wait_indirect_dma semaphore(%run_scoped3A : memref<!tpu.dma_semaphore, #tpu.memory_space<semaphore_mem>>) src(%arg15 : memref<128x128xf32, #tpu.memory_space<vmem>>) dst(%dma_wait3A_90 : memref<10240x128xf32, #tpu.memory_space<vmem_shared>>)
          tpu.yield
        }) : () -> ()
        %lt3A = arith.constant 19 : i32
        %lt3A_73 = arith.cmpi slt, %scan3A_57, %lt3A : i32
        %convert_element_type3A_74 = arith.extui %lt3A_73 : i1 to i32
        %cond3A_75 = arith.constant 0 : i32
        %cond3A_76 = arith.cmpi ne, %convert_element_type3A_74, %cond3A_75 : i32
        scf.if %cond3A_76 {
          %add3A_85 = arith.constant 2 : i32
          %add3A_86 = arith.addi %mul3A_59, %add3A_85 : i32
          %mul3A_87 = arith.constant 128 : i32
          %mul3A_88 = arith.muli %add3A_86, %mul3A_87 : i32
          %add3A_89 = arith.addi %mul3A_4, %mul3A_88 : i32
          "tpu.region"() ({
            %run_scoped3A = tpu.sem_alloc : memref<!tpu.dma_semaphore, #tpu.memory_space<semaphore_mem>>
            %dma_start3A_93 = tpu.memref_slice %arg6[%add3A_89] : memref<81920xi32, #tpu.memory_space<hbm>> -> memref<128xi32, #tpu.memory_space<hbm>>
            %dma_start3A_94 = tpu.memref_slice %arg6[%add3A_89] : memref<81920xi32, #tpu.memory_space<hbm>> -> memref<128xi32, #tpu.memory_space<hbm>>
            tpu.enqueue_dma source(%dma_start3A_94 : memref<128xi32, #tpu.memory_space<hbm>>) target(%arg12 : memref<128xi32, #tpu.memory_space<vmem>>) target_semaphore(%run_scoped3A : memref<!tpu.dma_semaphore, #tpu.memory_space<semaphore_mem>>)
            %dma_wait3A_95 = tpu.memref_slice %arg6[%add3A_89] : memref<81920xi32, #tpu.memory_space<hbm>> -> memref<128xi32, #tpu.memory_space<hbm>>
            %dma_wait3A_96 = tpu.memref_slice %arg6[%add3A_89] : memref<81920xi32, #tpu.memory_space<hbm>> -> memref<128xi32, #tpu.memory_space<hbm>>
            tpu.wait_dma2 semaphore(%run_scoped3A : memref<!tpu.dma_semaphore, #tpu.memory_space<semaphore_mem>>) src(%dma_wait3A_96 : memref<128xi32, #tpu.memory_space<hbm>>) dst(%arg12 : memref<128xi32, #tpu.memory_space<vmem>>)
            tpu.yield
          }) : () -> ()
          %dma_start3A_90 = arith.constant 0 : i32
          %dma_start3A_91 = arith.constant 0 : i32
          %dma_start3A_92 = tpu.memref_slice %arg2[%dma_start3A_90, %dma_start3A_91] : memref<10240x128xf32, #tpu.memory_space<hbm>> -> memref<10240x128xf32, #tpu.memory_space<hbm>>
          tpu.enqueue_indirect_dma source(%dma_start3A_92 : memref<10240x128xf32, #tpu.memory_space<hbm>>) target(%arg15 : memref<128x128xf32, #tpu.memory_space<vmem>>) offsets(%arg12 : memref<128xi32, #tpu.memory_space<vmem>>) semaphore(%arg18 : memref<!tpu.dma_semaphore, #tpu.memory_space<semaphore_mem>>)
        } else {
        }
        %dma_wait3A_77 = arith.constant 0 : i32
        %dma_wait3A_78 = arith.constant 0 : i32
        %dma_wait3A_79 = tpu.memref_slice %arg2[%dma_wait3A_77, %dma_wait3A_78] : memref<10240x128xf32, #tpu.memory_space<hbm>> -> memref<10240x128xf32, #tpu.memory_space<hbm>>
        tpu.wait_indirect_dma semaphore(%arg19 : memref<!tpu.dma_semaphore, #tpu.memory_space<semaphore_mem>>) src(%dma_wait3A_79 : memref<10240x128xf32, #tpu.memory_space<hbm>>) dst(%arg16 : memref<128x128xf32, #tpu.memory_space<vmem>>)
        %add3A_80 = arith.constant 1 : i32
        %add3A_81 = arith.addi %mul3A_59, %add3A_80 : i32
        %mul3A_82 = arith.constant 128 : i32
        %mul3A_83 = arith.muli %add3A_81, %mul3A_82 : i32
        %add3A_84 = arith.addi %mul3A_4, %mul3A_83 : i32
        "tpu.region"() ({
          %run_scoped3A = tpu.sem_alloc : memref<!tpu.dma_semaphore, #tpu.memory_space<semaphore_mem>>
          %dma_start3A_85 = tpu.memref_slice %arg7[%add3A_84] : memref<81920xi32, #tpu.memory_space<hbm>> -> memref<128xi32, #tpu.memory_space<hbm>>
          %dma_start3A_86 = tpu.memref_slice %arg7[%add3A_84] : memref<81920xi32, #tpu.memory_space<hbm>> -> memref<128xi32, #tpu.memory_space<hbm>>
          tpu.enqueue_dma source(%dma_start3A_86 : memref<128xi32, #tpu.memory_space<hbm>>) target(%arg14 : memref<128xi32, #tpu.memory_space<vmem>>) target_semaphore(%run_scoped3A : memref<!tpu.dma_semaphore, #tpu.memory_space<semaphore_mem>>)
          %dma_wait3A_87 = tpu.memref_slice %arg7[%add3A_84] : memref<81920xi32, #tpu.memory_space<hbm>> -> memref<128xi32, #tpu.memory_space<hbm>>
          %dma_wait3A_88 = tpu.memref_slice %arg7[%add3A_84] : memref<81920xi32, #tpu.memory_space<hbm>> -> memref<128xi32, #tpu.memory_space<hbm>>
          tpu.wait_dma2 semaphore(%run_scoped3A : memref<!tpu.dma_semaphore, #tpu.memory_space<semaphore_mem>>) src(%dma_wait3A_88 : memref<128xi32, #tpu.memory_space<hbm>>) dst(%arg14 : memref<128xi32, #tpu.memory_space<vmem>>)
          tpu.yield
        }) : () -> ()
        "tpu.region"() ({
          %run_scoped3A = tpu.sem_alloc : memref<!tpu.dma_semaphore, #tpu.memory_space<semaphore_mem>>
          %dma_start3A_85 = arith.constant 0 : i32
          %dma_start3A_86 = arith.constant 0 : i32
          %dma_start3A_87 = tpu.memref_slice %arg17[%dma_start3A_85, %dma_start3A_86] : memref<10240x128xf32, #tpu.memory_space<vmem_shared>> -> memref<10240x128xf32, #tpu.memory_space<vmem_shared>>
          tpu.enqueue_indirect_dma source(%arg16 : memref<128x128xf32, #tpu.memory_space<vmem>>) target(%dma_start3A_87 : memref<10240x128xf32, #tpu.memory_space<vmem_shared>>) offsets(%arg14 : memref<128xi32, #tpu.memory_space<vmem>>) semaphore(%run_scoped3A : memref<!tpu.dma_semaphore, #tpu.memory_space<semaphore_mem>>) {add = true}
          %dma_wait3A_88 = arith.constant 0 : i32
          %dma_wait3A_89 = arith.constant 0 : i32
          %dma_wait3A_90 = tpu.memref_slice %arg17[%dma_wait3A_88, %dma_wait3A_89] : memref<10240x128xf32, #tpu.memory_space<vmem_shared>> -> memref<10240x128xf32, #tpu.memory_space<vmem_shared>>
          tpu.wait_indirect_dma semaphore(%run_scoped3A : memref<!tpu.dma_semaphore, #tpu.memory_space<semaphore_mem>>) src(%arg16 : memref<128x128xf32, #tpu.memory_space<vmem>>) dst(%dma_wait3A_90 : memref<10240x128xf32, #tpu.memory_space<vmem_shared>>)
          tpu.yield
        }) : () -> ()
      }
      %scan3A_56 = arith.constant 20 : i32
    } else {
    }
    %eq3A_7 = arith.constant 1 : i32
    %eq3A_8 = arith.cmpi eq, %arg0, %eq3A_7 : i32
    %convert_element_type3A_9 = arith.extui %eq3A_8 : i1 to i32
    %cond3A_10 = arith.constant 0 : i32
    %cond3A_11 = arith.cmpi ne, %convert_element_type3A_9, %cond3A_10 : i32
    scf.if %cond3A_11 {
      "tpu.region"() ({
        %run_scoped3A = tpu.sem_alloc : memref<!tpu.dma_semaphore, #tpu.memory_space<semaphore_mem>>
        %dma_start3A_57 = tpu.memref_slice %arg6[%mul3A_4] : memref<81920xi32, #tpu.memory_space<hbm>> -> memref<128xi32, #tpu.memory_space<hbm>>
        %dma_start3A_58 = tpu.memref_slice %arg6[%mul3A_4] : memref<81920xi32, #tpu.memory_space<hbm>> -> memref<128xi32, #tpu.memory_space<hbm>>
        tpu.enqueue_dma source(%dma_start3A_58 : memref<128xi32, #tpu.memory_space<hbm>>) target(%arg12 : memref<128xi32, #tpu.memory_space<vmem>>) target_semaphore(%run_scoped3A : memref<!tpu.dma_semaphore, #tpu.memory_space<semaphore_mem>>)
        %dma_wait3A = tpu.memref_slice %arg6[%mul3A_4] : memref<81920xi32, #tpu.memory_space<hbm>> -> memref<128xi32, #tpu.memory_space<hbm>>
        %dma_wait3A_59 = tpu.memref_slice %arg6[%mul3A_4] : memref<81920xi32, #tpu.memory_space<hbm>> -> memref<128xi32, #tpu.memory_space<hbm>>
        tpu.wait_dma2 semaphore(%run_scoped3A : memref<!tpu.dma_semaphore, #tpu.memory_space<semaphore_mem>>) src(%dma_wait3A_59 : memref<128xi32, #tpu.memory_space<hbm>>) dst(%arg12 : memref<128xi32, #tpu.memory_space<vmem>>)
        tpu.yield
      }) : () -> ()
      %dma_start3A = arith.constant 0 : i32
      %dma_start3A_50 = arith.constant 0 : i32
      %dma_start3A_51 = tpu.memref_slice %arg3[%dma_start3A, %dma_start3A_50] : memref<10240x128xf32, #tpu.memory_space<hbm>> -> memref<10240x128xf32, #tpu.memory_space<hbm>>
      tpu.enqueue_indirect_dma source(%dma_start3A_51 : memref<10240x128xf32, #tpu.memory_space<hbm>>) target(%arg15 : memref<128x128xf32, #tpu.memory_space<vmem>>) offsets(%arg12 : memref<128xi32, #tpu.memory_space<vmem>>) semaphore(%arg18 : memref<!tpu.dma_semaphore, #tpu.memory_space<semaphore_mem>>)
      %scan3A = arith.constant 0 : i32
      %scan3A_52 = arith.constant 0 : i32
      %scan3A_53 = arith.constant 20 : i32
      %scan3A_54 = arith.addi %scan3A_52, %scan3A_53 : i32
      %scan3A_55 = arith.constant 1 : i32
      scf.for %scan3A_57 = %scan3A_52 to %scan3A_54 step %scan3A_55  : i32 {
        %mul3A_58 = arith.constant 2 : i32
        %mul3A_59 = arith.muli %mul3A_58, %scan3A_57 : i32
        %add3A_60 = arith.constant 1 : i32
        %add3A_61 = arith.addi %mul3A_59, %add3A_60 : i32
        %mul3A_62 = arith.constant 128 : i32
        %mul3A_63 = arith.muli %add3A_61, %mul3A_62 : i32
        %add3A_64 = arith.addi %mul3A_4, %mul3A_63 : i32
        "tpu.region"() ({
          %run_scoped3A = tpu.sem_alloc : memref<!tpu.dma_semaphore, #tpu.memory_space<semaphore_mem>>
          %dma_start3A_85 = tpu.memref_slice %arg6[%add3A_64] : memref<81920xi32, #tpu.memory_space<hbm>> -> memref<128xi32, #tpu.memory_space<hbm>>
          %dma_start3A_86 = tpu.memref_slice %arg6[%add3A_64] : memref<81920xi32, #tpu.memory_space<hbm>> -> memref<128xi32, #tpu.memory_space<hbm>>
          tpu.enqueue_dma source(%dma_start3A_86 : memref<128xi32, #tpu.memory_space<hbm>>) target(%arg13 : memref<128xi32, #tpu.memory_space<vmem>>) target_semaphore(%run_scoped3A : memref<!tpu.dma_semaphore, #tpu.memory_space<semaphore_mem>>)
          %dma_wait3A_87 = tpu.memref_slice %arg6[%add3A_64] : memref<81920xi32, #tpu.memory_space<hbm>> -> memref<128xi32, #tpu.memory_space<hbm>>
          %dma_wait3A_88 = tpu.memref_slice %arg6[%add3A_64] : memref<81920xi32, #tpu.memory_space<hbm>> -> memref<128xi32, #tpu.memory_space<hbm>>
          tpu.wait_dma2 semaphore(%run_scoped3A : memref<!tpu.dma_semaphore, #tpu.memory_space<semaphore_mem>>) src(%dma_wait3A_88 : memref<128xi32, #tpu.memory_space<hbm>>) dst(%arg13 : memref<128xi32, #tpu.memory_space<vmem>>)
          tpu.yield
        }) : () -> ()
        %dma_start3A_65 = arith.constant 0 : i32
        %dma_start3A_66 = arith.constant 0 : i32
        %dma_start3A_67 = tpu.memref_slice %arg3[%dma_start3A_65, %dma_start3A_66] : memref<10240x128xf32, #tpu.memory_space<hbm>> -> memref<10240x128xf32, #tpu.memory_space<hbm>>
        tpu.enqueue_indirect_dma source(%dma_start3A_67 : memref<10240x128xf32, #tpu.memory_space<hbm>>) target(%arg16 : memref<128x128xf32, #tpu.memory_space<vmem>>) offsets(%arg13 : memref<128xi32, #tpu.memory_space<vmem>>) semaphore(%arg19 : memref<!tpu.dma_semaphore, #tpu.memory_space<semaphore_mem>>)
        %dma_wait3A = arith.constant 0 : i32
        %dma_wait3A_68 = arith.constant 0 : i32
        %dma_wait3A_69 = tpu.memref_slice %arg3[%dma_wait3A, %dma_wait3A_68] : memref<10240x128xf32, #tpu.memory_space<hbm>> -> memref<10240x128xf32, #tpu.memory_space<hbm>>
        tpu.wait_indirect_dma semaphore(%arg18 : memref<!tpu.dma_semaphore, #tpu.memory_space<semaphore_mem>>) src(%dma_wait3A_69 : memref<10240x128xf32, #tpu.memory_space<hbm>>) dst(%arg15 : memref<128x128xf32, #tpu.memory_space<vmem>>)
        %mul3A_70 = arith.constant 128 : i32
        %mul3A_71 = arith.muli %mul3A_59, %mul3A_70 : i32
        %add3A_72 = arith.addi %mul3A_4, %mul3A_71 : i32
        "tpu.region"() ({
          %run_scoped3A = tpu.sem_alloc : memref<!tpu.dma_semaphore, #tpu.memory_space<semaphore_mem>>
          %dma_start3A_85 = tpu.memref_slice %arg7[%add3A_72] : memref<81920xi32, #tpu.memory_space<hbm>> -> memref<128xi32, #tpu.memory_space<hbm>>
          %dma_start3A_86 = tpu.memref_slice %arg7[%add3A_72] : memref<81920xi32, #tpu.memory_space<hbm>> -> memref<128xi32, #tpu.memory_space<hbm>>
          tpu.enqueue_dma source(%dma_start3A_86 : memref<128xi32, #tpu.memory_space<hbm>>) target(%arg14 : memref<128xi32, #tpu.memory_space<vmem>>) target_semaphore(%run_scoped3A : memref<!tpu.dma_semaphore, #tpu.memory_space<semaphore_mem>>)
          %dma_wait3A_87 = tpu.memref_slice %arg7[%add3A_72] : memref<81920xi32, #tpu.memory_space<hbm>> -> memref<128xi32, #tpu.memory_space<hbm>>
          %dma_wait3A_88 = tpu.memref_slice %arg7[%add3A_72] : memref<81920xi32, #tpu.memory_space<hbm>> -> memref<128xi32, #tpu.memory_space<hbm>>
          tpu.wait_dma2 semaphore(%run_scoped3A : memref<!tpu.dma_semaphore, #tpu.memory_space<semaphore_mem>>) src(%dma_wait3A_88 : memref<128xi32, #tpu.memory_space<hbm>>) dst(%arg14 : memref<128xi32, #tpu.memory_space<vmem>>)
          tpu.yield
        }) : () -> ()
        "tpu.region"() ({
          %run_scoped3A = tpu.sem_alloc : memref<!tpu.dma_semaphore, #tpu.memory_space<semaphore_mem>>
          %dma_start3A_85 = arith.constant 0 : i32
          %dma_start3A_86 = arith.constant 0 : i32
          %dma_start3A_87 = tpu.memref_slice %arg17[%dma_start3A_85, %dma_start3A_86] : memref<10240x128xf32, #tpu.memory_space<vmem_shared>> -> memref<10240x128xf32, #tpu.memory_space<vmem_shared>>
          tpu.enqueue_indirect_dma source(%arg15 : memref<128x128xf32, #tpu.memory_space<vmem>>) target(%dma_start3A_87 : memref<10240x128xf32, #tpu.memory_space<vmem_shared>>) offsets(%arg14 : memref<128xi32, #tpu.memory_space<vmem>>) semaphore(%run_scoped3A : memref<!tpu.dma_semaphore, #tpu.memory_space<semaphore_mem>>) {add = true}
          %dma_wait3A_88 = arith.constant 0 : i32
          %dma_wait3A_89 = arith.constant 0 : i32
          %dma_wait3A_90 = tpu.memref_slice %arg17[%dma_wait3A_88, %dma_wait3A_89] : memref<10240x128xf32, #tpu.memory_space<vmem_shared>> -> memref<10240x128xf32, #tpu.memory_space<vmem_shared>>
          tpu.wait_indirect_dma semaphore(%run_scoped3A : memref<!tpu.dma_semaphore, #tpu.memory_space<semaphore_mem>>) src(%arg15 : memref<128x128xf32, #tpu.memory_space<vmem>>) dst(%dma_wait3A_90 : memref<10240x128xf32, #tpu.memory_space<vmem_shared>>)
          tpu.yield
        }) : () -> ()
        %lt3A = arith.constant 19 : i32
        %lt3A_73 = arith.cmpi slt, %scan3A_57, %lt3A : i32
        %convert_element_type3A_74 = arith.extui %lt3A_73 : i1 to i32
        %cond3A_75 = arith.constant 0 : i32
        %cond3A_76 = arith.cmpi ne, %convert_element_type3A_74, %cond3A_75 : i32
        scf.if %cond3A_76 {
          %add3A_85 = arith.constant 2 : i32
          %add3A_86 = arith.addi %mul3A_59, %add3A_85 : i32
          %mul3A_87 = arith.constant 128 : i32
          %mul3A_88 = arith.muli %add3A_86, %mul3A_87 : i32
          %add3A_89 = arith.addi %mul3A_4, %mul3A_88 : i32
          "tpu.region"() ({
            %run_scoped3A = tpu.sem_alloc : memref<!tpu.dma_semaphore, #tpu.memory_space<semaphore_mem>>
            %dma_start3A_93 = tpu.memref_slice %arg6[%add3A_89] : memref<81920xi32, #tpu.memory_space<hbm>> -> memref<128xi32, #tpu.memory_space<hbm>>
            %dma_start3A_94 = tpu.memref_slice %arg6[%add3A_89] : memref<81920xi32, #tpu.memory_space<hbm>> -> memref<128xi32, #tpu.memory_space<hbm>>
            tpu.enqueue_dma source(%dma_start3A_94 : memref<128xi32, #tpu.memory_space<hbm>>) target(%arg12 : memref<128xi32, #tpu.memory_space<vmem>>) target_semaphore(%run_scoped3A : memref<!tpu.dma_semaphore, #tpu.memory_space<semaphore_mem>>)
            %dma_wait3A_95 = tpu.memref_slice %arg6[%add3A_89] : memref<81920xi32, #tpu.memory_space<hbm>> -> memref<128xi32, #tpu.memory_space<hbm>>
            %dma_wait3A_96 = tpu.memref_slice %arg6[%add3A_89] : memref<81920xi32, #tpu.memory_space<hbm>> -> memref<128xi32, #tpu.memory_space<hbm>>
            tpu.wait_dma2 semaphore(%run_scoped3A : memref<!tpu.dma_semaphore, #tpu.memory_space<semaphore_mem>>) src(%dma_wait3A_96 : memref<128xi32, #tpu.memory_space<hbm>>) dst(%arg12 : memref<128xi32, #tpu.memory_space<vmem>>)
            tpu.yield
          }) : () -> ()
          %dma_start3A_90 = arith.constant 0 : i32
          %dma_start3A_91 = arith.constant 0 : i32
          %dma_start3A_92 = tpu.memref_slice %arg3[%dma_start3A_90, %dma_start3A_91] : memref<10240x128xf32, #tpu.memory_space<hbm>> -> memref<10240x128xf32, #tpu.memory_space<hbm>>
          tpu.enqueue_indirect_dma source(%dma_start3A_92 : memref<10240x128xf32, #tpu.memory_space<hbm>>) target(%arg15 : memref<128x128xf32, #tpu.memory_space<vmem>>) offsets(%arg12 : memref<128xi32, #tpu.memory_space<vmem>>) semaphore(%arg18 : memref<!tpu.dma_semaphore, #tpu.memory_space<semaphore_mem>>)
        } else {
        }
        %dma_wait3A_77 = arith.constant 0 : i32
        %dma_wait3A_78 = arith.constant 0 : i32
        %dma_wait3A_79 = tpu.memref_slice %arg3[%dma_wait3A_77, %dma_wait3A_78] : memref<10240x128xf32, #tpu.memory_space<hbm>> -> memref<10240x128xf32, #tpu.memory_space<hbm>>
        tpu.wait_indirect_dma semaphore(%arg19 : memref<!tpu.dma_semaphore, #tpu.memory_space<semaphore_mem>>) src(%dma_wait3A_79 : memref<10240x128xf32, #tpu.memory_space<hbm>>) dst(%arg16 : memref<128x128xf32, #tpu.memory_space<vmem>>)
        %add3A_80 = arith.constant 1 : i32
        %add3A_81 = arith.addi %mul3A_59, %add3A_80 : i32
        %mul3A_82 = arith.constant 128 : i32
        %mul3A_83 = arith.muli %add3A_81, %mul3A_82 : i32
        %add3A_84 = arith.addi %mul3A_4, %mul3A_83 : i32
        "tpu.region"() ({
          %run_scoped3A = tpu.sem_alloc : memref<!tpu.dma_semaphore, #tpu.memory_space<semaphore_mem>>
          %dma_start3A_85 = tpu.memref_slice %arg7[%add3A_84] : memref<81920xi32, #tpu.memory_space<hbm>> -> memref<128xi32, #tpu.memory_space<hbm>>
          %dma_start3A_86 = tpu.memref_slice %arg7[%add3A_84] : memref<81920xi32, #tpu.memory_space<hbm>> -> memref<128xi32, #tpu.memory_space<hbm>>
          tpu.enqueue_dma source(%dma_start3A_86 : memref<128xi32, #tpu.memory_space<hbm>>) target(%arg14 : memref<128xi32, #tpu.memory_space<vmem>>) target_semaphore(%run_scoped3A : memref<!tpu.dma_semaphore, #tpu.memory_space<semaphore_mem>>)
          %dma_wait3A_87 = tpu.memref_slice %arg7[%add3A_84] : memref<81920xi32, #tpu.memory_space<hbm>> -> memref<128xi32, #tpu.memory_space<hbm>>
          %dma_wait3A_88 = tpu.memref_slice %arg7[%add3A_84] : memref<81920xi32, #tpu.memory_space<hbm>> -> memref<128xi32, #tpu.memory_space<hbm>>
          tpu.wait_dma2 semaphore(%run_scoped3A : memref<!tpu.dma_semaphore, #tpu.memory_space<semaphore_mem>>) src(%dma_wait3A_88 : memref<128xi32, #tpu.memory_space<hbm>>) dst(%arg14 : memref<128xi32, #tpu.memory_space<vmem>>)
          tpu.yield
        }) : () -> ()
        "tpu.region"() ({
          %run_scoped3A = tpu.sem_alloc : memref<!tpu.dma_semaphore, #tpu.memory_space<semaphore_mem>>
          %dma_start3A_85 = arith.constant 0 : i32
          %dma_start3A_86 = arith.constant 0 : i32
          %dma_start3A_87 = tpu.memref_slice %arg17[%dma_start3A_85, %dma_start3A_86] : memref<10240x128xf32, #tpu.memory_space<vmem_shared>> -> memref<10240x128xf32, #tpu.memory_space<vmem_shared>>
          tpu.enqueue_indirect_dma source(%arg16 : memref<128x128xf32, #tpu.memory_space<vmem>>) target(%dma_start3A_87 : memref<10240x128xf32, #tpu.memory_space<vmem_shared>>) offsets(%arg14 : memref<128xi32, #tpu.memory_space<vmem>>) semaphore(%run_scoped3A : memref<!tpu.dma_semaphore, #tpu.memory_space<semaphore_mem>>) {add = true}
          %dma_wait3A_88 = arith.constant 0 : i32
          %dma_wait3A_89 = arith.constant 0 : i32
          %dma_wait3A_90 = tpu.memref_slice %arg17[%dma_wait3A_88, %dma_wait3A_89] : memref<10240x128xf32, #tpu.memory_space<vmem_shared>> -> memref<10240x128xf32, #tpu.memory_space<vmem_shared>>
          tpu.wait_indirect_dma semaphore(%run_scoped3A : memref<!tpu.dma_semaphore, #tpu.memory_space<semaphore_mem>>) src(%arg16 : memref<128x128xf32, #tpu.memory_space<vmem>>) dst(%dma_wait3A_90 : memref<10240x128xf32, #tpu.memory_space<vmem_shared>>)
          tpu.yield
        }) : () -> ()
      }
      %scan3A_56 = arith.constant 20 : i32
    } else {
    }
    %barrier3A_12 = arith.constant 0 : index
    tpu.barrier barrier_id(%barrier3A_12)
    %mul3A_13 = arith.constant 640 : i32
    %mul3A_14 = arith.muli %arg1, %mul3A_13 : i32
    %add3A = arith.constant 0 : i32
    %add3A_15 = arith.addi %add3A, %arg0 : i32
    %mul3A_16 = arith.constant 10240 : i32
    %mul3A_17 = arith.muli %add3A_15, %mul3A_16 : i32
    %mul3A_18 = arith.constant 640 : i32
    %mul3A_19 = arith.muli %arg1, %mul3A_18 : i32
    %add3A_20 = arith.addi %mul3A_17, %mul3A_19 : i32
    "tpu.region"() ({
      %run_scoped3A = tpu.sem_alloc : memref<!tpu.dma_semaphore, #tpu.memory_space<semaphore_mem>>
      %dma_start3A = arith.constant 0 : i32
      %dma_start3A_50 = tpu.memref_slice %arg11[%add3A_20, %dma_start3A] : memref<40960x128xf32, #tpu.memory_space<hbm>> -> memref<640x128xf32, #tpu.memory_space<hbm>>
      %dma_start3A_51 = arith.constant 0 : i32
      %dma_start3A_52 = tpu.memref_slice %arg17[%mul3A_14, %dma_start3A_51] : memref<10240x128xf32, #tpu.memory_space<vmem_shared>> -> memref<640x128xf32, #tpu.memory_space<vmem_shared>>
      tpu.enqueue_dma source(%dma_start3A_52 : memref<640x128xf32, #tpu.memory_space<vmem_shared>>) target(%dma_start3A_50 : memref<640x128xf32, #tpu.memory_space<hbm>>) target_semaphore(%run_scoped3A : memref<!tpu.dma_semaphore, #tpu.memory_space<semaphore_mem>>)
      %dma_wait3A = arith.constant 0 : i32
      %dma_wait3A_53 = tpu.memref_slice %arg11[%add3A_20, %dma_wait3A] : memref<40960x128xf32, #tpu.memory_space<hbm>> -> memref<640x128xf32, #tpu.memory_space<hbm>>
      %dma_wait3A_54 = arith.constant 0 : i32
      %dma_wait3A_55 = tpu.memref_slice %arg17[%mul3A_14, %dma_wait3A_54] : memref<10240x128xf32, #tpu.memory_space<vmem_shared>> -> memref<640x128xf32, #tpu.memory_space<vmem_shared>>
      tpu.wait_dma2 semaphore(%run_scoped3A : memref<!tpu.dma_semaphore, #tpu.memory_space<semaphore_mem>>) src(%dma_wait3A_55 : memref<640x128xf32, #tpu.memory_space<vmem_shared>>) dst(%dma_wait3A_53 : memref<640x128xf32, #tpu.memory_space<hbm>>)
      tpu.yield
    }) : () -> ()
    %barrier3A_21 = arith.constant 0 : index
    tpu.barrier barrier_id(%barrier3A_21)
    %mul3A_22 = arith.constant 640 : i32
    %mul3A_23 = arith.muli %arg1, %mul3A_22 : i32
    "tpu.region"() ({
      %run_scoped3A = tpu.sem_alloc : memref<!tpu.dma_semaphore, #tpu.memory_space<semaphore_mem>>
      %dma_start3A = arith.constant 0 : i32
      %dma_start3A_50 = tpu.memref_slice %arg17[%mul3A_23, %dma_start3A] : memref<10240x128xf32, #tpu.memory_space<vmem_shared>> -> memref<640x128xf32, #tpu.memory_space<vmem_shared>>
      tpu.enqueue_dma source(%arg10 : memref<640x128xf32, #tpu.memory_space<hbm>>) target(%dma_start3A_50 : memref<640x128xf32, #tpu.memory_space<vmem_shared>>) target_semaphore(%run_scoped3A : memref<!tpu.dma_semaphore, #tpu.memory_space<semaphore_mem>>)
      %dma_wait3A = arith.constant 0 : i32
      %dma_wait3A_51 = tpu.memref_slice %arg17[%mul3A_23, %dma_wait3A] : memref<10240x128xf32, #tpu.memory_space<vmem_shared>> -> memref<640x128xf32, #tpu.memory_space<vmem_shared>>
      tpu.wait_dma2 semaphore(%run_scoped3A : memref<!tpu.dma_semaphore, #tpu.memory_space<semaphore_mem>>) src(%arg10 : memref<640x128xf32, #tpu.memory_space<hbm>>) dst(%dma_wait3A_51 : memref<640x128xf32, #tpu.memory_space<vmem_shared>>)
      tpu.yield
    }) : () -> ()
    %barrier3A_24 = arith.constant 0 : index
    tpu.barrier barrier_id(%barrier3A_24)
    %mul3A_25 = arith.constant 40 : i32
    %mul3A_26 = arith.muli %arg1, %mul3A_25 : i32
    %mul3A_27 = arith.constant 128 : i32
    %mul3A_28 = arith.muli %mul3A_26, %mul3A_27 : i32
    %eq3A_29 = arith.constant 0 : i32
    %eq3A_30 = arith.cmpi eq, %arg0, %eq3A_29 : i32
    %convert_element_type3A_31 = arith.extui %eq3A_30 : i1 to i32
    %cond3A_32 = arith.constant 0 : i32
    %cond3A_33 = arith.cmpi ne, %convert_element_type3A_31, %cond3A_32 : i32
    scf.if %cond3A_33 {
      "tpu.region"() ({
        %run_scoped3A = tpu.sem_alloc : memref<!tpu.dma_semaphore, #tpu.memory_space<semaphore_mem>>
        %dma_start3A_57 = tpu.memref_slice %arg8[%mul3A_28] : memref<81920xi32, #tpu.memory_space<hbm>> -> memref<128xi32, #tpu.memory_space<hbm>>
        %dma_start3A_58 = tpu.memref_slice %arg8[%mul3A_28] : memref<81920xi32, #tpu.memory_space<hbm>> -> memref<128xi32, #tpu.memory_space<hbm>>
        tpu.enqueue_dma source(%dma_start3A_58 : memref<128xi32, #tpu.memory_space<hbm>>) target(%arg12 : memref<128xi32, #tpu.memory_space<vmem>>) target_semaphore(%run_scoped3A : memref<!tpu.dma_semaphore, #tpu.memory_space<semaphore_mem>>)
        %dma_wait3A = tpu.memref_slice %arg8[%mul3A_28] : memref<81920xi32, #tpu.memory_space<hbm>> -> memref<128xi32, #tpu.memory_space<hbm>>
        %dma_wait3A_59 = tpu.memref_slice %arg8[%mul3A_28] : memref<81920xi32, #tpu.memory_space<hbm>> -> memref<128xi32, #tpu.memory_space<hbm>>
        tpu.wait_dma2 semaphore(%run_scoped3A : memref<!tpu.dma_semaphore, #tpu.memory_space<semaphore_mem>>) src(%dma_wait3A_59 : memref<128xi32, #tpu.memory_space<hbm>>) dst(%arg12 : memref<128xi32, #tpu.memory_space<vmem>>)
        tpu.yield
      }) : () -> ()
      %dma_start3A = arith.constant 0 : i32
      %dma_start3A_50 = arith.constant 0 : i32
      %dma_start3A_51 = tpu.memref_slice %arg4[%dma_start3A, %dma_start3A_50] : memref<10240x128xf32, #tpu.memory_space<hbm>> -> memref<10240x128xf32, #tpu.memory_space<hbm>>
      tpu.enqueue_indirect_dma source(%dma_start3A_51 : memref<10240x128xf32, #tpu.memory_space<hbm>>) target(%arg15 : memref<128x128xf32, #tpu.memory_space<vmem>>) offsets(%arg12 : memref<128xi32, #tpu.memory_space<vmem>>) semaphore(%arg18 : memref<!tpu.dma_semaphore, #tpu.memory_space<semaphore_mem>>)
      %scan3A = arith.constant 0 : i32
      %scan3A_52 = arith.constant 0 : i32
      %scan3A_53 = arith.constant 20 : i32
      %scan3A_54 = arith.addi %scan3A_52, %scan3A_53 : i32
      %scan3A_55 = arith.constant 1 : i32
      scf.for %scan3A_57 = %scan3A_52 to %scan3A_54 step %scan3A_55  : i32 {
        %mul3A_58 = arith.constant 2 : i32
        %mul3A_59 = arith.muli %mul3A_58, %scan3A_57 : i32
        %add3A_60 = arith.constant 1 : i32
        %add3A_61 = arith.addi %mul3A_59, %add3A_60 : i32
        %mul3A_62 = arith.constant 128 : i32
        %mul3A_63 = arith.muli %add3A_61, %mul3A_62 : i32
        %add3A_64 = arith.addi %mul3A_28, %mul3A_63 : i32
        "tpu.region"() ({
          %run_scoped3A = tpu.sem_alloc : memref<!tpu.dma_semaphore, #tpu.memory_space<semaphore_mem>>
          %dma_start3A_85 = tpu.memref_slice %arg8[%add3A_64] : memref<81920xi32, #tpu.memory_space<hbm>> -> memref<128xi32, #tpu.memory_space<hbm>>
          %dma_start3A_86 = tpu.memref_slice %arg8[%add3A_64] : memref<81920xi32, #tpu.memory_space<hbm>> -> memref<128xi32, #tpu.memory_space<hbm>>
          tpu.enqueue_dma source(%dma_start3A_86 : memref<128xi32, #tpu.memory_space<hbm>>) target(%arg13 : memref<128xi32, #tpu.memory_space<vmem>>) target_semaphore(%run_scoped3A : memref<!tpu.dma_semaphore, #tpu.memory_space<semaphore_mem>>)
          %dma_wait3A_87 = tpu.memref_slice %arg8[%add3A_64] : memref<81920xi32, #tpu.memory_space<hbm>> -> memref<128xi32, #tpu.memory_space<hbm>>
          %dma_wait3A_88 = tpu.memref_slice %arg8[%add3A_64] : memref<81920xi32, #tpu.memory_space<hbm>> -> memref<128xi32, #tpu.memory_space<hbm>>
          tpu.wait_dma2 semaphore(%run_scoped3A : memref<!tpu.dma_semaphore, #tpu.memory_space<semaphore_mem>>) src(%dma_wait3A_88 : memref<128xi32, #tpu.memory_space<hbm>>) dst(%arg13 : memref<128xi32, #tpu.memory_space<vmem>>)
          tpu.yield
        }) : () -> ()
        %dma_start3A_65 = arith.constant 0 : i32
        %dma_start3A_66 = arith.constant 0 : i32
        %dma_start3A_67 = tpu.memref_slice %arg4[%dma_start3A_65, %dma_start3A_66] : memref<10240x128xf32, #tpu.memory_space<hbm>> -> memref<10240x128xf32, #tpu.memory_space<hbm>>
        tpu.enqueue_indirect_dma source(%dma_start3A_67 : memref<10240x128xf32, #tpu.memory_space<hbm>>) target(%arg16 : memref<128x128xf32, #tpu.memory_space<vmem>>) offsets(%arg13 : memref<128xi32, #tpu.memory_space<vmem>>) semaphore(%arg19 : memref<!tpu.dma_semaphore, #tpu.memory_space<semaphore_mem>>)
        %dma_wait3A = arith.constant 0 : i32
        %dma_wait3A_68 = arith.constant 0 : i32
        %dma_wait3A_69 = tpu.memref_slice %arg4[%dma_wait3A, %dma_wait3A_68] : memref<10240x128xf32, #tpu.memory_space<hbm>> -> memref<10240x128xf32, #tpu.memory_space<hbm>>
        tpu.wait_indirect_dma semaphore(%arg18 : memref<!tpu.dma_semaphore, #tpu.memory_space<semaphore_mem>>) src(%dma_wait3A_69 : memref<10240x128xf32, #tpu.memory_space<hbm>>) dst(%arg15 : memref<128x128xf32, #tpu.memory_space<vmem>>)
        %mul3A_70 = arith.constant 128 : i32
        %mul3A_71 = arith.muli %mul3A_59, %mul3A_70 : i32
        %add3A_72 = arith.addi %mul3A_28, %mul3A_71 : i32
        "tpu.region"() ({
          %run_scoped3A = tpu.sem_alloc : memref<!tpu.dma_semaphore, #tpu.memory_space<semaphore_mem>>
          %dma_start3A_85 = tpu.memref_slice %arg9[%add3A_72] : memref<81920xi32, #tpu.memory_space<hbm>> -> memref<128xi32, #tpu.memory_space<hbm>>
          %dma_start3A_86 = tpu.memref_slice %arg9[%add3A_72] : memref<81920xi32, #tpu.memory_space<hbm>> -> memref<128xi32, #tpu.memory_space<hbm>>
          tpu.enqueue_dma source(%dma_start3A_86 : memref<128xi32, #tpu.memory_space<hbm>>) target(%arg14 : memref<128xi32, #tpu.memory_space<vmem>>) target_semaphore(%run_scoped3A : memref<!tpu.dma_semaphore, #tpu.memory_space<semaphore_mem>>)
          %dma_wait3A_87 = tpu.memref_slice %arg9[%add3A_72] : memref<81920xi32, #tpu.memory_space<hbm>> -> memref<128xi32, #tpu.memory_space<hbm>>
          %dma_wait3A_88 = tpu.memref_slice %arg9[%add3A_72] : memref<81920xi32, #tpu.memory_space<hbm>> -> memref<128xi32, #tpu.memory_space<hbm>>
          tpu.wait_dma2 semaphore(%run_scoped3A : memref<!tpu.dma_semaphore, #tpu.memory_space<semaphore_mem>>) src(%dma_wait3A_88 : memref<128xi32, #tpu.memory_space<hbm>>) dst(%arg14 : memref<128xi32, #tpu.memory_space<vmem>>)
          tpu.yield
        }) : () -> ()
        "tpu.region"() ({
          %run_scoped3A = tpu.sem_alloc : memref<!tpu.dma_semaphore, #tpu.memory_space<semaphore_mem>>
          %dma_start3A_85 = arith.constant 0 : i32
          %dma_start3A_86 = arith.constant 0 : i32
          %dma_start3A_87 = tpu.memref_slice %arg17[%dma_start3A_85, %dma_start3A_86] : memref<10240x128xf32, #tpu.memory_space<vmem_shared>> -> memref<10240x128xf32, #tpu.memory_space<vmem_shared>>
          tpu.enqueue_indirect_dma source(%arg15 : memref<128x128xf32, #tpu.memory_space<vmem>>) target(%dma_start3A_87 : memref<10240x128xf32, #tpu.memory_space<vmem_shared>>) offsets(%arg14 : memref<128xi32, #tpu.memory_space<vmem>>) semaphore(%run_scoped3A : memref<!tpu.dma_semaphore, #tpu.memory_space<semaphore_mem>>) {add = true}
          %dma_wait3A_88 = arith.constant 0 : i32
          %dma_wait3A_89 = arith.constant 0 : i32
          %dma_wait3A_90 = tpu.memref_slice %arg17[%dma_wait3A_88, %dma_wait3A_89] : memref<10240x128xf32, #tpu.memory_space<vmem_shared>> -> memref<10240x128xf32, #tpu.memory_space<vmem_shared>>
          tpu.wait_indirect_dma semaphore(%run_scoped3A : memref<!tpu.dma_semaphore, #tpu.memory_space<semaphore_mem>>) src(%arg15 : memref<128x128xf32, #tpu.memory_space<vmem>>) dst(%dma_wait3A_90 : memref<10240x128xf32, #tpu.memory_space<vmem_shared>>)
          tpu.yield
        }) : () -> ()
        %lt3A = arith.constant 19 : i32
        %lt3A_73 = arith.cmpi slt, %scan3A_57, %lt3A : i32
        %convert_element_type3A_74 = arith.extui %lt3A_73 : i1 to i32
        %cond3A_75 = arith.constant 0 : i32
        %cond3A_76 = arith.cmpi ne, %convert_element_type3A_74, %cond3A_75 : i32
        scf.if %cond3A_76 {
          %add3A_85 = arith.constant 2 : i32
          %add3A_86 = arith.addi %mul3A_59, %add3A_85 : i32
          %mul3A_87 = arith.constant 128 : i32
          %mul3A_88 = arith.muli %add3A_86, %mul3A_87 : i32
          %add3A_89 = arith.addi %mul3A_28, %mul3A_88 : i32
          "tpu.region"() ({
            %run_scoped3A = tpu.sem_alloc : memref<!tpu.dma_semaphore, #tpu.memory_space<semaphore_mem>>
            %dma_start3A_93 = tpu.memref_slice %arg8[%add3A_89] : memref<81920xi32, #tpu.memory_space<hbm>> -> memref<128xi32, #tpu.memory_space<hbm>>
            %dma_start3A_94 = tpu.memref_slice %arg8[%add3A_89] : memref<81920xi32, #tpu.memory_space<hbm>> -> memref<128xi32, #tpu.memory_space<hbm>>
            tpu.enqueue_dma source(%dma_start3A_94 : memref<128xi32, #tpu.memory_space<hbm>>) target(%arg12 : memref<128xi32, #tpu.memory_space<vmem>>) target_semaphore(%run_scoped3A : memref<!tpu.dma_semaphore, #tpu.memory_space<semaphore_mem>>)
            %dma_wait3A_95 = tpu.memref_slice %arg8[%add3A_89] : memref<81920xi32, #tpu.memory_space<hbm>> -> memref<128xi32, #tpu.memory_space<hbm>>
            %dma_wait3A_96 = tpu.memref_slice %arg8[%add3A_89] : memref<81920xi32, #tpu.memory_space<hbm>> -> memref<128xi32, #tpu.memory_space<hbm>>
            tpu.wait_dma2 semaphore(%run_scoped3A : memref<!tpu.dma_semaphore, #tpu.memory_space<semaphore_mem>>) src(%dma_wait3A_96 : memref<128xi32, #tpu.memory_space<hbm>>) dst(%arg12 : memref<128xi32, #tpu.memory_space<vmem>>)
            tpu.yield
          }) : () -> ()
          %dma_start3A_90 = arith.constant 0 : i32
          %dma_start3A_91 = arith.constant 0 : i32
          %dma_start3A_92 = tpu.memref_slice %arg4[%dma_start3A_90, %dma_start3A_91] : memref<10240x128xf32, #tpu.memory_space<hbm>> -> memref<10240x128xf32, #tpu.memory_space<hbm>>
          tpu.enqueue_indirect_dma source(%dma_start3A_92 : memref<10240x128xf32, #tpu.memory_space<hbm>>) target(%arg15 : memref<128x128xf32, #tpu.memory_space<vmem>>) offsets(%arg12 : memref<128xi32, #tpu.memory_space<vmem>>) semaphore(%arg18 : memref<!tpu.dma_semaphore, #tpu.memory_space<semaphore_mem>>)
        } else {
        }
        %dma_wait3A_77 = arith.constant 0 : i32
        %dma_wait3A_78 = arith.constant 0 : i32
        %dma_wait3A_79 = tpu.memref_slice %arg4[%dma_wait3A_77, %dma_wait3A_78] : memref<10240x128xf32, #tpu.memory_space<hbm>> -> memref<10240x128xf32, #tpu.memory_space<hbm>>
        tpu.wait_indirect_dma semaphore(%arg19 : memref<!tpu.dma_semaphore, #tpu.memory_space<semaphore_mem>>) src(%dma_wait3A_79 : memref<10240x128xf32, #tpu.memory_space<hbm>>) dst(%arg16 : memref<128x128xf32, #tpu.memory_space<vmem>>)
        %add3A_80 = arith.constant 1 : i32
        %add3A_81 = arith.addi %mul3A_59, %add3A_80 : i32
        %mul3A_82 = arith.constant 128 : i32
        %mul3A_83 = arith.muli %add3A_81, %mul3A_82 : i32
        %add3A_84 = arith.addi %mul3A_28, %mul3A_83 : i32
        "tpu.region"() ({
          %run_scoped3A = tpu.sem_alloc : memref<!tpu.dma_semaphore, #tpu.memory_space<semaphore_mem>>
          %dma_start3A_85 = tpu.memref_slice %arg9[%add3A_84] : memref<81920xi32, #tpu.memory_space<hbm>> -> memref<128xi32, #tpu.memory_space<hbm>>
          %dma_start3A_86 = tpu.memref_slice %arg9[%add3A_84] : memref<81920xi32, #tpu.memory_space<hbm>> -> memref<128xi32, #tpu.memory_space<hbm>>
          tpu.enqueue_dma source(%dma_start3A_86 : memref<128xi32, #tpu.memory_space<hbm>>) target(%arg14 : memref<128xi32, #tpu.memory_space<vmem>>) target_semaphore(%run_scoped3A : memref<!tpu.dma_semaphore, #tpu.memory_space<semaphore_mem>>)
          %dma_wait3A_87 = tpu.memref_slice %arg9[%add3A_84] : memref<81920xi32, #tpu.memory_space<hbm>> -> memref<128xi32, #tpu.memory_space<hbm>>
          %dma_wait3A_88 = tpu.memref_slice %arg9[%add3A_84] : memref<81920xi32, #tpu.memory_space<hbm>> -> memref<128xi32, #tpu.memory_space<hbm>>
          tpu.wait_dma2 semaphore(%run_scoped3A : memref<!tpu.dma_semaphore, #tpu.memory_space<semaphore_mem>>) src(%dma_wait3A_88 : memref<128xi32, #tpu.memory_space<hbm>>) dst(%arg14 : memref<128xi32, #tpu.memory_space<vmem>>)
          tpu.yield
        }) : () -> ()
        "tpu.region"() ({
          %run_scoped3A = tpu.sem_alloc : memref<!tpu.dma_semaphore, #tpu.memory_space<semaphore_mem>>
          %dma_start3A_85 = arith.constant 0 : i32
          %dma_start3A_86 = arith.constant 0 : i32
          %dma_start3A_87 = tpu.memref_slice %arg17[%dma_start3A_85, %dma_start3A_86] : memref<10240x128xf32, #tpu.memory_space<vmem_shared>> -> memref<10240x128xf32, #tpu.memory_space<vmem_shared>>
          tpu.enqueue_indirect_dma source(%arg16 : memref<128x128xf32, #tpu.memory_space<vmem>>) target(%dma_start3A_87 : memref<10240x128xf32, #tpu.memory_space<vmem_shared>>) offsets(%arg14 : memref<128xi32, #tpu.memory_space<vmem>>) semaphore(%run_scoped3A : memref<!tpu.dma_semaphore, #tpu.memory_space<semaphore_mem>>) {add = true}
          %dma_wait3A_88 = arith.constant 0 : i32
          %dma_wait3A_89 = arith.constant 0 : i32
          %dma_wait3A_90 = tpu.memref_slice %arg17[%dma_wait3A_88, %dma_wait3A_89] : memref<10240x128xf32, #tpu.memory_space<vmem_shared>> -> memref<10240x128xf32, #tpu.memory_space<vmem_shared>>
          tpu.wait_indirect_dma semaphore(%run_scoped3A : memref<!tpu.dma_semaphore, #tpu.memory_space<semaphore_mem>>) src(%arg16 : memref<128x128xf32, #tpu.memory_space<vmem>>) dst(%dma_wait3A_90 : memref<10240x128xf32, #tpu.memory_space<vmem_shared>>)
          tpu.yield
        }) : () -> ()
      }
      %scan3A_56 = arith.constant 20 : i32
    } else {
    }
    %eq3A_34 = arith.constant 1 : i32
    %eq3A_35 = arith.cmpi eq, %arg0, %eq3A_34 : i32
    %convert_element_type3A_36 = arith.extui %eq3A_35 : i1 to i32
    %cond3A_37 = arith.constant 0 : i32
    %cond3A_38 = arith.cmpi ne, %convert_element_type3A_36, %cond3A_37 : i32
    scf.if %cond3A_38 {
      "tpu.region"() ({
        %run_scoped3A = tpu.sem_alloc : memref<!tpu.dma_semaphore, #tpu.memory_space<semaphore_mem>>
        %dma_start3A_57 = tpu.memref_slice %arg8[%mul3A_28] : memref<81920xi32, #tpu.memory_space<hbm>> -> memref<128xi32, #tpu.memory_space<hbm>>
        %dma_start3A_58 = tpu.memref_slice %arg8[%mul3A_28] : memref<81920xi32, #tpu.memory_space<hbm>> -> memref<128xi32, #tpu.memory_space<hbm>>
        tpu.enqueue_dma source(%dma_start3A_58 : memref<128xi32, #tpu.memory_space<hbm>>) target(%arg12 : memref<128xi32, #tpu.memory_space<vmem>>) target_semaphore(%run_scoped3A : memref<!tpu.dma_semaphore, #tpu.memory_space<semaphore_mem>>)
        %dma_wait3A = tpu.memref_slice %arg8[%mul3A_28] : memref<81920xi32, #tpu.memory_space<hbm>> -> memref<128xi32, #tpu.memory_space<hbm>>
        %dma_wait3A_59 = tpu.memref_slice %arg8[%mul3A_28] : memref<81920xi32, #tpu.memory_space<hbm>> -> memref<128xi32, #tpu.memory_space<hbm>>
        tpu.wait_dma2 semaphore(%run_scoped3A : memref<!tpu.dma_semaphore, #tpu.memory_space<semaphore_mem>>) src(%dma_wait3A_59 : memref<128xi32, #tpu.memory_space<hbm>>) dst(%arg12 : memref<128xi32, #tpu.memory_space<vmem>>)
        tpu.yield
      }) : () -> ()
      %dma_start3A = arith.constant 0 : i32
      %dma_start3A_50 = arith.constant 0 : i32
      %dma_start3A_51 = tpu.memref_slice %arg5[%dma_start3A, %dma_start3A_50] : memref<10240x128xf32, #tpu.memory_space<hbm>> -> memref<10240x128xf32, #tpu.memory_space<hbm>>
      tpu.enqueue_indirect_dma source(%dma_start3A_51 : memref<10240x128xf32, #tpu.memory_space<hbm>>) target(%arg15 : memref<128x128xf32, #tpu.memory_space<vmem>>) offsets(%arg12 : memref<128xi32, #tpu.memory_space<vmem>>) semaphore(%arg18 : memref<!tpu.dma_semaphore, #tpu.memory_space<semaphore_mem>>)
      %scan3A = arith.constant 0 : i32
      %scan3A_52 = arith.constant 0 : i32
      %scan3A_53 = arith.constant 20 : i32
      %scan3A_54 = arith.addi %scan3A_52, %scan3A_53 : i32
      %scan3A_55 = arith.constant 1 : i32
      scf.for %scan3A_57 = %scan3A_52 to %scan3A_54 step %scan3A_55  : i32 {
        %mul3A_58 = arith.constant 2 : i32
        %mul3A_59 = arith.muli %mul3A_58, %scan3A_57 : i32
        %add3A_60 = arith.constant 1 : i32
        %add3A_61 = arith.addi %mul3A_59, %add3A_60 : i32
        %mul3A_62 = arith.constant 128 : i32
        %mul3A_63 = arith.muli %add3A_61, %mul3A_62 : i32
        %add3A_64 = arith.addi %mul3A_28, %mul3A_63 : i32
        "tpu.region"() ({
          %run_scoped3A = tpu.sem_alloc : memref<!tpu.dma_semaphore, #tpu.memory_space<semaphore_mem>>
          %dma_start3A_85 = tpu.memref_slice %arg8[%add3A_64] : memref<81920xi32, #tpu.memory_space<hbm>> -> memref<128xi32, #tpu.memory_space<hbm>>
          %dma_start3A_86 = tpu.memref_slice %arg8[%add3A_64] : memref<81920xi32, #tpu.memory_space<hbm>> -> memref<128xi32, #tpu.memory_space<hbm>>
          tpu.enqueue_dma source(%dma_start3A_86 : memref<128xi32, #tpu.memory_space<hbm>>) target(%arg13 : memref<128xi32, #tpu.memory_space<vmem>>) target_semaphore(%run_scoped3A : memref<!tpu.dma_semaphore, #tpu.memory_space<semaphore_mem>>)
          %dma_wait3A_87 = tpu.memref_slice %arg8[%add3A_64] : memref<81920xi32, #tpu.memory_space<hbm>> -> memref<128xi32, #tpu.memory_space<hbm>>
          %dma_wait3A_88 = tpu.memref_slice %arg8[%add3A_64] : memref<81920xi32, #tpu.memory_space<hbm>> -> memref<128xi32, #tpu.memory_space<hbm>>
          tpu.wait_dma2 semaphore(%run_scoped3A : memref<!tpu.dma_semaphore, #tpu.memory_space<semaphore_mem>>) src(%dma_wait3A_88 : memref<128xi32, #tpu.memory_space<hbm>>) dst(%arg13 : memref<128xi32, #tpu.memory_space<vmem>>)
          tpu.yield
        }) : () -> ()
        %dma_start3A_65 = arith.constant 0 : i32
        %dma_start3A_66 = arith.constant 0 : i32
        %dma_start3A_67 = tpu.memref_slice %arg5[%dma_start3A_65, %dma_start3A_66] : memref<10240x128xf32, #tpu.memory_space<hbm>> -> memref<10240x128xf32, #tpu.memory_space<hbm>>
        tpu.enqueue_indirect_dma source(%dma_start3A_67 : memref<10240x128xf32, #tpu.memory_space<hbm>>) target(%arg16 : memref<128x128xf32, #tpu.memory_space<vmem>>) offsets(%arg13 : memref<128xi32, #tpu.memory_space<vmem>>) semaphore(%arg19 : memref<!tpu.dma_semaphore, #tpu.memory_space<semaphore_mem>>)
        %dma_wait3A = arith.constant 0 : i32
        %dma_wait3A_68 = arith.constant 0 : i32
        %dma_wait3A_69 = tpu.memref_slice %arg5[%dma_wait3A, %dma_wait3A_68] : memref<10240x128xf32, #tpu.memory_space<hbm>> -> memref<10240x128xf32, #tpu.memory_space<hbm>>
        tpu.wait_indirect_dma semaphore(%arg18 : memref<!tpu.dma_semaphore, #tpu.memory_space<semaphore_mem>>) src(%dma_wait3A_69 : memref<10240x128xf32, #tpu.memory_space<hbm>>) dst(%arg15 : memref<128x128xf32, #tpu.memory_space<vmem>>)
        %mul3A_70 = arith.constant 128 : i32
        %mul3A_71 = arith.muli %mul3A_59, %mul3A_70 : i32
        %add3A_72 = arith.addi %mul3A_28, %mul3A_71 : i32
        "tpu.region"() ({
          %run_scoped3A = tpu.sem_alloc : memref<!tpu.dma_semaphore, #tpu.memory_space<semaphore_mem>>
          %dma_start3A_85 = tpu.memref_slice %arg9[%add3A_72] : memref<81920xi32, #tpu.memory_space<hbm>> -> memref<128xi32, #tpu.memory_space<hbm>>
          %dma_start3A_86 = tpu.memref_slice %arg9[%add3A_72] : memref<81920xi32, #tpu.memory_space<hbm>> -> memref<128xi32, #tpu.memory_space<hbm>>
          tpu.enqueue_dma source(%dma_start3A_86 : memref<128xi32, #tpu.memory_space<hbm>>) target(%arg14 : memref<128xi32, #tpu.memory_space<vmem>>) target_semaphore(%run_scoped3A : memref<!tpu.dma_semaphore, #tpu.memory_space<semaphore_mem>>)
          %dma_wait3A_87 = tpu.memref_slice %arg9[%add3A_72] : memref<81920xi32, #tpu.memory_space<hbm>> -> memref<128xi32, #tpu.memory_space<hbm>>
          %dma_wait3A_88 = tpu.memref_slice %arg9[%add3A_72] : memref<81920xi32, #tpu.memory_space<hbm>> -> memref<128xi32, #tpu.memory_space<hbm>>
          tpu.wait_dma2 semaphore(%run_scoped3A : memref<!tpu.dma_semaphore, #tpu.memory_space<semaphore_mem>>) src(%dma_wait3A_88 : memref<128xi32, #tpu.memory_space<hbm>>) dst(%arg14 : memref<128xi32, #tpu.memory_space<vmem>>)
          tpu.yield
        }) : () -> ()
        "tpu.region"() ({
          %run_scoped3A = tpu.sem_alloc : memref<!tpu.dma_semaphore, #tpu.memory_space<semaphore_mem>>
          %dma_start3A_85 = arith.constant 0 : i32
          %dma_start3A_86 = arith.constant 0 : i32
          %dma_start3A_87 = tpu.memref_slice %arg17[%dma_start3A_85, %dma_start3A_86] : memref<10240x128xf32, #tpu.memory_space<vmem_shared>> -> memref<10240x128xf32, #tpu.memory_space<vmem_shared>>
          tpu.enqueue_indirect_dma source(%arg15 : memref<128x128xf32, #tpu.memory_space<vmem>>) target(%dma_start3A_87 : memref<10240x128xf32, #tpu.memory_space<vmem_shared>>) offsets(%arg14 : memref<128xi32, #tpu.memory_space<vmem>>) semaphore(%run_scoped3A : memref<!tpu.dma_semaphore, #tpu.memory_space<semaphore_mem>>) {add = true}
          %dma_wait3A_88 = arith.constant 0 : i32
          %dma_wait3A_89 = arith.constant 0 : i32
          %dma_wait3A_90 = tpu.memref_slice %arg17[%dma_wait3A_88, %dma_wait3A_89] : memref<10240x128xf32, #tpu.memory_space<vmem_shared>> -> memref<10240x128xf32, #tpu.memory_space<vmem_shared>>
          tpu.wait_indirect_dma semaphore(%run_scoped3A : memref<!tpu.dma_semaphore, #tpu.memory_space<semaphore_mem>>) src(%arg15 : memref<128x128xf32, #tpu.memory_space<vmem>>) dst(%dma_wait3A_90 : memref<10240x128xf32, #tpu.memory_space<vmem_shared>>)
          tpu.yield
        }) : () -> ()
        %lt3A = arith.constant 19 : i32
        %lt3A_73 = arith.cmpi slt, %scan3A_57, %lt3A : i32
        %convert_element_type3A_74 = arith.extui %lt3A_73 : i1 to i32
        %cond3A_75 = arith.constant 0 : i32
        %cond3A_76 = arith.cmpi ne, %convert_element_type3A_74, %cond3A_75 : i32
        scf.if %cond3A_76 {
          %add3A_85 = arith.constant 2 : i32
          %add3A_86 = arith.addi %mul3A_59, %add3A_85 : i32
          %mul3A_87 = arith.constant 128 : i32
          %mul3A_88 = arith.muli %add3A_86, %mul3A_87 : i32
          %add3A_89 = arith.addi %mul3A_28, %mul3A_88 : i32
          "tpu.region"() ({
            %run_scoped3A = tpu.sem_alloc : memref<!tpu.dma_semaphore, #tpu.memory_space<semaphore_mem>>
            %dma_start3A_93 = tpu.memref_slice %arg8[%add3A_89] : memref<81920xi32, #tpu.memory_space<hbm>> -> memref<128xi32, #tpu.memory_space<hbm>>
            %dma_start3A_94 = tpu.memref_slice %arg8[%add3A_89] : memref<81920xi32, #tpu.memory_space<hbm>> -> memref<128xi32, #tpu.memory_space<hbm>>
            tpu.enqueue_dma source(%dma_start3A_94 : memref<128xi32, #tpu.memory_space<hbm>>) target(%arg12 : memref<128xi32, #tpu.memory_space<vmem>>) target_semaphore(%run_scoped3A : memref<!tpu.dma_semaphore, #tpu.memory_space<semaphore_mem>>)
            %dma_wait3A_95 = tpu.memref_slice %arg8[%add3A_89] : memref<81920xi32, #tpu.memory_space<hbm>> -> memref<128xi32, #tpu.memory_space<hbm>>
            %dma_wait3A_96 = tpu.memref_slice %arg8[%add3A_89] : memref<81920xi32, #tpu.memory_space<hbm>> -> memref<128xi32, #tpu.memory_space<hbm>>
            tpu.wait_dma2 semaphore(%run_scoped3A : memref<!tpu.dma_semaphore, #tpu.memory_space<semaphore_mem>>) src(%dma_wait3A_96 : memref<128xi32, #tpu.memory_space<hbm>>) dst(%arg12 : memref<128xi32, #tpu.memory_space<vmem>>)
            tpu.yield
          }) : () -> ()
          %dma_start3A_90 = arith.constant 0 : i32
          %dma_start3A_91 = arith.constant 0 : i32
          %dma_start3A_92 = tpu.memref_slice %arg5[%dma_start3A_90, %dma_start3A_91] : memref<10240x128xf32, #tpu.memory_space<hbm>> -> memref<10240x128xf32, #tpu.memory_space<hbm>>
          tpu.enqueue_indirect_dma source(%dma_start3A_92 : memref<10240x128xf32, #tpu.memory_space<hbm>>) target(%arg15 : memref<128x128xf32, #tpu.memory_space<vmem>>) offsets(%arg12 : memref<128xi32, #tpu.memory_space<vmem>>) semaphore(%arg18 : memref<!tpu.dma_semaphore, #tpu.memory_space<semaphore_mem>>)
        } else {
        }
        %dma_wait3A_77 = arith.constant 0 : i32
        %dma_wait3A_78 = arith.constant 0 : i32
        %dma_wait3A_79 = tpu.memref_slice %arg5[%dma_wait3A_77, %dma_wait3A_78] : memref<10240x128xf32, #tpu.memory_space<hbm>> -> memref<10240x128xf32, #tpu.memory_space<hbm>>
        tpu.wait_indirect_dma semaphore(%arg19 : memref<!tpu.dma_semaphore, #tpu.memory_space<semaphore_mem>>) src(%dma_wait3A_79 : memref<10240x128xf32, #tpu.memory_space<hbm>>) dst(%arg16 : memref<128x128xf32, #tpu.memory_space<vmem>>)
        %add3A_80 = arith.constant 1 : i32
        %add3A_81 = arith.addi %mul3A_59, %add3A_80 : i32
        %mul3A_82 = arith.constant 128 : i32
        %mul3A_83 = arith.muli %add3A_81, %mul3A_82 : i32
        %add3A_84 = arith.addi %mul3A_28, %mul3A_83 : i32
        "tpu.region"() ({
          %run_scoped3A = tpu.sem_alloc : memref<!tpu.dma_semaphore, #tpu.memory_space<semaphore_mem>>
          %dma_start3A_85 = tpu.memref_slice %arg9[%add3A_84] : memref<81920xi32, #tpu.memory_space<hbm>> -> memref<128xi32, #tpu.memory_space<hbm>>
          %dma_start3A_86 = tpu.memref_slice %arg9[%add3A_84] : memref<81920xi32, #tpu.memory_space<hbm>> -> memref<128xi32, #tpu.memory_space<hbm>>
          tpu.enqueue_dma source(%dma_start3A_86 : memref<128xi32, #tpu.memory_space<hbm>>) target(%arg14 : memref<128xi32, #tpu.memory_space<vmem>>) target_semaphore(%run_scoped3A : memref<!tpu.dma_semaphore, #tpu.memory_space<semaphore_mem>>)
          %dma_wait3A_87 = tpu.memref_slice %arg9[%add3A_84] : memref<81920xi32, #tpu.memory_space<hbm>> -> memref<128xi32, #tpu.memory_space<hbm>>
          %dma_wait3A_88 = tpu.memref_slice %arg9[%add3A_84] : memref<81920xi32, #tpu.memory_space<hbm>> -> memref<128xi32, #tpu.memory_space<hbm>>
          tpu.wait_dma2 semaphore(%run_scoped3A : memref<!tpu.dma_semaphore, #tpu.memory_space<semaphore_mem>>) src(%dma_wait3A_88 : memref<128xi32, #tpu.memory_space<hbm>>) dst(%arg14 : memref<128xi32, #tpu.memory_space<vmem>>)
          tpu.yield
        }) : () -> ()
        "tpu.region"() ({
          %run_scoped3A = tpu.sem_alloc : memref<!tpu.dma_semaphore, #tpu.memory_space<semaphore_mem>>
          %dma_start3A_85 = arith.constant 0 : i32
          %dma_start3A_86 = arith.constant 0 : i32
          %dma_start3A_87 = tpu.memref_slice %arg17[%dma_start3A_85, %dma_start3A_86] : memref<10240x128xf32, #tpu.memory_space<vmem_shared>> -> memref<10240x128xf32, #tpu.memory_space<vmem_shared>>
          tpu.enqueue_indirect_dma source(%arg16 : memref<128x128xf32, #tpu.memory_space<vmem>>) target(%dma_start3A_87 : memref<10240x128xf32, #tpu.memory_space<vmem_shared>>) offsets(%arg14 : memref<128xi32, #tpu.memory_space<vmem>>) semaphore(%run_scoped3A : memref<!tpu.dma_semaphore, #tpu.memory_space<semaphore_mem>>) {add = true}
          %dma_wait3A_88 = arith.constant 0 : i32
          %dma_wait3A_89 = arith.constant 0 : i32
          %dma_wait3A_90 = tpu.memref_slice %arg17[%dma_wait3A_88, %dma_wait3A_89] : memref<10240x128xf32, #tpu.memory_space<vmem_shared>> -> memref<10240x128xf32, #tpu.memory_space<vmem_shared>>
          tpu.wait_indirect_dma semaphore(%run_scoped3A : memref<!tpu.dma_semaphore, #tpu.memory_space<semaphore_mem>>) src(%arg16 : memref<128x128xf32, #tpu.memory_space<vmem>>) dst(%dma_wait3A_90 : memref<10240x128xf32, #tpu.memory_space<vmem_shared>>)
          tpu.yield
        }) : () -> ()
      }
      %scan3A_56 = arith.constant 20 : i32
    } else {
    }
    %barrier3A_39 = arith.constant 0 : index
    tpu.barrier barrier_id(%barrier3A_39)
    %mul3A_40 = arith.constant 640 : i32
    %mul3A_41 = arith.muli %arg1, %mul3A_40 : i32
    %add3A_42 = arith.constant 2 : i32
    %add3A_43 = arith.addi %add3A_42, %arg0 : i32
    %mul3A_44 = arith.constant 10240 : i32
    %mul3A_45 = arith.muli %add3A_43, %mul3A_44 : i32
    %mul3A_46 = arith.constant 640 : i32
    %mul3A_47 = arith.muli %arg1, %mul3A_46 : i32
    %add3A_48 = arith.addi %mul3A_45, %mul3A_47 : i32
    "tpu.region"() ({
      %run_scoped3A = tpu.sem_alloc : memref<!tpu.dma_semaphore, #tpu.memory_space<semaphore_mem>>
      %dma_start3A = arith.constant 0 : i32
      %dma_start3A_50 = tpu.memref_slice %arg11[%add3A_48, %dma_start3A] : memref<40960x128xf32, #tpu.memory_space<hbm>> -> memref<640x128xf32, #tpu.memory_space<hbm>>
      %dma_start3A_51 = arith.constant 0 : i32
      %dma_start3A_52 = tpu.memref_slice %arg17[%mul3A_41, %dma_start3A_51] : memref<10240x128xf32, #tpu.memory_space<vmem_shared>> -> memref<640x128xf32, #tpu.memory_space<vmem_shared>>
      tpu.enqueue_dma source(%dma_start3A_52 : memref<640x128xf32, #tpu.memory_space<vmem_shared>>) target(%dma_start3A_50 : memref<640x128xf32, #tpu.memory_space<hbm>>) target_semaphore(%run_scoped3A : memref<!tpu.dma_semaphore, #tpu.memory_space<semaphore_mem>>)
      %dma_wait3A = arith.constant 0 : i32
      %dma_wait3A_53 = tpu.memref_slice %arg11[%add3A_48, %dma_wait3A] : memref<40960x128xf32, #tpu.memory_space<hbm>> -> memref<640x128xf32, #tpu.memory_space<hbm>>
      %dma_wait3A_54 = arith.constant 0 : i32
      %dma_wait3A_55 = tpu.memref_slice %arg17[%mul3A_41, %dma_wait3A_54] : memref<10240x128xf32, #tpu.memory_space<vmem_shared>> -> memref<640x128xf32, #tpu.memory_space<vmem_shared>>
      tpu.wait_dma2 semaphore(%run_scoped3A : memref<!tpu.dma_semaphore, #tpu.memory_space<semaphore_mem>>) src(%dma_wait3A_55 : memref<640x128xf32, #tpu.memory_space<vmem_shared>>) dst(%dma_wait3A_53 : memref<640x128xf32, #tpu.memory_space<hbm>>)
      tpu.yield
    }) : () -> ()
    %barrier3A_49 = arith.constant 0 : index
    tpu.barrier barrier_id(%barrier3A_49)
    return
  }
}

module attributes {stable_mosaic.version = 14 : i64} {
  func.func @_dinv_body(%arg0: memref<20480x128xf32, #tpu.memory_space<vmem>>, %arg1: memref<2x10240xf32, #tpu.memory_space<vmem>>, %arg2: memref<20480x128xf32, #tpu.memory_space<vmem>>) attributes {dimension_semantics = [], scalar_prefetch = 0 : i64, scratch_operands = 0 : i64, tpu.core_type = #tpu.core_type<tc>} {
    %get3A = arith.constant 0 : index
    %get3A_0 = arith.constant 0 : index
    %get3A_1 = vector.load %arg0[%get3A, %get3A_0] : memref<20480x128xf32, #tpu.memory_space<vmem>>, vector<20480x1xf32>
    %gt3A = arith.constant 0.000000e+00 : f32
    %gt3A_2 = vector.broadcast %gt3A : f32 to vector<20480x1xf32>
    %gt3A_3 = arith.cmpf ogt, %get3A_1, %gt3A_2 : vector<20480x1xf32>
    %rsqrt3A = math.rsqrt %get3A_1 : vector<20480x1xf32>
    %jit3A = arith.constant 0.000000e+00 : f32
    %broadcast_in_dim3A = vector.broadcast %jit3A : f32 to vector<20480x1xf32>
    %select_n3A = arith.select %gt3A_3, %rsqrt3A, %broadcast_in_dim3A : vector<20480x1xi1>, vector<20480x1xf32>
    %reshape3A = vector.shape_cast %select_n3A : vector<20480x1xf32> to vector<2x10240xf32>
    %swap3A = arith.constant 0 : index
    %swap3A_4 = arith.constant 0 : index
    %swap3A_5 = vector.load %arg1[%swap3A, %swap3A_4] : memref<2x10240xf32, #tpu.memory_space<vmem>>, vector<2x10240xf32>
    tpu.vector_store %arg1[%swap3A, %swap3A_4], %reshape3A {strides = array<i32>} : memref<2x10240xf32, #tpu.memory_space<vmem>>, vector<2x10240xf32>,
    %broadcast_in_dim3A_6 = vector.shape_cast %select_n3A : vector<20480x1xf32> to vector<20480x1xf32>
    %broadcast_in_dim3A_7 = vector.broadcast %broadcast_in_dim3A_6 : vector<20480x1xf32> to vector<20480x128xf32>
    %swap3A_8 = arith.constant 0 : index
    %swap3A_9 = arith.constant 0 : index
    %swap3A_10 = vector.load %arg2[%swap3A_8, %swap3A_9] : memref<20480x128xf32, #tpu.memory_space<vmem>>, vector<20480x128xf32>
    tpu.vector_store %arg2[%swap3A_8, %swap3A_9], %broadcast_in_dim3A_7 {strides = array<i32>} : memref<20480x128xf32, #tpu.memory_space<vmem>>, vector<20480x128xf32>,
    return
  }
}

module attributes {stable_mosaic.version = 14 : i64} {
  func.func @_oh_body(%arg0: i32, %arg1: memref<2048x1xf32, #tpu.memory_space<vmem>>, %arg2: memref<2048x1xi32, #tpu.memory_space<vmem>>, %arg3: memref<2048x128xf32, #tpu.memory_space<vmem>>) attributes {dimension_semantics = [#tpu.dimension_semantics<arbitrary>], iteration_bounds = array<i64: 80>, scalar_prefetch = 0 : i64, scratch_operands = 0 : i64, tpu.core_type = #tpu.core_type<tc>, window_params = [{transform_indices = @transform_0, window_bounds = array<i64: 2048, 1>}, {transform_indices = @transform_1, window_bounds = array<i64: 2048, 1>}, {transform_indices = @transform_2, window_bounds = array<i64: 2048, 128>}]} {
    %iota3A = tpu.iota {dimensions = array<i32: 1>} : vector<2048x128xi32>
    %get3A = arith.constant 0 : index
    %get3A_0 = arith.constant 0 : index
    %get3A_1 = vector.load %arg2[%get3A, %get3A_0] : memref<2048x1xi32, #tpu.memory_space<vmem>>, vector<2048x1xi32>
    %eq3A = vector.broadcast %get3A_1 : vector<2048x1xi32> to vector<2048x128xi32>
    %eq3A_2 = arith.cmpi eq, %iota3A, %eq3A : vector<2048x128xi32>
    %get3A_3 = arith.constant 0 : index
    %get3A_4 = arith.constant 0 : index
    %get3A_5 = vector.load %arg1[%get3A_3, %get3A_4] : memref<2048x1xf32, #tpu.memory_space<vmem>>, vector<2048x1xf32>
    %jit3A = arith.constant 0.000000e+00 : f32
    %broadcast_in_dim3A = vector.shape_cast %get3A_5 : vector<2048x1xf32> to vector<2048x1xf32>
    %broadcast_in_dim3A_6 = vector.broadcast %broadcast_in_dim3A : vector<2048x1xf32> to vector<2048x128xf32>
    %broadcast_in_dim3A_7 = vector.broadcast %jit3A : f32 to vector<2048x128xf32>
    %select_n3A = arith.select %eq3A_2, %broadcast_in_dim3A_6, %broadcast_in_dim3A_7 : vector<2048x128xi1>, vector<2048x128xf32>
    %swap3A = arith.constant 0 : index
    %swap3A_8 = arith.constant 0 : index
    %swap3A_9 = vector.load %arg3[%swap3A, %swap3A_8] : memref<2048x128xf32, #tpu.memory_space<vmem>>, vector<2048x128xf32>
    tpu.vector_store %arg3[%swap3A, %swap3A_8], %select_n3A {strides = array<i32>} : memref<2048x128xf32, #tpu.memory_space<vmem>>, vector<2048x128xf32>,
    return
  }
  func.func @transform_0(%arg0: i32) -> (i32, i32) {
    %c0_i32 = arith.constant 0 : i32
    %c0_i32_0 = arith.constant 0 : i32
    return %arg0, %c0_i32 : i32, i32
  }
  func.func @transform_1(%arg0: i32) -> (i32, i32) {
    %c0_i32 = arith.constant 0 : i32
    %c0_i32_0 = arith.constant 0 : i32
    return %arg0, %c0_i32 : i32, i32
  }
  func.func @transform_2(%arg0: i32) -> (i32, i32) {
    %c0_i32 = arith.constant 0 : i32
    %c0_i32_0 = arith.constant 0 : i32
    return %arg0, %c0_i32 : i32, i32
  }
}

module attributes {stable_mosaic.version = 14 : i64} {
  func.func @_mm_scaled_body(%arg0: i32, %arg1: memref<512x256xf32, #tpu.memory_space<vmem>>, %arg2: memref<256x768xf32, #tpu.memory_space<vmem>>, %arg3: memref<512x2xf32, #tpu.memory_space<vmem>>, %arg4: memref<512x128xf32, #tpu.memory_space<vmem>>, %arg5: memref<512x128xf32, #tpu.memory_space<vmem>>, %arg6: memref<512x128xf32, #tpu.memory_space<vmem>>, %arg7: memref<512x128xf32, #tpu.memory_space<vmem>>, %arg8: memref<512x256xf32, #tpu.memory_space<vmem>>) attributes {dimension_semantics = [#tpu.dimension_semantics<arbitrary>], iteration_bounds = array<i64: 20>, scalar_prefetch = 0 : i64, scratch_operands = 0 : i64, tpu.core_type = #tpu.core_type<tc>, window_params = [{transform_indices = @transform_0, window_bounds = array<i64: 512, 256>}, {pipeline_mode = #tpu.pipeline_mode<synchronous>, transform_indices = @transform_1, window_bounds = array<i64: 256, 768>}, {transform_indices = @transform_2, window_bounds = array<i64: 512, 2>}, {transform_indices = @transform_3, window_bounds = array<i64: 512, 128>}, {transform_indices = @transform_4, window_bounds = array<i64: 512, 128>}, {transform_indices = @transform_5, window_bounds = array<i64: 512, 128>}, {transform_indices = @transform_6, window_bounds = array<i64: 512, 128>}, {transform_indices = @transform_7, window_bounds = array<i64: 512, 256>}]} {
    %get3A = arith.constant 0 : index
    %get3A_0 = arith.constant 0 : index
    %get3A_1 = vector.load %arg1[%get3A, %get3A_0] : memref<512x256xf32, #tpu.memory_space<vmem>>, vector<512x256xf32>
    %get3A_2 = arith.constant 0 : index
    %get3A_3 = arith.constant 0 : index
    %get3A_4 = vector.load %arg2[%get3A_2, %get3A_3] : memref<256x768xf32, #tpu.memory_space<vmem>>, vector<256x768xf32>
    %dot_general3A = arith.constant dense<0.000000e+00> : vector<512x768xf32>
    %dot_general3A_5 = tpu.matmul %get3A_1, %get3A_4, %dot_general3A {dimension_numbers = #tpu.dot_dimension_numbers<[1], [0], [0], [1], [0, 0, 1, 1], [], []>, transpose_lhs_hint = false} : vector<512x256xf32>, vector<256x768xf32>, vector<512x768xf32> -> vector<512x768xf32>
    %get3A_6 = arith.constant 0 : index
    %get3A_7 = arith.constant 0 : index
    %get3A_8 = vector.load %arg3[%get3A_6, %get3A_7] : memref<512x2xf32, #tpu.memory_space<vmem>>, vector<512x1xf32>
    %get3A_9 = arith.constant 0 : index
    %get3A_10 = arith.constant 1 : index
    %get3A_11 = vector.load %arg3[%get3A_9, %get3A_10] : memref<512x2xf32, #tpu.memory_space<vmem>>, vector<512x1xf32>
    %slice3A = vector.extract_strided_slice %dot_general3A_5 {offsets = [0, 0], sizes = [512, 128], strides = [1, 1]} : vector<512x768xf32> to vector<512x128xf32>
    %mul3A = vector.broadcast %get3A_8 : vector<512x1xf32> to vector<512x128xf32>
    %mul3A_12 = arith.mulf %slice3A, %mul3A : vector<512x128xf32>
    %swap3A = arith.constant 0 : index
    %swap3A_13 = arith.constant 0 : index
    %swap3A_14 = vector.load %arg4[%swap3A, %swap3A_13] : memref<512x128xf32, #tpu.memory_space<vmem>>, vector<512x128xf32>
    tpu.vector_store %arg4[%swap3A, %swap3A_13], %mul3A_12 {strides = array<i32>} : memref<512x128xf32, #tpu.memory_space<vmem>>, vector<512x128xf32>,
    %slice3A_15 = vector.extract_strided_slice %dot_general3A_5 {offsets = [0, 128], sizes = [512, 128], strides = [1, 1]} : vector<512x768xf32> to vector<512x128xf32>
    %mul3A_16 = vector.broadcast %get3A_8 : vector<512x1xf32> to vector<512x128xf32>
    %mul3A_17 = arith.mulf %slice3A_15, %mul3A_16 : vector<512x128xf32>
    %swap3A_18 = arith.constant 0 : index
    %swap3A_19 = arith.constant 0 : index
    %swap3A_20 = vector.load %arg5[%swap3A_18, %swap3A_19] : memref<512x128xf32, #tpu.memory_space<vmem>>, vector<512x128xf32>
    tpu.vector_store %arg5[%swap3A_18, %swap3A_19], %mul3A_17 {strides = array<i32>} : memref<512x128xf32, #tpu.memory_space<vmem>>, vector<512x128xf32>,
    %slice3A_21 = vector.extract_strided_slice %dot_general3A_5 {offsets = [0, 256], sizes = [512, 128], strides = [1, 1]} : vector<512x768xf32> to vector<512x128xf32>
    %mul3A_22 = vector.broadcast %get3A_11 : vector<512x1xf32> to vector<512x128xf32>
    %mul3A_23 = arith.mulf %slice3A_21, %mul3A_22 : vector<512x128xf32>
    %swap3A_24 = arith.constant 0 : index
    %swap3A_25 = arith.constant 0 : index
    %swap3A_26 = vector.load %arg6[%swap3A_24, %swap3A_25] : memref<512x128xf32, #tpu.memory_space<vmem>>, vector<512x128xf32>
    tpu.vector_store %arg6[%swap3A_24, %swap3A_25], %mul3A_23 {strides = array<i32>} : memref<512x128xf32, #tpu.memory_space<vmem>>, vector<512x128xf32>,
    %slice3A_27 = vector.extract_strided_slice %dot_general3A_5 {offsets = [0, 384], sizes = [512, 128], strides = [1, 1]} : vector<512x768xf32> to vector<512x128xf32>
    %mul3A_28 = vector.broadcast %get3A_11 : vector<512x1xf32> to vector<512x128xf32>
    %mul3A_29 = arith.mulf %slice3A_27, %mul3A_28 : vector<512x128xf32>
    %swap3A_30 = arith.constant 0 : index
    %swap3A_31 = arith.constant 0 : index
    %swap3A_32 = vector.load %arg7[%swap3A_30, %swap3A_31] : memref<512x128xf32, #tpu.memory_space<vmem>>, vector<512x128xf32>
    tpu.vector_store %arg7[%swap3A_30, %swap3A_31], %mul3A_29 {strides = array<i32>} : memref<512x128xf32, #tpu.memory_space<vmem>>, vector<512x128xf32>,
    %slice3A_33 = vector.extract_strided_slice %dot_general3A_5 {offsets = [0, 512], sizes = [512, 256], strides = [1, 1]} : vector<512x768xf32> to vector<512x256xf32>
    %swap3A_34 = arith.constant 0 : index
    %swap3A_35 = arith.constant 0 : index
    %swap3A_36 = vector.load %arg8[%swap3A_34, %swap3A_35] : memref<512x256xf32, #tpu.memory_space<vmem>>, vector<512x256xf32>
    tpu.vector_store %arg8[%swap3A_34, %swap3A_35], %slice3A_33 {strides = array<i32>} : memref<512x256xf32, #tpu.memory_space<vmem>>, vector<512x256xf32>,
    return
  }
  func.func @transform_0(%arg0: i32) -> (i32, i32) {
    %c0_i32 = arith.constant 0 : i32
    %c0_i32_0 = arith.constant 0 : i32
    return %arg0, %c0_i32 : i32, i32
  }
  func.func @transform_1(%arg0: i32) -> (i32, i32) {
    %c0_i32 = arith.constant 0 : i32
    %c0_i32_0 = arith.constant 0 : i32
    %c0_i32_1 = arith.constant 0 : i32
    return %c0_i32, %c0_i32_0 : i32, i32
  }
  func.func @transform_2(%arg0: i32) -> (i32, i32) {
    %c0_i32 = arith.constant 0 : i32
    %c0_i32_0 = arith.constant 0 : i32
    return %arg0, %c0_i32 : i32, i32
  }
  func.func @transform_3(%arg0: i32) -> (i32, i32) {
    %c0_i32 = arith.constant 0 : i32
    %c0_i32_0 = arith.constant 0 : i32
    return %arg0, %c0_i32 : i32, i32
  }
  func.func @transform_4(%arg0: i32) -> (i32, i32) {
    %c0_i32 = arith.constant 0 : i32
    %c0_i32_0 = arith.constant 0 : i32
    return %arg0, %c0_i32 : i32, i32
  }
  func.func @transform_5(%arg0: i32) -> (i32, i32) {
    %c0_i32 = arith.constant 0 : i32
    %c0_i32_0 = arith.constant 0 : i32
    return %arg0, %c0_i32 : i32, i32
  }
  func.func @transform_6(%arg0: i32) -> (i32, i32) {
    %c0_i32 = arith.constant 0 : i32
    %c0_i32_0 = arith.constant 0 : i32
    return %arg0, %c0_i32 : i32, i32
  }
  func.func @transform_7(%arg0: i32) -> (i32, i32) {
    %c0_i32 = arith.constant 0 : i32
    %c0_i32_0 = arith.constant 0 : i32
    return %arg0, %c0_i32 : i32, i32
  }
}

module attributes {stable_mosaic.version = 14 : i64} {
  func.func @_mm_small_body(%arg0: memref<512x256xf32, #tpu.memory_space<vmem>>, %arg1: memref<256x1024xf32, #tpu.memory_space<vmem>>, %arg2: memref<512x1024xf32, #tpu.memory_space<vmem>>) attributes {dimension_semantics = [], scalar_prefetch = 0 : i64, scratch_operands = 0 : i64, tpu.core_type = #tpu.core_type<tc>} {
    %get3A = arith.constant 0 : index
    %get3A_0 = arith.constant 0 : index
    %get3A_1 = vector.load %arg0[%get3A, %get3A_0] : memref<512x256xf32, #tpu.memory_space<vmem>>, vector<512x256xf32>
    %get3A_2 = arith.constant 0 : index
    %get3A_3 = arith.constant 0 : index
    %get3A_4 = vector.load %arg1[%get3A_2, %get3A_3] : memref<256x1024xf32, #tpu.memory_space<vmem>>, vector<256x1024xf32>
    %dot_general3A = arith.constant dense<0.000000e+00> : vector<512x1024xf32>
    %dot_general3A_5 = tpu.matmul %get3A_1, %get3A_4, %dot_general3A {dimension_numbers = #tpu.dot_dimension_numbers<[1], [0], [0], [1], [0, 0, 1, 1], [], []>, transpose_lhs_hint = false} : vector<512x256xf32>, vector<256x1024xf32>, vector<512x1024xf32> -> vector<512x1024xf32>
    %swap3A = arith.constant 0 : index
    %swap3A_6 = arith.constant 0 : index
    %swap3A_7 = vector.load %arg2[%swap3A, %swap3A_6] : memref<512x1024xf32, #tpu.memory_space<vmem>>, vector<512x1024xf32>
    tpu.vector_store %arg2[%swap3A, %swap3A_6], %dot_general3A_5 {strides = array<i32>} : memref<512x1024xf32, #tpu.memory_space<vmem>>, vector<512x1024xf32>,
    return
  }
}

module attributes {stable_mosaic.version = 14 : i64} {
  func.func @_mm_small_body(%arg0: i32, %arg1: memref<512x400xf32, #tpu.memory_space<vmem>>, %arg2: memref<400x256xf32, #tpu.memory_space<vmem>>, %arg3: memref<512x256xf32, #tpu.memory_space<vmem>>) attributes {dimension_semantics = [#tpu.dimension_semantics<arbitrary>], iteration_bounds = array<i64: 20>, scalar_prefetch = 0 : i64, scratch_operands = 0 : i64, tpu.core_type = #tpu.core_type<tc>, window_params = [{transform_indices = @transform_0, window_bounds = array<i64: 512, 400>}, {pipeline_mode = #tpu.pipeline_mode<synchronous>, transform_indices = @transform_1, window_bounds = array<i64: 400, 256>}, {transform_indices = @transform_2, window_bounds = array<i64: 512, 256>}]} {
    %get3A = arith.constant 0 : index
    %get3A_0 = arith.constant 0 : index
    %get3A_1 = vector.load %arg1[%get3A, %get3A_0] : memref<512x400xf32, #tpu.memory_space<vmem>>, vector<512x400xf32>
    %get3A_2 = arith.constant 0 : index
    %get3A_3 = arith.constant 0 : index
    %get3A_4 = vector.load %arg2[%get3A_2, %get3A_3] : memref<400x256xf32, #tpu.memory_space<vmem>>, vector<400x256xf32>
    %dot_general3A = arith.constant dense<0.000000e+00> : vector<512x256xf32>
    %dot_general3A_5 = tpu.matmul %get3A_1, %get3A_4, %dot_general3A {dimension_numbers = #tpu.dot_dimension_numbers<[1], [0], [0], [1], [0, 0, 1, 1], [], []>, transpose_lhs_hint = false} : vector<512x400xf32>, vector<400x256xf32>, vector<512x256xf32> -> vector<512x256xf32>
    %swap3A = arith.constant 0 : index
    %swap3A_6 = arith.constant 0 : index
    %swap3A_7 = vector.load %arg3[%swap3A, %swap3A_6] : memref<512x256xf32, #tpu.memory_space<vmem>>, vector<512x256xf32>
    tpu.vector_store %arg3[%swap3A, %swap3A_6], %dot_general3A_5 {strides = array<i32>} : memref<512x256xf32, #tpu.memory_space<vmem>>, vector<512x256xf32>,
    return
  }
  func.func @transform_0(%arg0: i32) -> (i32, i32) {
    %c0_i32 = arith.constant 0 : i32
    %c0_i32_0 = arith.constant 0 : i32
    return %arg0, %c0_i32 : i32, i32
  }
  func.func @transform_1(%arg0: i32) -> (i32, i32) {
    %c0_i32 = arith.constant 0 : i32
    %c0_i32_0 = arith.constant 0 : i32
    %c0_i32_1 = arith.constant 0 : i32
    return %c0_i32, %c0_i32_0 : i32, i32
  }
  func.func @transform_2(%arg0: i32) -> (i32, i32) {
    %c0_i32 = arith.constant 0 : i32
    %c0_i32_0 = arith.constant 0 : i32
    return %arg0, %c0_i32 : i32, i32
  }
}

module attributes {stable_mosaic.version = 14 : i64} {
  func.func @_combine_body(%arg0: i32, %arg1: i32, %arg2: memref<1x1x128x128xf32, #tpu.memory_space<vmem>>, %arg3: memref<1x1x128x128xf32, #tpu.memory_space<vmem>>, %arg4: memref<128x128xf32, #tpu.memory_space<vmem>>, %arg5: memref<128x128xf32, #tpu.memory_space<vmem>>, %arg6: memref<128x128xf32, #tpu.memory_space<vmem>>, %arg7: memref<1x128xf32, #tpu.memory_space<vmem>>, %arg8: memref<128x2xf32, #tpu.memory_space<vmem>>, %arg9: memref<128x128xf32, #tpu.memory_space<vmem>>, %arg10: memref<2x128xf32, #tpu.memory_space<vmem>>) attributes {dimension_semantics = [#tpu.dimension_semantics<arbitrary>, #tpu.dimension_semantics<arbitrary>], iteration_bounds = array<i64: 2, 80>, scalar_prefetch = 0 : i64, scratch_operands = 0 : i64, tpu.core_type = #tpu.core_type<tc>, window_params = [{transform_indices = @transform_0, window_bounds = array<i64: 1, 1, 128, 128>}, {transform_indices = @transform_1, window_bounds = array<i64: 1, 1, 128, 128>}, {transform_indices = @transform_2, window_bounds = array<i64: 128, 128>}, {transform_indices = @transform_3, window_bounds = array<i64: 128, 128>}, {transform_indices = @transform_4, window_bounds = array<i64: 128, 128>}, {transform_indices = @transform_5, window_bounds = array<i64: 1, 128>}, {transform_indices = @transform_6, window_bounds = array<i64: 128, 2>}, {transform_indices = @transform_7, window_bounds = array<i64: 128, 128>}, {transform_indices = @transform_8, window_bounds = array<i64: 2, 128>}]} {
    %get3A = arith.constant 0 : index
    %get3A_0 = arith.constant 0 : index
    %get3A_1 = vector.load %arg8[%get3A, %get3A_0] : memref<128x2xf32, #tpu.memory_space<vmem>>, vector<128x1xf32>
    %get3A_2 = arith.constant 0 : index
    %get3A_3 = arith.constant 1 : index
    %get3A_4 = vector.load %arg8[%get3A_2, %get3A_3] : memref<128x2xf32, #tpu.memory_space<vmem>>, vector<128x1xf32>
    %get3A_5 = arith.constant 0 : index
    %get3A_6 = arith.constant 0 : index
    %get3A_7 = arith.constant 0 : index
    %get3A_8 = arith.constant 0 : index
    %get3A_9 = vector.load %arg2[%get3A_5, %get3A_6, %get3A_7, %get3A_8] : memref<1x1x128x128xf32, #tpu.memory_space<vmem>>, vector<1x1x128x128xf32>
    %get3A_10 = vector.shape_cast %get3A_9 : vector<1x1x128x128xf32> to vector<128x128xf32>
    %get3A_11 = arith.constant 0 : index
    %get3A_12 = arith.constant 0 : index
    %get3A_13 = vector.load %arg4[%get3A_11, %get3A_12] : memref<128x128xf32, #tpu.memory_space<vmem>>, vector<128x128xf32>
    %sub3A = arith.subf %get3A_10, %get3A_13 : vector<128x128xf32>
    %mul3A = vector.broadcast %get3A_1 : vector<128x1xf32> to vector<128x128xf32>
    %mul3A_14 = arith.mulf %mul3A, %sub3A : vector<128x128xf32>
    %get3A_15 = arith.constant 0 : index
    %get3A_16 = arith.constant 0 : index
    %get3A_17 = arith.constant 0 : index
    %get3A_18 = arith.constant 0 : index
    %get3A_19 = vector.load %arg3[%get3A_15, %get3A_16, %get3A_17, %get3A_18] : memref<1x1x128x128xf32, #tpu.memory_space<vmem>>, vector<1x1x128x128xf32>
    %get3A_20 = vector.shape_cast %get3A_19 : vector<1x1x128x128xf32> to vector<128x128xf32>
    %get3A_21 = arith.constant 0 : index
    %get3A_22 = arith.constant 0 : index
    %get3A_23 = vector.load %arg5[%get3A_21, %get3A_22] : memref<128x128xf32, #tpu.memory_space<vmem>>, vector<128x128xf32>
    %sub3A_24 = arith.subf %get3A_20, %get3A_23 : vector<128x128xf32>
    %mul3A_25 = vector.broadcast %get3A_4 : vector<128x1xf32> to vector<128x128xf32>
    %mul3A_26 = arith.mulf %mul3A_25, %sub3A_24 : vector<128x128xf32>
    %add3A = arith.addf %mul3A_14, %mul3A_26 : vector<128x128xf32>
    %get3A_27 = arith.constant 0 : index
    %get3A_28 = arith.constant 0 : index
    %get3A_29 = vector.load %arg6[%get3A_27, %get3A_28] : memref<128x128xf32, #tpu.memory_space<vmem>>, vector<128x128xf32>
    %get3A_30 = arith.constant 0 : index
    %get3A_31 = arith.constant 0 : index
    %get3A_32 = vector.load %arg7[%get3A_30, %get3A_31] : memref<1x128xf32, #tpu.memory_space<vmem>>, vector<1x128xf32>
    %sub3A_33 = vector.broadcast %get3A_32 : vector<1x128xf32> to vector<128x128xf32>
    %sub3A_34 = arith.subf %get3A_29, %sub3A_33 : vector<128x128xf32>
    %add3A_35 = arith.addf %add3A, %sub3A_34 : vector<128x128xf32>
    %mul3A_36 = arith.constant 0.333333343 : f32
    %mul3A_37 = vector.broadcast %mul3A_36 : f32 to vector<128x128xf32>
    %mul3A_38 = arith.mulf %add3A_35, %mul3A_37 : vector<128x128xf32>
    %swap3A = arith.constant 0 : index
    %swap3A_39 = arith.constant 0 : index
    %swap3A_40 = vector.load %arg9[%swap3A, %swap3A_39] : memref<128x128xf32, #tpu.memory_space<vmem>>, vector<128x128xf32>
    tpu.vector_store %arg9[%swap3A, %swap3A_39], %mul3A_38 {strides = array<i32>} : memref<128x128xf32, #tpu.memory_space<vmem>>, vector<128x128xf32>,
    %mul3A_41 = arith.constant 128 : i32
    %mul3A_42 = arith.muli %arg1, %mul3A_41 : i32
    %iota3A = tpu.iota {dimensions = array<i32: 0>} : vector<128x1xi32>
    %add3A_43 = vector.broadcast %mul3A_42 : i32 to vector<128x1xi32>
    %add3A_44 = arith.addi %add3A_43, %iota3A : vector<128x1xi32>
    %lt3A = arith.constant 10000 : i32
    %lt3A_45 = vector.broadcast %lt3A : i32 to vector<128x1xi32>
    %lt3A_46 = arith.cmpi slt, %add3A_44, %lt3A_45 : vector<128x1xi32>
    %jit3A = arith.constant 0.000000e+00 : f32
    %broadcast_in_dim3A = vector.shape_cast %lt3A_46 : vector<128x1xi1> to vector<128x1xi1>
    %broadcast_in_dim3A_47 = vector.broadcast %broadcast_in_dim3A : vector<128x1xi1> to vector<128x128xi1>
    %broadcast_in_dim3A_48 = vector.broadcast %jit3A : f32 to vector<128x128xf32>
    %select_n3A = arith.select %broadcast_in_dim3A_47, %mul3A_38, %broadcast_in_dim3A_48 : vector<128x128xi1>, vector<128x128xf32>
    %reduce_sum3A = arith.constant dense<0.000000e+00> : vector<128xf32>
    %reduce_sum3A_49 = vector.multi_reduction <add>, %select_n3A, %reduce_sum3A [0] : vector<128x128xf32> to vector<128xf32>
    %broadcast_in_dim3A_50 = vector.shape_cast %reduce_sum3A_49 : vector<128xf32> to vector<1x128xf32>
    %mul3A_51 = arith.mulf %select_n3A, %select_n3A : vector<128x128xf32>
    %reduce_sum3A_52 = arith.constant dense<0.000000e+00> : vector<128xf32>
    %reduce_sum3A_53 = vector.multi_reduction <add>, %mul3A_51, %reduce_sum3A_52 [0] : vector<128x128xf32> to vector<128xf32>
    %broadcast_in_dim3A_54 = vector.shape_cast %reduce_sum3A_53 : vector<128xf32> to vector<1x128xf32>
    %concatenate3A = tpu.concatenate %broadcast_in_dim3A_50, %broadcast_in_dim3A_54 in 0 : vector<1x128xf32>, vector<1x128xf32> -> vector<2x128xf32>
    %eq3A = arith.constant 0 : i32
    %eq3A_55 = arith.cmpi eq, %arg1, %eq3A : i32
    %convert_element_type3A = arith.extui %eq3A_55 : i1 to i32
    %cond3A = arith.constant 0 : i32
    %cond3A_56 = arith.cmpi ne, %convert_element_type3A, %cond3A : i32
    scf.if %cond3A_56 {
      %swap3A_61 = arith.constant 0 : index
      %swap3A_62 = arith.constant 0 : index
      %swap3A_63 = vector.load %arg10[%swap3A_61, %swap3A_62] : memref<2x128xf32, #tpu.memory_space<vmem>>, vector<2x128xf32>
      tpu.vector_store %arg10[%swap3A_61, %swap3A_62], %concatenate3A {strides = array<i32>} : memref<2x128xf32, #tpu.memory_space<vmem>>, vector<2x128xf32>,
    } else {
    }
    %gt3A = arith.constant 0 : i32
    %gt3A_57 = arith.cmpi sgt, %arg1, %gt3A : i32
    %convert_element_type3A_58 = arith.extui %gt3A_57 : i1 to i32
    %cond3A_59 = arith.constant 0 : i32
    %cond3A_60 = arith.cmpi ne, %convert_element_type3A_58, %cond3A_59 : i32
    scf.if %cond3A_60 {
      %get3A_61 = arith.constant 0 : index
      %get3A_62 = arith.constant 0 : index
      %get3A_63 = vector.load %arg10[%get3A_61, %get3A_62] : memref<2x128xf32, #tpu.memory_space<vmem>>, vector<2x128xf32>
      %add3A_64 = arith.addf %get3A_63, %concatenate3A : vector<2x128xf32>
      %swap3A_65 = arith.constant 0 : index
      %swap3A_66 = arith.constant 0 : index
      %swap3A_67 = vector.load %arg10[%swap3A_65, %swap3A_66] : memref<2x128xf32, #tpu.memory_space<vmem>>, vector<2x128xf32>
      tpu.vector_store %arg10[%swap3A_65, %swap3A_66], %add3A_64 {strides = array<i32>} : memref<2x128xf32, #tpu.memory_space<vmem>>, vector<2x128xf32>,
    } else {
    }
    return
  }
  func.func @transform_0(%arg0: i32, %arg1: i32) -> (i32, i32, i32, i32) {
    %c0_i32 = arith.constant 0 : i32
    %c0_i32_0 = arith.constant 0 : i32
    %c0_i32_1 = arith.constant 0 : i32
    return %c0_i32, %arg0, %arg1, %c0_i32_0 : i32, i32, i32, i32
  }
  func.func @transform_1(%arg0: i32, %arg1: i32) -> (i32, i32, i32, i32) {
    %c1_i32 = arith.constant 1 : i32
    %c0_i32 = arith.constant 0 : i32
    %c0_i32_0 = arith.constant 0 : i32
    return %c1_i32, %arg0, %arg1, %c0_i32 : i32, i32, i32, i32
  }
  func.func @transform_2(%arg0: i32, %arg1: i32) -> (i32, i32) {
    %c0_i32 = arith.constant 0 : i32
    return %arg1, %arg0 : i32, i32
  }
  func.func @transform_3(%arg0: i32, %arg1: i32) -> (i32, i32) {
    %c0_i32 = arith.constant 0 : i32
    return %arg1, %arg0 : i32, i32
  }
  func.func @transform_4(%arg0: i32, %arg1: i32) -> (i32, i32) {
    %c0_i32 = arith.constant 0 : i32
    return %arg1, %arg0 : i32, i32
  }
  func.func @transform_5(%arg0: i32, %arg1: i32) -> (i32, i32) {
    %c0_i32 = arith.constant 0 : i32
    %c0_i32_0 = arith.constant 0 : i32
    return %c0_i32, %arg0 : i32, i32
  }
  func.func @transform_6(%arg0: i32, %arg1: i32) -> (i32, i32) {
    %c0_i32 = arith.constant 0 : i32
    %c0_i32_0 = arith.constant 0 : i32
    return %arg1, %c0_i32 : i32, i32
  }
  func.func @transform_7(%arg0: i32, %arg1: i32) -> (i32, i32) {
    %c0_i32 = arith.constant 0 : i32
    return %arg1, %arg0 : i32, i32
  }
  func.func @transform_8(%arg0: i32, %arg1: i32) -> (i32, i32) {
    %c0_i32 = arith.constant 0 : i32
    %c0_i32_0 = arith.constant 0 : i32
    return %c0_i32, %arg0 : i32, i32
  }
}

module attributes {stable_mosaic.version = 14 : i64} {
  func.func @_mm_norm_scaled_body(%arg0: i32, %arg1: memref<512x256xf32, #tpu.memory_space<vmem>>, %arg2: memref<2x256xf32, #tpu.memory_space<vmem>>, %arg3: memref<256x768xf32, #tpu.memory_space<vmem>>, %arg4: memref<512x2xf32, #tpu.memory_space<vmem>>, %arg5: memref<512x128xf32, #tpu.memory_space<vmem>>, %arg6: memref<512x128xf32, #tpu.memory_space<vmem>>, %arg7: memref<512x128xf32, #tpu.memory_space<vmem>>, %arg8: memref<512x128xf32, #tpu.memory_space<vmem>>, %arg9: memref<512x256xf32, #tpu.memory_space<vmem>>) attributes {dimension_semantics = [#tpu.dimension_semantics<arbitrary>], iteration_bounds = array<i64: 20>, scalar_prefetch = 0 : i64, scratch_operands = 0 : i64, tpu.core_type = #tpu.core_type<tc>, window_params = [{transform_indices = @transform_0, window_bounds = array<i64: 512, 256>}, {pipeline_mode = #tpu.pipeline_mode<synchronous>, transform_indices = @transform_1, window_bounds = array<i64: 2, 256>}, {pipeline_mode = #tpu.pipeline_mode<synchronous>, transform_indices = @transform_2, window_bounds = array<i64: 256, 768>}, {transform_indices = @transform_3, window_bounds = array<i64: 512, 2>}, {transform_indices = @transform_4, window_bounds = array<i64: 512, 128>}, {transform_indices = @transform_5, window_bounds = array<i64: 512, 128>}, {transform_indices = @transform_6, window_bounds = array<i64: 512, 128>}, {transform_indices = @transform_7, window_bounds = array<i64: 512, 128>}, {transform_indices = @transform_8, window_bounds = array<i64: 512, 256>}]} {
    %get3A = arith.constant 0 : index
    %get3A_0 = arith.constant 0 : index
    %get3A_1 = vector.load %arg2[%get3A, %get3A_0] : memref<2x256xf32, #tpu.memory_space<vmem>>, vector<1x256xf32>
    %mul3A = arith.constant 9.99999974E-5 : f32
    %mul3A_2 = vector.broadcast %mul3A : f32 to vector<1x256xf32>
    %mul3A_3 = arith.mulf %get3A_1, %mul3A_2 : vector<1x256xf32>
    %get3A_4 = arith.constant 1 : index
    %get3A_5 = arith.constant 0 : index
    %get3A_6 = vector.load %arg2[%get3A_4, %get3A_5] : memref<2x256xf32, #tpu.memory_space<vmem>>, vector<1x256xf32>
    %mul3A_7 = arith.constant 9.99999974E-5 : f32
    %mul3A_8 = vector.broadcast %mul3A_7 : f32 to vector<1x256xf32>
    %mul3A_9 = arith.mulf %get3A_6, %mul3A_8 : vector<1x256xf32>
    %mul3A_10 = arith.mulf %mul3A_3, %mul3A_3 : vector<1x256xf32>
    %sub3A = arith.subf %mul3A_9, %mul3A_10 : vector<1x256xf32>
    %add3A = arith.constant 9.99999974E-6 : f32
    %add3A_11 = vector.broadcast %add3A : f32 to vector<1x256xf32>
    %add3A_12 = arith.addf %sub3A, %add3A_11 : vector<1x256xf32>
    %rsqrt3A = math.rsqrt %add3A_12 : vector<1x256xf32>
    %get3A_13 = arith.constant 0 : index
    %get3A_14 = arith.constant 0 : index
    %get3A_15 = vector.load %arg1[%get3A_13, %get3A_14] : memref<512x256xf32, #tpu.memory_space<vmem>>, vector<512x256xf32>
    %sub3A_16 = vector.broadcast %mul3A_3 : vector<1x256xf32> to vector<512x256xf32>
    %sub3A_17 = arith.subf %get3A_15, %sub3A_16 : vector<512x256xf32>
    %mul3A_18 = vector.broadcast %rsqrt3A : vector<1x256xf32> to vector<512x256xf32>
    %mul3A_19 = arith.mulf %sub3A_17, %mul3A_18 : vector<512x256xf32>
    %max3A = arith.constant 0.000000e+00 : f32
    %max3A_20 = vector.broadcast %max3A : f32 to vector<512x256xf32>
    %max3A_21 = arith.maximumf %mul3A_19, %max3A_20 : vector<512x256xf32>
    %mul3A_22 = arith.constant 512 : i32
    %mul3A_23 = arith.muli %arg0, %mul3A_22 : i32
    %iota3A = tpu.iota {dimensions = array<i32: 0>} : vector<512x1xi32>
    %add3A_24 = vector.broadcast %mul3A_23 : i32 to vector<512x1xi32>
    %add3A_25 = arith.addi %add3A_24, %iota3A : vector<512x1xi32>
    %lt3A = arith.constant 10000 : i32
    %lt3A_26 = vector.broadcast %lt3A : i32 to vector<512x1xi32>
    %lt3A_27 = arith.cmpi slt, %add3A_25, %lt3A_26 : vector<512x1xi32>
    %jit3A = arith.constant 0.000000e+00 : f32
    %broadcast_in_dim3A = vector.shape_cast %lt3A_27 : vector<512x1xi1> to vector<512x1xi1>
    %broadcast_in_dim3A_28 = vector.broadcast %broadcast_in_dim3A : vector<512x1xi1> to vector<512x256xi1>
    %broadcast_in_dim3A_29 = vector.broadcast %jit3A : f32 to vector<512x256xf32>
    %select_n3A = arith.select %broadcast_in_dim3A_28, %max3A_21, %broadcast_in_dim3A_29 : vector<512x256xi1>, vector<512x256xf32>
    %get3A_30 = arith.constant 0 : index
    %get3A_31 = arith.constant 0 : index
    %get3A_32 = vector.load %arg3[%get3A_30, %get3A_31] : memref<256x768xf32, #tpu.memory_space<vmem>>, vector<256x768xf32>
    %dot_general3A = arith.constant dense<0.000000e+00> : vector<512x768xf32>
    %dot_general3A_33 = tpu.matmul %select_n3A, %get3A_32, %dot_general3A {dimension_numbers = #tpu.dot_dimension_numbers<[1], [0], [0], [1], [0, 0, 1, 1], [], []>, transpose_lhs_hint = false} : vector<512x256xf32>, vector<256x768xf32>, vector<512x768xf32> -> vector<512x768xf32>
    %get3A_34 = arith.constant 0 : index
    %get3A_35 = arith.constant 0 : index
    %get3A_36 = vector.load %arg4[%get3A_34, %get3A_35] : memref<512x2xf32, #tpu.memory_space<vmem>>, vector<512x1xf32>
    %get3A_37 = arith.constant 0 : index
    %get3A_38 = arith.constant 1 : index
    %get3A_39 = vector.load %arg4[%get3A_37, %get3A_38] : memref<512x2xf32, #tpu.memory_space<vmem>>, vector<512x1xf32>
    %slice3A = vector.extract_strided_slice %dot_general3A_33 {offsets = [0, 0], sizes = [512, 128], strides = [1, 1]} : vector<512x768xf32> to vector<512x128xf32>
    %mul3A_40 = vector.broadcast %get3A_36 : vector<512x1xf32> to vector<512x128xf32>
    %mul3A_41 = arith.mulf %slice3A, %mul3A_40 : vector<512x128xf32>
    %swap3A = arith.constant 0 : index
    %swap3A_42 = arith.constant 0 : index
    %swap3A_43 = vector.load %arg5[%swap3A, %swap3A_42] : memref<512x128xf32, #tpu.memory_space<vmem>>, vector<512x128xf32>
    tpu.vector_store %arg5[%swap3A, %swap3A_42], %mul3A_41 {strides = array<i32>} : memref<512x128xf32, #tpu.memory_space<vmem>>, vector<512x128xf32>,
    %slice3A_44 = vector.extract_strided_slice %dot_general3A_33 {offsets = [0, 128], sizes = [512, 128], strides = [1, 1]} : vector<512x768xf32> to vector<512x128xf32>
    %mul3A_45 = vector.broadcast %get3A_36 : vector<512x1xf32> to vector<512x128xf32>
    %mul3A_46 = arith.mulf %slice3A_44, %mul3A_45 : vector<512x128xf32>
    %swap3A_47 = arith.constant 0 : index
    %swap3A_48 = arith.constant 0 : index
    %swap3A_49 = vector.load %arg6[%swap3A_47, %swap3A_48] : memref<512x128xf32, #tpu.memory_space<vmem>>, vector<512x128xf32>
    tpu.vector_store %arg6[%swap3A_47, %swap3A_48], %mul3A_46 {strides = array<i32>} : memref<512x128xf32, #tpu.memory_space<vmem>>, vector<512x128xf32>,
    %slice3A_50 = vector.extract_strided_slice %dot_general3A_33 {offsets = [0, 256], sizes = [512, 128], strides = [1, 1]} : vector<512x768xf32> to vector<512x128xf32>
    %mul3A_51 = vector.broadcast %get3A_39 : vector<512x1xf32> to vector<512x128xf32>
    %mul3A_52 = arith.mulf %slice3A_50, %mul3A_51 : vector<512x128xf32>
    %swap3A_53 = arith.constant 0 : index
    %swap3A_54 = arith.constant 0 : index
    %swap3A_55 = vector.load %arg7[%swap3A_53, %swap3A_54] : memref<512x128xf32, #tpu.memory_space<vmem>>, vector<512x128xf32>
    tpu.vector_store %arg7[%swap3A_53, %swap3A_54], %mul3A_52 {strides = array<i32>} : memref<512x128xf32, #tpu.memory_space<vmem>>, vector<512x128xf32>,
    %slice3A_56 = vector.extract_strided_slice %dot_general3A_33 {offsets = [0, 384], sizes = [512, 128], strides = [1, 1]} : vector<512x768xf32> to vector<512x128xf32>
    %mul3A_57 = vector.broadcast %get3A_39 : vector<512x1xf32> to vector<512x128xf32>
    %mul3A_58 = arith.mulf %slice3A_56, %mul3A_57 : vector<512x128xf32>
    %swap3A_59 = arith.constant 0 : index
    %swap3A_60 = arith.constant 0 : index
    %swap3A_61 = vector.load %arg8[%swap3A_59, %swap3A_60] : memref<512x128xf32, #tpu.memory_space<vmem>>, vector<512x128xf32>
    tpu.vector_store %arg8[%swap3A_59, %swap3A_60], %mul3A_58 {strides = array<i32>} : memref<512x128xf32, #tpu.memory_space<vmem>>, vector<512x128xf32>,
    %slice3A_62 = vector.extract_strided_slice %dot_general3A_33 {offsets = [0, 512], sizes = [512, 256], strides = [1, 1]} : vector<512x768xf32> to vector<512x256xf32>
    %swap3A_63 = arith.constant 0 : index
    %swap3A_64 = arith.constant 0 : index
    %swap3A_65 = vector.load %arg9[%swap3A_63, %swap3A_64] : memref<512x256xf32, #tpu.memory_space<vmem>>, vector<512x256xf32>
    tpu.vector_store %arg9[%swap3A_63, %swap3A_64], %slice3A_62 {strides = array<i32>} : memref<512x256xf32, #tpu.memory_space<vmem>>, vector<512x256xf32>,
    return
  }
  func.func @transform_0(%arg0: i32) -> (i32, i32) {
    %c0_i32 = arith.constant 0 : i32
    %c0_i32_0 = arith.constant 0 : i32
    return %arg0, %c0_i32 : i32, i32
  }
  func.func @transform_1(%arg0: i32) -> (i32, i32) {
    %c0_i32 = arith.constant 0 : i32
    %c0_i32_0 = arith.constant 0 : i32
    %c0_i32_1 = arith.constant 0 : i32
    return %c0_i32, %c0_i32_0 : i32, i32
  }
  func.func @transform_2(%arg0: i32) -> (i32, i32) {
    %c0_i32 = arith.constant 0 : i32
    %c0_i32_0 = arith.constant 0 : i32
    %c0_i32_1 = arith.constant 0 : i32
    return %c0_i32, %c0_i32_0 : i32, i32
  }
  func.func @transform_3(%arg0: i32) -> (i32, i32) {
    %c0_i32 = arith.constant 0 : i32
    %c0_i32_0 = arith.constant 0 : i32
    return %arg0, %c0_i32 : i32, i32
  }
  func.func @transform_4(%arg0: i32) -> (i32, i32) {
    %c0_i32 = arith.constant 0 : i32
    %c0_i32_0 = arith.constant 0 : i32
    return %arg0, %c0_i32 : i32, i32
  }
  func.func @transform_5(%arg0: i32) -> (i32, i32) {
    %c0_i32 = arith.constant 0 : i32
    %c0_i32_0 = arith.constant 0 : i32
    return %arg0, %c0_i32 : i32, i32
  }
  func.func @transform_6(%arg0: i32) -> (i32, i32) {
    %c0_i32 = arith.constant 0 : i32
    %c0_i32_0 = arith.constant 0 : i32
    return %arg0, %c0_i32 : i32, i32
  }
  func.func @transform_7(%arg0: i32) -> (i32, i32) {
    %c0_i32 = arith.constant 0 : i32
    %c0_i32_0 = arith.constant 0 : i32
    return %arg0, %c0_i32 : i32, i32
  }
  func.func @transform_8(%arg0: i32) -> (i32, i32) {
    %c0_i32 = arith.constant 0 : i32
    %c0_i32_0 = arith.constant 0 : i32
    return %arg0, %c0_i32 : i32, i32
  }
}

module attributes {stable_mosaic.version = 14 : i64} {
  func.func @_norm_body(%arg0: i32, %arg1: memref<400x256xf32, #tpu.memory_space<vmem>>, %arg2: memref<2x256xf32, #tpu.memory_space<vmem>>, %arg3: memref<400x256xf32, #tpu.memory_space<vmem>>) attributes {dimension_semantics = [#tpu.dimension_semantics<arbitrary>], iteration_bounds = array<i64: 25>, scalar_prefetch = 0 : i64, scratch_operands = 0 : i64, tpu.core_type = #tpu.core_type<tc>, window_params = [{transform_indices = @transform_0, window_bounds = array<i64: 400, 256>}, {pipeline_mode = #tpu.pipeline_mode<synchronous>, transform_indices = @transform_1, window_bounds = array<i64: 2, 256>}, {transform_indices = @transform_2, window_bounds = array<i64: 400, 256>}]} {
    %get3A = arith.constant 0 : index
    %get3A_0 = arith.constant 0 : index
    %get3A_1 = vector.load %arg2[%get3A, %get3A_0] : memref<2x256xf32, #tpu.memory_space<vmem>>, vector<1x256xf32>
    %mul3A = arith.constant 9.99999974E-5 : f32
    %mul3A_2 = vector.broadcast %mul3A : f32 to vector<1x256xf32>
    %mul3A_3 = arith.mulf %get3A_1, %mul3A_2 : vector<1x256xf32>
    %get3A_4 = arith.constant 1 : index
    %get3A_5 = arith.constant 0 : index
    %get3A_6 = vector.load %arg2[%get3A_4, %get3A_5] : memref<2x256xf32, #tpu.memory_space<vmem>>, vector<1x256xf32>
    %mul3A_7 = arith.constant 9.99999974E-5 : f32
    %mul3A_8 = vector.broadcast %mul3A_7 : f32 to vector<1x256xf32>
    %mul3A_9 = arith.mulf %get3A_6, %mul3A_8 : vector<1x256xf32>
    %mul3A_10 = arith.mulf %mul3A_3, %mul3A_3 : vector<1x256xf32>
    %sub3A = arith.subf %mul3A_9, %mul3A_10 : vector<1x256xf32>
    %add3A = arith.constant 9.99999974E-6 : f32
    %add3A_11 = vector.broadcast %add3A : f32 to vector<1x256xf32>
    %add3A_12 = arith.addf %sub3A, %add3A_11 : vector<1x256xf32>
    %rsqrt3A = math.rsqrt %add3A_12 : vector<1x256xf32>
    %get3A_13 = arith.constant 0 : index
    %get3A_14 = arith.constant 0 : index
    %get3A_15 = vector.load %arg1[%get3A_13, %get3A_14] : memref<400x256xf32, #tpu.memory_space<vmem>>, vector<400x256xf32>
    %sub3A_16 = vector.broadcast %mul3A_3 : vector<1x256xf32> to vector<400x256xf32>
    %sub3A_17 = arith.subf %get3A_15, %sub3A_16 : vector<400x256xf32>
    %mul3A_18 = vector.broadcast %rsqrt3A : vector<1x256xf32> to vector<400x256xf32>
    %mul3A_19 = arith.mulf %sub3A_17, %mul3A_18 : vector<400x256xf32>
    %max3A = arith.constant 0.000000e+00 : f32
    %max3A_20 = vector.broadcast %max3A : f32 to vector<400x256xf32>
    %max3A_21 = arith.maximumf %mul3A_19, %max3A_20 : vector<400x256xf32>
    %swap3A = arith.constant 0 : index
    %swap3A_22 = arith.constant 0 : index
    %swap3A_23 = vector.load %arg3[%swap3A, %swap3A_22] : memref<400x256xf32, #tpu.memory_space<vmem>>, vector<400x256xf32>
    tpu.vector_store %arg3[%swap3A, %swap3A_22], %max3A_21 {strides = array<i32>} : memref<400x256xf32, #tpu.memory_space<vmem>>, vector<400x256xf32>,
    return
  }
  func.func @transform_0(%arg0: i32) -> (i32, i32) {
    %c0_i32 = arith.constant 0 : i32
    %c0_i32_0 = arith.constant 0 : i32
    return %arg0, %c0_i32 : i32, i32
  }
  func.func @transform_1(%arg0: i32) -> (i32, i32) {
    %c0_i32 = arith.constant 0 : i32
    %c0_i32_0 = arith.constant 0 : i32
    %c0_i32_1 = arith.constant 0 : i32
    return %c0_i32, %c0_i32_0 : i32, i32
  }
  func.func @transform_2(%arg0: i32) -> (i32, i32) {
    %c0_i32 = arith.constant 0 : i32
    %c0_i32_0 = arith.constant 0 : i32
    return %arg0, %c0_i32 : i32, i32
  }
}

</mosaic_0001>

<sc_bundles>
// kernel: kernel.20.cloned.1.call-start
scs
__scs_entry_jumppad:
0x0: {  	(pc) =	sbr.rel $0x88, $3  }
0x1: {  	(tag) =	ssettag $0x0;
	lr =	simm.s32 $0x1  }
0x2: {  	[smem:$0x3F93] =	sst lr;
	_ =	strace $0xD0000000  }
0x3: {  	_ = 	snop  }
0x4: {  	_ = 	snop  }
0x5: {  	_ = 	snop  }
0x6: {  	_ = 	snop  }
0x7: {  	_ = 	snop  }
__scs_overlays_trampoline_lowered:
0x8: {  	[smem:$0x3FA2] =	sst s0  }
0x9: {  	[smem:$0x3FA3] =	sst s1  }
0xa: {  	[smem:$0x3FA4] =	sst s2  }
0xb: {  	[smem:$0x3FA5] =	sst s3  }
0xc: {  	[smem:$0x3FA6] =	sst s4  }
0xd: {  	[smem:$0x3FA7] =	sst s5  }
0xe: {  	[smem:$0x3FA8] =	sst s6  }
0xf: {  	[smem:$0x3FA9] =	sst s7  }
0x10: {  	[smem:$0x3FAA] =	sst s8  }
0x11: {  	[smem:$0x3FAB] =	sst s9;
	s0 =	simm.s32 @!p0 $0x0  }
0x12: {  	s1 =	sld [smem:$0x3F91];
	s0 =	simm.s32 @p0 $0x1  }
0x13: {  	[smem:$0x3FAC] =	sst s0;
	s0 =	simm.s32 @!p1 $0x0  }
0x14: {  	s2 =	sld [smem:$0x3F90];
	s0 =	simm.s32 @p1 $0x1  }
0x15: {  	[smem:$0x3FAD] =	sst s0;
	s0 =	simm.s32 @!p2 $0x0  }
0x16: {  	s3 =	sld [smem:$0x3FDB];
	s0 =	simm.s32 @p2 $0x1  }
0x17: {  	s4 =	simm.s32 $0x1BF5;
	[smem:$0x3FAF] =	sst s0  }
0x18: {  	s0 =	sld [smem:$0x3F92];
	_ =	swait.ge [sflag:s4], $0x0  }
0x19: {  	s7 =	sld [smem:$0x3F93]  }
0x1a: {  	s8 =	sadd.s32 $0xFFFFE003, lr  }
0x1b: {  	s9 =	sadd.s32 $0xFFFFFEF7, lr;
	s5 =	simm.s32 $0xFFFFFFFF;
	p2 =	slt.u32 s8, $0xFFFFF086  }
0x1c: {  	p1 =	slt.u32 s9, $0xF7A;
	s5 =	simm.s32 @!p2 $0x0  }
0x1d: {  	s5 =	simm.s32 @p1 $0x1;
	p0 =	seq.s32 s7, s2  }
0x1e: {  	s7 =	smul.u32 @!p0 $0xF7A, s2;
	p2 =	seq.s32 @!p0 s5, $0x0  }
0x1f: {  	s9 =	smul.u32 $0xF7A, s1;
	s8 =	simm.s32 @!p0 $0x1BF5;
	p2 =	por !p2, p0  }
0x20: {  	[sflag:s8] =	ssyncset.s32 @!p0 $0xFFFFF086;
	s6 =	sadd.s32 @!p0 s3, s7;
	s7 =	simm.s32 @!p0 $0x108  }
0x21: {  	s3 =	sadd.s32 s3, s9;
	s6 =	sadd.s32 @!p0 $0x88, s6;
	s7 =	simm.s32 @p2 $0x1082  }
0x22: {  	[simem:s7], [sflag:s8] =	dma.local @!p0 [hbm:s6], $0xF7A  }
0x23: {  	s9 =	sor.u32 $0xD0000000, s2;
	s6 =	simm.s32 $0x108;
	_ =	swait.ge @!p0 [sflag:s8], $0x0  }
0x24: {  	s3 =	sadd.s32 $0x88, s3;
	s6 =	simm.s32 @!p1 $0x1082;
	[sflag:s4] =	ssyncset.s32 $0xFFFFF086  }
0x25: {  	[simem:s6], [sflag:s4] =	dma.local [hbm:s3], $0xF7A  }
0x26: {  	[smem:$0x3F93] =	sst s1;
	(tag) =	ssettag s2;
	_ =	strace s9  }
0x27: {  	s1 =	sld [smem:$0x3FA3]  }
0x28: {  	s2 =	sld [smem:$0x3FA4]  }
0x29: {  	s4 =	sld [smem:$0x3FA6]  }
0x2a: {  	p0 =	seq.s32 s5, $0x0;
	s5 =	sld [smem:$0x3FA7]  }
0x2b: {  	s6 =	sld [smem:$0x3FA8]  }
0x2c: {  	s7 =	sld [smem:$0x3FA9]  }
0x2d: {  	s3 =	simm.s32 $0x108;
	s8 =	sld [smem:$0x3FAA]  }
0x2e: {  	s3 =	simm.s32 @!p0 $0x1082;
	s9 =	sld [smem:$0x3FAB]  }
0x2f: {  	lr =	sadd.s32 s0, s3;
	s0 =	sld [smem:$0x3FA2]  }
0x30: {  	s3 =	sld [smem:$0x3FA5]  }
0x31: {  	[smem:$0x3FAE] =	sst s10  }
0x32: {  	s10 =	sld [smem:$0x3FAC];
	_ =	sdelay $0x3  }
0x33: {  	p0 =	seq.s32 s10, $0x1;
	s10 =	sld [smem:$0x3FAE];
	_ =	sdelay $0x3  }
0x34: {  	[smem:$0x3FAE] =	sst s10  }
0x35: {  	s10 =	sld [smem:$0x3FAD];
	_ =	sdelay $0x3  }
0x36: {  	p1 =	seq.s32 s10, $0x1;
	s10 =	sld [smem:$0x3FAE];
	_ =	sdelay $0x3  }
0x37: {  	[smem:$0x3FAE] =	sst s10  }
0x38: {  	s10 =	sld [smem:$0x3FAF]  }
0x39: {  	_ = 	snop;
	(pc) =	sbr.ind lr, $3  }
0x3a: {  	_ = 	snop  }
0x3b: {  	_ = 	snop  }
0x3c: {  	p2 =	seq.s32 s10, $0x1;
	s10 =	sld [smem:$0x3FAE]  }
0x3d: {  	_ =	shalt  }
0x3e: {  	_ =	shalt  }
0x3f: {  	_ =	shalt  }
0x40: {  	_ =	shalt  }
0x41: {  	_ =	shalt  }
0x42: {  	_ =	shalt  }
0x43: {  	_ =	shalt  }
0x44: {  	_ =	shalt  }
0x45: {  	_ =	shalt  }
0x46: {  	_ =	shalt  }
0x47: {  	_ =	shalt  }
0x48: {  	_ =	shalt  }
0x49: {  	_ =	shalt  }
0x4a: {  	_ =	shalt  }
0x4b: {  	_ =	shalt  }
0x4c: {  	_ =	shalt  }
0x4d: {  	_ =	shalt  }
0x4e: {  	_ =	shalt  }
0x4f: {  	_ =	shalt  }
0x50: {  	_ =	shalt  }
0x51: {  	_ =	shalt  }
0x52: {  	_ =	shalt  }
0x53: {  	_ =	shalt  }
0x54: {  	_ =	shalt  }
0x55: {  	_ =	shalt  }
0x56: {  	_ =	shalt  }
0x57: {  	_ =	shalt  }
0x58: {  	_ =	shalt  }
0x59: {  	_ =	shalt  }
0x5a: {  	_ =	shalt  }
0x5b: {  	_ =	shalt  }
0x5c: {  	_ =	shalt  }
0x5d: {  	_ =	shalt  }
0x5e: {  	_ =	shalt  }
0x5f: {  	_ =	shalt  }
0x60: {  	_ =	shalt  }
0x61: {  	_ =	shalt  }
0x62: {  	_ =	shalt  }
0x63: {  	_ =	shalt  }
0x64: {  	_ =	shalt  }
0x65: {  	_ =	shalt  }
0x66: {  	_ =	shalt  }
0x67: {  	_ =	shalt  }
0x68: {  	_ =	shalt  }
0x69: {  	_ =	shalt  }
0x6a: {  	_ =	shalt  }
0x6b: {  	_ =	shalt  }
0x6c: {  	_ =	shalt  }
0x6d: {  	_ =	shalt  }
0x6e: {  	_ =	shalt  }
0x6f: {  	_ =	shalt  }
0x70: {  	_ =	shalt  }
0x71: {  	_ =	shalt  }
0x72: {  	_ =	shalt  }
0x73: {  	_ =	shalt  }
0x74: {  	_ =	shalt  }
0x75: {  	_ =	shalt  }
0x76: {  	_ =	shalt  }
0x77: {  	_ =	shalt  }
0x78: {  	_ =	shalt  }
0x79: {  	_ =	shalt  }
0x7a: {  	_ =	shalt  }
0x7b: {  	_ =	shalt  }
0x7c: {  	_ =	shalt  }
0x7d: {  	_ =	shalt  }
0x7e: {  	_ =	shalt  }
0x7f: {  	_ =	shalt  }
0x80: {  	_ =	shalt  }
0x81: {  	_ =	shalt  }
0x82: {  	_ =	shalt  }
0x83: {  	_ =	shalt  }
0x84: {  	_ =	shalt  }
0x85: {  	_ =	shalt  }
0x86: {  	_ =	shalt  }
0x87: {  	_ =	shalt  }
.Lfunc_end0:
.L_simem_size_0:
called_computation_lowered:
.L_overlay_start_0:
0x88: {  	s2 =	sld [smem:$0x3FD9]  }
0x89: {  	s3 =	sld [smem:$0x3FFE];
	_ =	sdelay $0x1  }
0x8a: {  	s1 =	srdreg.scid  }
0x8b: {  	s0 =	sand.u32 $0x1, s1  }
0x8c: {  	s14 =	sshll.u32 s0, $0xA;
	s2 =	sadd.s32 s3, s2  }
0x8d: {  	s2 =	sadd.s32 s2, s14  }
0x8e: {  	[smem:$0x3FBA] =	sst s2  }
0x8f: {  	_ = 	snop  }
0x90: {  	s2 =	sld [smem:$0x3FD0];
	_ =	sdelay $0x2  }
0x91: {  	s15 =	simm.s32 $0xB;
	s4 =	simm.s32 $0x10  }
0x92: {  	[smem:s4], [sflag:s15] =	dma.local [hbm:s2], $0x1  }
0x93: {  	_ =	swait.eq [sflag:s15], $0x1  }
0x94: {  	[sflag:s15] =	ssyncset.done $0x0  }
0x95: {  	[sflag:s15] =	ssyncadd.s32 $0xFFFFFFFF  }
0x96: {  	s16 =	sld [smem:$0x11];
	(tm) =	ssettm $0x1  }
0x97: {  	s17 =	sld [smem:$0x3FFB];
	_ =	sdelay $0x3  }
0x98: {  	_ =	strace s17  }
0x99: {  	s3 =	sld [smem:$0x3FFC];
	_ =	sdelay $0x3  }
0x9a: {  	_ =	strace s3  }
0x9b: {  	s3 =	sld [smem:$0x3FFD];
	_ =	sdelay $0x3  }
0x9c: {  	_ =	strace s3  }
0x9d: {  	_ =	strace $0x8FFFFFFF  }
0x9e: {  	s18 =	sld [smem:$0x3FDB];
	_ =	sdelay $0x1  }
0x9f: {  	s19 =	simm.s32 $_scs_section_size  }
0xa0: {  	s5 =	simm.s32 $_size__tile_overlayer_lowered;
	s6 =	simm.s32 $_tile_overlayer_lowered  }
0xa1: {  	s22 =	simm.s32 $0x1BFF;
	s21 =	sshll.u32 s6, $0x1;
	s3 =	sadd.s32 s19, s18  }
0xa2: {  	s7 =	simm.s32 $0x0;
	s20 =	sshll.u32 s5, $0x1;
	s5 =	sadd.s32 s21, s3  }
0xa3: {  	[timem:s7], [sflag:s22] =	dma.local [hbm:s5], s20  }
0xa4: {  	_ =	swait.ge [sflag:s22], s20  }
0xa5: {  	s4 =	ssub.s32 $0x0, s20;
	[sflag:s22] =	ssyncset.done $0x0  }
0xa6: {  	[sflag:s22] =	ssyncadd.s32 s4;
	_ =	sdelay $0x1  }
0xa7: {  	s23 =	simm.s32 $0x1B8B  }
0xa8: {  	_ =	swait.ge [sflag:s23], $0x1  }
0xa9: {  	[sflag:s23] =	ssyncset.done $0x0  }
0xaa: {  	s25 =	simm.s32 $0x1B8E;
	s24 =	sld [smem:$0x3FFE];
	[sflag:s23] =	ssyncadd.s32 $0xFFFFFFFF  }
0xab: {  	s26 =	simm.s32 $execute0_lowered;
	[smem:$0x3FD2] =	sst s25  }
0xac: {  	s5 =	sshll.u32 s26, $0x1;
	_ =	strace $0x80000046;
	[dreg:$0x1] =	wrdreg $0xFFFFFFFF  }
0xad: {  	s28 =	simm.s32 $_size_execute0_lowered;
	s3 =	sadd.s32 s3, s5;
	[dreg:$0x0] =	wrdreg $0x0  }
0xae: {  	s5 =	sshll.u32 s28, $0x1;
	[dreg:$0x2] =	wrdreg s3  }
0xaf: {  	[dreg:$0x3] =	wrdreg s5  }
0xb0: {  	[dreg:$0x4] =	wrdreg $0xC0  }
0xb1: {  	_ =	task [dreg:s7], $0x5FFFF  }
0xb2: {  	[dreg:$0x1] =	wrdreg $0xFFFFFFFF  }
0xb3: {  	[dreg:$0x0] =	wrdreg $0x60  }
0xb4: {  	[dreg:$0x2] =	wrdreg s24  }
0xb5: {  	[dreg:$0x3] =	wrdreg s16  }
0xb6: {  	[dreg:$0x4] =	wrdreg $0x81000  }
0xb7: {  	[dreg:$0x5] =	wrdreg $0x9  }
0xb8: {  	_ =	task.clear_ibuf [dreg:s7], $0x6FFFF;
	_ =	strace $0x90000046  }
0xb9: {  	s29 =	simm.s32 $0x9;
	_ =	strace $0x80000048  }
0xba: {  	_ =	swait.ge [sflag:s29], $0x1  }
0xbb: {  	[sflag:s29] =	ssyncadd.s32 $0xFFFFFFFF  }
0xbc: {  	_ =	strace $0x90000048  }
0xbd: {  	_ =	sfence  }
0xbe: {  	s30 =	sld [smem:$0x0];
	_ =	sdelay $0x2  }
0xbf: {  	s31 =	sshll.u32 s1, $0xD;
	s1 =	sshrl.u32 s1, $0x2  }
0xc0: {  	s3 =	sand.u32 $0x4000, s31;
	s1 =	sadd.s32 s1, s30  }
0xc1: {  	s0 =	sor.u32 s3, s0;
	s1 =	sshll.u32 s1, $0x11  }
0xc2: {  	s0 =	sor.u32 s1, s0  }
0xc3: {  	s0 =	sadd.s32 $0x8F2B, s0  }
0xc4: {  	[sflag:s0] =	ssyncadd.remote.s32 $0x1  }
0xc5: {  	_ =	sfence.sel $0xFFFF  }
0xc6: {  	[dreg:$0x0] =	wrdreg $0xFFFFFFFF;
	(pc) =	sbr.abs _section_cstart, $3  }
0xc7: {  	[dreg:$0x1] =	wrdreg $0xFFFFFFFF  }
0xc8: {  	_ =	task.clear_ibuf [dreg:s7], $0x2FFFF;
	_ =	strace $0x9FFFFFFF  }
0xc9: {  	(tm) =	ssettm $0x7FFFFFFF  }
tec
execute0_lowered:
.L_overlay_start_1:
0x0: {  	(tag) =	ssettag $0x1  }
0x1: {  	s6 =	rddreg [dreg:$0x0]  }
0x2: {  	s2 =	rddreg [dreg:$0x1]  }
0x3: {  	s0 =	srdreg.scid;
	s3 =	rddreg [dreg:$0x2]  }
0x4: {  	s1 =	rddreg [dreg:$0x3];
	s5 =	sand.u32 $0x1, s0  }
0x5: {  	s0 =	stileid.u32;
	s7 =	smul.u32 $0x14000, s5  }
0x6: {  	s4 =	simm.s32 $0x0;
	s12 =	simm.s32 $0x100;
	s8 =	smul.u32 $0x1400, s0  }
0x7: {  	s13 =	simm.s32 $0x0;
	[smem:$0x7FF] =	sst s4;
	s24 =	smul.u32 $0x2800, s0  }
0x8: {  	s9 =	smul.u32 $0x28000, s5;
	_ =	strace $0x80000047;
	s26 =	ssub.s32 $0x2, s5  }
0x9: {  	s28 =	smul.u32 $0x50000, s0;
	s5 =	sadd.s32 $0x16A00, s6;
	s31 =	sshll.u32 s0, $0x6  }
0xa: {  	s29 =	sshrl.u32 s26, $0x1;
	s7 =	sadd.s32 s8, s7;
	s25 =	sadd.s32 s24, s9  }
0xb: {  	s8 =	ssub.s32 s26, s29;
	s30 =	sshrl.u32 s28, $0x2;
	s7 =	sshrl.u32 s7, $0x3  }
0xc: {  	s11 =	sadd.s32 s30, s3;
	s10 =	sadd.s32 s7, s6;
	s7 =	sadd.s32 s25, s6  }
0xd: {  	s8 =	smax.u32 s8, $0x1;
	s6 =	sor.u32 $0x1C01, s31;
	s7 =	sadd.s32 $0x19200, s7  }
0xe: {  	s9 =	sadd.s32 $0x11A00, s10;
	s10 =	sshrl.u32 s11, $0x3;
	s11 =	simm.s32 $0x1  }
.LBB2_1:
0xf: {  	[spmem:s10], [sflag:s6] =	dma.local [hbm:s5], $0x2800  }
0x10: {  	_ =	swait.ge [sflag:s11], $0x2800  }
0x11: {  	[sflag:s11] =	ssyncset.done $0x0  }
0x12: {  	[sflag:s11] =	ssyncadd.s32 $0xFFFFD800  }
0x13: {  	[tilespmem:s12], [sflag:$0x1] =	stream.linear.gather [hbm4b:s2+s4], $0x8000, $0x38;
	[tilespmem:$0x1C100] =	vst v63  }
0x14: {  	_ =	swait.ge [sflag:s11], $0x8000  }
0x15: {  	[sflag:s11] =	ssyncset.done $0x0  }
0x16: {  	[sflag:s11] =	ssyncadd.s32 $0xFFFF8000  }
0x17: {  	s14 =	sadd.s32 $0x0, s9;
	[bflag:$0x0] =	sbarrier.arrive $0xFFFF  }
0x18: {  	[tilespmem:s4], [sflag:$0x1] =	stream.linear.gather [hbm4b:s14+s4], $0x100, $0x38;
	[tilespmem:$0x1C100] =	vst v63  }
0x19: {  	_ =	swait.ge [sflag:s11], $0x100  }
0x1a: {  	[sflag:s11] =	ssyncset.done $0x0  }
0x1b: {  	[sflag:s11] =	ssyncadd.s32 $0xFFFFFF00  }
0x1c: {  	[spmem:s3] =	stream.indirect.scatter.add.f32 [tilespmem:s12], [sflag:$0x1], $0x80, s4, s12, $0xb8;
	[tilespmem:$0x1C100] =	vst v63  }
0x1d: {  	_ =	swait.ge [sflag:s11], $0x8000  }
0x1e: {  	s15 =	simm.s32 $0x40;
	s14 =	simm.s32 $0x20;
	[sflag:s11] =	ssyncset.done $0x0  }
.LBB2_2:
0x1f: {  	s16 =	sadd.s32 s14, s9  }
0x20: {  	[sflag:s11] =	ssyncadd.s32 $0xFFFF8000;
	s14 =	smov.u32 s15;
	s17 =	sadd.s32 $0x20, s15  }
0x21: {  	[tilespmem:s4], [sflag:$0x1] =	stream.linear.gather [hbm4b:s16+s4], $0x100, $0x38;
	[tilespmem:$0x1C100] =	vst v63  }
0x22: {  	p0 =	sne.s32 s15, $0x260;
	_ =	swait.ge [sflag:s11], $0x100  }
.Ltmp0:
0x23: {  	[sflag:s11] =	ssyncset.done $0x0;
	(pc) =	sbr.rel @p0 .LBB2_2-.Ltmp0, $4  }
0x24: {  	[sflag:s11] =	ssyncadd.s32 $0xFFFFFF00  }
0x25: {  	[spmem:s3] =	stream.indirect.scatter.add.f32 [tilespmem:s12], [sflag:$0x1], $0x80, s4, s12, $0xb8;
	[tilespmem:$0x1C100] =	vst v63  }
0x26: {  	_ =	swait.ge [sflag:s11], $0x8000  }
0x27: {  	s15 =	smov.u32 s17;
	[sflag:s11] =	ssyncset.done $0x0  }
0x28: {  	s14 =	sadd.s32 s14, s9;
	[sflag:s11] =	ssyncadd.s32 $0xFFFF8000  }
0x29: {  	[tilespmem:s4], [sflag:$0x1] =	stream.linear.gather [hbm4b:s14+s4], $0x100, $0x38;
	[tilespmem:$0x1C100] =	vst v63  }
0x2a: {  	_ =	swait.ge [sflag:s11], $0x100  }
0x2b: {  	[sflag:s11] =	ssyncset.done $0x0  }
0x2c: {  	[sflag:s11] =	ssyncadd.s32 $0xFFFFFF00  }
0x2d: {  	[spmem:s3] =	stream.indirect.scatter.add.f32 [tilespmem:s12], [sflag:$0x1], $0x80, s4, s12, $0xb8;
	[tilespmem:$0x1C100] =	vst v63  }
0x2e: {  	_ =	swait.ge [sflag:s11], $0x8000  }
0x2f: {  	s13 =	sadd.s32 $0x1, s13;
	[sflag:s11] =	ssyncset.done $0x0  }
0x30: {  	p0 =	sne.s32 s13, s8;
	[sflag:s11] =	ssyncadd.s32 $0xFFFF8000  }
.Ltmp1:
0x31: {  	[bflag:$0x0] =	sbarrier.arrive $0xFFFF;
	(pc) =	sbr.rel @p0 .LBB2_1-.Ltmp1, $4  }
0x32: {  	[hbm:s7], [sflag:s6] =	dma.local [spmem:s10], $0x2800  }
0x33: {  	_ =	swait.ge [sflag:s11], $0x2800  }
0x34: {  	[sflag:s11] =	ssyncset.done $0x0  }
0x35: {  	[sflag:s11] =	ssyncadd.s32 $0xFFFFD800  }
0x36: {  	_ =	sfence.sel $0x180000  }
0x37: {  	[bflag:$0x0] =	sbarrier.arrive $0xFFFF  }
0x38: {  	p0 =	sne.s32 s0, $0x0;
	_ =	strace $0x90000047  }
0x39: {  	s0 =	sadd.s32 @!p0 $0x100000, s1;
	[bflag:$0x2] =	sbarrier.arrive $0xFFFF  }
0x3a: {  	[sflag:s0] =	ssyncadd.tile.s32 @!p0 $0x1;
	_ =	shalt  }
.Lfunc_end2:
_tile_overlayer_lowered:
.L_overlay_start_2:
0x3b: {  	(tag) =	ssettag $0x2  }
0x3c: {  	s0 =	rddreg [dreg:$0x0];
	s2 =	stileid.u32  }
0x3d: {  	s1 =	rddreg [dreg:$0x1];
	p0 =	sne.s32 s2, $0x0  }
0x3e: {  	s3 =	rddreg [dreg:$0x2];
	[bflag:$0x3] =	sbarrier.arrive $0xFFFF;
	s2 =	simm.s32 @!p0 $0x1C01  }
0x3f: {  	[timem:s3], [sflag:s2] =	dma.local @!p0 [hbm:s0], s1  }
0x40: {  	s0 =	simm.s32 @!p0 $0x1  }
0x41: {  	_ =	swait.ge @!p0 [sflag:s0], s1  }
0x42: {  	s1 =	ssub.s32 @!p0 $0x0, s1;
	[sflag:s0] =	ssyncset.done @!p0 $0x0  }
0x43: {  	[sflag:s0] =	ssyncadd.s32 @!p0 s1  }
0x44: {  	[bflag:$0x3] =	sbarrier.arrive $0xFFFF  }
0x45: {  	_ =	shalt  }

// kernel: kernel.23.cloned.1.call-start
scs
__scs_entry_jumppad:
0x0: {  	(pc) =	sbr.rel $0x88, $3  }
0x1: {  	(tag) =	ssettag $0x0;
	lr =	simm.s32 $0x1  }
0x2: {  	[smem:$0x3F93] =	sst lr;
	_ =	strace $0xD0000000  }
0x3: {  	_ = 	snop  }
0x4: {  	_ = 	snop  }
0x5: {  	_ = 	snop  }
0x6: {  	_ = 	snop  }
0x7: {  	_ = 	snop  }
__scs_overlays_trampoline_lowered:
0x8: {  	[smem:$0x3FA2] =	sst s0  }
0x9: {  	[smem:$0x3FA3] =	sst s1  }
0xa: {  	[smem:$0x3FA4] =	sst s2  }
0xb: {  	[smem:$0x3FA5] =	sst s3  }
0xc: {  	[smem:$0x3FA6] =	sst s4  }
0xd: {  	[smem:$0x3FA7] =	sst s5  }
0xe: {  	[smem:$0x3FA8] =	sst s6  }
0xf: {  	[smem:$0x3FA9] =	sst s7  }
0x10: {  	[smem:$0x3FAA] =	sst s8  }
0x11: {  	[smem:$0x3FAB] =	sst s9;
	s0 =	simm.s32 @!p0 $0x0  }
0x12: {  	s1 =	sld [smem:$0x3F91];
	s0 =	simm.s32 @p0 $0x1  }
0x13: {  	[smem:$0x3FAC] =	sst s0;
	s0 =	simm.s32 @!p1 $0x0  }
0x14: {  	s2 =	sld [smem:$0x3F90];
	s0 =	simm.s32 @p1 $0x1  }
0x15: {  	[smem:$0x3FAD] =	sst s0;
	s0 =	simm.s32 @!p2 $0x0  }
0x16: {  	s3 =	sld [smem:$0x3FDB];
	s0 =	simm.s32 @p2 $0x1  }
0x17: {  	s4 =	simm.s32 $0x1BF5;
	[smem:$0x3FAF] =	sst s0  }
0x18: {  	s0 =	sld [smem:$0x3F92];
	_ =	swait.ge [sflag:s4], $0x0  }
0x19: {  	s7 =	sld [smem:$0x3F93]  }
0x1a: {  	s8 =	sadd.s32 $0xFFFFE003, lr  }
0x1b: {  	s9 =	sadd.s32 $0xFFFFFEF7, lr;
	s5 =	simm.s32 $0xFFFFFFFF;
	p2 =	slt.u32 s8, $0xFFFFF086  }
0x1c: {  	p1 =	slt.u32 s9, $0xF7A;
	s5 =	simm.s32 @!p2 $0x0  }
0x1d: {  	s5 =	simm.s32 @p1 $0x1;
	p0 =	seq.s32 s7, s2  }
0x1e: {  	s7 =	smul.u32 @!p0 $0xF7A, s2;
	p2 =	seq.s32 @!p0 s5, $0x0  }
0x1f: {  	s9 =	smul.u32 $0xF7A, s1;
	s8 =	simm.s32 @!p0 $0x1BF5;
	p2 =	por !p2, p0  }
0x20: {  	[sflag:s8] =	ssyncset.s32 @!p0 $0xFFFFF086;
	s6 =	sadd.s32 @!p0 s3, s7;
	s7 =	simm.s32 @!p0 $0x108  }
0x21: {  	s3 =	sadd.s32 s3, s9;
	s6 =	sadd.s32 @!p0 $0x88, s6;
	s7 =	simm.s32 @p2 $0x1082  }
0x22: {  	[simem:s7], [sflag:s8] =	dma.local @!p0 [hbm:s6], $0xF7A  }
0x23: {  	s9 =	sor.u32 $0xD0000000, s2;
	s6 =	simm.s32 $0x108;
	_ =	swait.ge @!p0 [sflag:s8], $0x0  }
0x24: {  	s3 =	sadd.s32 $0x88, s3;
	s6 =	simm.s32 @!p1 $0x1082;
	[sflag:s4] =	ssyncset.s32 $0xFFFFF086  }
0x25: {  	[simem:s6], [sflag:s4] =	dma.local [hbm:s3], $0xF7A  }
0x26: {  	[smem:$0x3F93] =	sst s1;
	(tag) =	ssettag s2;
	_ =	strace s9  }
0x27: {  	s1 =	sld [smem:$0x3FA3]  }
0x28: {  	s2 =	sld [smem:$0x3FA4]  }
0x29: {  	s4 =	sld [smem:$0x3FA6]  }
0x2a: {  	p0 =	seq.s32 s5, $0x0;
	s5 =	sld [smem:$0x3FA7]  }
0x2b: {  	s6 =	sld [smem:$0x3FA8]  }
0x2c: {  	s7 =	sld [smem:$0x3FA9]  }
0x2d: {  	s3 =	simm.s32 $0x108;
	s8 =	sld [smem:$0x3FAA]  }
0x2e: {  	s3 =	simm.s32 @!p0 $0x1082;
	s9 =	sld [smem:$0x3FAB]  }
0x2f: {  	lr =	sadd.s32 s0, s3;
	s0 =	sld [smem:$0x3FA2]  }
0x30: {  	s3 =	sld [smem:$0x3FA5]  }
0x31: {  	[smem:$0x3FAE] =	sst s10  }
0x32: {  	s10 =	sld [smem:$0x3FAC];
	_ =	sdelay $0x3  }
0x33: {  	p0 =	seq.s32 s10, $0x1;
	s10 =	sld [smem:$0x3FAE];
	_ =	sdelay $0x3  }
0x34: {  	[smem:$0x3FAE] =	sst s10  }
0x35: {  	s10 =	sld [smem:$0x3FAD];
	_ =	sdelay $0x3  }
0x36: {  	p1 =	seq.s32 s10, $0x1;
	s10 =	sld [smem:$0x3FAE];
	_ =	sdelay $0x3  }
0x37: {  	[smem:$0x3FAE] =	sst s10  }
0x38: {  	s10 =	sld [smem:$0x3FAF]  }
0x39: {  	_ = 	snop;
	(pc) =	sbr.ind lr, $3  }
0x3a: {  	_ = 	snop  }
0x3b: {  	_ = 	snop  }
0x3c: {  	p2 =	seq.s32 s10, $0x1;
	s10 =	sld [smem:$0x3FAE]  }
0x3d: {  	_ =	shalt  }
0x3e: {  	_ =	shalt  }
0x3f: {  	_ =	shalt  }
0x40: {  	_ =	shalt  }
0x41: {  	_ =	shalt  }
0x42: {  	_ =	shalt  }
0x43: {  	_ =	shalt  }
0x44: {  	_ =	shalt  }
0x45: {  	_ =	shalt  }
0x46: {  	_ =	shalt  }
0x47: {  	_ =	shalt  }
0x48: {  	_ =	shalt  }
0x49: {  	_ =	shalt  }
0x4a: {  	_ =	shalt  }
0x4b: {  	_ =	shalt  }
0x4c: {  	_ =	shalt  }
0x4d: {  	_ =	shalt  }
0x4e: {  	_ =	shalt  }
0x4f: {  	_ =	shalt  }
0x50: {  	_ =	shalt  }
0x51: {  	_ =	shalt  }
0x52: {  	_ =	shalt  }
0x53: {  	_ =	shalt  }
0x54: {  	_ =	shalt  }
0x55: {  	_ =	shalt  }
0x56: {  	_ =	shalt  }
0x57: {  	_ =	shalt  }
0x58: {  	_ =	shalt  }
0x59: {  	_ =	shalt  }
0x5a: {  	_ =	shalt  }
0x5b: {  	_ =	shalt  }
0x5c: {  	_ =	shalt  }
0x5d: {  	_ =	shalt  }
0x5e: {  	_ =	shalt  }
0x5f: {  	_ =	shalt  }
0x60: {  	_ =	shalt  }
0x61: {  	_ =	shalt  }
0x62: {  	_ =	shalt  }
0x63: {  	_ =	shalt  }
0x64: {  	_ =	shalt  }
0x65: {  	_ =	shalt  }
0x66: {  	_ =	shalt  }
0x67: {  	_ =	shalt  }
0x68: {  	_ =	shalt  }
0x69: {  	_ =	shalt  }
0x6a: {  	_ =	shalt  }
0x6b: {  	_ =	shalt  }
0x6c: {  	_ =	shalt  }
0x6d: {  	_ =	shalt  }
0x6e: {  	_ =	shalt  }
0x6f: {  	_ =	shalt  }
0x70: {  	_ =	shalt  }
0x71: {  	_ =	shalt  }
0x72: {  	_ =	shalt  }
0x73: {  	_ =	shalt  }
0x74: {  	_ =	shalt  }
0x75: {  	_ =	shalt  }
0x76: {  	_ =	shalt  }
0x77: {  	_ =	shalt  }
0x78: {  	_ =	shalt  }
0x79: {  	_ =	shalt  }
0x7a: {  	_ =	shalt  }
0x7b: {  	_ =	shalt  }
0x7c: {  	_ =	shalt  }
0x7d: {  	_ =	shalt  }
0x7e: {  	_ =	shalt  }
0x7f: {  	_ =	shalt  }
0x80: {  	_ =	shalt  }
0x81: {  	_ =	shalt  }
0x82: {  	_ =	shalt  }
0x83: {  	_ =	shalt  }
0x84: {  	_ =	shalt  }
0x85: {  	_ =	shalt  }
0x86: {  	_ =	shalt  }
0x87: {  	_ =	shalt  }
.Lfunc_end0:
.L_simem_size_0:
called_computation.1_lowered:
.L_overlay_start_0:
0x88: {  	s2 =	sld [smem:$0x3FD9]  }
0x89: {  	s3 =	sld [smem:$0x3FFE];
	_ =	sdelay $0x1  }
0x8a: {  	s1 =	srdreg.scid  }
0x8b: {  	s0 =	sand.u32 $0x1, s1  }
0x8c: {  	s14 =	sshll.u32 s0, $0xA;
	s2 =	sadd.s32 s3, s2  }
0x8d: {  	s2 =	sadd.s32 s2, s14  }
0x8e: {  	[smem:$0x3FBA] =	sst s2  }
0x8f: {  	_ = 	snop  }
0x90: {  	s2 =	sld [smem:$0x3FD0];
	_ =	sdelay $0x2  }
0x91: {  	s15 =	simm.s32 $0xB;
	s4 =	simm.s32 $0x10  }
0x92: {  	[smem:s4], [sflag:s15] =	dma.local [hbm:s2], $0x1  }
0x93: {  	_ =	swait.eq [sflag:s15], $0x1  }
0x94: {  	[sflag:s15] =	ssyncset.done $0x0  }
0x95: {  	[sflag:s15] =	ssyncadd.s32 $0xFFFFFFFF  }
0x96: {  	s16 =	sld [smem:$0x10];
	(tm) =	ssettm $0x1  }
0x97: {  	s17 =	sld [smem:$0x3FFB];
	_ =	sdelay $0x3  }
0x98: {  	_ =	strace s17  }
0x99: {  	s3 =	sld [smem:$0x3FFC];
	_ =	sdelay $0x3  }
0x9a: {  	_ =	strace s3  }
0x9b: {  	s3 =	sld [smem:$0x3FFD];
	_ =	sdelay $0x3  }
0x9c: {  	_ =	strace s3  }
0x9d: {  	_ =	strace $0x8FFFFFFF  }
0x9e: {  	s18 =	sld [smem:$0x3FDB];
	_ =	sdelay $0x1  }
0x9f: {  	s19 =	simm.s32 $_scs_section_size  }
0xa0: {  	s5 =	simm.s32 $_size__tile_overlayer_lowered;
	s6 =	simm.s32 $_tile_overlayer_lowered  }
0xa1: {  	s22 =	simm.s32 $0x1BFF;
	s21 =	sshll.u32 s6, $0x1;
	s3 =	sadd.s32 s19, s18  }
0xa2: {  	s7 =	simm.s32 $0x0;
	s20 =	sshll.u32 s5, $0x1;
	s5 =	sadd.s32 s21, s3  }
0xa3: {  	[timem:s7], [sflag:s22] =	dma.local [hbm:s5], s20  }
0xa4: {  	_ =	swait.ge [sflag:s22], s20  }
0xa5: {  	s4 =	ssub.s32 $0x0, s20;
	[sflag:s22] =	ssyncset.done $0x0  }
0xa6: {  	[sflag:s22] =	ssyncadd.s32 s4;
	_ =	sdelay $0x1  }
0xa7: {  	s23 =	simm.s32 $0x1B8B  }
0xa8: {  	_ =	swait.ge [sflag:s23], $0x1  }
0xa9: {  	[sflag:s23] =	ssyncset.done $0x0  }
0xaa: {  	s25 =	simm.s32 $0x1B8E;
	s24 =	sld [smem:$0x3FFE];
	[sflag:s23] =	ssyncadd.s32 $0xFFFFFFFF  }
0xab: {  	s26 =	simm.s32 $execute0_lowered;
	[smem:$0x3FD2] =	sst s25  }
0xac: {  	s5 =	sshll.u32 s26, $0x1;
	_ =	strace $0x80000049;
	[dreg:$0x1] =	wrdreg $0xFFFFFFFF  }
0xad: {  	s28 =	simm.s32 $_size_execute0_lowered;
	s3 =	sadd.s32 s3, s5;
	[dreg:$0x0] =	wrdreg $0x0  }
0xae: {  	s5 =	sshll.u32 s28, $0x1;
	[dreg:$0x2] =	wrdreg s3  }
0xaf: {  	[dreg:$0x3] =	wrdreg s5  }
0xb0: {  	[dreg:$0x4] =	wrdreg $0xC0  }
0xb1: {  	_ =	task [dreg:s7], $0x5FFFF  }
0xb2: {  	[dreg:$0x1] =	wrdreg $0xFFFFFFFF  }
0xb3: {  	[dreg:$0x0] =	wrdreg $0x60  }
0xb4: {  	[dreg:$0x2] =	wrdreg s24  }
0xb5: {  	[dreg:$0x3] =	wrdreg s16  }
0xb6: {  	[dreg:$0x4] =	wrdreg $0x9  }
0xb7: {  	_ =	task.clear_ibuf [dreg:s7], $0x5FFFF;
	_ =	strace $0x90000049  }
0xb8: {  	s29 =	simm.s32 $0x9;
	_ =	strace $0x8000004B  }
0xb9: {  	_ =	swait.ge [sflag:s29], $0x1  }
0xba: {  	[sflag:s29] =	ssyncadd.s32 $0xFFFFFFFF  }
0xbb: {  	_ =	strace $0x9000004B  }
0xbc: {  	_ =	sfence  }
0xbd: {  	s30 =	sld [smem:$0x0];
	_ =	sdelay $0x2  }
0xbe: {  	s31 =	sshll.u32 s1, $0xD;
	s1 =	sshrl.u32 s1, $0x2  }
0xbf: {  	s3 =	sand.u32 $0x4000, s31;
	s1 =	sadd.s32 s1, s30  }
0xc0: {  	s0 =	sor.u32 s3, s0;
	s1 =	sshll.u32 s1, $0x11  }
0xc1: {  	s0 =	sor.u32 s1, s0  }
0xc2: {  	s0 =	sadd.s32 $0x8F2B, s0  }
0xc3: {  	[sflag:s0] =	ssyncadd.remote.s32 $0x1  }
0xc4: {  	_ =	sfence.sel $0xFFFF  }
0xc5: {  	[dreg:$0x0] =	wrdreg $0xFFFFFFFF;
	(pc) =	sbr.abs _section_cstart, $3  }
0xc6: {  	[dreg:$0x1] =	wrdreg $0xFFFFFFFF  }
0xc7: {  	_ =	task.clear_ibuf [dreg:s7], $0x2FFFF;
	_ =	strace $0x9FFFFFFF  }
0xc8: {  	(tm) =	ssettm $0x7FFFFFFF  }
0xc9: {  	_ =	shalt  }
tec
execute0_lowered:
.L_overlay_start_1:
0x0: {  	(tag) =	ssettag $0x1  }
0x1: {  	s4 =	rddreg [dreg:$0x0]  }
0x2: {  	s11 =	rddreg [dreg:$0x1];
	s1 =	srdreg.scid  }
0x3: {  	s0 =	rddreg [dreg:$0x2];
	s2 =	simm.s32 $0x0;
	s14 =	simm.s32 $0x200  }
0x4: {  	s15 =	simm.s32 $0x8200;
	s16 =	simm.s32 $0x1;
	s17 =	simm.s32 $0x2  }
0x5: {  	s18 =	simm.s32 $0x0;
	s7 =	sand.u32 $0x1, s1;
	s1 =	stileid.u32  }
0x6: {  	[smem:$0x7FF] =	sst s2;
	s3 =	sadd.s32 $0x19200, s4;
	s5 =	smul.u32 $0x14000, s7  }
0x7: {  	s12 =	sadd.s32 $0x69200, s4;
	s6 =	smul.u32 $0x1400, s1;
	s8 =	ssub.s32 $0x2, s7  }
0x8: {  	_ =	strace $0x8000004A;
	s13 =	smul.u32 $0x140000, s7;
	s9 =	sshrl.u32 s8, $0x1  }
0x9: {  	s28 =	smul.u32 $0x14000, s1;
	s10 =	sadd.s32 s6, s5;
	s22 =	ssub.s32 s8, s9  }
0xa: {  	s23 =	sshrl.u32 s10, $0x3;
	s6 =	sshll.u32 s10, $0x4;
	s24 =	sadd.s32 $0x1300, s10  }
0xb: {  	s5 =	smax.u32 s22, $0x1;
	s29 =	sor.u32 $0x200, s10;
	s10 =	sor.u32 $0x100, s10  }
0xc: {  	s4 =	sadd.s32 s11, s23;
	s25 =	sadd.s32 s12, s6;
	s26 =	sshrl.u32 s24, $0x3  }
0xd: {  	s8 =	sshll.u32 s24, $0x4;
	s30 =	sshrl.u32 s29, $0x3;
	s31 =	sshrl.u32 s10, $0x3  }
0xe: {  	s6 =	sadd.s32 s11, s26;
	s7 =	sadd.s32 $0x12000, s25;
	s8 =	sadd.s32 s12, s8  }
0xf: {  	s12 =	sadd.s32 s13, s12;
	s10 =	sadd.s32 s30, s11;
	s11 =	sadd.s32 s31, s11  }
0x10: {  	s13 =	simm.s32 $0x100;
	s9 =	sadd.s32 s28, s12;
	s12 =	simm.s32 $0x3  }
.LBB2_1:
0x11: {  	[tilespmem:s2], [sflag:$0x3] =	stream.linear.gather [hbm4b:s4+s2], $0x100, $0x38;
	[tilespmem:$0x10200] =	vst v63  }
0x12: {  	_ =	swait.ge [sflag:s12], $0x100  }
0x13: {  	[sflag:s12] =	ssyncset.done $0x0  }
0x14: {  	[sflag:s12] =	ssyncadd.s32 $0xFFFFFF00  }
0x15: {  	[tilespmem:s14], [sflag:$0x1] =	stream.indirect.gather [hbm4b:s3+s13], $0x80, s2, s13, $0xb8;
	[tilespmem:$0x10200] =	vst v63  }
0x16: {  	s19 =	sadd.s32 $0x0, s11  }
0x17: {  	[tilespmem:s13], [sflag:$0x3] =	stream.linear.gather [hbm4b:s19+s2], $0x100, $0x38;
	[tilespmem:$0x10200] =	vst v63  }
0x18: {  	_ =	swait.ge [sflag:s12], $0x100  }
0x19: {  	[sflag:s12] =	ssyncset.done $0x0  }
0x1a: {  	[sflag:s12] =	ssyncadd.s32 $0xFFFFFF00  }
0x1b: {  	[tilespmem:s15], [sflag:$0x2] =	stream.indirect.gather [hbm4b:s3+s13], $0x80, s13, s13, $0xb8;
	[tilespmem:$0x10200] =	vst v63  }
0x1c: {  	_ =	swait.ge [sflag:s16], $0x8000  }
0x1d: {  	[sflag:s16] =	ssyncset.done $0x0  }
0x1e: {  	[sflag:s16] =	ssyncadd.s32 $0xFFFF8000  }
0x1f: {  	[hbm4b:s9+s2] =	stream.linear.scatter [tilespmem:s14], [sflag:$0x3], $0x8000, $0x38;
	[tilespmem:$0x10200] =	vst v63  }
0x20: {  	_ =	swait.ge [sflag:s12], $0x8000  }
0x21: {  	[sflag:s12] =	ssyncset.done $0x0  }
0x22: {  	s30 =	sadd.s32 $0x0, s10;
	[sflag:s12] =	ssyncadd.s32 $0xFFFF8000  }
0x23: {  	[tilespmem:s2], [sflag:$0x3] =	stream.linear.gather [hbm4b:s30+s2], $0x100, $0x38;
	[tilespmem:$0x10200] =	vst v63  }
0x24: {  	_ =	swait.ge [sflag:s12], $0x100  }
0x25: {  	[sflag:s12] =	ssyncset.done $0x0  }
0x26: {  	[sflag:s12] =	ssyncadd.s32 $0xFFFFFF00  }
0x27: {  	[tilespmem:s14], [sflag:$0x1] =	stream.indirect.gather [hbm4b:s3+s13], $0x80, s2, s13, $0xb8;
	[tilespmem:$0x10200] =	vst v63  }
0x28: {  	_ =	swait.ge [sflag:s17], $0x8000  }
0x29: {  	[sflag:s17] =	ssyncset.done $0x0  }
0x2a: {  	s31 =	sadd.s32 $0x1000, s9;
	[sflag:s17] =	ssyncadd.s32 $0xFFFF8000  }
0x2b: {  	[hbm4b:s31+s2] =	stream.linear.scatter [tilespmem:s15], [sflag:$0x3], $0x8000, $0x38;
	[tilespmem:$0x10200] =	vst v63  }
0x2c: {  	s20 =	simm.s32 $0x40;
	_ =	swait.ge [sflag:s12], $0x8000  }
0x2d: {  	s21 =	simm.s32 $0x80;
	s19 =	sadd.s32 $0x2000, s9;
	[sflag:s12] =	ssyncset.done $0x0  }
.LBB2_2:
0x2e: {  	s22 =	sadd.s32 s20, s11  }
0x2f: {  	[sflag:s12] =	ssyncadd.s32 $0xFFFF8000;
	s23 =	smov.u32 s21;
	s24 =	sadd.s32 $0x40, s21  }
0x30: {  	[tilespmem:s13], [sflag:$0x3] =	stream.linear.gather [hbm4b:s22+s2], $0x100, $0x38;
	[tilespmem:$0x10200] =	vst v63  }
0x31: {  	p0 =	sne.s32 s21, $0x200;
	_ =	swait.ge [sflag:s12], $0x100  }
0x32: {  	[sflag:s12] =	ssyncset.done $0x0  }
0x33: {  	[sflag:s12] =	ssyncadd.s32 $0xFFFFFF00  }
0x34: {  	[tilespmem:s15], [sflag:$0x2] =	stream.indirect.gather [hbm4b:s3+s13], $0x80, s13, s13, $0xb8;
	[tilespmem:$0x10200] =	vst v63  }
0x35: {  	_ =	swait.ge [sflag:s16], $0x8000  }
0x36: {  	[sflag:s16] =	ssyncset.done $0x0  }
0x37: {  	[sflag:s16] =	ssyncadd.s32 $0xFFFF8000  }
0x38: {  	[hbm4b:s19+s2] =	stream.linear.scatter [tilespmem:s14], [sflag:$0x3], $0x8000, $0x38;
	[tilespmem:$0x10200] =	vst v63  }
0x39: {  	_ =	swait.ge [sflag:s12], $0x8000  }
0x3a: {  	[sflag:s12] =	ssyncset.done $0x0  }
0x3b: {  	s21 =	sadd.s32 s20, s10;
	s20 =	smov.u32 s23;
	[sflag:s12] =	ssyncadd.s32 $0xFFFF8000  }
0x3c: {  	[tilespmem:s2], [sflag:$0x3] =	stream.linear.gather [hbm4b:s21+s2], $0x100, $0x38;
	[tilespmem:$0x10200] =	vst v63  }
0x3d: {  	_ =	swait.ge [sflag:s12], $0x100  }
0x3e: {  	[sflag:s12] =	ssyncset.done $0x0  }
0x3f: {  	[sflag:s12] =	ssyncadd.s32 $0xFFFFFF00  }
0x40: {  	[tilespmem:s14], [sflag:$0x1] =	stream.indirect.gather [hbm4b:s3+s13], $0x80, s2, s13, $0xb8;
	[tilespmem:$0x10200] =	vst v63  }
0x41: {  	_ =	swait.ge [sflag:s17], $0x8000  }
.Ltmp0:
0x42: {  	[sflag:s17] =	ssyncset.done $0x0;
	(pc) =	sbr.rel @p0 .LBB2_2-.Ltmp0, $4  }
0x43: {  	s21 =	sadd.s32 $0x1000, s19;
	[sflag:s17] =	ssyncadd.s32 $0xFFFF8000  }
0x44: {  	[hbm4b:s21+s2] =	stream.linear.scatter [tilespmem:s15], [sflag:$0x3], $0x8000, $0x38;
	[tilespmem:$0x10200] =	vst v63  }
0x45: {  	_ =	swait.ge [sflag:s12], $0x8000  }
0x46: {  	s19 =	sadd.s32 $0x2000, s19;
	s21 =	smov.u32 s24;
	[sflag:s12] =	ssyncset.done $0x0  }
0x47: {  	s21 =	sadd.s32 s20, s11;
	[sflag:s12] =	ssyncadd.s32 $0xFFFF8000  }
0x48: {  	[tilespmem:s13], [sflag:$0x3] =	stream.linear.gather [hbm4b:s21+s2], $0x100, $0x38;
	[tilespmem:$0x10200] =	vst v63  }
0x49: {  	_ =	swait.ge [sflag:s12], $0x100  }
0x4a: {  	[sflag:s12] =	ssyncset.done $0x0  }
0x4b: {  	[sflag:s12] =	ssyncadd.s32 $0xFFFFFF00  }
0x4c: {  	[tilespmem:s15], [sflag:$0x2] =	stream.indirect.gather [hbm4b:s3+s13], $0x80, s13, s13, $0xb8;
	[tilespmem:$0x10200] =	vst v63  }
0x4d: {  	_ =	swait.ge [sflag:s16], $0x8000  }
0x4e: {  	[sflag:s16] =	ssyncset.done $0x0  }
0x4f: {  	[sflag:s16] =	ssyncadd.s32 $0xFFFF8000  }
0x50: {  	[hbm4b:s19+s2] =	stream.linear.scatter [tilespmem:s14], [sflag:$0x3], $0x8000, $0x38;
	[tilespmem:$0x10200] =	vst v63  }
0x51: {  	_ =	swait.ge [sflag:s12], $0x8000  }
0x52: {  	[sflag:s12] =	ssyncset.done $0x0  }
0x53: {  	s30 =	sadd.s32 s20, s10;
	[sflag:s12] =	ssyncadd.s32 $0xFFFF8000  }
0x54: {  	[tilespmem:s2], [sflag:$0x3] =	stream.linear.gather [hbm4b:s30+s2], $0x100, $0x38;
	[tilespmem:$0x10200] =	vst v63  }
0x55: {  	_ =	swait.ge [sflag:s12], $0x100  }
0x56: {  	[sflag:s12] =	ssyncset.done $0x0  }
0x57: {  	[sflag:s12] =	ssyncadd.s32 $0xFFFFFF00  }
0x58: {  	[tilespmem:s14], [sflag:$0x1] =	stream.indirect.gather [hbm4b:s3+s13], $0x80, s2, s13, $0xb8;
	[tilespmem:$0x10200] =	vst v63  }
0x59: {  	_ =	swait.ge [sflag:s17], $0x8000  }
0x5a: {  	[sflag:s17] =	ssyncset.done $0x0  }
0x5b: {  	s31 =	sadd.s32 $0x1000, s19;
	[sflag:s17] =	ssyncadd.s32 $0xFFFF8000  }
0x5c: {  	[hbm4b:s31+s2] =	stream.linear.scatter [tilespmem:s15], [sflag:$0x3], $0x8000, $0x38;
	[tilespmem:$0x10200] =	vst v63  }
0x5d: {  	_ =	swait.ge [sflag:s12], $0x8000  }
0x5e: {  	[sflag:s12] =	ssyncset.done $0x0  }
0x5f: {  	[sflag:s12] =	ssyncadd.s32 $0xFFFF8000  }
0x60: {  	[tilespmem:s13], [sflag:$0x3] =	stream.linear.gather [hbm4b:s6+s2], $0x100, $0x38;
	[tilespmem:$0x10200] =	vst v63  }
0x61: {  	_ =	swait.ge [sflag:s12], $0x100  }
0x62: {  	[sflag:s12] =	ssyncset.done $0x0  }
0x63: {  	[sflag:s12] =	ssyncadd.s32 $0xFFFFFF00  }
0x64: {  	[tilespmem:s15], [sflag:$0x2] =	stream.indirect.gather [hbm4b:s3+s13], $0x80, s13, s13, $0xb8;
	[tilespmem:$0x10200] =	vst v63  }
0x65: {  	_ =	swait.ge [sflag:s16], $0x8000  }
0x66: {  	[sflag:s16] =	ssyncset.done $0x0  }
0x67: {  	[sflag:s16] =	ssyncadd.s32 $0xFFFF8000  }
0x68: {  	[hbm4b:s7+s2] =	stream.linear.scatter [tilespmem:s14], [sflag:$0x3], $0x8000, $0x38;
	[tilespmem:$0x10200] =	vst v63  }
0x69: {  	_ =	swait.ge [sflag:s12], $0x8000  }
0x6a: {  	[sflag:s12] =	ssyncset.done $0x0  }
0x6b: {  	[sflag:s12] =	ssyncadd.s32 $0xFFFF8000  }
0x6c: {  	s18 =	sadd.s32 $0x1, s18;
	_ =	swait.ge [sflag:s17], $0x8000  }
0x6d: {  	p0 =	sne.s32 s18, s5;
	[sflag:s17] =	ssyncset.done $0x0  }
.Ltmp1:
0x6e: {  	[sflag:s17] =	ssyncadd.s32 $0xFFFF8000;
	(pc) =	sbr.rel @p0 .LBB2_1-.Ltmp1, $4  }
0x6f: {  	[hbm4b:s8+s2] =	stream.linear.scatter [tilespmem:s15], [sflag:$0x3], $0x8000, $0x38;
	[tilespmem:$0x10200] =	vst v63  }
0x70: {  	_ =	swait.ge [sflag:s12], $0x8000  }
0x71: {  	[sflag:s12] =	ssyncset.done $0x0  }
0x72: {  	[sflag:s12] =	ssyncadd.s32 $0xFFFF8000  }
0x73: {  	_ =	sfence.sel $0x180000  }
0x74: {  	[bflag:$0x0] =	sbarrier.arrive $0xFFFF  }
0x75: {  	p0 =	sne.s32 s1, $0x0;
	_ =	strace $0x9000004A  }
0x76: {  	s0 =	sadd.s32 @!p0 $0x100000, s0;
	[bflag:$0x2] =	sbarrier.arrive $0xFFFF  }
0x77: {  	[sflag:s0] =	ssyncadd.tile.s32 @!p0 $0x1;
	_ =	shalt  }
.Lfunc_end2:
_tile_overlayer_lowered:
.L_overlay_start_2:
0x78: {  	(tag) =	ssettag $0x2  }
0x79: {  	s0 =	rddreg [dreg:$0x0];
	s2 =	stileid.u32  }
0x7a: {  	s1 =	rddreg [dreg:$0x1];
	p0 =	sne.s32 s2, $0x0  }
0x7b: {  	s3 =	rddreg [dreg:$0x2];
	[bflag:$0x3] =	sbarrier.arrive $0xFFFF;
	s2 =	simm.s32 @!p0 $0x1C03  }
0x7c: {  	[timem:s3], [sflag:s2] =	dma.local @!p0 [hbm:s0], s1  }
0x7d: {  	s0 =	simm.s32 @!p0 $0x3  }
0x7e: {  	_ =	swait.ge @!p0 [sflag:s0], s1  }
0x7f: {  	s1 =	ssub.s32 @!p0 $0x0, s1;
	[sflag:s0] =	ssyncset.done @!p0 $0x0  }
0x80: {  	[sflag:s0] =	ssyncadd.s32 @!p0 s1  }
0x81: {  	[bflag:$0x3] =	sbarrier.arrive $0xFFFF  }
0x82: {  	_ =	shalt  }

// kernel: kernel.26.cloned.1.call-start
scs
__scs_entry_jumppad:
0x0: {  	(pc) =	sbr.rel $0x88, $3  }
0x1: {  	(tag) =	ssettag $0x0;
	lr =	simm.s32 $0x1  }
0x2: {  	[smem:$0x3F93] =	sst lr;
	_ =	strace $0xD0000000  }
0x3: {  	_ = 	snop  }
0x4: {  	_ = 	snop  }
0x5: {  	_ = 	snop  }
0x6: {  	_ = 	snop  }
0x7: {  	_ = 	snop  }
__scs_overlays_trampoline_lowered:
0x8: {  	[smem:$0x3FA2] =	sst s0  }
0x9: {  	[smem:$0x3FA3] =	sst s1  }
0xa: {  	[smem:$0x3FA4] =	sst s2  }
0xb: {  	[smem:$0x3FA5] =	sst s3  }
0xc: {  	[smem:$0x3FA6] =	sst s4  }
0xd: {  	[smem:$0x3FA7] =	sst s5  }
0xe: {  	[smem:$0x3FA8] =	sst s6  }
0xf: {  	[smem:$0x3FA9] =	sst s7  }
0x10: {  	[smem:$0x3FAA] =	sst s8  }
0x11: {  	[smem:$0x3FAB] =	sst s9;
	s0 =	simm.s32 @!p0 $0x0  }
0x12: {  	s1 =	sld [smem:$0x3F91];
	s0 =	simm.s32 @p0 $0x1  }
0x13: {  	[smem:$0x3FAC] =	sst s0;
	s0 =	simm.s32 @!p1 $0x0  }
0x14: {  	s2 =	sld [smem:$0x3F90];
	s0 =	simm.s32 @p1 $0x1  }
0x15: {  	[smem:$0x3FAD] =	sst s0;
	s0 =	simm.s32 @!p2 $0x0  }
0x16: {  	s3 =	sld [smem:$0x3FDB];
	s0 =	simm.s32 @p2 $0x1  }
0x17: {  	s4 =	simm.s32 $0x1BF5;
	[smem:$0x3FAF] =	sst s0  }
0x18: {  	s0 =	sld [smem:$0x3F92];
	_ =	swait.ge [sflag:s4], $0x0  }
0x19: {  	s7 =	sld [smem:$0x3F93]  }
0x1a: {  	s8 =	sadd.s32 $0xFFFFE003, lr  }
0x1b: {  	s9 =	sadd.s32 $0xFFFFFEF7, lr;
	s5 =	simm.s32 $0xFFFFFFFF;
	p2 =	slt.u32 s8, $0xFFFFF086  }
0x1c: {  	p1 =	slt.u32 s9, $0xF7A;
	s5 =	simm.s32 @!p2 $0x0  }
0x1d: {  	s5 =	simm.s32 @p1 $0x1;
	p0 =	seq.s32 s7, s2  }
0x1e: {  	s7 =	smul.u32 @!p0 $0xF7A, s2;
	p2 =	seq.s32 @!p0 s5, $0x0  }
0x1f: {  	s9 =	smul.u32 $0xF7A, s1;
	s8 =	simm.s32 @!p0 $0x1BF5;
	p2 =	por !p2, p0  }
0x20: {  	[sflag:s8] =	ssyncset.s32 @!p0 $0xFFFFF086;
	s6 =	sadd.s32 @!p0 s3, s7;
	s7 =	simm.s32 @!p0 $0x108  }
0x21: {  	s3 =	sadd.s32 s3, s9;
	s6 =	sadd.s32 @!p0 $0x88, s6;
	s7 =	simm.s32 @p2 $0x1082  }
0x22: {  	[simem:s7], [sflag:s8] =	dma.local @!p0 [hbm:s6], $0xF7A  }
0x23: {  	s9 =	sor.u32 $0xD0000000, s2;
	s6 =	simm.s32 $0x108;
	_ =	swait.ge @!p0 [sflag:s8], $0x0  }
0x24: {  	s3 =	sadd.s32 $0x88, s3;
	s6 =	simm.s32 @!p1 $0x1082;
	[sflag:s4] =	ssyncset.s32 $0xFFFFF086  }
0x25: {  	[simem:s6], [sflag:s4] =	dma.local [hbm:s3], $0xF7A  }
0x26: {  	[smem:$0x3F93] =	sst s1;
	(tag) =	ssettag s2;
	_ =	strace s9  }
0x27: {  	s1 =	sld [smem:$0x3FA3]  }
0x28: {  	s2 =	sld [smem:$0x3FA4]  }
0x29: {  	s4 =	sld [smem:$0x3FA6]  }
0x2a: {  	p0 =	seq.s32 s5, $0x0;
	s5 =	sld [smem:$0x3FA7]  }
0x2b: {  	s6 =	sld [smem:$0x3FA8]  }
0x2c: {  	s7 =	sld [smem:$0x3FA9]  }
0x2d: {  	s3 =	simm.s32 $0x108;
	s8 =	sld [smem:$0x3FAA]  }
0x2e: {  	s3 =	simm.s32 @!p0 $0x1082;
	s9 =	sld [smem:$0x3FAB]  }
0x2f: {  	lr =	sadd.s32 s0, s3;
	s0 =	sld [smem:$0x3FA2]  }
0x30: {  	s3 =	sld [smem:$0x3FA5]  }
0x31: {  	[smem:$0x3FAE] =	sst s10  }
0x32: {  	s10 =	sld [smem:$0x3FAC];
	_ =	sdelay $0x3  }
0x33: {  	p0 =	seq.s32 s10, $0x1;
	s10 =	sld [smem:$0x3FAE];
	_ =	sdelay $0x3  }
0x34: {  	[smem:$0x3FAE] =	sst s10  }
0x35: {  	s10 =	sld [smem:$0x3FAD];
	_ =	sdelay $0x3  }
0x36: {  	p1 =	seq.s32 s10, $0x1;
	s10 =	sld [smem:$0x3FAE];
	_ =	sdelay $0x3  }
0x37: {  	[smem:$0x3FAE] =	sst s10  }
0x38: {  	s10 =	sld [smem:$0x3FAF]  }
0x39: {  	_ = 	snop;
	(pc) =	sbr.ind lr, $3  }
0x3a: {  	_ = 	snop  }
0x3b: {  	_ = 	snop  }
0x3c: {  	p2 =	seq.s32 s10, $0x1;
	s10 =	sld [smem:$0x3FAE]  }
0x3d: {  	_ =	shalt  }
0x3e: {  	_ =	shalt  }
0x3f: {  	_ =	shalt  }
0x40: {  	_ =	shalt  }
0x41: {  	_ =	shalt  }
0x42: {  	_ =	shalt  }
0x43: {  	_ =	shalt  }
0x44: {  	_ =	shalt  }
0x45: {  	_ =	shalt  }
0x46: {  	_ =	shalt  }
0x47: {  	_ =	shalt  }
0x48: {  	_ =	shalt  }
0x49: {  	_ =	shalt  }
0x4a: {  	_ =	shalt  }
0x4b: {  	_ =	shalt  }
0x4c: {  	_ =	shalt  }
0x4d: {  	_ =	shalt  }
0x4e: {  	_ =	shalt  }
0x4f: {  	_ =	shalt  }
0x50: {  	_ =	shalt  }
0x51: {  	_ =	shalt  }
0x52: {  	_ =	shalt  }
0x53: {  	_ =	shalt  }
0x54: {  	_ =	shalt  }
0x55: {  	_ =	shalt  }
0x56: {  	_ =	shalt  }
0x57: {  	_ =	shalt  }
0x58: {  	_ =	shalt  }
0x59: {  	_ =	shalt  }
0x5a: {  	_ =	shalt  }
0x5b: {  	_ =	shalt  }
0x5c: {  	_ =	shalt  }
0x5d: {  	_ =	shalt  }
0x5e: {  	_ =	shalt  }
0x5f: {  	_ =	shalt  }
0x60: {  	_ =	shalt  }
0x61: {  	_ =	shalt  }
0x62: {  	_ =	shalt  }
0x63: {  	_ =	shalt  }
0x64: {  	_ =	shalt  }
0x65: {  	_ =	shalt  }
0x66: {  	_ =	shalt  }
0x67: {  	_ =	shalt  }
0x68: {  	_ =	shalt  }
0x69: {  	_ =	shalt  }
0x6a: {  	_ =	shalt  }
0x6b: {  	_ =	shalt  }
0x6c: {  	_ =	shalt  }
0x6d: {  	_ =	shalt  }
0x6e: {  	_ =	shalt  }
0x6f: {  	_ =	shalt  }
0x70: {  	_ =	shalt  }
0x71: {  	_ =	shalt  }
0x72: {  	_ =	shalt  }
0x73: {  	_ =	shalt  }
0x74: {  	_ =	shalt  }
0x75: {  	_ =	shalt  }
0x76: {  	_ =	shalt  }
0x77: {  	_ =	shalt  }
0x78: {  	_ =	shalt  }
0x79: {  	_ =	shalt  }
0x7a: {  	_ =	shalt  }
0x7b: {  	_ =	shalt  }
0x7c: {  	_ =	shalt  }
0x7d: {  	_ =	shalt  }
0x7e: {  	_ =	shalt  }
0x7f: {  	_ =	shalt  }
0x80: {  	_ =	shalt  }
0x81: {  	_ =	shalt  }
0x82: {  	_ =	shalt  }
0x83: {  	_ =	shalt  }
0x84: {  	_ =	shalt  }
0x85: {  	_ =	shalt  }
0x86: {  	_ =	shalt  }
0x87: {  	_ =	shalt  }
.Lfunc_end0:
.L_simem_size_0:
called_computation.2_lowered:
.L_overlay_start_0:
0x88: {  	s2 =	sld [smem:$0x3FD9]  }
0x89: {  	s3 =	sld [smem:$0x3FFE];
	_ =	sdelay $0x1  }
0x8a: {  	s1 =	srdreg.scid  }
0x8b: {  	s0 =	sand.u32 $0x1, s1  }
0x8c: {  	s14 =	sshll.u32 s0, $0xA;
	s2 =	sadd.s32 s3, s2  }
0x8d: {  	s2 =	sadd.s32 s2, s14  }
0x8e: {  	[smem:$0x3FBA] =	sst s2  }
0x8f: {  	_ = 	snop  }
0x90: {  	s2 =	sld [smem:$0x3FD0];
	_ =	sdelay $0x2  }
0x91: {  	s15 =	simm.s32 $0xB;
	s4 =	simm.s32 $0x10  }
0x92: {  	[smem:s4], [sflag:s15] =	dma.local [hbm:s2], $0x1  }
0x93: {  	_ =	swait.eq [sflag:s15], $0x1  }
0x94: {  	[sflag:s15] =	ssyncset.done $0x0  }
0x95: {  	[sflag:s15] =	ssyncadd.s32 $0xFFFFFFFF  }
0x96: {  	s16 =	sld [smem:$0x11];
	(tm) =	ssettm $0x1  }
0x97: {  	s17 =	sld [smem:$0x3FFB];
	_ =	sdelay $0x3  }
0x98: {  	_ =	strace s17  }
0x99: {  	s3 =	sld [smem:$0x3FFC];
	_ =	sdelay $0x3  }
0x9a: {  	_ =	strace s3  }
0x9b: {  	s3 =	sld [smem:$0x3FFD];
	_ =	sdelay $0x3  }
0x9c: {  	_ =	strace s3  }
0x9d: {  	_ =	strace $0x8FFFFFFF  }
0x9e: {  	s18 =	sld [smem:$0x3FDB];
	_ =	sdelay $0x1  }
0x9f: {  	s19 =	simm.s32 $_scs_section_size  }
0xa0: {  	s5 =	simm.s32 $_size__tile_overlayer_lowered;
	s6 =	simm.s32 $_tile_overlayer_lowered  }
0xa1: {  	s22 =	simm.s32 $0x1BFF;
	s21 =	sshll.u32 s6, $0x1;
	s3 =	sadd.s32 s19, s18  }
0xa2: {  	s7 =	simm.s32 $0x0;
	s20 =	sshll.u32 s5, $0x1;
	s5 =	sadd.s32 s21, s3  }
0xa3: {  	[timem:s7], [sflag:s22] =	dma.local [hbm:s5], s20  }
0xa4: {  	_ =	swait.ge [sflag:s22], s20  }
0xa5: {  	s4 =	ssub.s32 $0x0, s20;
	[sflag:s22] =	ssyncset.done $0x0  }
0xa6: {  	[sflag:s22] =	ssyncadd.s32 s4;
	_ =	sdelay $0x1  }
0xa7: {  	s23 =	simm.s32 $0x1B8B  }
0xa8: {  	_ =	swait.ge [sflag:s23], $0x1  }
0xa9: {  	[sflag:s23] =	ssyncset.done $0x0  }
0xaa: {  	s25 =	simm.s32 $0x1B8E;
	s24 =	sld [smem:$0x3FFE];
	[sflag:s23] =	ssyncadd.s32 $0xFFFFFFFF  }
0xab: {  	s26 =	simm.s32 $execute0_lowered;
	[smem:$0x3FD2] =	sst s25  }
0xac: {  	s5 =	sshll.u32 s26, $0x1;
	_ =	strace $0x8000004C;
	[dreg:$0x1] =	wrdreg $0xFFFFFFFF  }
0xad: {  	s28 =	simm.s32 $_size_execute0_lowered;
	s3 =	sadd.s32 s3, s5;
	[dreg:$0x0] =	wrdreg $0x0  }
0xae: {  	s5 =	sshll.u32 s28, $0x1;
	[dreg:$0x2] =	wrdreg s3  }
0xaf: {  	[dreg:$0x3] =	wrdreg s5  }
0xb0: {  	[dreg:$0x4] =	wrdreg $0xC0  }
0xb1: {  	_ =	task [dreg:s7], $0x5FFFF  }
0xb2: {  	[dreg:$0x1] =	wrdreg $0xFFFFFFFF  }
0xb3: {  	[dreg:$0x0] =	wrdreg $0x60  }
0xb4: {  	[dreg:$0x2] =	wrdreg s24  }
0xb5: {  	[dreg:$0x3] =	wrdreg s16  }
0xb6: {  	[dreg:$0x4] =	wrdreg $0x101000  }
0xb7: {  	[dreg:$0x5] =	wrdreg $0x9  }
0xb8: {  	_ =	task.clear_ibuf [dreg:s7], $0x6FFFF;
	_ =	strace $0x9000004C  }
0xb9: {  	s29 =	simm.s32 $0x9;
	_ =	strace $0x8000004E  }
0xba: {  	_ =	swait.ge [sflag:s29], $0x1  }
0xbb: {  	[sflag:s29] =	ssyncadd.s32 $0xFFFFFFFF  }
0xbc: {  	_ =	strace $0x9000004E  }
0xbd: {  	_ =	sfence  }
0xbe: {  	s30 =	sld [smem:$0x0];
	_ =	sdelay $0x2  }
0xbf: {  	s31 =	sshll.u32 s1, $0xD;
	s1 =	sshrl.u32 s1, $0x2  }
0xc0: {  	s3 =	sand.u32 $0x4000, s31;
	s1 =	sadd.s32 s1, s30  }
0xc1: {  	s0 =	sor.u32 s3, s0;
	s1 =	sshll.u32 s1, $0x11  }
0xc2: {  	s0 =	sor.u32 s1, s0  }
0xc3: {  	s0 =	sadd.s32 $0x8F2B, s0  }
0xc4: {  	[sflag:s0] =	ssyncadd.remote.s32 $0x1  }
0xc5: {  	_ =	sfence.sel $0xFFFF  }
0xc6: {  	[dreg:$0x0] =	wrdreg $0xFFFFFFFF;
	(pc) =	sbr.abs _section_cstart, $3  }
0xc7: {  	[dreg:$0x1] =	wrdreg $0xFFFFFFFF  }
0xc8: {  	_ =	task.clear_ibuf [dreg:s7], $0x2FFFF;
	_ =	strace $0x9FFFFFFF  }
0xc9: {  	(tm) =	ssettm $0x7FFFFFFF  }
tec
execute0_lowered:
.L_overlay_start_1:
0x0: {  	(tag) =	ssettag $0x1  }
0x1: {  	s0 =	rddreg [dreg:$0x0]  }
0x2: {  	s1 =	rddreg [dreg:$0x1];
	s17 =	stileid.u32  }
0x3: {  	s2 =	rddreg [dreg:$0x2];
	s9 =	smul.u32 $0x1400, s17  }
0x4: {  	s3 =	simm.s32 $0x0;
	s4 =	srdreg.scid;
	s11 =	smul.u32 $0x14000, s17  }
0x5: {  	[smem:$0x7FF] =	sst s3;
	s13 =	smul.u32 $0x3F000, s17  }
0x6: {  	s4 =	sand.u32 $0x1, s4;
	s5 =	sadd.s32 $0x569200, s0;
	s31 =	smul.u32 $0x1F80, s17  }
0x7: {  	s8 =	sadd.s32 $0x57D200, s0;
	s10 =	sadd.s32 $0x19200, s0;
	s7 =	smul.u32 $0x14000, s4  }
0x8: {  	s0 =	sadd.s32 $0x96200, s0;
	s30 =	sshll.u32 s17, $0x10;
	s14 =	smul.u32 $0x1F400, s4  }
0x9: {  	s6 =	ssub.s32 $0x2, s4;
	s15 =	smul.u32 $0xFA000, s4;
	s4 =	sor.u32 $0x2, s4  }
0xa: {  	p0 =	seq.s32 s17, $0xF;
	_ =	strace $0x8000004D;
	s19 =	smul.u32 $0x14000, s4  }
0xb: {  	s12 =	sshrl.u32 s6, $0x1;
	s13 =	sshrl.u32 s13, $0x2;
	s16 =	smul.u32 $0xFA000, s4  }
0xc: {  	s4 =	smul.u32 $0x1F400, s4;
	s12 =	ssub.s32 s6, s12;
	s6 =	sadd.s32 s30, s2  }
0xd: {  	s7 =	sadd.s32 s9, s7;
	s13 =	sadd.s32 s13, s2;
	s14 =	sadd.s32 s31, s14  }
0xe: {  	s15 =	sshrl.u32 s15, $0x3;
	[dreg:$0x4] =	wrdreg s6;
	s6 =	sadd.s32 s8, s11  }
0xf: {  	[dreg:$0x5] =	wrdreg s13;
	s18 =	sadd.s32 s10, s14;
	s15 =	sadd.s32 $0x1D880, s15  }
0x10: {  	s13 =	sadd.s32 s9, s19;
	s16 =	sshrl.u32 s16, $0x3;
	s4 =	sadd.s32 s31, s4  }
0x11: {  	s9 =	sshll.u32 s9, $0x4;
	s23 =	sadd.s32 s0, s14;
	s25 =	sshrl.u32 s7, $0x3  }
0x12: {  	s26 =	smax.u32 s12, $0x1;
	s28 =	sor.u32 $0x100, s7;
	[dreg:$0x6] =	wrdreg s18  }
0x13: {  	s31 =	sadd.s32 $0x28000, s7;
	s14 =	sadd.s32 $0xF0000, s2;
	[dreg:$0xb] =	wrdreg s23  }
0x14: {  	s20 =	sadd.s32 s10, s15;
	s21 =	sadd.s32 $0x1D880, s16;
	[dreg:$0xf] =	wrdreg s26  }
0x15: {  	s22 =	sadd.s32 s10, s4;
	s8 =	sadd.s32 s8, s9;
	[dreg:$0x12] =	wrdreg s14  }
0x16: {  	s24 =	sadd.s32 s0, s15;
	s4 =	sadd.s32 s0, s4;
	[dreg:$0xa] =	wrdreg s6  }
0x17: {  	s18 =	sadd.s32 s25, s5;
	s30 =	sshrl.u32 s13, $0x3;
	[dreg:$0x7] =	wrdreg s20  }
0x18: {  	s9 =	sadd.s32 $0x28100, s7;
	s15 =	sadd.s32 $0xEC400, s2;
	[dreg:$0x8] =	wrdreg s22  }
0x19: {  	s16 =	sadd.s32 $0x13000, s6;
	s25 =	sadd.s32 $0x153000, s6;
	[dreg:$0xc] =	wrdreg s24  }
0x1a: {  	s14 =	simm.s32 $0x100;
	s10 =	sadd.s32 s10, s21;
	[dreg:$0xd] =	wrdreg s4  }
0x1b: {  	s29 =	sadd.s32 $0x140000, s8;
	s0 =	sadd.s32 s0, s21;
	[dreg:$0x13] =	wrdreg s15  }
0x1c: {  	s4 =	sadd.s32 s5, s30;
	s8 =	sshrl.u32 s31, $0x3;
	[dreg:$0x14] =	wrdreg s16  }
0x1d: {  	s17 =	sadd.s32 $0x240, s18;
	s24 =	sadd.s32 $0x260, s18;
	[dreg:$0x17] =	wrdreg s25  }
0x1e: {  	s26 =	sadd.s32 $0xA240, s18;
	s30 =	sadd.s32 $0xF240, s18;
	[dreg:$0x9] =	wrdreg s10  }
0x1f: {  	s31 =	sadd.s32 $0xF260, s18;
	s15 =	simm.s32 $0x8100;
	[dreg:$0xe] =	wrdreg s0  }
0x20: {  	s16 =	simm.s32 $0x1;
	s25 =	simm.s32 $0x0;
	[dreg:$0x15] =	wrdreg s17  }
0x21: {  	s0 =	sshrl.u32 s28, $0x3;
	s20 =	sadd.s32 s8, s5;
	[dreg:$0x16] =	wrdreg s24  }
0x22: {  	s10 =	sadd.s32 $0x50100, s7;
	s7 =	sadd.s32 $0x78100, s7;
	[dreg:$0x18] =	wrdreg s26  }
0x23: {  	s12 =	sadd.s32 $0x240, s4;
	s13 =	sadd.s32 $0x260, s4;
	[dreg:$0x1a] =	wrdreg s30  }
0x24: {  	s28 =	sadd.s32 $0xA260, s18;
	[dreg:$0x1b] =	wrdreg s31;
	s17 =	simm.s32 $0x3  }
0x25: {  	s24 =	simm.s32 $0x2;
	s19 =	sadd.s32 s0, s5;
	[dreg:$0x10] =	wrdreg s12  }
0x26: {  	s0 =	sshrl.u32 s9, $0x3;
	s8 =	sshrl.u32 s10, $0x3;
	[dreg:$0x11] =	wrdreg s13  }
0x27: {  	s11 =	sshrl.u32 s7, $0x3;
	[dreg:$0x19] =	wrdreg s28;
	s9 =	sadd.s32 $0x2000, s6  }
0x28: {  	s10 =	sadd.s32 $0x142000, s6;
	s13 =	sadd.s32 $0xF000, s18;
	s21 =	sadd.s32 s0, s5  }
0x29: {  	s22 =	sadd.s32 s8, s5;
	s23 =	sadd.s32 s11, s5;
	s11 =	sadd.s32 $0xA000, s18  }
.LBB2_1:
0x2a: {  	s0 =	rddreg [dreg:$0x12]  }
0x2b: {  	s4 =	simm.s32 @p0 $0x1FC3;
	s30 =	sshrl.u32 @p0 s0, $0x3  }
0x2c: {  	[spmem:s30], [sflag:s4] =	dma.local @p0 [hbm:s1], $0x1C00  }
0x2d: {  	s4 =	simm.s32 @p0 $0x3  }
0x2e: {  	_ =	swait.ge @p0 [sflag:s4], $0x1C00  }
0x2f: {  	s5 =	stileid.u32;
	[sflag:s4] =	ssyncset.done @p0 $0x0  }
0x30: {  	s5 =	sshll.u32 @!p0 s5, $0x6;
	[sflag:s4] =	ssyncadd.s32 @p0 $0xFFFFE400;
	s4 =	rddreg [dreg:$0x4]  }
0x31: {  	s26 =	sor.u32 @!p0 $0x1C03, s5;
	s28 =	sshrl.u32 @!p0 s4, $0x3;
	s4 =	simm.s32 @!p0 $0x3  }
0x32: {  	[spmem:s28], [sflag:s26] =	dma.local @!p0 [hbm:s1], $0x2000  }
0x33: {  	_ =	swait.ge @!p0 [sflag:s4], $0x2000  }
0x34: {  	[sflag:s4] =	ssyncset.done @!p0 $0x0  }
0x35: {  	[sflag:s4] =	ssyncadd.s32 @!p0 $0xFFFFE000  }
0x36: {  	[bflag:$0x0] =	sbarrier.arrive $0xFFFF  }
0x37: {  	[tilespmem:s14], [sflag:$0x1] =	stream.linear.gather [hbm4b:s6+s3], $0x8000, $0x38;
	[tilespmem:$0x1FF00] =	vst v63  }
0x38: {  	s5 =	sadd.s32 $0xFFFFF000, s9  }
0x39: {  	[tilespmem:s15], [sflag:$0x2] =	stream.linear.gather [hbm4b:s5+s3], $0x8000, $0x38;
	[tilespmem:$0x1FF00] =	vst v63  }
0x3a: {  	_ =	swait.ge [sflag:s16], $0x8000  }
0x3b: {  	[sflag:s16] =	ssyncset.done $0x0  }
0x3c: {  	s12 =	sadd.s32 $0x0, s18;
	[sflag:s16] =	ssyncadd.s32 $0xFFFF8000  }
0x3d: {  	[tilespmem:s3], [sflag:$0x3] =	stream.linear.gather [hbm4b:s12+s3], $0x100, $0x38;
	[tilespmem:$0x1FF00] =	vst v63  }
0x3e: {  	_ =	swait.ge [sflag:s17], $0x100  }
0x3f: {  	[sflag:s17] =	ssyncset.done $0x0  }
0x40: {  	[sflag:s17] =	ssyncadd.s32 $0xFFFFFF00;
	(ifvalue) =	ssetifvalue $0xFFFFFFFF  }
0x41: {  	[spmem:s2] =	stream.indirect.scatter.add.f32 [tilespmem:s14], [sflag:$0x3], $0x80, s3, s14, $0x40b8;
	[tilespmem:$0x1FF00] =	vst v63  }
0x42: {  	_ =	swait.ge [sflag:s17], $0x8000  }
0x43: {  	[sflag:s17] =	ssyncset.done $0x0  }
0x44: {  	[sflag:s17] =	ssyncadd.s32 $0xFFFF8000  }
0x45: {  	[tilespmem:s14], [sflag:$0x1] =	stream.linear.gather [hbm4b:s9+s3], $0x8000, $0x38;
	[tilespmem:$0x1FF00] =	vst v63  }
0x46: {  	_ =	swait.ge [sflag:s24], $0x8000  }
0x47: {  	[sflag:s24] =	ssyncset.done $0x0  }
0x48: {  	s31 =	sadd.s32 $0x0, s19;
	[sflag:s24] =	ssyncadd.s32 $0xFFFF8000  }
0x49: {  	[tilespmem:s3], [sflag:$0x3] =	stream.linear.gather [hbm4b:s31+s3], $0x100, $0x38;
	[tilespmem:$0x1FF00] =	vst v63  }
0x4a: {  	_ =	swait.ge [sflag:s17], $0x100  }
0x4b: {  	[sflag:s17] =	ssyncset.done $0x0  }
0x4c: {  	[sflag:s17] =	ssyncadd.s32 $0xFFFFFF00;
	(ifvalue) =	ssetifvalue $0xFFFFFFFF  }
0x4d: {  	[spmem:s2] =	stream.indirect.scatter.add.f32 [tilespmem:s15], [sflag:$0x3], $0x80, s3, s14, $0x40b8;
	[tilespmem:$0x1FF00] =	vst v63  }
0x4e: {  	s8 =	simm.s32 $0x80;
	_ =	swait.ge [sflag:s17], $0x8000  }
0x4f: {  	s7 =	sadd.s32 $0x2000, s9;
	s4 =	simm.s32 $0x40;
	[sflag:s17] =	ssyncset.done $0x0  }
.LBB2_2:
0x50: {  	p1 =	sne.s32 s8, $0x200;
	s12 =	sadd.s32 $0xFFFFF000, s7;
	[sflag:s17] =	ssyncadd.s32 $0xFFFF8000  }
0x51: {  	[tilespmem:s15], [sflag:$0x2] =	stream.linear.gather [hbm4b:s12+s3], $0x8000, $0x38;
	[tilespmem:$0x1FF00] =	vst v63  }
0x52: {  	s12 =	smov.u32 s8;
	s8 =	sadd.s32 $0x40, s8;
	_ =	swait.ge [sflag:s16], $0x8000  }
0x53: {  	[sflag:s16] =	ssyncset.done $0x0  }
0x54: {  	s31 =	sadd.s32 s4, s18;
	[sflag:s16] =	ssyncadd.s32 $0xFFFF8000  }
0x55: {  	[tilespmem:s3], [sflag:$0x3] =	stream.linear.gather [hbm4b:s31+s3], $0x100, $0x38;
	[tilespmem:$0x1FF00] =	vst v63  }
0x56: {  	_ =	swait.ge [sflag:s17], $0x100  }
0x57: {  	[sflag:s17] =	ssyncset.done $0x0  }
0x58: {  	[sflag:s17] =	ssyncadd.s32 $0xFFFFFF00  }
0x59: {  	(ifvalue) =	ssetifvalue $0xFFFFFFFF  }
0x5a: {  	[spmem:s2] =	stream.indirect.scatter.add.f32 [tilespmem:s14], [sflag:$0x3], $0x80, s3, s14, $0x40b8;
	[tilespmem:$0x1FF00] =	vst v63  }
0x5b: {  	_ =	swait.ge [sflag:s17], $0x8000  }
0x5c: {  	[sflag:s17] =	ssyncset.done $0x0  }
0x5d: {  	[sflag:s17] =	ssyncadd.s32 $0xFFFF8000  }
0x5e: {  	[tilespmem:s14], [sflag:$0x1] =	stream.linear.gather [hbm4b:s7+s3], $0x8000, $0x38;
	[tilespmem:$0x1FF00] =	vst v63  }
0x5f: {  	_ =	swait.ge [sflag:s24], $0x8000  }
0x60: {  	[sflag:s24] =	ssyncset.done $0x0  }
0x61: {  	s31 =	sadd.s32 s4, s19;
	s4 =	smov.u32 s12;
	[sflag:s24] =	ssyncadd.s32 $0xFFFF8000  }
0x62: {  	[tilespmem:s3], [sflag:$0x3] =	stream.linear.gather [hbm4b:s31+s3], $0x100, $0x38;
	[tilespmem:$0x1FF00] =	vst v63  }
0x63: {  	_ =	swait.ge [sflag:s17], $0x100  }
0x64: {  	[sflag:s17] =	ssyncset.done $0x0  }
.Ltmp0:
0x65: {  	[sflag:s17] =	ssyncadd.s32 $0xFFFFFF00;
	(pc) =	sbr.rel @p1 .LBB2_2-.Ltmp0, $4  }
0x66: {  	(ifvalue) =	ssetifvalue $0xFFFFFFFF  }
0x67: {  	[spmem:s2] =	stream.indirect.scatter.add.f32 [tilespmem:s15], [sflag:$0x3], $0x80, s3, s14, $0x40b8;
	[tilespmem:$0x1FF00] =	vst v63  }
0x68: {  	_ =	swait.ge [sflag:s17], $0x8000  }
0x69: {  	s7 =	sadd.s32 $0x2000, s7;
	[sflag:s17] =	ssyncset.done $0x0  }
0x6a: {  	s8 =	sadd.s32 $0xFFFFF000, s7;
	[sflag:s17] =	ssyncadd.s32 $0xFFFF8000  }
0x6b: {  	[tilespmem:s15], [sflag:$0x2] =	stream.linear.gather [hbm4b:s8+s3], $0x8000, $0x38;
	[tilespmem:$0x1FF00] =	vst v63  }
0x6c: {  	_ =	swait.ge [sflag:s16], $0x8000  }
0x6d: {  	[sflag:s16] =	ssyncset.done $0x0  }
0x6e: {  	s0 =	sadd.s32 s4, s18;
	[sflag:s16] =	ssyncadd.s32 $0xFFFF8000  }
0x6f: {  	[tilespmem:s3], [sflag:$0x3] =	stream.linear.gather [hbm4b:s0+s3], $0x100, $0x38;
	[tilespmem:$0x1FF00] =	vst v63  }
0x70: {  	_ =	swait.ge [sflag:s17], $0x100  }
0x71: {  	[sflag:s17] =	ssyncset.done $0x0  }
0x72: {  	[sflag:s17] =	ssyncadd.s32 $0xFFFFFF00;
	(ifvalue) =	ssetifvalue $0xFFFFFFFF  }
0x73: {  	[spmem:s2] =	stream.indirect.scatter.add.f32 [tilespmem:s14], [sflag:$0x3], $0x80, s3, s14, $0x40b8;
	[tilespmem:$0x1FF00] =	vst v63  }
0x74: {  	_ =	swait.ge [sflag:s17], $0x8000  }
0x75: {  	[sflag:s17] =	ssyncset.done $0x0  }
0x76: {  	[sflag:s17] =	ssyncadd.s32 $0xFFFF8000  }
0x77: {  	[tilespmem:s14], [sflag:$0x1] =	stream.linear.gather [hbm4b:s7+s3], $0x8000, $0x38;
	[tilespmem:$0x1FF00] =	vst v63  }
0x78: {  	_ =	swait.ge [sflag:s24], $0x8000  }
0x79: {  	[sflag:s24] =	ssyncset.done $0x0  }
0x7a: {  	s7 =	sadd.s32 s4, s19;
	[sflag:s24] =	ssyncadd.s32 $0xFFFF8000  }
0x7b: {  	[tilespmem:s3], [sflag:$0x3] =	stream.linear.gather [hbm4b:s7+s3], $0x100, $0x38;
	[tilespmem:$0x1FF00] =	vst v63  }
0x7c: {  	_ =	swait.ge [sflag:s17], $0x100  }
0x7d: {  	[sflag:s17] =	ssyncset.done $0x0  }
0x7e: {  	[sflag:s17] =	ssyncadd.s32 $0xFFFFFF00;
	(ifvalue) =	ssetifvalue $0xFFFFFFFF  }
0x7f: {  	[spmem:s2] =	stream.indirect.scatter.add.f32 [tilespmem:s15], [sflag:$0x3], $0x80, s3, s14, $0x40b8;
	[tilespmem:$0x1FF00] =	vst v63  }
0x80: {  	_ =	swait.ge [sflag:s17], $0x8000  }
0x81: {  	[sflag:s17] =	ssyncset.done $0x0  }
0x82: {  	s0 =	rddreg [dreg:$0x14];
	[sflag:s17] =	ssyncadd.s32 $0xFFFF8000  }
0x83: {  	[tilespmem:s15], [sflag:$0x2] =	stream.linear.gather [hbm4b:s0+s3], $0x8000, $0x38;
	[tilespmem:$0x1FF00] =	vst v63  }
0x84: {  	_ =	swait.ge [sflag:s16], $0x8000  }
0x85: {  	[sflag:s16] =	ssyncset.done $0x0  }
0x86: {  	s8 =	rddreg [dreg:$0x15];
	[sflag:s16] =	ssyncadd.s32 $0xFFFF8000  }
0x87: {  	[tilespmem:s3], [sflag:$0x3] =	stream.linear.gather [hbm4b:s8+s3], $0x100, $0x38;
	[tilespmem:$0x1FF00] =	vst v63  }
0x88: {  	_ =	swait.ge [sflag:s17], $0x100  }
0x89: {  	[sflag:s17] =	ssyncset.done $0x0  }
0x8a: {  	[sflag:s17] =	ssyncadd.s32 $0xFFFFFF00;
	(ifvalue) =	ssetifvalue $0xFFFFFFFF  }
0x8b: {  	[spmem:s2] =	stream.indirect.scatter.add.f32 [tilespmem:s14], [sflag:$0x3], $0x80, s3, s14, $0x40b8;
	[tilespmem:$0x1FF00] =	vst v63  }
0x8c: {  	_ =	swait.ge [sflag:s17], $0x8000  }
0x8d: {  	[sflag:s17] =	ssyncset.done $0x0  }
0x8e: {  	[sflag:s17] =	ssyncadd.s32 $0xFFFF8000  }
0x8f: {  	_ =	swait.ge [sflag:s24], $0x8000  }
0x90: {  	[sflag:s24] =	ssyncset.done $0x0  }
0x91: {  	s12 =	rddreg [dreg:$0x16];
	[sflag:s24] =	ssyncadd.s32 $0xFFFF8000  }
0x92: {  	[tilespmem:s3], [sflag:$0x3] =	stream.linear.gather [hbm4b:s12+s3], $0x100, $0x38;
	[tilespmem:$0x1FF00] =	vst v63  }
0x93: {  	_ =	swait.ge [sflag:s17], $0x100  }
0x94: {  	[sflag:s17] =	ssyncset.done $0x0  }
0x95: {  	[sflag:s17] =	ssyncadd.s32 $0xFFFFFF00;
	(ifvalue) =	ssetifvalue $0xFFFFFFFF  }
0x96: {  	[spmem:s2] =	stream.indirect.scatter.add.f32 [tilespmem:s15], [sflag:$0x3], $0x80, s3, s14, $0x40b8;
	[tilespmem:$0x1FF00] =	vst v63  }
0x97: {  	_ =	swait.ge [sflag:s17], $0x8000  }
0x98: {  	[sflag:s17] =	ssyncset.done $0x0  }
0x99: {  	[sflag:s17] =	ssyncadd.s32 $0xFFFF8000  }
0x9a: {  	[bflag:$0x0] =	sbarrier.arrive $0xFFFF  }
0x9b: {  	s4 =	simm.s32 @p0 $0x1FC3;
	s0 =	rddreg [dreg:$0x13]  }
0x9c: {  	s7 =	simm.s32 @p0 $0x3;
	s31 =	sshrl.u32 @p0 s0, $0x3;
	s0 =	rddreg [dreg:$0x7]  }
0x9d: {  	[hbm:s0], [sflag:s4] =	dma.local @p0 [spmem:s31], $0x1B80  }
0x9e: {  	_ =	swait.ge @p0 [sflag:s7], $0x1B80  }
0x9f: {  	[sflag:s7] =	ssyncset.done @p0 $0x0  }
0xa0: {  	[sflag:s7] =	ssyncadd.s32 @p0 $0xFFFFE480  }
0xa1: {  	[bflag:$0x0] =	sbarrier.arrive @p0 $0xFFFF  }
0xa2: {  	[spmem:s30], [sflag:s4] =	dma.local @p0 [hbm:s1], $0x1C00  }
0xa3: {  	_ =	swait.ge @p0 [sflag:s7], $0x1C00  }
0xa4: {  	[sflag:s7] =	ssyncset.done @p0 $0x0  }
0xa5: {  	s0 =	rddreg [dreg:$0x5];
	[sflag:s7] =	ssyncadd.s32 @p0 $0xFFFFE400  }
0xa6: {  	s4 =	sshrl.u32 @!p0 s0, $0x3;
	s0 =	rddreg [dreg:$0x6];
	s7 =	simm.s32 @!p0 $0x3  }
0xa7: {  	[hbm:s0], [sflag:s26] =	dma.local @!p0 [spmem:s4], $0x1F80  }
0xa8: {  	_ =	swait.ge @!p0 [sflag:s7], $0x1F80  }
0xa9: {  	[sflag:s7] =	ssyncset.done @!p0 $0x0  }
0xaa: {  	[sflag:s7] =	ssyncadd.s32 @!p0 $0xFFFFE080  }
0xab: {  	[bflag:$0x0] =	sbarrier.arrive @!p0 $0xFFFF  }
0xac: {  	[spmem:s28], [sflag:s26] =	dma.local @!p0 [hbm:s1], $0x2000  }
0xad: {  	_ =	swait.ge @!p0 [sflag:s7], $0x2000  }
0xae: {  	[sflag:s7] =	ssyncset.done @!p0 $0x0  }
0xaf: {  	[sflag:s7] =	ssyncadd.s32 @!p0 $0xFFFFE000  }
0xb0: {  	s0 =	simm.s32 $0x0;
	[bflag:$0x0] =	sbarrier.arrive $0xFFFF  }
0xb1: {  	[tilespmem:s14], [sflag:$0x1] =	stream.linear.gather [hbm4b:s6+s0], $0x8000, $0x38;
	[tilespmem:$0x1FF00] =	vst v63  }
0xb2: {  	_ = 	snop  }
0xb3: {  	[tilespmem:s15], [sflag:$0x2] =	stream.linear.gather [hbm4b:s5+s3], $0x8000, $0x38;
	[tilespmem:$0x1FF00] =	vst v63  }
0xb4: {  	_ =	swait.ge [sflag:s16], $0x8000  }
0xb5: {  	[sflag:s16] =	ssyncset.done $0x0  }
0xb6: {  	s8 =	sadd.s32 $0x0, s20;
	[sflag:s16] =	ssyncadd.s32 $0xFFFF8000  }
0xb7: {  	[tilespmem:s3], [sflag:$0x3] =	stream.linear.gather [hbm4b:s8+s3], $0x100, $0x38;
	[tilespmem:$0x1FF00] =	vst v63  }
0xb8: {  	_ =	swait.ge [sflag:s17], $0x100  }
0xb9: {  	[sflag:s17] =	ssyncset.done $0x0  }
0xba: {  	[sflag:s17] =	ssyncadd.s32 $0xFFFFFF00;
	(ifvalue) =	ssetifvalue $0xFFFFFFFF  }
0xbb: {  	[spmem:s2] =	stream.indirect.scatter.add.f32 [tilespmem:s14], [sflag:$0x3], $0x80, s3, s14, $0x40b8;
	[tilespmem:$0x1FF00] =	vst v63  }
0xbc: {  	_ =	swait.ge [sflag:s17], $0x8000  }
0xbd: {  	[sflag:s17] =	ssyncset.done $0x0  }
0xbe: {  	[sflag:s17] =	ssyncadd.s32 $0xFFFF8000  }
0xbf: {  	[tilespmem:s14], [sflag:$0x1] =	stream.linear.gather [hbm4b:s9+s3], $0x8000, $0x38;
	[tilespmem:$0x1FF00] =	vst v63  }
0xc0: {  	_ =	swait.ge [sflag:s24], $0x8000  }
0xc1: {  	[sflag:s24] =	ssyncset.done $0x0  }
0xc2: {  	s12 =	sadd.s32 $0x0, s21;
	[sflag:s24] =	ssyncadd.s32 $0xFFFF8000  }
0xc3: {  	[tilespmem:s3], [sflag:$0x3] =	stream.linear.gather [hbm4b:s12+s3], $0x100, $0x38;
	[tilespmem:$0x1FF00] =	vst v63  }
0xc4: {  	_ =	swait.ge [sflag:s17], $0x100  }
0xc5: {  	[sflag:s17] =	ssyncset.done $0x0  }
0xc6: {  	[sflag:s17] =	ssyncadd.s32 $0xFFFFFF00;
	(ifvalue) =	ssetifvalue $0xFFFFFFFF  }
0xc7: {  	[spmem:s2] =	stream.indirect.scatter.add.f32 [tilespmem:s15], [sflag:$0x3], $0x80, s3, s14, $0x40b8;
	[tilespmem:$0x1FF00] =	vst v63  }
0xc8: {  	s7 =	sadd.s32 $0x2000, s9;
	_ =	swait.ge [sflag:s17], $0x8000  }
0xc9: {  	s5 =	simm.s32 $0x40;
	s8 =	simm.s32 $0x80;
	[sflag:s17] =	ssyncset.done $0x0  }
.LBB2_4:
0xca: {  	p1 =	sne.s32 s8, $0x200;
	s12 =	sadd.s32 $0xFFFFF000, s7;
	[sflag:s17] =	ssyncadd.s32 $0xFFFF8000  }
0xcb: {  	[tilespmem:s15], [sflag:$0x2] =	stream.linear.gather [hbm4b:s12+s3], $0x8000, $0x38;
	[tilespmem:$0x1FF00] =	vst v63  }
0xcc: {  	s12 =	smov.u32 s8;
	s8 =	sadd.s32 $0x40, s8;
	_ =	swait.ge [sflag:s16], $0x8000  }
0xcd: {  	[sflag:s16] =	ssyncset.done $0x0  }
0xce: {  	s6 =	sadd.s32 s5, s20;
	[sflag:s16] =	ssyncadd.s32 $0xFFFF8000  }
0xcf: {  	[tilespmem:s3], [sflag:$0x3] =	stream.linear.gather [hbm4b:s6+s3], $0x100, $0x38;
	[tilespmem:$0x1FF00] =	vst v63  }
0xd0: {  	_ =	swait.ge [sflag:s17], $0x100  }
0xd1: {  	[sflag:s17] =	ssyncset.done $0x0  }
0xd2: {  	[sflag:s17] =	ssyncadd.s32 $0xFFFFFF00  }
0xd3: {  	(ifvalue) =	ssetifvalue $0xFFFFFFFF  }
0xd4: {  	[spmem:s2] =	stream.indirect.scatter.add.f32 [tilespmem:s14], [sflag:$0x3], $0x80, s3, s14, $0x40b8;
	[tilespmem:$0x1FF00] =	vst v63  }
0xd5: {  	_ =	swait.ge [sflag:s17], $0x8000  }
0xd6: {  	[sflag:s17] =	ssyncset.done $0x0  }
0xd7: {  	[sflag:s17] =	ssyncadd.s32 $0xFFFF8000  }
0xd8: {  	[tilespmem:s14], [sflag:$0x1] =	stream.linear.gather [hbm4b:s7+s3], $0x8000, $0x38;
	[tilespmem:$0x1FF00] =	vst v63  }
0xd9: {  	_ =	swait.ge [sflag:s24], $0x8000  }
0xda: {  	[sflag:s24] =	ssyncset.done $0x0  }
0xdb: {  	s6 =	sadd.s32 s5, s21;
	s5 =	smov.u32 s12;
	[sflag:s24] =	ssyncadd.s32 $0xFFFF8000  }
0xdc: {  	[tilespmem:s3], [sflag:$0x3] =	stream.linear.gather [hbm4b:s6+s3], $0x100, $0x38;
	[tilespmem:$0x1FF00] =	vst v63  }
0xdd: {  	_ =	swait.ge [sflag:s17], $0x100  }
0xde: {  	[sflag:s17] =	ssyncset.done $0x0  }
.Ltmp1:
0xdf: {  	[sflag:s17] =	ssyncadd.s32 $0xFFFFFF00;
	(pc) =	sbr.rel @p1 .LBB2_4-.Ltmp1, $4  }
0xe0: {  	(ifvalue) =	ssetifvalue $0xFFFFFFFF  }
0xe1: {  	[spmem:s2] =	stream.indirect.scatter.add.f32 [tilespmem:s15], [sflag:$0x3], $0x80, s3, s14, $0x40b8;
	[tilespmem:$0x1FF00] =	vst v63  }
0xe2: {  	_ =	swait.ge [sflag:s17], $0x8000  }
0xe3: {  	s7 =	sadd.s32 $0x2000, s7;
	[sflag:s17] =	ssyncset.done $0x0  }
0xe4: {  	s6 =	sadd.s32 $0xFFFFF000, s7;
	[sflag:s17] =	ssyncadd.s32 $0xFFFF8000  }
0xe5: {  	[tilespmem:s15], [sflag:$0x2] =	stream.linear.gather [hbm4b:s6+s3], $0x8000, $0x38;
	[tilespmem:$0x1FF00] =	vst v63  }
0xe6: {  	_ =	swait.ge [sflag:s16], $0x8000  }
0xe7: {  	[sflag:s16] =	ssyncset.done $0x0  }
0xe8: {  	s12 =	sadd.s32 s5, s20;
	[sflag:s16] =	ssyncadd.s32 $0xFFFF8000  }
0xe9: {  	[tilespmem:s3], [sflag:$0x3] =	stream.linear.gather [hbm4b:s12+s3], $0x100, $0x38;
	[tilespmem:$0x1FF00] =	vst v63  }
0xea: {  	_ =	swait.ge [sflag:s17], $0x100  }
0xeb: {  	[sflag:s17] =	ssyncset.done $0x0  }
0xec: {  	[sflag:s17] =	ssyncadd.s32 $0xFFFFFF00;
	(ifvalue) =	ssetifvalue $0xFFFFFFFF  }
0xed: {  	[spmem:s2] =	stream.indirect.scatter.add.f32 [tilespmem:s14], [sflag:$0x3], $0x80, s3, s14, $0x40b8;
	[tilespmem:$0x1FF00] =	vst v63  }
0xee: {  	_ =	swait.ge [sflag:s17], $0x8000  }
0xef: {  	[sflag:s17] =	ssyncset.done $0x0  }
0xf0: {  	[sflag:s17] =	ssyncadd.s32 $0xFFFF8000  }
0xf1: {  	[tilespmem:s14], [sflag:$0x1] =	stream.linear.gather [hbm4b:s7+s3], $0x8000, $0x38;
	[tilespmem:$0x1FF00] =	vst v63  }
0xf2: {  	_ =	swait.ge [sflag:s24], $0x8000  }
0xf3: {  	[sflag:s24] =	ssyncset.done $0x0  }
0xf4: {  	s0 =	sadd.s32 s5, s21;
	[sflag:s24] =	ssyncadd.s32 $0xFFFF8000  }
0xf5: {  	[tilespmem:s3], [sflag:$0x3] =	stream.linear.gather [hbm4b:s0+s3], $0x100, $0x38;
	[tilespmem:$0x1FF00] =	vst v63  }
0xf6: {  	_ =	swait.ge [sflag:s17], $0x100  }
0xf7: {  	[sflag:s17] =	ssyncset.done $0x0  }
0xf8: {  	[sflag:s17] =	ssyncadd.s32 $0xFFFFFF00;
	(ifvalue) =	ssetifvalue $0xFFFFFFFF  }
0xf9: {  	[spmem:s2] =	stream.indirect.scatter.add.f32 [tilespmem:s15], [sflag:$0x3], $0x80, s3, s14, $0x40b8;
	[tilespmem:$0x1FF00] =	vst v63  }
0xfa: {  	_ =	swait.ge [sflag:s17], $0x8000  }
0xfb: {  	[sflag:s17] =	ssyncset.done $0x0  }
0xfc: {  	s0 =	rddreg [dreg:$0x14];
	[sflag:s17] =	ssyncadd.s32 $0xFFFF8000  }
0xfd: {  	[tilespmem:s15], [sflag:$0x2] =	stream.linear.gather [hbm4b:s0+s3], $0x8000, $0x38;
	[tilespmem:$0x1FF00] =	vst v63  }
0xfe: {  	_ =	swait.ge [sflag:s16], $0x8000  }
0xff: {  	[sflag:s16] =	ssyncset.done $0x0  }
0x100: {  	s6 =	rddreg [dreg:$0x10];
	[sflag:s16] =	ssyncadd.s32 $0xFFFF8000  }
0x101: {  	[tilespmem:s3], [sflag:$0x3] =	stream.linear.gather [hbm4b:s6+s3], $0x100, $0x38;
	[tilespmem:$0x1FF00] =	vst v63  }
0x102: {  	_ =	swait.ge [sflag:s17], $0x100  }
0x103: {  	[sflag:s17] =	ssyncset.done $0x0  }
0x104: {  	[sflag:s17] =	ssyncadd.s32 $0xFFFFFF00;
	(ifvalue) =	ssetifvalue $0xFFFFFFFF  }
0x105: {  	[spmem:s2] =	stream.indirect.scatter.add.f32 [tilespmem:s14], [sflag:$0x3], $0x80, s3, s14, $0x40b8;
	[tilespmem:$0x1FF00] =	vst v63  }
0x106: {  	_ =	swait.ge [sflag:s17], $0x8000  }
0x107: {  	[sflag:s17] =	ssyncset.done $0x0  }
0x108: {  	[sflag:s17] =	ssyncadd.s32 $0xFFFF8000  }
0x109: {  	_ =	swait.ge [sflag:s24], $0x8000  }
0x10a: {  	[sflag:s24] =	ssyncset.done $0x0  }
0x10b: {  	s7 =	rddreg [dreg:$0x11];
	[sflag:s24] =	ssyncadd.s32 $0xFFFF8000  }
0x10c: {  	[tilespmem:s3], [sflag:$0x3] =	stream.linear.gather [hbm4b:s7+s3], $0x100, $0x38;
	[tilespmem:$0x1FF00] =	vst v63  }
0x10d: {  	_ =	swait.ge [sflag:s17], $0x100  }
0x10e: {  	[sflag:s17] =	ssyncset.done $0x0  }
0x10f: {  	[sflag:s17] =	ssyncadd.s32 $0xFFFFFF00;
	(ifvalue) =	ssetifvalue $0xFFFFFFFF  }
0x110: {  	[spmem:s2] =	stream.indirect.scatter.add.f32 [tilespmem:s15], [sflag:$0x3], $0x80, s3, s14, $0x40b8;
	[tilespmem:$0x1FF00] =	vst v63  }
0x111: {  	_ =	swait.ge [sflag:s17], $0x8000  }
0x112: {  	[sflag:s17] =	ssyncset.done $0x0  }
0x113: {  	[sflag:s17] =	ssyncadd.s32 $0xFFFF8000  }
0x114: {  	[bflag:$0x0] =	sbarrier.arrive $0xFFFF  }
0x115: {  	s5 =	simm.s32 @p0 $0x1FC3;
	s6 =	rddreg [dreg:$0x9]  }
0x116: {  	[hbm:s6], [sflag:s5] =	dma.local @p0 [spmem:s31], $0x1B80  }
0x117: {  	s6 =	simm.s32 @p0 $0x3  }
0x118: {  	_ =	swait.ge @p0 [sflag:s6], $0x1B80  }
0x119: {  	[sflag:s6] =	ssyncset.done @p0 $0x0  }
0x11a: {  	[sflag:s6] =	ssyncadd.s32 @p0 $0xFFFFE480  }
0x11b: {  	[bflag:$0x0] =	sbarrier.arrive @p0 $0xFFFF  }
0x11c: {  	[spmem:s30], [sflag:s5] =	dma.local @p0 [hbm:s1], $0x1C00  }
0x11d: {  	_ =	swait.ge @p0 [sflag:s6], $0x1C00  }
0x11e: {  	[sflag:s6] =	ssyncset.done @p0 $0x0  }
0x11f: {  	s5 =	rddreg [dreg:$0x8];
	[sflag:s6] =	ssyncadd.s32 @p0 $0xFFFFE400  }
0x120: {  	[hbm:s5], [sflag:s26] =	dma.local @!p0 [spmem:s4], $0x1F80  }
0x121: {  	s5 =	simm.s32 @!p0 $0x3  }
0x122: {  	_ =	swait.ge @!p0 [sflag:s5], $0x1F80  }
0x123: {  	[sflag:s5] =	ssyncset.done @!p0 $0x0  }
0x124: {  	[sflag:s5] =	ssyncadd.s32 @!p0 $0xFFFFE080  }
0x125: {  	[bflag:$0x0] =	sbarrier.arrive @!p0 $0xFFFF  }
0x126: {  	[spmem:s28], [sflag:s26] =	dma.local @!p0 [hbm:s1], $0x2000  }
0x127: {  	_ =	swait.ge @!p0 [sflag:s5], $0x2000  }
0x128: {  	[sflag:s5] =	ssyncset.done @!p0 $0x0  }
0x129: {  	[sflag:s5] =	ssyncadd.s32 @!p0 $0xFFFFE000  }
0x12a: {  	s8 =	simm.s32 $0x0;
	[bflag:$0x0] =	sbarrier.arrive $0xFFFF  }
0x12b: {  	[tilespmem:s14], [sflag:$0x1] =	stream.linear.gather [hbm4b:s29+s8], $0x8000, $0x38;
	[tilespmem:$0x1FF00] =	vst v63  }
0x12c: {  	s5 =	sadd.s32 $0xFFFFF000, s10  }
0x12d: {  	[tilespmem:s15], [sflag:$0x2] =	stream.linear.gather [hbm4b:s5+s3], $0x8000, $0x38;
	[tilespmem:$0x1FF00] =	vst v63  }
0x12e: {  	_ =	swait.ge [sflag:s16], $0x8000  }
0x12f: {  	[sflag:s16] =	ssyncset.done $0x0  }
0x130: {  	s12 =	sadd.s32 $0x0, s11;
	[sflag:s16] =	ssyncadd.s32 $0xFFFF8000  }
0x131: {  	[tilespmem:s3], [sflag:$0x3] =	stream.linear.gather [hbm4b:s12+s3], $0x100, $0x38;
	[tilespmem:$0x1FF00] =	vst v63  }
0x132: {  	_ =	swait.ge [sflag:s17], $0x100  }
0x133: {  	[sflag:s17] =	ssyncset.done $0x0  }
0x134: {  	[sflag:s17] =	ssyncadd.s32 $0xFFFFFF00;
	(ifvalue) =	ssetifvalue $0xFFFFFFFF  }
0x135: {  	[spmem:s2] =	stream.indirect.scatter.add.f32 [tilespmem:s14], [sflag:$0x3], $0x80, s3, s14, $0x40b8;
	[tilespmem:$0x1FF00] =	vst v63  }
0x136: {  	_ =	swait.ge [sflag:s17], $0x8000  }
0x137: {  	[sflag:s17] =	ssyncset.done $0x0  }
0x138: {  	[sflag:s17] =	ssyncadd.s32 $0xFFFF8000  }
0x139: {  	[tilespmem:s14], [sflag:$0x1] =	stream.linear.gather [hbm4b:s10+s3], $0x8000, $0x38;
	[tilespmem:$0x1FF00] =	vst v63  }
0x13a: {  	_ =	swait.ge [sflag:s24], $0x8000  }
0x13b: {  	[sflag:s24] =	ssyncset.done $0x0  }
0x13c: {  	s0 =	smov.u32 s29;
	s29 =	sadd.s32 $0x0, s22;
	[sflag:s24] =	ssyncadd.s32 $0xFFFF8000  }
0x13d: {  	[tilespmem:s3], [sflag:$0x3] =	stream.linear.gather [hbm4b:s29+s3], $0x100, $0x38;
	[tilespmem:$0x1FF00] =	vst v63  }
0x13e: {  	_ =	swait.ge [sflag:s17], $0x100  }
0x13f: {  	[sflag:s17] =	ssyncset.done $0x0  }
0x140: {  	[sflag:s17] =	ssyncadd.s32 $0xFFFFFF00;
	(ifvalue) =	ssetifvalue $0xFFFFFFFF  }
0x141: {  	[spmem:s2] =	stream.indirect.scatter.add.f32 [tilespmem:s15], [sflag:$0x3], $0x80, s3, s14, $0x40b8;
	[tilespmem:$0x1FF00] =	vst v63  }
0x142: {  	s7 =	simm.s32 $0x40;
	_ =	swait.ge [sflag:s17], $0x8000  }
0x143: {  	s8 =	sadd.s32 $0x2000, s10;
	s12 =	simm.s32 $0x80;
	[sflag:s17] =	ssyncset.done $0x0  }
.LBB2_6:
0x144: {  	p1 =	sne.s32 s12, $0x200;
	s6 =	sadd.s32 $0xFFFFF000, s8;
	[sflag:s17] =	ssyncadd.s32 $0xFFFF8000  }
0x145: {  	[tilespmem:s15], [sflag:$0x2] =	stream.linear.gather [hbm4b:s6+s3], $0x8000, $0x38;
	[tilespmem:$0x1FF00] =	vst v63  }
0x146: {  	s6 =	smov.u32 s12;
	s12 =	sadd.s32 $0x40, s12;
	_ =	swait.ge [sflag:s16], $0x8000  }
0x147: {  	[sflag:s16] =	ssyncset.done $0x0  }
0x148: {  	s29 =	sadd.s32 s7, s11;
	[sflag:s16] =	ssyncadd.s32 $0xFFFF8000  }
0x149: {  	[tilespmem:s3], [sflag:$0x3] =	stream.linear.gather [hbm4b:s29+s3], $0x100, $0x38;
	[tilespmem:$0x1FF00] =	vst v63  }
0x14a: {  	_ =	swait.ge [sflag:s17], $0x100  }
0x14b: {  	[sflag:s17] =	ssyncset.done $0x0  }
0x14c: {  	[sflag:s17] =	ssyncadd.s32 $0xFFFFFF00  }
0x14d: {  	(ifvalue) =	ssetifvalue $0xFFFFFFFF  }
0x14e: {  	[spmem:s2] =	stream.indirect.scatter.add.f32 [tilespmem:s14], [sflag:$0x3], $0x80, s3, s14, $0x40b8;
	[tilespmem:$0x1FF00] =	vst v63  }
0x14f: {  	_ =	swait.ge [sflag:s17], $0x8000  }
0x150: {  	[sflag:s17] =	ssyncset.done $0x0  }
0x151: {  	[sflag:s17] =	ssyncadd.s32 $0xFFFF8000  }
0x152: {  	[tilespmem:s14], [sflag:$0x1] =	stream.linear.gather [hbm4b:s8+s3], $0x8000, $0x38;
	[tilespmem:$0x1FF00] =	vst v63  }
0x153: {  	_ =	swait.ge [sflag:s24], $0x8000  }
0x154: {  	[sflag:s24] =	ssyncset.done $0x0  }
0x155: {  	s29 =	sadd.s32 s7, s22;
	s7 =	smov.u32 s6;
	[sflag:s24] =	ssyncadd.s32 $0xFFFF8000  }
0x156: {  	[tilespmem:s3], [sflag:$0x3] =	stream.linear.gather [hbm4b:s29+s3], $0x100, $0x38;
	[tilespmem:$0x1FF00] =	vst v63  }
0x157: {  	_ =	swait.ge [sflag:s17], $0x100  }
0x158: {  	[sflag:s17] =	ssyncset.done $0x0  }
.Ltmp2:
0x159: {  	[sflag:s17] =	ssyncadd.s32 $0xFFFFFF00;
	(pc) =	sbr.rel @p1 .LBB2_6-.Ltmp2, $4  }
0x15a: {  	(ifvalue) =	ssetifvalue $0xFFFFFFFF  }
0x15b: {  	[spmem:s2] =	stream.indirect.scatter.add.f32 [tilespmem:s15], [sflag:$0x3], $0x80, s3, s14, $0x40b8;
	[tilespmem:$0x1FF00] =	vst v63  }
0x15c: {  	_ =	swait.ge [sflag:s17], $0x8000  }
0x15d: {  	s8 =	sadd.s32 $0x2000, s8;
	[sflag:s17] =	ssyncset.done $0x0  }
0x15e: {  	s6 =	sadd.s32 $0xFFFFF000, s8;
	[sflag:s17] =	ssyncadd.s32 $0xFFFF8000  }
0x15f: {  	[tilespmem:s15], [sflag:$0x2] =	stream.linear.gather [hbm4b:s6+s3], $0x8000, $0x38;
	[tilespmem:$0x1FF00] =	vst v63  }
0x160: {  	_ =	swait.ge [sflag:s16], $0x8000  }
0x161: {  	[sflag:s16] =	ssyncset.done $0x0  }
0x162: {  	s12 =	sadd.s32 s7, s11;
	[sflag:s16] =	ssyncadd.s32 $0xFFFF8000  }
0x163: {  	[tilespmem:s3], [sflag:$0x3] =	stream.linear.gather [hbm4b:s12+s3], $0x100, $0x38;
	[tilespmem:$0x1FF00] =	vst v63  }
0x164: {  	_ =	swait.ge [sflag:s17], $0x100  }
0x165: {  	[sflag:s17] =	ssyncset.done $0x0  }
0x166: {  	[sflag:s17] =	ssyncadd.s32 $0xFFFFFF00;
	(ifvalue) =	ssetifvalue $0xFFFFFFFF  }
0x167: {  	[spmem:s2] =	stream.indirect.scatter.add.f32 [tilespmem:s14], [sflag:$0x3], $0x80, s3, s14, $0x40b8;
	[tilespmem:$0x1FF00] =	vst v63  }
0x168: {  	_ =	swait.ge [sflag:s17], $0x8000  }
0x169: {  	[sflag:s17] =	ssyncset.done $0x0  }
0x16a: {  	[sflag:s17] =	ssyncadd.s32 $0xFFFF8000  }
0x16b: {  	[tilespmem:s14], [sflag:$0x1] =	stream.linear.gather [hbm4b:s8+s3], $0x8000, $0x38;
	[tilespmem:$0x1FF00] =	vst v63  }
0x16c: {  	_ =	swait.ge [sflag:s24], $0x8000  }
0x16d: {  	[sflag:s24] =	ssyncset.done $0x0  }
0x16e: {  	s8 =	sadd.s32 s7, s22;
	[sflag:s24] =	ssyncadd.s32 $0xFFFF8000  }
0x16f: {  	[tilespmem:s3], [sflag:$0x3] =	stream.linear.gather [hbm4b:s8+s3], $0x100, $0x38;
	[tilespmem:$0x1FF00] =	vst v63  }
0x170: {  	_ =	swait.ge [sflag:s17], $0x100  }
0x171: {  	[sflag:s17] =	ssyncset.done $0x0  }
0x172: {  	[sflag:s17] =	ssyncadd.s32 $0xFFFFFF00;
	(ifvalue) =	ssetifvalue $0xFFFFFFFF  }
0x173: {  	[spmem:s2] =	stream.indirect.scatter.add.f32 [tilespmem:s15], [sflag:$0x3], $0x80, s3, s14, $0x40b8;
	[tilespmem:$0x1FF00] =	vst v63  }
0x174: {  	_ =	swait.ge [sflag:s17], $0x8000  }
0x175: {  	[sflag:s17] =	ssyncset.done $0x0  }
0x176: {  	s12 =	rddreg [dreg:$0x17];
	[sflag:s17] =	ssyncadd.s32 $0xFFFF8000  }
0x177: {  	[tilespmem:s15], [sflag:$0x2] =	stream.linear.gather [hbm4b:s12+s3], $0x8000, $0x38;
	[tilespmem:$0x1FF00] =	vst v63  }
0x178: {  	_ =	swait.ge [sflag:s16], $0x8000  }
0x179: {  	[sflag:s16] =	ssyncset.done $0x0  }
0x17a: {  	s7 =	rddreg [dreg:$0x18];
	[sflag:s16] =	ssyncadd.s32 $0xFFFF8000  }
0x17b: {  	[tilespmem:s3], [sflag:$0x3] =	stream.linear.gather [hbm4b:s7+s3], $0x100, $0x38;
	[tilespmem:$0x1FF00] =	vst v63  }
0x17c: {  	_ =	swait.ge [sflag:s17], $0x100  }
0x17d: {  	[sflag:s17] =	ssyncset.done $0x0  }
0x17e: {  	[sflag:s17] =	ssyncadd.s32 $0xFFFFFF00;
	(ifvalue) =	ssetifvalue $0xFFFFFFFF  }
0x17f: {  	[spmem:s2] =	stream.indirect.scatter.add.f32 [tilespmem:s14], [sflag:$0x3], $0x80, s3, s14, $0x40b8;
	[tilespmem:$0x1FF00] =	vst v63  }
0x180: {  	_ =	swait.ge [sflag:s17], $0x8000  }
0x181: {  	[sflag:s17] =	ssyncset.done $0x0  }
0x182: {  	[sflag:s17] =	ssyncadd.s32 $0xFFFF8000  }
0x183: {  	_ =	swait.ge [sflag:s24], $0x8000  }
0x184: {  	[sflag:s24] =	ssyncset.done $0x0  }
0x185: {  	s8 =	rddreg [dreg:$0x19];
	[sflag:s24] =	ssyncadd.s32 $0xFFFF8000  }
0x186: {  	[tilespmem:s3], [sflag:$0x3] =	stream.linear.gather [hbm4b:s8+s3], $0x100, $0x38;
	[tilespmem:$0x1FF00] =	vst v63  }
0x187: {  	_ =	swait.ge [sflag:s17], $0x100  }
0x188: {  	[sflag:s17] =	ssyncset.done $0x0  }
0x189: {  	[sflag:s17] =	ssyncadd.s32 $0xFFFFFF00;
	(ifvalue) =	ssetifvalue $0xFFFFFFFF  }
0x18a: {  	[spmem:s2] =	stream.indirect.scatter.add.f32 [tilespmem:s15], [sflag:$0x3], $0x80, s3, s14, $0x40b8;
	[tilespmem:$0x1FF00] =	vst v63  }
0x18b: {  	_ =	swait.ge [sflag:s17], $0x8000  }
0x18c: {  	[sflag:s17] =	ssyncset.done $0x0  }
0x18d: {  	[sflag:s17] =	ssyncadd.s32 $0xFFFF8000  }
0x18e: {  	[bflag:$0x0] =	sbarrier.arrive $0xFFFF  }
0x18f: {  	s6 =	simm.s32 @p0 $0x1FC3;
	s7 =	rddreg [dreg:$0xc]  }
0x190: {  	[hbm:s7], [sflag:s6] =	dma.local @p0 [spmem:s31], $0x1B80  }
0x191: {  	s7 =	simm.s32 @p0 $0x3  }
0x192: {  	_ =	swait.ge @p0 [sflag:s7], $0x1B80  }
0x193: {  	[sflag:s7] =	ssyncset.done @p0 $0x0  }
0x194: {  	[sflag:s7] =	ssyncadd.s32 @p0 $0xFFFFE480  }
0x195: {  	[bflag:$0x0] =	sbarrier.arrive @p0 $0xFFFF  }
0x196: {  	[spmem:s30], [sflag:s6] =	dma.local @p0 [hbm:s1], $0x1C00  }
0x197: {  	_ =	swait.ge @p0 [sflag:s7], $0x1C00  }
0x198: {  	[sflag:s7] =	ssyncset.done @p0 $0x0  }
0x199: {  	s6 =	rddreg [dreg:$0xb];
	[sflag:s7] =	ssyncadd.s32 @p0 $0xFFFFE400  }
0x19a: {  	[hbm:s6], [sflag:s26] =	dma.local @!p0 [spmem:s4], $0x1F80  }
0x19b: {  	s6 =	simm.s32 @!p0 $0x3  }
0x19c: {  	_ =	swait.ge @!p0 [sflag:s6], $0x1F80  }
0x19d: {  	[sflag:s6] =	ssyncset.done @!p0 $0x0  }
0x19e: {  	[sflag:s6] =	ssyncadd.s32 @!p0 $0xFFFFE080  }
0x19f: {  	[bflag:$0x0] =	sbarrier.arrive @!p0 $0xFFFF  }
0x1a0: {  	[spmem:s28], [sflag:s26] =	dma.local @!p0 [hbm:s1], $0x2000  }
0x1a1: {  	_ =	swait.ge @!p0 [sflag:s6], $0x2000  }
0x1a2: {  	[sflag:s6] =	ssyncset.done @!p0 $0x0  }
0x1a3: {  	[sflag:s6] =	ssyncadd.s32 @!p0 $0xFFFFE000  }
0x1a4: {  	s12 =	simm.s32 $0x0;
	[bflag:$0x0] =	sbarrier.arrive $0xFFFF  }
0x1a5: {  	[tilespmem:s14], [sflag:$0x1] =	stream.linear.gather [hbm4b:s0+s12], $0x8000, $0x38;
	[tilespmem:$0x1FF00] =	vst v63  }
0x1a6: {  	_ = 	snop  }
0x1a7: {  	[tilespmem:s15], [sflag:$0x2] =	stream.linear.gather [hbm4b:s5+s3], $0x8000, $0x38;
	[tilespmem:$0x1FF00] =	vst v63  }
0x1a8: {  	_ =	swait.ge [sflag:s16], $0x8000  }
0x1a9: {  	[sflag:s16] =	ssyncset.done $0x0  }
0x1aa: {  	s28 =	sadd.s32 $0x0, s13;
	[sflag:s16] =	ssyncadd.s32 $0xFFFF8000  }
0x1ab: {  	[tilespmem:s3], [sflag:$0x3] =	stream.linear.gather [hbm4b:s28+s3], $0x100, $0x38;
	[tilespmem:$0x1FF00] =	vst v63  }
0x1ac: {  	_ =	swait.ge [sflag:s17], $0x100  }
0x1ad: {  	[sflag:s17] =	ssyncset.done $0x0  }
0x1ae: {  	[sflag:s17] =	ssyncadd.s32 $0xFFFFFF00;
	(ifvalue) =	ssetifvalue $0xFFFFFFFF  }
0x1af: {  	[spmem:s2] =	stream.indirect.scatter.add.f32 [tilespmem:s14], [sflag:$0x3], $0x80, s3, s14, $0x40b8;
	[tilespmem:$0x1FF00] =	vst v63  }
0x1b0: {  	_ =	swait.ge [sflag:s17], $0x8000  }
0x1b1: {  	[sflag:s17] =	ssyncset.done $0x0  }
0x1b2: {  	[sflag:s17] =	ssyncadd.s32 $0xFFFF8000  }
0x1b3: {  	[tilespmem:s14], [sflag:$0x1] =	stream.linear.gather [hbm4b:s10+s3], $0x8000, $0x38;
	[tilespmem:$0x1FF00] =	vst v63  }
0x1b4: {  	_ =	swait.ge [sflag:s24], $0x8000  }
0x1b5: {  	[sflag:s24] =	ssyncset.done $0x0  }
0x1b6: {  	s30 =	sadd.s32 $0x0, s23;
	[sflag:s24] =	ssyncadd.s32 $0xFFFF8000  }
0x1b7: {  	[tilespmem:s3], [sflag:$0x3] =	stream.linear.gather [hbm4b:s30+s3], $0x100, $0x38;
	[tilespmem:$0x1FF00] =	vst v63  }
0x1b8: {  	_ =	swait.ge [sflag:s17], $0x100  }
0x1b9: {  	[sflag:s17] =	ssyncset.done $0x0  }
0x1ba: {  	[sflag:s17] =	ssyncadd.s32 $0xFFFFFF00;
	(ifvalue) =	ssetifvalue $0xFFFFFFFF  }
0x1bb: {  	[spmem:s2] =	stream.indirect.scatter.add.f32 [tilespmem:s15], [sflag:$0x3], $0x80, s3, s14, $0x40b8;
	[tilespmem:$0x1FF00] =	vst v63  }
0x1bc: {  	s29 =	smov.u32 s0;
	s8 =	simm.s32 $0x80;
	_ =	swait.ge [sflag:s17], $0x8000  }
0x1bd: {  	s7 =	sadd.s32 $0x2000, s10;
	s5 =	simm.s32 $0x40;
	[sflag:s17] =	ssyncset.done $0x0  }
.LBB2_8:
0x1be: {  	p1 =	sne.s32 s8, $0x200;
	s6 =	sadd.s32 $0xFFFFF000, s7;
	[sflag:s17] =	ssyncadd.s32 $0xFFFF8000  }
0x1bf: {  	[tilespmem:s15], [sflag:$0x2] =	stream.linear.gather [hbm4b:s6+s3], $0x8000, $0x38;
	[tilespmem:$0x1FF00] =	vst v63  }
0x1c0: {  	s6 =	smov.u32 s8;
	s8 =	sadd.s32 $0x40, s8;
	_ =	swait.ge [sflag:s16], $0x8000  }
0x1c1: {  	[sflag:s16] =	ssyncset.done $0x0  }
0x1c2: {  	s12 =	sadd.s32 s5, s13;
	[sflag:s16] =	ssyncadd.s32 $0xFFFF8000  }
0x1c3: {  	[tilespmem:s3], [sflag:$0x3] =	stream.linear.gather [hbm4b:s12+s3], $0x100, $0x38;
	[tilespmem:$0x1FF00] =	vst v63  }
0x1c4: {  	_ =	swait.ge [sflag:s17], $0x100  }
0x1c5: {  	[sflag:s17] =	ssyncset.done $0x0  }
0x1c6: {  	[sflag:s17] =	ssyncadd.s32 $0xFFFFFF00  }
0x1c7: {  	(ifvalue) =	ssetifvalue $0xFFFFFFFF  }
0x1c8: {  	[spmem:s2] =	stream.indirect.scatter.add.f32 [tilespmem:s14], [sflag:$0x3], $0x80, s3, s14, $0x40b8;
	[tilespmem:$0x1FF00] =	vst v63  }
0x1c9: {  	_ =	swait.ge [sflag:s17], $0x8000  }
0x1ca: {  	[sflag:s17] =	ssyncset.done $0x0  }
0x1cb: {  	[sflag:s17] =	ssyncadd.s32 $0xFFFF8000  }
0x1cc: {  	[tilespmem:s14], [sflag:$0x1] =	stream.linear.gather [hbm4b:s7+s3], $0x8000, $0x38;
	[tilespmem:$0x1FF00] =	vst v63  }
0x1cd: {  	_ =	swait.ge [sflag:s24], $0x8000  }
0x1ce: {  	[sflag:s24] =	ssyncset.done $0x0  }
0x1cf: {  	s12 =	sadd.s32 s5, s23;
	s5 =	smov.u32 s6;
	[sflag:s24] =	ssyncadd.s32 $0xFFFF8000  }
0x1d0: {  	[tilespmem:s3], [sflag:$0x3] =	stream.linear.gather [hbm4b:s12+s3], $0x100, $0x38;
	[tilespmem:$0x1FF00] =	vst v63  }
0x1d1: {  	_ =	swait.ge [sflag:s17], $0x100  }
0x1d2: {  	[sflag:s17] =	ssyncset.done $0x0  }
.Ltmp3:
0x1d3: {  	[sflag:s17] =	ssyncadd.s32 $0xFFFFFF00;
	(pc) =	sbr.rel @p1 .LBB2_8-.Ltmp3, $4  }
0x1d4: {  	(ifvalue) =	ssetifvalue $0xFFFFFFFF  }
0x1d5: {  	[spmem:s2] =	stream.indirect.scatter.add.f32 [tilespmem:s15], [sflag:$0x3], $0x80, s3, s14, $0x40b8;
	[tilespmem:$0x1FF00] =	vst v63  }
0x1d6: {  	_ =	swait.ge [sflag:s17], $0x8000  }
0x1d7: {  	s7 =	sadd.s32 $0x2000, s7;
	[sflag:s17] =	ssyncset.done $0x0  }
0x1d8: {  	s6 =	sadd.s32 $0xFFFFF000, s7;
	[sflag:s17] =	ssyncadd.s32 $0xFFFF8000  }
0x1d9: {  	[tilespmem:s15], [sflag:$0x2] =	stream.linear.gather [hbm4b:s6+s3], $0x8000, $0x38;
	[tilespmem:$0x1FF00] =	vst v63  }
0x1da: {  	_ =	swait.ge [sflag:s16], $0x8000  }
0x1db: {  	[sflag:s16] =	ssyncset.done $0x0  }
0x1dc: {  	s8 =	sadd.s32 s5, s13;
	[sflag:s16] =	ssyncadd.s32 $0xFFFF8000  }
0x1dd: {  	[tilespmem:s3], [sflag:$0x3] =	stream.linear.gather [hbm4b:s8+s3], $0x100, $0x38;
	[tilespmem:$0x1FF00] =	vst v63  }
0x1de: {  	_ =	swait.ge [sflag:s17], $0x100  }
0x1df: {  	[sflag:s17] =	ssyncset.done $0x0  }
0x1e0: {  	[sflag:s17] =	ssyncadd.s32 $0xFFFFFF00;
	(ifvalue) =	ssetifvalue $0xFFFFFFFF  }
0x1e1: {  	[spmem:s2] =	stream.indirect.scatter.add.f32 [tilespmem:s14], [sflag:$0x3], $0x80, s3, s14, $0x40b8;
	[tilespmem:$0x1FF00] =	vst v63  }
0x1e2: {  	_ =	swait.ge [sflag:s17], $0x8000  }
0x1e3: {  	[sflag:s17] =	ssyncset.done $0x0  }
0x1e4: {  	[sflag:s17] =	ssyncadd.s32 $0xFFFF8000  }
0x1e5: {  	[tilespmem:s14], [sflag:$0x1] =	stream.linear.gather [hbm4b:s7+s3], $0x8000, $0x38;
	[tilespmem:$0x1FF00] =	vst v63  }
0x1e6: {  	_ =	swait.ge [sflag:s24], $0x8000  }
0x1e7: {  	[sflag:s24] =	ssyncset.done $0x0  }
0x1e8: {  	s12 =	sadd.s32 s5, s23;
	[sflag:s24] =	ssyncadd.s32 $0xFFFF8000  }
0x1e9: {  	[tilespmem:s3], [sflag:$0x3] =	stream.linear.gather [hbm4b:s12+s3], $0x100, $0x38;
	[tilespmem:$0x1FF00] =	vst v63  }
0x1ea: {  	_ =	swait.ge [sflag:s17], $0x100  }
0x1eb: {  	[sflag:s17] =	ssyncset.done $0x0  }
0x1ec: {  	[sflag:s17] =	ssyncadd.s32 $0xFFFFFF00;
	(ifvalue) =	ssetifvalue $0xFFFFFFFF  }
0x1ed: {  	[spmem:s2] =	stream.indirect.scatter.add.f32 [tilespmem:s15], [sflag:$0x3], $0x80, s3, s14, $0x40b8;
	[tilespmem:$0x1FF00] =	vst v63  }
0x1ee: {  	_ =	swait.ge [sflag:s17], $0x8000  }
0x1ef: {  	[sflag:s17] =	ssyncset.done $0x0  }
0x1f0: {  	s0 =	rddreg [dreg:$0x17];
	[sflag:s17] =	ssyncadd.s32 $0xFFFF8000  }
0x1f1: {  	[tilespmem:s15], [sflag:$0x2] =	stream.linear.gather [hbm4b:s0+s3], $0x8000, $0x38;
	[tilespmem:$0x1FF00] =	vst v63  }
0x1f2: {  	_ =	swait.ge [sflag:s16], $0x8000  }
0x1f3: {  	[sflag:s16] =	ssyncset.done $0x0  }
0x1f4: {  	s28 =	rddreg [dreg:$0x1a];
	[sflag:s16] =	ssyncadd.s32 $0xFFFF8000  }
0x1f5: {  	[tilespmem:s3], [sflag:$0x3] =	stream.linear.gather [hbm4b:s28+s3], $0x100, $0x38;
	[tilespmem:$0x1FF00] =	vst v63  }
0x1f6: {  	_ =	swait.ge [sflag:s17], $0x100  }
0x1f7: {  	[sflag:s17] =	ssyncset.done $0x0  }
0x1f8: {  	[sflag:s17] =	ssyncadd.s32 $0xFFFFFF00;
	(ifvalue) =	ssetifvalue $0xFFFFFFFF  }
0x1f9: {  	[spmem:s2] =	stream.indirect.scatter.add.f32 [tilespmem:s14], [sflag:$0x3], $0x80, s3, s14, $0x40b8;
	[tilespmem:$0x1FF00] =	vst v63  }
0x1fa: {  	_ =	swait.ge [sflag:s17], $0x8000  }
0x1fb: {  	[sflag:s17] =	ssyncset.done $0x0  }
0x1fc: {  	[sflag:s17] =	ssyncadd.s32 $0xFFFF8000  }
0x1fd: {  	_ =	swait.ge [sflag:s24], $0x8000  }
0x1fe: {  	[sflag:s24] =	ssyncset.done $0x0  }
0x1ff: {  	s30 =	rddreg [dreg:$0x1b];
	[sflag:s24] =	ssyncadd.s32 $0xFFFF8000  }
0x200: {  	[tilespmem:s3], [sflag:$0x3] =	stream.linear.gather [hbm4b:s30+s3], $0x100, $0x38;
	[tilespmem:$0x1FF00] =	vst v63  }
0x201: {  	_ =	swait.ge [sflag:s17], $0x100  }
0x202: {  	[sflag:s17] =	ssyncset.done $0x0  }
0x203: {  	[sflag:s17] =	ssyncadd.s32 $0xFFFFFF00;
	(ifvalue) =	ssetifvalue $0xFFFFFFFF  }
0x204: {  	[spmem:s2] =	stream.indirect.scatter.add.f32 [tilespmem:s15], [sflag:$0x3], $0x80, s3, s14, $0x40b8;
	[tilespmem:$0x1FF00] =	vst v63  }
0x205: {  	_ =	swait.ge [sflag:s17], $0x8000  }
0x206: {  	[sflag:s17] =	ssyncset.done $0x0  }
0x207: {  	[sflag:s17] =	ssyncadd.s32 $0xFFFF8000  }
0x208: {  	[bflag:$0x0] =	sbarrier.arrive $0xFFFF  }
0x209: {  	s5 =	simm.s32 @p0 $0x1FC3;
	s0 =	rddreg [dreg:$0xe]  }
0x20a: {  	[hbm:s0], [sflag:s5] =	dma.local @p0 [spmem:s31], $0x1B80  }
0x20b: {  	s5 =	simm.s32 @p0 $0x3  }
0x20c: {  	_ =	swait.ge @p0 [sflag:s5], $0x1B80  }
0x20d: {  	[sflag:s5] =	ssyncset.done @p0 $0x0  }
0x20e: {  	s0 =	rddreg [dreg:$0xd];
	[sflag:s5] =	ssyncadd.s32 @p0 $0xFFFFE480  }
0x20f: {  	[hbm:s0], [sflag:s26] =	dma.local @!p0 [spmem:s4], $0x1F80  }
0x210: {  	s4 =	simm.s32 @!p0 $0x3  }
0x211: {  	_ =	swait.ge @!p0 [sflag:s4], $0x1F80  }
0x212: {  	s25 =	sadd.s32 $0x1, s25;
	s31 =	rddreg [dreg:$0xf]  }
0x213: {  	p1 =	sne.s32 s25, s31  }
.Ltmp4:
0x214: {  	_ = 	snop;
	(pc) =	sbr.rel @p1 .LBB2_1-.Ltmp4, $4  }
0x215: {  	[sflag:s4] =	ssyncset.done @!p0 $0x0  }
0x216: {  	[sflag:s4] =	ssyncadd.s32 @!p0 $0xFFFFE080  }
0x217: {  	[bflag:$0x0] =	sbarrier.arrive $0xFFFF  }
0x218: {  	s6 =	rddreg [dreg:$0xa]  }
0x219: {  	_ =	sfence.sel $0x180000  }
0x21a: {  	[bflag:$0x0] =	sbarrier.arrive $0xFFFF  }
0x21b: {  	_ =	strace $0x9000004D  }
0x21c: {  	s0 =	stileid.u32;
	[bflag:$0x2] =	sbarrier.arrive $0xFFFF  }
0x21d: {  	p0 =	sne.s32 s0, $0x0;
	s0 =	rddreg [dreg:$0x3]  }
0x21e: {  	s0 =	sadd.s32 @!p0 $0x100000, s0  }
0x21f: {  	[sflag:s0] =	ssyncadd.tile.s32 @!p0 $0x1;
	_ =	shalt  }
.Lfunc_end2:
_tile_overlayer_lowered:
.L_overlay_start_2:
0x220: {  	(tag) =	ssettag $0x2  }
0x221: {  	s0 =	rddreg [dreg:$0x0];
	s2 =	stileid.u32  }
0x222: {  	s1 =	rddreg [dreg:$0x1];
	p0 =	sne.s32 s2, $0x0  }
0x223: {  	s3 =	rddreg [dreg:$0x2];
	[bflag:$0x3] =	sbarrier.arrive $0xFFFF;
	s2 =	simm.s32 @!p0 $0x1C03  }
0x224: {  	[timem:s3], [sflag:s2] =	dma.local @!p0 [hbm:s0], s1  }
0x225: {  	s0 =	simm.s32 @!p0 $0x3  }
0x226: {  	_ =	swait.ge @!p0 [sflag:s0], s1  }
0x227: {  	s1 =	ssub.s32 @!p0 $0x0, s1;
	[sflag:s0] =	ssyncset.done @!p0 $0x0  }
0x228: {  	[sflag:s0] =	ssyncadd.s32 @!p0 s1  }
0x229: {  	[bflag:$0x3] =	sbarrier.arrive $0xFFFF  }
0x22a: {  	_ =	shalt  }

// kernel: kernel.29.cloned.1.call-start
scs
__scs_entry_jumppad:
0x0: {  	(pc) =	sbr.rel $0x88, $3  }
0x1: {  	(tag) =	ssettag $0x0;
	lr =	simm.s32 $0x1  }
0x2: {  	[smem:$0x3F93] =	sst lr;
	_ =	strace $0xD0000000  }
0x3: {  	_ = 	snop  }
0x4: {  	_ = 	snop  }
0x5: {  	_ = 	snop  }
0x6: {  	_ = 	snop  }
0x7: {  	_ = 	snop  }
__scs_overlays_trampoline_lowered:
0x8: {  	[smem:$0x3FA2] =	sst s0  }
0x9: {  	[smem:$0x3FA3] =	sst s1  }
0xa: {  	[smem:$0x3FA4] =	sst s2  }
0xb: {  	[smem:$0x3FA5] =	sst s3  }
0xc: {  	[smem:$0x3FA6] =	sst s4  }
0xd: {  	[smem:$0x3FA7] =	sst s5  }
0xe: {  	[smem:$0x3FA8] =	sst s6  }
0xf: {  	[smem:$0x3FA9] =	sst s7  }
0x10: {  	[smem:$0x3FAA] =	sst s8  }
0x11: {  	[smem:$0x3FAB] =	sst s9;
	s0 =	simm.s32 @!p0 $0x0  }
0x12: {  	s1 =	sld [smem:$0x3F91];
	s0 =	simm.s32 @p0 $0x1  }
0x13: {  	[smem:$0x3FAC] =	sst s0;
	s0 =	simm.s32 @!p1 $0x0  }
0x14: {  	s2 =	sld [smem:$0x3F90];
	s0 =	simm.s32 @p1 $0x1  }
0x15: {  	[smem:$0x3FAD] =	sst s0;
	s0 =	simm.s32 @!p2 $0x0  }
0x16: {  	s3 =	sld [smem:$0x3FDB];
	s0 =	simm.s32 @p2 $0x1  }
0x17: {  	s4 =	simm.s32 $0x1BF5;
	[smem:$0x3FAF] =	sst s0  }
0x18: {  	s0 =	sld [smem:$0x3F92];
	_ =	swait.ge [sflag:s4], $0x0  }
0x19: {  	s7 =	sld [smem:$0x3F93]  }
0x1a: {  	s8 =	sadd.s32 $0xFFFFE003, lr  }
0x1b: {  	s9 =	sadd.s32 $0xFFFFFEF7, lr;
	s5 =	simm.s32 $0xFFFFFFFF;
	p2 =	slt.u32 s8, $0xFFFFF086  }
0x1c: {  	p1 =	slt.u32 s9, $0xF7A;
	s5 =	simm.s32 @!p2 $0x0  }
0x1d: {  	s5 =	simm.s32 @p1 $0x1;
	p0 =	seq.s32 s7, s2  }
0x1e: {  	s7 =	smul.u32 @!p0 $0xF7A, s2;
	p2 =	seq.s32 @!p0 s5, $0x0  }
0x1f: {  	s9 =	smul.u32 $0xF7A, s1;
	s8 =	simm.s32 @!p0 $0x1BF5;
	p2 =	por !p2, p0  }
0x20: {  	[sflag:s8] =	ssyncset.s32 @!p0 $0xFFFFF086;
	s6 =	sadd.s32 @!p0 s3, s7;
	s7 =	simm.s32 @!p0 $0x108  }
0x21: {  	s3 =	sadd.s32 s3, s9;
	s6 =	sadd.s32 @!p0 $0x88, s6;
	s7 =	simm.s32 @p2 $0x1082  }
0x22: {  	[simem:s7], [sflag:s8] =	dma.local @!p0 [hbm:s6], $0xF7A  }
0x23: {  	s9 =	sor.u32 $0xD0000000, s2;
	s6 =	simm.s32 $0x108;
	_ =	swait.ge @!p0 [sflag:s8], $0x0  }
0x24: {  	s3 =	sadd.s32 $0x88, s3;
	s6 =	simm.s32 @!p1 $0x1082;
	[sflag:s4] =	ssyncset.s32 $0xFFFFF086  }
0x25: {  	[simem:s6], [sflag:s4] =	dma.local [hbm:s3], $0xF7A  }
0x26: {  	[smem:$0x3F93] =	sst s1;
	(tag) =	ssettag s2;
	_ =	strace s9  }
0x27: {  	s1 =	sld [smem:$0x3FA3]  }
0x28: {  	s2 =	sld [smem:$0x3FA4]  }
0x29: {  	s4 =	sld [smem:$0x3FA6]  }
0x2a: {  	p0 =	seq.s32 s5, $0x0;
	s5 =	sld [smem:$0x3FA7]  }
0x2b: {  	s6 =	sld [smem:$0x3FA8]  }
0x2c: {  	s7 =	sld [smem:$0x3FA9]  }
0x2d: {  	s3 =	simm.s32 $0x108;
	s8 =	sld [smem:$0x3FAA]  }
0x2e: {  	s3 =	simm.s32 @!p0 $0x1082;
	s9 =	sld [smem:$0x3FAB]  }
0x2f: {  	lr =	sadd.s32 s0, s3;
	s0 =	sld [smem:$0x3FA2]  }
0x30: {  	s3 =	sld [smem:$0x3FA5]  }
0x31: {  	[smem:$0x3FAE] =	sst s10  }
0x32: {  	s10 =	sld [smem:$0x3FAC];
	_ =	sdelay $0x3  }
0x33: {  	p0 =	seq.s32 s10, $0x1;
	s10 =	sld [smem:$0x3FAE];
	_ =	sdelay $0x3  }
0x34: {  	[smem:$0x3FAE] =	sst s10  }
0x35: {  	s10 =	sld [smem:$0x3FAD];
	_ =	sdelay $0x3  }
0x36: {  	p1 =	seq.s32 s10, $0x1;
	s10 =	sld [smem:$0x3FAE];
	_ =	sdelay $0x3  }
0x37: {  	[smem:$0x3FAE] =	sst s10  }
0x38: {  	s10 =	sld [smem:$0x3FAF]  }
0x39: {  	_ = 	snop;
	(pc) =	sbr.ind lr, $3  }
0x3a: {  	_ = 	snop  }
0x3b: {  	_ = 	snop  }
0x3c: {  	p2 =	seq.s32 s10, $0x1;
	s10 =	sld [smem:$0x3FAE]  }
0x3d: {  	_ =	shalt  }
0x3e: {  	_ =	shalt  }
0x3f: {  	_ =	shalt  }
0x40: {  	_ =	shalt  }
0x41: {  	_ =	shalt  }
0x42: {  	_ =	shalt  }
0x43: {  	_ =	shalt  }
0x44: {  	_ =	shalt  }
0x45: {  	_ =	shalt  }
0x46: {  	_ =	shalt  }
0x47: {  	_ =	shalt  }
0x48: {  	_ =	shalt  }
0x49: {  	_ =	shalt  }
0x4a: {  	_ =	shalt  }
0x4b: {  	_ =	shalt  }
0x4c: {  	_ =	shalt  }
0x4d: {  	_ =	shalt  }
0x4e: {  	_ =	shalt  }
0x4f: {  	_ =	shalt  }
0x50: {  	_ =	shalt  }
0x51: {  	_ =	shalt  }
0x52: {  	_ =	shalt  }
0x53: {  	_ =	shalt  }
0x54: {  	_ =	shalt  }
0x55: {  	_ =	shalt  }
0x56: {  	_ =	shalt  }
0x57: {  	_ =	shalt  }
0x58: {  	_ =	shalt  }
0x59: {  	_ =	shalt  }
0x5a: {  	_ =	shalt  }
0x5b: {  	_ =	shalt  }
0x5c: {  	_ =	shalt  }
0x5d: {  	_ =	shalt  }
0x5e: {  	_ =	shalt  }
0x5f: {  	_ =	shalt  }
0x60: {  	_ =	shalt  }
0x61: {  	_ =	shalt  }
0x62: {  	_ =	shalt  }
0x63: {  	_ =	shalt  }
0x64: {  	_ =	shalt  }
0x65: {  	_ =	shalt  }
0x66: {  	_ =	shalt  }
0x67: {  	_ =	shalt  }
0x68: {  	_ =	shalt  }
0x69: {  	_ =	shalt  }
0x6a: {  	_ =	shalt  }
0x6b: {  	_ =	shalt  }
0x6c: {  	_ =	shalt  }
0x6d: {  	_ =	shalt  }
0x6e: {  	_ =	shalt  }
0x6f: {  	_ =	shalt  }
0x70: {  	_ =	shalt  }
0x71: {  	_ =	shalt  }
0x72: {  	_ =	shalt  }
0x73: {  	_ =	shalt  }
0x74: {  	_ =	shalt  }
0x75: {  	_ =	shalt  }
0x76: {  	_ =	shalt  }
0x77: {  	_ =	shalt  }
0x78: {  	_ =	shalt  }
0x79: {  	_ =	shalt  }
0x7a: {  	_ =	shalt  }
0x7b: {  	_ =	shalt  }
0x7c: {  	_ =	shalt  }
0x7d: {  	_ =	shalt  }
0x7e: {  	_ =	shalt  }
0x7f: {  	_ =	shalt  }
0x80: {  	_ =	shalt  }
0x81: {  	_ =	shalt  }
0x82: {  	_ =	shalt  }
0x83: {  	_ =	shalt  }
0x84: {  	_ =	shalt  }
0x85: {  	_ =	shalt  }
0x86: {  	_ =	shalt  }
0x87: {  	_ =	shalt  }
.Lfunc_end0:
.L_simem_size_0:
called_computation.3_lowered:
.L_overlay_start_0:
0x88: {  	s2 =	sld [smem:$0x3FD9]  }
0x89: {  	s3 =	sld [smem:$0x3FFE];
	_ =	sdelay $0x1  }
0x8a: {  	s1 =	srdreg.scid  }
0x8b: {  	s0 =	sand.u32 $0x1, s1  }
0x8c: {  	s17 =	sshll.u32 s0, $0xA;
	s2 =	sadd.s32 s3, s2  }
0x8d: {  	s2 =	sadd.s32 s2, s17  }
0x8e: {  	[smem:$0x3FBA] =	sst s2  }
0x8f: {  	_ = 	snop  }
0x90: {  	(tm) =	ssettm $0x1  }
0x91: {  	s18 =	sld [smem:$0x3FFB];
	_ =	sdelay $0x3  }
0x92: {  	_ =	strace s18  }
0x93: {  	s2 =	sld [smem:$0x3FFC];
	_ =	sdelay $0x3  }
0x94: {  	_ =	strace s2  }
0x95: {  	s2 =	sld [smem:$0x3FFD];
	_ =	sdelay $0x3  }
0x96: {  	_ =	strace s2  }
0x97: {  	_ =	strace $0x8FFFFFFF  }
0x98: {  	s19 =	sld [smem:$0x3FDB];
	_ =	sdelay $0x1  }
0x99: {  	s20 =	simm.s32 $_scs_section_size  }
0x9a: {  	s4 =	simm.s32 $_size__tile_overlayer_lowered;
	s5 =	simm.s32 $_tile_overlayer_lowered  }
0x9b: {  	s6 =	simm.s32 $0x1BFF;
	s21 =	sshll.u32 s5, $0x1;
	s3 =	sadd.s32 s20, s19  }
0x9c: {  	s22 =	simm.s32 $0x0;
	s4 =	sshll.u32 s4, $0x1;
	s5 =	sadd.s32 s21, s3  }
0x9d: {  	[timem:s22], [sflag:s6] =	dma.local [hbm:s5], s4  }
0x9e: {  	_ =	swait.ge [sflag:s6], s4  }
0x9f: {  	s4 =	ssub.s32 $0x0, s4;
	[sflag:s6] =	ssyncset.done $0x0  }
0xa0: {  	[sflag:s6] =	ssyncadd.s32 s4;
	_ =	sdelay $0x1  }
0xa1: {  	s23 =	simm.s32 $0x1B8B  }
0xa2: {  	_ =	swait.ge [sflag:s23], $0x1  }
0xa3: {  	[sflag:s23] =	ssyncset.done $0x0  }
0xa4: {  	[sflag:s23] =	ssyncadd.s32 $0xFFFFFFFF  }
0xa5: {  	s4 =	sld [smem:$0x0]  }
0xa6: {  	s5 =	sand.u32 $0xFFFFFFFE, s1  }
0xa7: {  	p0 =	sne.s32 s1, s5  }
0xa8: {  	s5 =	sshll.u32 @p0 s5, $0xE  }
0xa9: {  	s5 =	sadd.s32 @p0 $0x11B8D, s5;
	s6 =	sshll.u32 @p0 s4, $0x11  }
0xaa: {  	s5 =	sor.u32 @p0 s6, s5  }
0xab: {  	[sflag:s5] =	ssyncadd.remote.s32 @p0 $0x1;
	_ =	sdelay $0x1  }
0xac: {  	s5 =	simm.s32 @p0 $0x1B8D  }
0xad: {  	_ =	swait.eq @p0 [sflag:s5], $0x1  }
0xae: {  	[sflag:s5] =	ssyncadd.s32 @p0 $0xFFFFFFFF  }
0xaf: {  	s6 =	sshll.u32 @!p0 s1, $0xE  }
0xb0: {  	s6 =	sor.u32 @!p0 $0x4000, s6;
	s5 =	simm.s32 @!p0 $0x1B8D  }
0xb1: {  	s4 =	sshll.u32 @!p0 s4, $0x11;
	s6 =	sadd.s32 @!p0 $0x11B8D, s6;
	_ =	swait.eq @!p0 [sflag:s5], $0x1  }
0xb2: {  	s4 =	sor.u32 @!p0 s4, s6;
	[sflag:s5] =	ssyncadd.s32 @!p0 $0xFFFFFFFF  }
0xb3: {  	s25 =	simm.s32 $0x1B8E;
	s24 =	sld [smem:$0x3FFE];
	[sflag:s4] =	ssyncadd.remote.s32 @!p0 $0x1  }
0xb4: {  	s26 =	simm.s32 $execute0_lowered;
	[smem:$0x3FD2] =	sst s25  }
0xb5: {  	s5 =	sshll.u32 s26, $0x1;
	_ =	strace $0x8000004F;
	[dreg:$0x1] =	wrdreg $0xFFFFFFFF  }
0xb6: {  	s28 =	simm.s32 $_size_execute0_lowered;
	s3 =	sadd.s32 s3, s5;
	[dreg:$0x0] =	wrdreg $0x0  }
0xb7: {  	s5 =	sshll.u32 s28, $0x1;
	[dreg:$0x2] =	wrdreg s3  }
0xb8: {  	[dreg:$0x3] =	wrdreg s5  }
0xb9: {  	[dreg:$0x4] =	wrdreg $0xC0  }
0xba: {  	_ =	task [dreg:s22], $0x5FFFF  }
0xbb: {  	[dreg:$0x1] =	wrdreg $0xFFFFFFFF  }
0xbc: {  	[dreg:$0x0] =	wrdreg $0x60  }
0xbd: {  	[dreg:$0x2] =	wrdreg s24  }
0xbe: {  	[dreg:$0x3] =	wrdreg $0x81800  }
0xbf: {  	[dreg:$0x4] =	wrdreg $0xA  }
0xc0: {  	_ =	task.clear_ibuf [dreg:s22], $0x5FFFF;
	_ =	strace $0x9000004F  }
0xc1: {  	s29 =	simm.s32 $0xA;
	_ =	strace $0x80000051  }
0xc2: {  	_ =	swait.ge [sflag:s29], $0x1  }
0xc3: {  	[sflag:s29] =	ssyncadd.s32 $0xFFFFFFFF  }
0xc4: {  	_ =	strace $0x90000051  }
0xc5: {  	_ =	sfence  }
0xc6: {  	s30 =	sld [smem:$0x0];
	_ =	sdelay $0x2  }
0xc7: {  	s31 =	sshll.u32 s1, $0xD;
	s1 =	sshrl.u32 s1, $0x2  }
0xc8: {  	s4 =	sand.u32 $0x4000, s31;
	s1 =	sadd.s32 s1, s30  }
0xc9: {  	s0 =	sor.u32 s4, s0;
	s1 =	sshll.u32 s1, $0x11  }
0xca: {  	s0 =	sor.u32 s1, s0  }
0xcb: {  	s0 =	sadd.s32 $0x8F2B, s0  }
0xcc: {  	[sflag:s0] =	ssyncadd.remote.s32 $0x1  }
0xcd: {  	_ =	sfence.sel $0xFFFF  }
0xce: {  	[dreg:$0x0] =	wrdreg $0xFFFFFFFF;
	(pc) =	sbr.abs _section_cstart, $3  }
0xcf: {  	[dreg:$0x1] =	wrdreg $0xFFFFFFFF  }
0xd0: {  	_ =	task.clear_ibuf [dreg:s22], $0x2FFFF;
	_ =	strace $0x9FFFFFFF  }
0xd1: {  	(tm) =	ssettm $0x7FFFFFFF  }
tec
execute0_lowered:
.L_overlay_start_1:
0x0: {  	(tag) =	ssettag $0x1  }
0x1: {  	s0 =	rddreg [dreg:$0x0]  }
0x2: {  	s1 =	rddreg [dreg:$0x1];
	s2 =	simm.s32 $0x0;
	s3 =	srdreg.scid  }
0x3: {  	s20 =	stileid.u32;
	s28 =	simm.s32 $0x80;
	s29 =	simm.s32 $0x180  }
0x4: {  	s30 =	simm.s32 $0x4180;
	s31 =	simm.s32 $0x1;
	s4 =	sadd.s32 $0x113200, s0  }
0x5: {  	[smem:$0x7FF] =	sst s2;
	s5 =	sadd.s32 $0x13B200, s0;
	s8 =	smul.u32 $0x280, s20  }
0x6: {  	s3 =	sand.u32 $0x1, s3;
	s6 =	sadd.s32 $0x1B3200, s0;
	s7 =	sadd.s32 $0x1DB200, s0  }
0x7: {  	s10 =	sadd.s32 $0xA200, s0;
	s11 =	sadd.s32 $0xCA00, s0;
	s13 =	smul.u32 $0x50000, s20  }
0x8: {  	s12 =	sadd.s32 $0x7A00, s0;
	s15 =	smul.u32 $0x1400, s20;
	s19 =	sadd.s32 $0xF200, s0  }
0x9: {  	_ =	strace $0x80000050;
	s9 =	smul.u32 $0x2800, s3;
	s14 =	ssub.s32 $0x2, s3  }
0xa: {  	p0 =	sne.s32 s3, $0x0;
	s3 =	simm.s32 $0x2;
	s16 =	sshrl.u32 s14, $0x1  }
0xb: {  	s13 =	sshrl.u32 s13, $0x2;
	s23 =	sshrl.u32 s15, $0x3;
	s9 =	sadd.s32 s8, s9  }
0xc: {  	s25 =	ssub.s32 s14, s16;
	s15 =	sadd.s32 s10, s23;
	s24 =	sadd.s32 $0x270, s23  }
0xd: {  	s26 =	sadd.s32 $0x260, s23;
	s14 =	sadd.s32 s12, s23;
	[dreg:$0x3] =	wrdreg s15  }
0xe: {  	s16 =	sadd.s32 s8, s10;
	[dreg:$0x4] =	wrdreg s14;
	s17 =	sadd.s32 s11, s24  }
0xf: {  	s9 =	sshll.u32 s9, $0x4;
	s18 =	sadd.s32 s11, s26;
	[dreg:$0x5] =	wrdreg s17  }
0x10: {  	s21 =	sadd.s32 s10, s24;
	s22 =	sadd.s32 s19, s24;
	[dreg:$0x6] =	wrdreg s18  }
0x11: {  	s23 =	sadd.s32 s19, s26;
	s24 =	sadd.s32 s12, s24;
	[dreg:$0x7] =	wrdreg s21  }
0x12: {  	s19 =	sadd.s32 s8, s19;
	s26 =	sshll.u32 s20, $0x6;
	[dreg:$0x8] =	wrdreg s22  }
.Ltmp0:
0x13: {  	s20 =	sadd.s32 $0x16A00, s0;
	[dreg:$0x9] =	wrdreg s23;
	(pc) =	sbr.rel .LBB2_1-.Ltmp0, $4  }
0x14: {  	s25 =	smax.u32 s25, $0x1;
	s9 =	sadd.s32 s9, s0;
	[dreg:$0xa] =	wrdreg s24  }
0x15: {  	s17 =	sadd.s32 s8, s11;
	s18 =	sadd.s32 s8, s12;
	s21 =	sadd.s32 s13, s1  }
0x16: {  	s22 =	sor.u32 $0x1C03, s26;
	s26 =	simm.s32 $0x3;
	s0 =	simm.s32 $0x100  }
0x17: {  	s8 =	simm.s32 $0x0;
	s23 =	sadd.s32 $0x203200, s9;
	s24 =	sadd.s32 $0x253200, s9  }
.LBB2_14:
0x18: {  	s11 =	sadd.s32 $0x10, s12;
	[sflag:s26] =	ssyncadd.s32 $0xFFFFC000  }
0x19: {  	[tilespmem:s28], [sflag:$0x3] =	stream.linear.gather [hbm4b:s11+s2], $0x80, $0x38;
	[tilespmem:$0x1C180] =	vst v63  }
0x1a: {  	_ =	swait.ge [sflag:s26], $0x80  }
0x1b: {  	[sflag:s26] =	ssyncset.done $0x0  }
0x1c: {  	[sflag:s26] =	ssyncadd.s32 $0xFFFFFF80  }
0x1d: {  	[tilespmem:s30], [sflag:$0x2] =	stream.indirect.gather [hbm4b:s7+s28], $0x80, s28, s28, $0xb8;
	[tilespmem:$0x1C180] =	vst v63  }
0x1e: {  	_ =	swait.ge [sflag:s31], $0x4000  }
0x1f: {  	[sflag:s31] =	ssyncset.done $0x0  }
0x20: {  	s10 =	sadd.s32 s10, s19;
	[sflag:s31] =	ssyncadd.s32 $0xFFFFC000  }
0x21: {  	[tilespmem:s0], [sflag:$0x3] =	stream.linear.gather [hbm4b:s10+s2], $0x80, $0x38;
	[tilespmem:$0x1C180] =	vst v63  }
0x22: {  	_ =	swait.ge [sflag:s26], $0x80  }
0x23: {  	[sflag:s26] =	ssyncset.done $0x0  }
0x24: {  	[sflag:s26] =	ssyncadd.s32 $0xFFFFFF80  }
0x25: {  	[spmem:s1] =	stream.indirect.scatter.add.f32 [tilespmem:s29], [sflag:$0x3], $0x80, s0, s28, $0xb8;
	[tilespmem:$0x1C180] =	vst v63  }
0x26: {  	_ =	swait.ge [sflag:s26], $0x4000  }
0x27: {  	[sflag:s26] =	ssyncset.done $0x0  }
0x28: {  	s15 =	sadd.s32 $0x20, s12;
	[sflag:s26] =	ssyncadd.s32 $0xFFFFC000  }
0x29: {  	[tilespmem:s2], [sflag:$0x3] =	stream.linear.gather [hbm4b:s15+s2], $0x80, $0x38;
	[tilespmem:$0x1C180] =	vst v63  }
0x2a: {  	_ =	swait.ge [sflag:s26], $0x80  }
0x2b: {  	[sflag:s26] =	ssyncset.done $0x0  }
0x2c: {  	[sflag:s26] =	ssyncadd.s32 $0xFFFFFF80  }
0x2d: {  	[tilespmem:s29], [sflag:$0x1] =	stream.indirect.gather [hbm4b:s7+s28], $0x80, s2, s28, $0xb8;
	[tilespmem:$0x1C180] =	vst v63  }
0x2e: {  	_ =	swait.ge [sflag:s3], $0x4000  }
0x2f: {  	[sflag:s3] =	ssyncset.done $0x0  }
0x30: {  	s10 =	sadd.s32 $0x10, s10;
	[sflag:s3] =	ssyncadd.s32 $0xFFFFC000  }
0x31: {  	[tilespmem:s0], [sflag:$0x3] =	stream.linear.gather [hbm4b:s10+s2], $0x80, $0x38;
	[tilespmem:$0x1C180] =	vst v63  }
0x32: {  	_ =	swait.ge [sflag:s26], $0x80  }
0x33: {  	[sflag:s26] =	ssyncset.done $0x0  }
0x34: {  	[sflag:s26] =	ssyncadd.s32 $0xFFFFFF80  }
0x35: {  	[spmem:s1] =	stream.indirect.scatter.add.f32 [tilespmem:s30], [sflag:$0x3], $0x80, s0, s28, $0xb8;
	[tilespmem:$0x1C180] =	vst v63  }
0x36: {  	_ =	swait.ge [sflag:s26], $0x4000  }
0x37: {  	[sflag:s26] =	ssyncset.done $0x0  }
0x38: {  	s10 =	smov.u32 s7;
	[sflag:s26] =	ssyncadd.s32 $0xFFFFC000  }
.LBB2_15:
0x39: {  	s11 =	rddreg [dreg:$0xa]  }
0x3a: {  	[tilespmem:s28], [sflag:$0x3] =	stream.linear.gather [hbm4b:s11+s2], $0x80, $0x38;
	[tilespmem:$0x1C180] =	vst v63  }
0x3b: {  	_ =	swait.ge [sflag:s26], $0x80  }
0x3c: {  	[sflag:s26] =	ssyncset.done $0x0  }
0x3d: {  	[sflag:s26] =	ssyncadd.s32 $0xFFFFFF80  }
0x3e: {  	[tilespmem:s30], [sflag:$0x2] =	stream.indirect.gather [hbm4b:s10+s28], $0x80, s28, s28, $0xb8;
	[tilespmem:$0x1C180] =	vst v63  }
0x3f: {  	_ =	swait.ge [sflag:s31], $0x4000  }
0x40: {  	[sflag:s31] =	ssyncset.done $0x0  }
0x41: {  	s14 =	rddreg [dreg:$0x9];
	[sflag:s31] =	ssyncadd.s32 $0xFFFFC000  }
0x42: {  	[tilespmem:s0], [sflag:$0x3] =	stream.linear.gather [hbm4b:s14+s2], $0x80, $0x38;
	[tilespmem:$0x1C180] =	vst v63  }
0x43: {  	_ =	swait.ge [sflag:s26], $0x80  }
0x44: {  	[sflag:s26] =	ssyncset.done $0x0  }
0x45: {  	[sflag:s26] =	ssyncadd.s32 $0xFFFFFF80  }
0x46: {  	[spmem:s1] =	stream.indirect.scatter.add.f32 [tilespmem:s29], [sflag:$0x3], $0x80, s0, s28, $0xb8;
	[tilespmem:$0x1C180] =	vst v63  }
0x47: {  	_ =	swait.ge [sflag:s26], $0x4000  }
0x48: {  	[sflag:s26] =	ssyncset.done $0x0  }
0x49: {  	[sflag:s26] =	ssyncadd.s32 $0xFFFFC000  }
0x4a: {  	_ =	swait.ge [sflag:s3], $0x4000  }
0x4b: {  	[sflag:s3] =	ssyncset.done $0x0  }
0x4c: {  	s15 =	rddreg [dreg:$0x8];
	[sflag:s3] =	ssyncadd.s32 $0xFFFFC000  }
0x4d: {  	[tilespmem:s0], [sflag:$0x3] =	stream.linear.gather [hbm4b:s15+s2], $0x80, $0x38;
	[tilespmem:$0x1C180] =	vst v63  }
0x4e: {  	_ =	swait.ge [sflag:s26], $0x80  }
0x4f: {  	[sflag:s26] =	ssyncset.done $0x0  }
0x50: {  	[sflag:s26] =	ssyncadd.s32 $0xFFFFFF80  }
0x51: {  	[spmem:s1] =	stream.indirect.scatter.add.f32 [tilespmem:s30], [sflag:$0x3], $0x80, s0, s28, $0xb8;
	[tilespmem:$0x1C180] =	vst v63  }
0x52: {  	_ =	swait.ge [sflag:s26], $0x4000  }
0x53: {  	[sflag:s26] =	ssyncset.done $0x0  }
0x54: {  	s8 =	sadd.s32 $0x1, s8;
	[sflag:s26] =	ssyncadd.s32 $0xFFFFC000  }
0x55: {  	p1 =	sne.s32 s8, s25;
	[bflag:$0x0] =	sbarrier.arrive $0xFFFF  }
0x56: {  	[hbm:s24], [sflag:s22] =	dma.local [spmem:s9], $0x2800  }
.Ltmp1:
0x57: {  	_ =	swait.ge [sflag:s26], $0x2800;
	(pc) =	sbr.rel @!p1 .LBB2_16-.Ltmp1, $3  }
0x58: {  	[sflag:s26] =	ssyncset.done $0x0  }
0x59: {  	[sflag:s26] =	ssyncadd.s32 $0xFFFFD800  }
0x5a: {  	[bflag:$0x0] =	sbarrier.arrive $0xFFFF;
	_ =	sdelay $0x1  }
.LBB2_1:
0x5b: {  	s9 =	sshrl.u32 s21, $0x3  }
0x5c: {  	[spmem:s9], [sflag:s22] =	dma.local [hbm:s20], $0x2800  }
0x5d: {  	_ =	swait.ge [sflag:s26], $0x2800  }
0x5e: {  	[sflag:s26] =	ssyncset.done $0x0  }
0x5f: {  	[sflag:s26] =	ssyncadd.s32 $0xFFFFD800  }
0x60: {  	[bflag:$0x0] =	sbarrier.arrive $0xFFFF  }
.Ltmp2:
0x61: {  	s10 =	rddreg [dreg:$0x3];
	(pc) =	sbr.rel @p0 .LBB2_5-.Ltmp2, $4  }
0x62: {  	[tilespmem:s2], [sflag:$0x3] =	stream.linear.gather [hbm4b:s10+s2], $0x80, $0x38;
	[tilespmem:$0x1C180] =	vst v63  }
0x63: {  	_ =	swait.ge [sflag:s26], $0x80  }
0x64: {  	[sflag:s26] =	ssyncset.done $0x0  }
0x65: {  	s10 =	simm.s32 $0x0;
	[sflag:s26] =	ssyncadd.s32 $0xFFFFFF80  }
0x66: {  	[tilespmem:s29], [sflag:$0x1] =	stream.indirect.gather [hbm4b:s4+s28], $0x80, s10, s28, $0xb8;
	[tilespmem:$0x1C180] =	vst v63  }
0x67: {  	s13 =	sadd.s32 $0x0, s16  }
0x68: {  	s11 =	sadd.s32 $0x10, s13  }
0x69: {  	[tilespmem:s28], [sflag:$0x3] =	stream.linear.gather [hbm4b:s11+s2], $0x80, $0x38;
	[tilespmem:$0x1C180] =	vst v63  }
0x6a: {  	_ =	swait.ge [sflag:s26], $0x80  }
0x6b: {  	[sflag:s26] =	ssyncset.done $0x0  }
0x6c: {  	[sflag:s26] =	ssyncadd.s32 $0xFFFFFF80  }
0x6d: {  	[tilespmem:s30], [sflag:$0x2] =	stream.indirect.gather [hbm4b:s4+s28], $0x80, s28, s28, $0xb8;
	[tilespmem:$0x1C180] =	vst v63  }
0x6e: {  	_ =	swait.ge [sflag:s31], $0x4000  }
0x6f: {  	[sflag:s31] =	ssyncset.done $0x0  }
0x70: {  	s14 =	sadd.s32 $0x0, s17;
	[sflag:s31] =	ssyncadd.s32 $0xFFFFC000  }
0x71: {  	[tilespmem:s0], [sflag:$0x3] =	stream.linear.gather [hbm4b:s14+s2], $0x80, $0x38;
	[tilespmem:$0x1C180] =	vst v63  }
0x72: {  	_ =	swait.ge [sflag:s26], $0x80  }
0x73: {  	[sflag:s26] =	ssyncset.done $0x0  }
0x74: {  	[sflag:s26] =	ssyncadd.s32 $0xFFFFFF80  }
0x75: {  	[spmem:s1] =	stream.indirect.scatter.add.f32 [tilespmem:s29], [sflag:$0x3], $0x80, s0, s28, $0xb8;
	[tilespmem:$0x1C180] =	vst v63  }
0x76: {  	_ =	swait.ge [sflag:s26], $0x4000  }
0x77: {  	[sflag:s26] =	ssyncset.done $0x0  }
0x78: {  	s10 =	sadd.s32 $0x20, s13;
	[sflag:s26] =	ssyncadd.s32 $0xFFFFC000  }
0x79: {  	[tilespmem:s2], [sflag:$0x3] =	stream.linear.gather [hbm4b:s10+s2], $0x80, $0x38;
	[tilespmem:$0x1C180] =	vst v63  }
0x7a: {  	_ =	swait.ge [sflag:s26], $0x80  }
0x7b: {  	[sflag:s26] =	ssyncset.done $0x0  }
0x7c: {  	[sflag:s26] =	ssyncadd.s32 $0xFFFFFF80  }
0x7d: {  	[tilespmem:s29], [sflag:$0x1] =	stream.indirect.gather [hbm4b:s4+s28], $0x80, s2, s28, $0xb8;
	[tilespmem:$0x1C180] =	vst v63  }
0x7e: {  	_ =	swait.ge [sflag:s3], $0x4000  }
0x7f: {  	[sflag:s3] =	ssyncset.done $0x0  }
0x80: {  	s15 =	sadd.s32 $0x10, s14;
	[sflag:s3] =	ssyncadd.s32 $0xFFFFC000  }
0x81: {  	[tilespmem:s0], [sflag:$0x3] =	stream.linear.gather [hbm4b:s15+s2], $0x80, $0x38;
	[tilespmem:$0x1C180] =	vst v63  }
0x82: {  	_ =	swait.ge [sflag:s26], $0x80  }
0x83: {  	[sflag:s26] =	ssyncset.done $0x0  }
0x84: {  	[sflag:s26] =	ssyncadd.s32 $0xFFFFFF80  }
0x85: {  	[spmem:s1] =	stream.indirect.scatter.add.f32 [tilespmem:s30], [sflag:$0x3], $0x80, s0, s28, $0xb8;
	[tilespmem:$0x1C180] =	vst v63  }
0x86: {  	s12 =	sadd.s32 $0x20, s16;
	_ =	swait.ge [sflag:s26], $0x4000  }
0x87: {  	s11 =	simm.s32 $0x40;
	s10 =	simm.s32 $0x20;
	[sflag:s26] =	ssyncset.done $0x0  }
.LBB2_3:
0x88: {  	s14 =	sadd.s32 $0x10, s12  }
0x89: {  	[sflag:s26] =	ssyncadd.s32 $0xFFFFC000;
	s15 =	smov.u32 s11;
	s13 =	sadd.s32 $0x20, s11  }
0x8a: {  	[tilespmem:s28], [sflag:$0x3] =	stream.linear.gather [hbm4b:s14+s2], $0x80, $0x38;
	[tilespmem:$0x1C180] =	vst v63  }
0x8b: {  	p1 =	seq.s32 s11, $0x240;
	_ =	swait.ge [sflag:s26], $0x80  }
0x8c: {  	[sflag:s26] =	ssyncset.done $0x0  }
0x8d: {  	[sflag:s26] =	ssyncadd.s32 $0xFFFFFF80  }
0x8e: {  	[tilespmem:s30], [sflag:$0x2] =	stream.indirect.gather [hbm4b:s4+s28], $0x80, s28, s28, $0xb8;
	[tilespmem:$0x1C180] =	vst v63  }
0x8f: {  	_ =	swait.ge [sflag:s31], $0x4000  }
0x90: {  	[sflag:s31] =	ssyncset.done $0x0  }
0x91: {  	s11 =	sadd.s32 s10, s17;
	s10 =	smov.u32 s15;
	[sflag:s31] =	ssyncadd.s32 $0xFFFFC000  }
0x92: {  	[tilespmem:s0], [sflag:$0x3] =	stream.linear.gather [hbm4b:s11+s2], $0x80, $0x38;
	[tilespmem:$0x1C180] =	vst v63  }
0x93: {  	_ =	swait.ge [sflag:s26], $0x80  }
0x94: {  	[sflag:s26] =	ssyncset.done $0x0  }
0x95: {  	[sflag:s26] =	ssyncadd.s32 $0xFFFFFF80  }
0x96: {  	[spmem:s1] =	stream.indirect.scatter.add.f32 [tilespmem:s29], [sflag:$0x3], $0x80, s0, s28, $0xb8;
	[tilespmem:$0x1C180] =	vst v63  }
0x97: {  	_ =	swait.ge [sflag:s26], $0x4000  }
0x98: {  	[sflag:s26] =	ssyncset.done $0x0  }
0x99: {  	s12 =	sadd.s32 $0x20, s12;
	[sflag:s26] =	ssyncadd.s32 $0xFFFFC000  }
0x9a: {  	[tilespmem:s2], [sflag:$0x3] =	stream.linear.gather [hbm4b:s12+s2], $0x80, $0x38;
	[tilespmem:$0x1C180] =	vst v63  }
0x9b: {  	_ =	swait.ge [sflag:s26], $0x80  }
0x9c: {  	[sflag:s26] =	ssyncset.done $0x0  }
0x9d: {  	[sflag:s26] =	ssyncadd.s32 $0xFFFFFF80  }
0x9e: {  	[tilespmem:s29], [sflag:$0x1] =	stream.indirect.gather [hbm4b:s4+s28], $0x80, s2, s28, $0xb8;
	[tilespmem:$0x1C180] =	vst v63  }
0x9f: {  	_ =	swait.ge [sflag:s3], $0x4000  }
0xa0: {  	[sflag:s3] =	ssyncset.done $0x0  }
0xa1: {  	s11 =	sadd.s32 $0x10, s11;
	[sflag:s3] =	ssyncadd.s32 $0xFFFFC000  }
0xa2: {  	[tilespmem:s0], [sflag:$0x3] =	stream.linear.gather [hbm4b:s11+s2], $0x80, $0x38;
	[tilespmem:$0x1C180] =	vst v63  }
0xa3: {  	_ =	swait.ge [sflag:s26], $0x80  }
.Ltmp3:
0xa4: {  	[sflag:s26] =	ssyncset.done $0x0;
	(pc) =	sbr.rel @!p1 .LBB2_3-.Ltmp3, $4  }
0xa5: {  	[sflag:s26] =	ssyncadd.s32 $0xFFFFFF80  }
0xa6: {  	[spmem:s1] =	stream.indirect.scatter.add.f32 [tilespmem:s30], [sflag:$0x3], $0x80, s0, s28, $0xb8;
	[tilespmem:$0x1C180] =	vst v63  }
0xa7: {  	_ =	swait.ge [sflag:s26], $0x4000  }
0xa8: {  	s12 =	sadd.s32 s10, s16;
	s11 =	smov.u32 s13;
	[sflag:s26] =	ssyncset.done $0x0  }
0xa9: {  	s11 =	sadd.s32 $0x10, s12;
	[sflag:s26] =	ssyncadd.s32 $0xFFFFC000  }
0xaa: {  	[tilespmem:s28], [sflag:$0x3] =	stream.linear.gather [hbm4b:s11+s2], $0x80, $0x38;
	[tilespmem:$0x1C180] =	vst v63  }
0xab: {  	_ =	swait.ge [sflag:s26], $0x80  }
0xac: {  	[sflag:s26] =	ssyncset.done $0x0  }
0xad: {  	[sflag:s26] =	ssyncadd.s32 $0xFFFFFF80  }
0xae: {  	[tilespmem:s30], [sflag:$0x2] =	stream.indirect.gather [hbm4b:s4+s28], $0x80, s28, s28, $0xb8;
	[tilespmem:$0x1C180] =	vst v63  }
0xaf: {  	_ =	swait.ge [sflag:s31], $0x4000  }
0xb0: {  	[sflag:s31] =	ssyncset.done $0x0  }
0xb1: {  	s10 =	sadd.s32 s10, s17;
	[sflag:s31] =	ssyncadd.s32 $0xFFFFC000  }
0xb2: {  	[tilespmem:s0], [sflag:$0x3] =	stream.linear.gather [hbm4b:s10+s2], $0x80, $0x38;
	[tilespmem:$0x1C180] =	vst v63  }
0xb3: {  	_ =	swait.ge [sflag:s26], $0x80  }
0xb4: {  	[sflag:s26] =	ssyncset.done $0x0  }
0xb5: {  	[sflag:s26] =	ssyncadd.s32 $0xFFFFFF80  }
0xb6: {  	[spmem:s1] =	stream.indirect.scatter.add.f32 [tilespmem:s29], [sflag:$0x3], $0x80, s0, s28, $0xb8;
	[tilespmem:$0x1C180] =	vst v63  }
0xb7: {  	_ =	swait.ge [sflag:s26], $0x4000  }
0xb8: {  	[sflag:s26] =	ssyncset.done $0x0  }
0xb9: {  	s15 =	sadd.s32 $0x20, s12;
	[sflag:s26] =	ssyncadd.s32 $0xFFFFC000  }
0xba: {  	[tilespmem:s2], [sflag:$0x3] =	stream.linear.gather [hbm4b:s15+s2], $0x80, $0x38;
	[tilespmem:$0x1C180] =	vst v63  }
0xbb: {  	_ =	swait.ge [sflag:s26], $0x80  }
0xbc: {  	[sflag:s26] =	ssyncset.done $0x0  }
0xbd: {  	[sflag:s26] =	ssyncadd.s32 $0xFFFFFF80  }
0xbe: {  	[tilespmem:s29], [sflag:$0x1] =	stream.indirect.gather [hbm4b:s4+s28], $0x80, s2, s28, $0xb8;
	[tilespmem:$0x1C180] =	vst v63  }
0xbf: {  	_ =	swait.ge [sflag:s3], $0x4000  }
0xc0: {  	[sflag:s3] =	ssyncset.done $0x0  }
0xc1: {  	s10 =	sadd.s32 $0x10, s10;
	[sflag:s3] =	ssyncadd.s32 $0xFFFFC000  }
0xc2: {  	[tilespmem:s0], [sflag:$0x3] =	stream.linear.gather [hbm4b:s10+s2], $0x80, $0x38;
	[tilespmem:$0x1C180] =	vst v63  }
0xc3: {  	_ =	swait.ge [sflag:s26], $0x80  }
0xc4: {  	[sflag:s26] =	ssyncset.done $0x0  }
.Ltmp4:
0xc5: {  	[sflag:s26] =	ssyncadd.s32 $0xFFFFFF80;
	(pc) =	sbr.rel .LBB2_8-.Ltmp4, $4  }
0xc6: {  	[spmem:s1] =	stream.indirect.scatter.add.f32 [tilespmem:s30], [sflag:$0x3], $0x80, s0, s28, $0xb8;
	[tilespmem:$0x1C180] =	vst v63  }
0xc7: {  	_ =	swait.ge [sflag:s26], $0x4000  }
0xc8: {  	[sflag:s26] =	ssyncset.done $0x0  }
0xc9: {  	s10 =	smov.u32 s4;
	[sflag:s26] =	ssyncadd.s32 $0xFFFFC000  }
.LBB2_5:
0xca: {  	[tilespmem:s29], [sflag:$0x1] =	stream.indirect.gather [hbm4b:s5+s28], $0x80, s10, s28, $0xb8;
	[tilespmem:$0x1C180] =	vst v63  }
0xcb: {  	s13 =	sadd.s32 $0x0, s16  }
0xcc: {  	s11 =	sadd.s32 $0x10, s13  }
0xcd: {  	[tilespmem:s28], [sflag:$0x3] =	stream.linear.gather [hbm4b:s11+s2], $0x80, $0x38;
	[tilespmem:$0x1C180] =	vst v63  }
0xce: {  	_ =	swait.ge [sflag:s26], $0x80  }
0xcf: {  	[sflag:s26] =	ssyncset.done $0x0  }
0xd0: {  	[sflag:s26] =	ssyncadd.s32 $0xFFFFFF80  }
0xd1: {  	[tilespmem:s30], [sflag:$0x2] =	stream.indirect.gather [hbm4b:s5+s28], $0x80, s28, s28, $0xb8;
	[tilespmem:$0x1C180] =	vst v63  }
0xd2: {  	_ =	swait.ge [sflag:s31], $0x4000  }
0xd3: {  	[sflag:s31] =	ssyncset.done $0x0  }
0xd4: {  	s14 =	sadd.s32 $0x0, s17;
	[sflag:s31] =	ssyncadd.s32 $0xFFFFC000  }
0xd5: {  	[tilespmem:s0], [sflag:$0x3] =	stream.linear.gather [hbm4b:s14+s2], $0x80, $0x38;
	[tilespmem:$0x1C180] =	vst v63  }
0xd6: {  	_ =	swait.ge [sflag:s26], $0x80  }
0xd7: {  	[sflag:s26] =	ssyncset.done $0x0  }
0xd8: {  	[sflag:s26] =	ssyncadd.s32 $0xFFFFFF80  }
0xd9: {  	[spmem:s1] =	stream.indirect.scatter.add.f32 [tilespmem:s29], [sflag:$0x3], $0x80, s0, s28, $0xb8;
	[tilespmem:$0x1C180] =	vst v63  }
0xda: {  	_ =	swait.ge [sflag:s26], $0x4000  }
0xdb: {  	[sflag:s26] =	ssyncset.done $0x0  }
0xdc: {  	s10 =	sadd.s32 $0x20, s13;
	[sflag:s26] =	ssyncadd.s32 $0xFFFFC000  }
0xdd: {  	[tilespmem:s2], [sflag:$0x3] =	stream.linear.gather [hbm4b:s10+s2], $0x80, $0x38;
	[tilespmem:$0x1C180] =	vst v63  }
0xde: {  	_ =	swait.ge [sflag:s26], $0x80  }
0xdf: {  	[sflag:s26] =	ssyncset.done $0x0  }
0xe0: {  	[sflag:s26] =	ssyncadd.s32 $0xFFFFFF80  }
0xe1: {  	[tilespmem:s29], [sflag:$0x1] =	stream.indirect.gather [hbm4b:s5+s28], $0x80, s2, s28, $0xb8;
	[tilespmem:$0x1C180] =	vst v63  }
0xe2: {  	_ =	swait.ge [sflag:s3], $0x4000  }
0xe3: {  	[sflag:s3] =	ssyncset.done $0x0  }
0xe4: {  	s15 =	sadd.s32 $0x10, s14;
	[sflag:s3] =	ssyncadd.s32 $0xFFFFC000  }
0xe5: {  	[tilespmem:s0], [sflag:$0x3] =	stream.linear.gather [hbm4b:s15+s2], $0x80, $0x38;
	[tilespmem:$0x1C180] =	vst v63  }
0xe6: {  	_ =	swait.ge [sflag:s26], $0x80  }
0xe7: {  	[sflag:s26] =	ssyncset.done $0x0  }
0xe8: {  	[sflag:s26] =	ssyncadd.s32 $0xFFFFFF80  }
0xe9: {  	[spmem:s1] =	stream.indirect.scatter.add.f32 [tilespmem:s30], [sflag:$0x3], $0x80, s0, s28, $0xb8;
	[tilespmem:$0x1C180] =	vst v63  }
0xea: {  	s12 =	sadd.s32 $0x20, s16;
	_ =	swait.ge [sflag:s26], $0x4000  }
0xeb: {  	s13 =	simm.s32 $0x40;
	s10 =	simm.s32 $0x20;
	[sflag:s26] =	ssyncset.done $0x0  }
.LBB2_6:
0xec: {  	s14 =	sadd.s32 $0x10, s12  }
0xed: {  	[sflag:s26] =	ssyncadd.s32 $0xFFFFC000;
	s15 =	smov.u32 s13;
	s11 =	sadd.s32 $0x20, s13  }
0xee: {  	[tilespmem:s28], [sflag:$0x3] =	stream.linear.gather [hbm4b:s14+s2], $0x80, $0x38;
	[tilespmem:$0x1C180] =	vst v63  }
0xef: {  	p1 =	sne.s32 s13, $0x240;
	_ =	swait.ge [sflag:s26], $0x80  }
0xf0: {  	[sflag:s26] =	ssyncset.done $0x0  }
0xf1: {  	[sflag:s26] =	ssyncadd.s32 $0xFFFFFF80  }
0xf2: {  	[tilespmem:s30], [sflag:$0x2] =	stream.indirect.gather [hbm4b:s5+s28], $0x80, s28, s28, $0xb8;
	[tilespmem:$0x1C180] =	vst v63  }
0xf3: {  	_ =	swait.ge [sflag:s31], $0x4000  }
0xf4: {  	[sflag:s31] =	ssyncset.done $0x0  }
0xf5: {  	s13 =	sadd.s32 s10, s17;
	s10 =	smov.u32 s15;
	[sflag:s31] =	ssyncadd.s32 $0xFFFFC000  }
0xf6: {  	[tilespmem:s0], [sflag:$0x3] =	stream.linear.gather [hbm4b:s13+s2], $0x80, $0x38;
	[tilespmem:$0x1C180] =	vst v63  }
0xf7: {  	_ =	swait.ge [sflag:s26], $0x80  }
0xf8: {  	[sflag:s26] =	ssyncset.done $0x0  }
0xf9: {  	[sflag:s26] =	ssyncadd.s32 $0xFFFFFF80  }
0xfa: {  	[spmem:s1] =	stream.indirect.scatter.add.f32 [tilespmem:s29], [sflag:$0x3], $0x80, s0, s28, $0xb8;
	[tilespmem:$0x1C180] =	vst v63  }
0xfb: {  	_ =	swait.ge [sflag:s26], $0x4000  }
0xfc: {  	[sflag:s26] =	ssyncset.done $0x0  }
0xfd: {  	s12 =	sadd.s32 $0x20, s12;
	[sflag:s26] =	ssyncadd.s32 $0xFFFFC000  }
0xfe: {  	[tilespmem:s2], [sflag:$0x3] =	stream.linear.gather [hbm4b:s12+s2], $0x80, $0x38;
	[tilespmem:$0x1C180] =	vst v63  }
0xff: {  	_ =	swait.ge [sflag:s26], $0x80  }
0x100: {  	[sflag:s26] =	ssyncset.done $0x0  }
0x101: {  	[sflag:s26] =	ssyncadd.s32 $0xFFFFFF80  }
0x102: {  	[tilespmem:s29], [sflag:$0x1] =	stream.indirect.gather [hbm4b:s5+s28], $0x80, s2, s28, $0xb8;
	[tilespmem:$0x1C180] =	vst v63  }
0x103: {  	_ =	swait.ge [sflag:s3], $0x4000  }
0x104: {  	[sflag:s3] =	ssyncset.done $0x0  }
0x105: {  	s12 =	sadd.s32 $0x10, s13;
	[sflag:s3] =	ssyncadd.s32 $0xFFFFC000  }
0x106: {  	[tilespmem:s0], [sflag:$0x3] =	stream.linear.gather [hbm4b:s12+s2], $0x80, $0x38;
	[tilespmem:$0x1C180] =	vst v63  }
0x107: {  	_ =	swait.ge [sflag:s26], $0x80  }
.Ltmp5:
0x108: {  	[sflag:s26] =	ssyncset.done $0x0;
	(pc) =	sbr.rel @p1 .LBB2_6-.Ltmp5, $4  }
0x109: {  	[sflag:s26] =	ssyncadd.s32 $0xFFFFFF80  }
0x10a: {  	[spmem:s1] =	stream.indirect.scatter.add.f32 [tilespmem:s30], [sflag:$0x3], $0x80, s0, s28, $0xb8;
	[tilespmem:$0x1C180] =	vst v63  }
0x10b: {  	_ =	swait.ge [sflag:s26], $0x4000  }
0x10c: {  	s13 =	smov.u32 s11;
	s12 =	sadd.s32 s10, s16;
	[sflag:s26] =	ssyncset.done $0x0  }
0x10d: {  	s11 =	sadd.s32 $0x10, s12;
	[sflag:s26] =	ssyncadd.s32 $0xFFFFC000  }
0x10e: {  	[tilespmem:s28], [sflag:$0x3] =	stream.linear.gather [hbm4b:s11+s2], $0x80, $0x38;
	[tilespmem:$0x1C180] =	vst v63  }
0x10f: {  	_ =	swait.ge [sflag:s26], $0x80  }
0x110: {  	[sflag:s26] =	ssyncset.done $0x0  }
0x111: {  	[sflag:s26] =	ssyncadd.s32 $0xFFFFFF80  }
0x112: {  	[tilespmem:s30], [sflag:$0x2] =	stream.indirect.gather [hbm4b:s5+s28], $0x80, s28, s28, $0xb8;
	[tilespmem:$0x1C180] =	vst v63  }
0x113: {  	_ =	swait.ge [sflag:s31], $0x4000  }
0x114: {  	[sflag:s31] =	ssyncset.done $0x0  }
0x115: {  	s10 =	sadd.s32 s10, s17;
	[sflag:s31] =	ssyncadd.s32 $0xFFFFC000  }
0x116: {  	[tilespmem:s0], [sflag:$0x3] =	stream.linear.gather [hbm4b:s10+s2], $0x80, $0x38;
	[tilespmem:$0x1C180] =	vst v63  }
0x117: {  	_ =	swait.ge [sflag:s26], $0x80  }
0x118: {  	[sflag:s26] =	ssyncset.done $0x0  }
0x119: {  	[sflag:s26] =	ssyncadd.s32 $0xFFFFFF80  }
0x11a: {  	[spmem:s1] =	stream.indirect.scatter.add.f32 [tilespmem:s29], [sflag:$0x3], $0x80, s0, s28, $0xb8;
	[tilespmem:$0x1C180] =	vst v63  }
0x11b: {  	_ =	swait.ge [sflag:s26], $0x4000  }
0x11c: {  	[sflag:s26] =	ssyncset.done $0x0  }
0x11d: {  	s15 =	sadd.s32 $0x20, s12;
	[sflag:s26] =	ssyncadd.s32 $0xFFFFC000  }
0x11e: {  	[tilespmem:s2], [sflag:$0x3] =	stream.linear.gather [hbm4b:s15+s2], $0x80, $0x38;
	[tilespmem:$0x1C180] =	vst v63  }
0x11f: {  	_ =	swait.ge [sflag:s26], $0x80  }
0x120: {  	[sflag:s26] =	ssyncset.done $0x0  }
0x121: {  	[sflag:s26] =	ssyncadd.s32 $0xFFFFFF80  }
0x122: {  	[tilespmem:s29], [sflag:$0x1] =	stream.indirect.gather [hbm4b:s5+s28], $0x80, s2, s28, $0xb8;
	[tilespmem:$0x1C180] =	vst v63  }
0x123: {  	_ =	swait.ge [sflag:s3], $0x4000  }
0x124: {  	[sflag:s3] =	ssyncset.done $0x0  }
0x125: {  	s10 =	sadd.s32 $0x10, s10;
	[sflag:s3] =	ssyncadd.s32 $0xFFFFC000  }
0x126: {  	[tilespmem:s0], [sflag:$0x3] =	stream.linear.gather [hbm4b:s10+s2], $0x80, $0x38;
	[tilespmem:$0x1C180] =	vst v63  }
0x127: {  	_ =	swait.ge [sflag:s26], $0x80  }
0x128: {  	[sflag:s26] =	ssyncset.done $0x0  }
0x129: {  	[sflag:s26] =	ssyncadd.s32 $0xFFFFFF80  }
0x12a: {  	[spmem:s1] =	stream.indirect.scatter.add.f32 [tilespmem:s30], [sflag:$0x3], $0x80, s0, s28, $0xb8;
	[tilespmem:$0x1C180] =	vst v63  }
0x12b: {  	_ =	swait.ge [sflag:s26], $0x4000  }
0x12c: {  	[sflag:s26] =	ssyncset.done $0x0  }
0x12d: {  	s10 =	smov.u32 s5;
	[sflag:s26] =	ssyncadd.s32 $0xFFFFC000  }
.LBB2_8:
0x12e: {  	s11 =	rddreg [dreg:$0x7]  }
0x12f: {  	[tilespmem:s28], [sflag:$0x3] =	stream.linear.gather [hbm4b:s11+s2], $0x80, $0x38;
	[tilespmem:$0x1C180] =	vst v63  }
0x130: {  	_ =	swait.ge [sflag:s26], $0x80  }
0x131: {  	[sflag:s26] =	ssyncset.done $0x0  }
0x132: {  	[sflag:s26] =	ssyncadd.s32 $0xFFFFFF80  }
0x133: {  	[tilespmem:s30], [sflag:$0x2] =	stream.indirect.gather [hbm4b:s10+s28], $0x80, s28, s28, $0xb8;
	[tilespmem:$0x1C180] =	vst v63  }
0x134: {  	_ =	swait.ge [sflag:s31], $0x4000  }
0x135: {  	[sflag:s31] =	ssyncset.done $0x0  }
0x136: {  	s13 =	rddreg [dreg:$0x6];
	[sflag:s31] =	ssyncadd.s32 $0xFFFFC000  }
0x137: {  	[tilespmem:s0], [sflag:$0x3] =	stream.linear.gather [hbm4b:s13+s2], $0x80, $0x38;
	[tilespmem:$0x1C180] =	vst v63  }
0x138: {  	_ =	swait.ge [sflag:s26], $0x80  }
0x139: {  	[sflag:s26] =	ssyncset.done $0x0  }
0x13a: {  	[sflag:s26] =	ssyncadd.s32 $0xFFFFFF80  }
0x13b: {  	[spmem:s1] =	stream.indirect.scatter.add.f32 [tilespmem:s29], [sflag:$0x3], $0x80, s0, s28, $0xb8;
	[tilespmem:$0x1C180] =	vst v63  }
0x13c: {  	_ =	swait.ge [sflag:s26], $0x4000  }
0x13d: {  	[sflag:s26] =	ssyncset.done $0x0  }
0x13e: {  	[sflag:s26] =	ssyncadd.s32 $0xFFFFC000  }
0x13f: {  	_ =	swait.ge [sflag:s3], $0x4000  }
0x140: {  	[sflag:s3] =	ssyncset.done $0x0  }
0x141: {  	s14 =	rddreg [dreg:$0x5];
	[sflag:s3] =	ssyncadd.s32 $0xFFFFC000  }
0x142: {  	[tilespmem:s0], [sflag:$0x3] =	stream.linear.gather [hbm4b:s14+s2], $0x80, $0x38;
	[tilespmem:$0x1C180] =	vst v63  }
0x143: {  	_ =	swait.ge [sflag:s26], $0x80  }
0x144: {  	[sflag:s26] =	ssyncset.done $0x0  }
0x145: {  	[sflag:s26] =	ssyncadd.s32 $0xFFFFFF80  }
0x146: {  	[spmem:s1] =	stream.indirect.scatter.add.f32 [tilespmem:s30], [sflag:$0x3], $0x80, s0, s28, $0xb8;
	[tilespmem:$0x1C180] =	vst v63  }
0x147: {  	_ =	swait.ge [sflag:s26], $0x4000  }
0x148: {  	[sflag:s26] =	ssyncset.done $0x0  }
0x149: {  	[sflag:s26] =	ssyncadd.s32 $0xFFFFC000  }
0x14a: {  	[bflag:$0x0] =	sbarrier.arrive $0xFFFF  }
0x14b: {  	[hbm:s23], [sflag:s22] =	dma.local [spmem:s9], $0x2800  }
0x14c: {  	_ =	swait.ge [sflag:s26], $0x2800  }
0x14d: {  	[sflag:s26] =	ssyncset.done $0x0  }
0x14e: {  	[sflag:s26] =	ssyncadd.s32 $0xFFFFD800  }
0x14f: {  	[bflag:$0x0] =	sbarrier.arrive $0xFFFF  }
0x150: {  	[spmem:s9], [sflag:s22] =	dma.local [hbm:s20], $0x2800  }
0x151: {  	_ =	swait.ge [sflag:s26], $0x2800  }
0x152: {  	[sflag:s26] =	ssyncset.done $0x0  }
0x153: {  	[sflag:s26] =	ssyncadd.s32 $0xFFFFD800  }
0x154: {  	[bflag:$0x0] =	sbarrier.arrive $0xFFFF  }
.Ltmp6:
0x155: {  	s15 =	rddreg [dreg:$0x4];
	(pc) =	sbr.rel @p0 .LBB2_12-.Ltmp6, $4  }
0x156: {  	[tilespmem:s2], [sflag:$0x3] =	stream.linear.gather [hbm4b:s15+s2], $0x80, $0x38;
	[tilespmem:$0x1C180] =	vst v63  }
0x157: {  	_ =	swait.ge [sflag:s26], $0x80  }
0x158: {  	[sflag:s26] =	ssyncset.done $0x0  }
0x159: {  	s10 =	simm.s32 $0x0;
	[sflag:s26] =	ssyncadd.s32 $0xFFFFFF80  }
0x15a: {  	[tilespmem:s29], [sflag:$0x1] =	stream.indirect.gather [hbm4b:s6+s28], $0x80, s10, s28, $0xb8;
	[tilespmem:$0x1C180] =	vst v63  }
0x15b: {  	s13 =	sadd.s32 $0x0, s18  }
0x15c: {  	s11 =	sadd.s32 $0x10, s13  }
0x15d: {  	[tilespmem:s28], [sflag:$0x3] =	stream.linear.gather [hbm4b:s11+s2], $0x80, $0x38;
	[tilespmem:$0x1C180] =	vst v63  }
0x15e: {  	_ =	swait.ge [sflag:s26], $0x80  }
0x15f: {  	[sflag:s26] =	ssyncset.done $0x0  }
0x160: {  	[sflag:s26] =	ssyncadd.s32 $0xFFFFFF80  }
0x161: {  	[tilespmem:s30], [sflag:$0x2] =	stream.indirect.gather [hbm4b:s6+s28], $0x80, s28, s28, $0xb8;
	[tilespmem:$0x1C180] =	vst v63  }
0x162: {  	_ =	swait.ge [sflag:s31], $0x4000  }
0x163: {  	[sflag:s31] =	ssyncset.done $0x0  }
0x164: {  	s14 =	sadd.s32 $0x0, s19;
	[sflag:s31] =	ssyncadd.s32 $0xFFFFC000  }
0x165: {  	[tilespmem:s0], [sflag:$0x3] =	stream.linear.gather [hbm4b:s14+s2], $0x80, $0x38;
	[tilespmem:$0x1C180] =	vst v63  }
0x166: {  	_ =	swait.ge [sflag:s26], $0x80  }
0x167: {  	[sflag:s26] =	ssyncset.done $0x0  }
0x168: {  	[sflag:s26] =	ssyncadd.s32 $0xFFFFFF80  }
0x169: {  	[spmem:s1] =	stream.indirect.scatter.add.f32 [tilespmem:s29], [sflag:$0x3], $0x80, s0, s28, $0xb8;
	[tilespmem:$0x1C180] =	vst v63  }
0x16a: {  	_ =	swait.ge [sflag:s26], $0x4000  }
0x16b: {  	[sflag:s26] =	ssyncset.done $0x0  }
0x16c: {  	s10 =	sadd.s32 $0x20, s13;
	[sflag:s26] =	ssyncadd.s32 $0xFFFFC000  }
0x16d: {  	[tilespmem:s2], [sflag:$0x3] =	stream.linear.gather [hbm4b:s10+s2], $0x80, $0x38;
	[tilespmem:$0x1C180] =	vst v63  }
0x16e: {  	_ =	swait.ge [sflag:s26], $0x80  }
0x16f: {  	[sflag:s26] =	ssyncset.done $0x0  }
0x170: {  	[sflag:s26] =	ssyncadd.s32 $0xFFFFFF80  }
0x171: {  	[tilespmem:s29], [sflag:$0x1] =	stream.indirect.gather [hbm4b:s6+s28], $0x80, s2, s28, $0xb8;
	[tilespmem:$0x1C180] =	vst v63  }
0x172: {  	_ =	swait.ge [sflag:s3], $0x4000  }
0x173: {  	[sflag:s3] =	ssyncset.done $0x0  }
0x174: {  	s15 =	sadd.s32 $0x10, s14;
	[sflag:s3] =	ssyncadd.s32 $0xFFFFC000  }
0x175: {  	[tilespmem:s0], [sflag:$0x3] =	stream.linear.gather [hbm4b:s15+s2], $0x80, $0x38;
	[tilespmem:$0x1C180] =	vst v63  }
0x176: {  	_ =	swait.ge [sflag:s26], $0x80  }
0x177: {  	[sflag:s26] =	ssyncset.done $0x0  }
0x178: {  	[sflag:s26] =	ssyncadd.s32 $0xFFFFFF80  }
0x179: {  	[spmem:s1] =	stream.indirect.scatter.add.f32 [tilespmem:s30], [sflag:$0x3], $0x80, s0, s28, $0xb8;
	[tilespmem:$0x1C180] =	vst v63  }
0x17a: {  	s12 =	sadd.s32 $0x20, s18;
	_ =	swait.ge [sflag:s26], $0x4000  }
0x17b: {  	s13 =	simm.s32 $0x40;
	s10 =	simm.s32 $0x20;
	[sflag:s26] =	ssyncset.done $0x0  }
.LBB2_10:
0x17c: {  	s14 =	sadd.s32 $0x10, s12  }
0x17d: {  	[sflag:s26] =	ssyncadd.s32 $0xFFFFC000;
	s15 =	smov.u32 s13;
	s11 =	sadd.s32 $0x20, s13  }
0x17e: {  	[tilespmem:s28], [sflag:$0x3] =	stream.linear.gather [hbm4b:s14+s2], $0x80, $0x38;
	[tilespmem:$0x1C180] =	vst v63  }
0x17f: {  	p1 =	seq.s32 s13, $0x240;
	_ =	swait.ge [sflag:s26], $0x80  }
0x180: {  	[sflag:s26] =	ssyncset.done $0x0  }
0x181: {  	[sflag:s26] =	ssyncadd.s32 $0xFFFFFF80  }
0x182: {  	[tilespmem:s30], [sflag:$0x2] =	stream.indirect.gather [hbm4b:s6+s28], $0x80, s28, s28, $0xb8;
	[tilespmem:$0x1C180] =	vst v63  }
0x183: {  	_ =	swait.ge [sflag:s31], $0x4000  }
0x184: {  	[sflag:s31] =	ssyncset.done $0x0  }
0x185: {  	s13 =	sadd.s32 s10, s19;
	s10 =	smov.u32 s15;
	[sflag:s31] =	ssyncadd.s32 $0xFFFFC000  }
0x186: {  	[tilespmem:s0], [sflag:$0x3] =	stream.linear.gather [hbm4b:s13+s2], $0x80, $0x38;
	[tilespmem:$0x1C180] =	vst v63  }
0x187: {  	_ =	swait.ge [sflag:s26], $0x80  }
0x188: {  	[sflag:s26] =	ssyncset.done $0x0  }
0x189: {  	[sflag:s26] =	ssyncadd.s32 $0xFFFFFF80  }
0x18a: {  	[spmem:s1] =	stream.indirect.scatter.add.f32 [tilespmem:s29], [sflag:$0x3], $0x80, s0, s28, $0xb8;
	[tilespmem:$0x1C180] =	vst v63  }
0x18b: {  	_ =	swait.ge [sflag:s26], $0x4000  }
0x18c: {  	[sflag:s26] =	ssyncset.done $0x0  }
0x18d: {  	s12 =	sadd.s32 $0x20, s12;
	[sflag:s26] =	ssyncadd.s32 $0xFFFFC000  }
0x18e: {  	[tilespmem:s2], [sflag:$0x3] =	stream.linear.gather [hbm4b:s12+s2], $0x80, $0x38;
	[tilespmem:$0x1C180] =	vst v63  }
0x18f: {  	_ =	swait.ge [sflag:s26], $0x80  }
0x190: {  	[sflag:s26] =	ssyncset.done $0x0  }
0x191: {  	[sflag:s26] =	ssyncadd.s32 $0xFFFFFF80  }
0x192: {  	[tilespmem:s29], [sflag:$0x1] =	stream.indirect.gather [hbm4b:s6+s28], $0x80, s2, s28, $0xb8;
	[tilespmem:$0x1C180] =	vst v63  }
0x193: {  	_ =	swait.ge [sflag:s3], $0x4000  }
0x194: {  	[sflag:s3] =	ssyncset.done $0x0  }
0x195: {  	s12 =	sadd.s32 $0x10, s13;
	[sflag:s3] =	ssyncadd.s32 $0xFFFFC000  }
0x196: {  	[tilespmem:s0], [sflag:$0x3] =	stream.linear.gather [hbm4b:s12+s2], $0x80, $0x38;
	[tilespmem:$0x1C180] =	vst v63  }
0x197: {  	_ =	swait.ge [sflag:s26], $0x80  }
.Ltmp7:
0x198: {  	[sflag:s26] =	ssyncset.done $0x0;
	(pc) =	sbr.rel @!p1 .LBB2_10-.Ltmp7, $4  }
0x199: {  	[sflag:s26] =	ssyncadd.s32 $0xFFFFFF80  }
0x19a: {  	[spmem:s1] =	stream.indirect.scatter.add.f32 [tilespmem:s30], [sflag:$0x3], $0x80, s0, s28, $0xb8;
	[tilespmem:$0x1C180] =	vst v63  }
0x19b: {  	_ =	swait.ge [sflag:s26], $0x4000  }
0x19c: {  	s13 =	smov.u32 s11;
	s12 =	sadd.s32 s10, s18;
	[sflag:s26] =	ssyncset.done $0x0  }
0x19d: {  	s11 =	sadd.s32 $0x10, s12;
	[sflag:s26] =	ssyncadd.s32 $0xFFFFC000  }
0x19e: {  	[tilespmem:s28], [sflag:$0x3] =	stream.linear.gather [hbm4b:s11+s2], $0x80, $0x38;
	[tilespmem:$0x1C180] =	vst v63  }
0x19f: {  	_ =	swait.ge [sflag:s26], $0x80  }
0x1a0: {  	[sflag:s26] =	ssyncset.done $0x0  }
0x1a1: {  	[sflag:s26] =	ssyncadd.s32 $0xFFFFFF80  }
0x1a2: {  	[tilespmem:s30], [sflag:$0x2] =	stream.indirect.gather [hbm4b:s6+s28], $0x80, s28, s28, $0xb8;
	[tilespmem:$0x1C180] =	vst v63  }
0x1a3: {  	_ =	swait.ge [sflag:s31], $0x4000  }
0x1a4: {  	[sflag:s31] =	ssyncset.done $0x0  }
0x1a5: {  	s10 =	sadd.s32 s10, s19;
	[sflag:s31] =	ssyncadd.s32 $0xFFFFC000  }
0x1a6: {  	[tilespmem:s0], [sflag:$0x3] =	stream.linear.gather [hbm4b:s10+s2], $0x80, $0x38;
	[tilespmem:$0x1C180] =	vst v63  }
0x1a7: {  	_ =	swait.ge [sflag:s26], $0x80  }
0x1a8: {  	[sflag:s26] =	ssyncset.done $0x0  }
0x1a9: {  	[sflag:s26] =	ssyncadd.s32 $0xFFFFFF80  }
0x1aa: {  	[spmem:s1] =	stream.indirect.scatter.add.f32 [tilespmem:s29], [sflag:$0x3], $0x80, s0, s28, $0xb8;
	[tilespmem:$0x1C180] =	vst v63  }
0x1ab: {  	_ =	swait.ge [sflag:s26], $0x4000  }
0x1ac: {  	[sflag:s26] =	ssyncset.done $0x0  }
0x1ad: {  	s15 =	sadd.s32 $0x20, s12;
	[sflag:s26] =	ssyncadd.s32 $0xFFFFC000  }
0x1ae: {  	[tilespmem:s2], [sflag:$0x3] =	stream.linear.gather [hbm4b:s15+s2], $0x80, $0x38;
	[tilespmem:$0x1C180] =	vst v63  }
0x1af: {  	_ =	swait.ge [sflag:s26], $0x80  }
0x1b0: {  	[sflag:s26] =	ssyncset.done $0x0  }
0x1b1: {  	[sflag:s26] =	ssyncadd.s32 $0xFFFFFF80  }
0x1b2: {  	[tilespmem:s29], [sflag:$0x1] =	stream.indirect.gather [hbm4b:s6+s28], $0x80, s2, s28, $0xb8;
	[tilespmem:$0x1C180] =	vst v63  }
0x1b3: {  	_ =	swait.ge [sflag:s3], $0x4000  }
0x1b4: {  	[sflag:s3] =	ssyncset.done $0x0  }
0x1b5: {  	s10 =	sadd.s32 $0x10, s10;
	[sflag:s3] =	ssyncadd.s32 $0xFFFFC000  }
0x1b6: {  	[tilespmem:s0], [sflag:$0x3] =	stream.linear.gather [hbm4b:s10+s2], $0x80, $0x38;
	[tilespmem:$0x1C180] =	vst v63  }
0x1b7: {  	_ =	swait.ge [sflag:s26], $0x80  }
0x1b8: {  	[sflag:s26] =	ssyncset.done $0x0  }
.Ltmp8:
0x1b9: {  	[sflag:s26] =	ssyncadd.s32 $0xFFFFFF80;
	(pc) =	sbr.rel .LBB2_15-.Ltmp8, $4  }
0x1ba: {  	[spmem:s1] =	stream.indirect.scatter.add.f32 [tilespmem:s30], [sflag:$0x3], $0x80, s0, s28, $0xb8;
	[tilespmem:$0x1C180] =	vst v63  }
0x1bb: {  	_ =	swait.ge [sflag:s26], $0x4000  }
0x1bc: {  	[sflag:s26] =	ssyncset.done $0x0  }
0x1bd: {  	s10 =	smov.u32 s6;
	[sflag:s26] =	ssyncadd.s32 $0xFFFFC000  }
.LBB2_12:
0x1be: {  	[tilespmem:s29], [sflag:$0x1] =	stream.indirect.gather [hbm4b:s7+s28], $0x80, s10, s28, $0xb8;
	[tilespmem:$0x1C180] =	vst v63  }
0x1bf: {  	s13 =	sadd.s32 $0x0, s18  }
0x1c0: {  	s11 =	sadd.s32 $0x10, s13  }
0x1c1: {  	[tilespmem:s28], [sflag:$0x3] =	stream.linear.gather [hbm4b:s11+s2], $0x80, $0x38;
	[tilespmem:$0x1C180] =	vst v63  }
0x1c2: {  	_ =	swait.ge [sflag:s26], $0x80  }
0x1c3: {  	[sflag:s26] =	ssyncset.done $0x0  }
0x1c4: {  	[sflag:s26] =	ssyncadd.s32 $0xFFFFFF80  }
0x1c5: {  	[tilespmem:s30], [sflag:$0x2] =	stream.indirect.gather [hbm4b:s7+s28], $0x80, s28, s28, $0xb8;
	[tilespmem:$0x1C180] =	vst v63  }
0x1c6: {  	_ =	swait.ge [sflag:s31], $0x4000  }
0x1c7: {  	[sflag:s31] =	ssyncset.done $0x0  }
0x1c8: {  	s14 =	sadd.s32 $0x0, s19;
	[sflag:s31] =	ssyncadd.s32 $0xFFFFC000  }
0x1c9: {  	[tilespmem:s0], [sflag:$0x3] =	stream.linear.gather [hbm4b:s14+s2], $0x80, $0x38;
	[tilespmem:$0x1C180] =	vst v63  }
0x1ca: {  	_ =	swait.ge [sflag:s26], $0x80  }
0x1cb: {  	[sflag:s26] =	ssyncset.done $0x0  }
0x1cc: {  	[sflag:s26] =	ssyncadd.s32 $0xFFFFFF80  }
0x1cd: {  	[spmem:s1] =	stream.indirect.scatter.add.f32 [tilespmem:s29], [sflag:$0x3], $0x80, s0, s28, $0xb8;
	[tilespmem:$0x1C180] =	vst v63  }
0x1ce: {  	_ =	swait.ge [sflag:s26], $0x4000  }
0x1cf: {  	[sflag:s26] =	ssyncset.done $0x0  }
0x1d0: {  	s10 =	sadd.s32 $0x20, s13;
	[sflag:s26] =	ssyncadd.s32 $0xFFFFC000  }
0x1d1: {  	[tilespmem:s2], [sflag:$0x3] =	stream.linear.gather [hbm4b:s10+s2], $0x80, $0x38;
	[tilespmem:$0x1C180] =	vst v63  }
0x1d2: {  	_ =	swait.ge [sflag:s26], $0x80  }
0x1d3: {  	[sflag:s26] =	ssyncset.done $0x0  }
0x1d4: {  	[sflag:s26] =	ssyncadd.s32 $0xFFFFFF80  }
0x1d5: {  	[tilespmem:s29], [sflag:$0x1] =	stream.indirect.gather [hbm4b:s7+s28], $0x80, s2, s28, $0xb8;
	[tilespmem:$0x1C180] =	vst v63  }
0x1d6: {  	_ =	swait.ge [sflag:s3], $0x4000  }
0x1d7: {  	[sflag:s3] =	ssyncset.done $0x0  }
0x1d8: {  	s15 =	sadd.s32 $0x10, s14;
	[sflag:s3] =	ssyncadd.s32 $0xFFFFC000  }
0x1d9: {  	[tilespmem:s0], [sflag:$0x3] =	stream.linear.gather [hbm4b:s15+s2], $0x80, $0x38;
	[tilespmem:$0x1C180] =	vst v63  }
0x1da: {  	_ =	swait.ge [sflag:s26], $0x80  }
0x1db: {  	[sflag:s26] =	ssyncset.done $0x0  }
0x1dc: {  	[sflag:s26] =	ssyncadd.s32 $0xFFFFFF80  }
0x1dd: {  	[spmem:s1] =	stream.indirect.scatter.add.f32 [tilespmem:s30], [sflag:$0x3], $0x80, s0, s28, $0xb8;
	[tilespmem:$0x1C180] =	vst v63  }
0x1de: {  	s12 =	sadd.s32 $0x20, s18;
	_ =	swait.ge [sflag:s26], $0x4000  }
0x1df: {  	s13 =	simm.s32 $0x40;
	s10 =	simm.s32 $0x20;
	[sflag:s26] =	ssyncset.done $0x0  }
.LBB2_13:
0x1e0: {  	s14 =	sadd.s32 $0x10, s12  }
0x1e1: {  	[sflag:s26] =	ssyncadd.s32 $0xFFFFC000;
	s15 =	smov.u32 s13;
	s11 =	sadd.s32 $0x20, s13  }
0x1e2: {  	[tilespmem:s28], [sflag:$0x3] =	stream.linear.gather [hbm4b:s14+s2], $0x80, $0x38;
	[tilespmem:$0x1C180] =	vst v63  }
0x1e3: {  	p1 =	sne.s32 s13, $0x240;
	_ =	swait.ge [sflag:s26], $0x80  }
0x1e4: {  	[sflag:s26] =	ssyncset.done $0x0  }
0x1e5: {  	[sflag:s26] =	ssyncadd.s32 $0xFFFFFF80  }
0x1e6: {  	[tilespmem:s30], [sflag:$0x2] =	stream.indirect.gather [hbm4b:s7+s28], $0x80, s28, s28, $0xb8;
	[tilespmem:$0x1C180] =	vst v63  }
0x1e7: {  	_ =	swait.ge [sflag:s31], $0x4000  }
0x1e8: {  	[sflag:s31] =	ssyncset.done $0x0  }
0x1e9: {  	s13 =	sadd.s32 s10, s19;
	s10 =	smov.u32 s15;
	[sflag:s31] =	ssyncadd.s32 $0xFFFFC000  }
0x1ea: {  	[tilespmem:s0], [sflag:$0x3] =	stream.linear.gather [hbm4b:s13+s2], $0x80, $0x38;
	[tilespmem:$0x1C180] =	vst v63  }
0x1eb: {  	_ =	swait.ge [sflag:s26], $0x80  }
0x1ec: {  	[sflag:s26] =	ssyncset.done $0x0  }
0x1ed: {  	[sflag:s26] =	ssyncadd.s32 $0xFFFFFF80  }
0x1ee: {  	[spmem:s1] =	stream.indirect.scatter.add.f32 [tilespmem:s29], [sflag:$0x3], $0x80, s0, s28, $0xb8;
	[tilespmem:$0x1C180] =	vst v63  }
0x1ef: {  	_ =	swait.ge [sflag:s26], $0x4000  }
0x1f0: {  	[sflag:s26] =	ssyncset.done $0x0  }
0x1f1: {  	s12 =	sadd.s32 $0x20, s12;
	[sflag:s26] =	ssyncadd.s32 $0xFFFFC000  }
0x1f2: {  	[tilespmem:s2], [sflag:$0x3] =	stream.linear.gather [hbm4b:s12+s2], $0x80, $0x38;
	[tilespmem:$0x1C180] =	vst v63  }
0x1f3: {  	_ =	swait.ge [sflag:s26], $0x80  }
0x1f4: {  	[sflag:s26] =	ssyncset.done $0x0  }
0x1f5: {  	[sflag:s26] =	ssyncadd.s32 $0xFFFFFF80  }
0x1f6: {  	[tilespmem:s29], [sflag:$0x1] =	stream.indirect.gather [hbm4b:s7+s28], $0x80, s2, s28, $0xb8;
	[tilespmem:$0x1C180] =	vst v63  }
0x1f7: {  	_ =	swait.ge [sflag:s3], $0x4000  }
0x1f8: {  	[sflag:s3] =	ssyncset.done $0x0  }
0x1f9: {  	s12 =	sadd.s32 $0x10, s13;
	[sflag:s3] =	ssyncadd.s32 $0xFFFFC000  }
0x1fa: {  	[tilespmem:s0], [sflag:$0x3] =	stream.linear.gather [hbm4b:s12+s2], $0x80, $0x38;
	[tilespmem:$0x1C180] =	vst v63  }
0x1fb: {  	_ =	swait.ge [sflag:s26], $0x80  }
.Ltmp9:
0x1fc: {  	[sflag:s26] =	ssyncset.done $0x0;
	(pc) =	sbr.rel @p1 .LBB2_13-.Ltmp9, $4  }
0x1fd: {  	[sflag:s26] =	ssyncadd.s32 $0xFFFFFF80  }
0x1fe: {  	[spmem:s1] =	stream.indirect.scatter.add.f32 [tilespmem:s30], [sflag:$0x3], $0x80, s0, s28, $0xb8;
	[tilespmem:$0x1C180] =	vst v63  }
0x1ff: {  	_ =	swait.ge [sflag:s26], $0x4000  }
0x200: {  	s13 =	smov.u32 s11;
	s12 =	sadd.s32 s10, s18;
	[sflag:s26] =	ssyncset.done $0x0  }
.Ltmp10:
0x201: {  	_ = 	snop;
	(pc) =	sbr.rel .LBB2_14-.Ltmp10, $1  }
0x202: {  	_ =	sdelay $0x3  }
.LBB2_16:
0x203: {  	_ =	sfence.sel $0x180000  }
0x204: {  	[bflag:$0x0] =	sbarrier.arrive $0xFFFF  }
0x205: {  	_ =	strace $0x90000050  }
0x206: {  	s0 =	stileid.u32;
	[bflag:$0x2] =	sbarrier.arrive $0xFFFF  }
0x207: {  	p0 =	sne.s32 s0, $0x0;
	s0 =	rddreg [dreg:$0x2]  }
0x208: {  	s0 =	sadd.s32 @!p0 $0x100000, s0  }
0x209: {  	[sflag:s0] =	ssyncadd.tile.s32 @!p0 $0x1;
	_ =	shalt  }
.Lfunc_end2:
_tile_overlayer_lowered:
.L_overlay_start_2:
0x20a: {  	(tag) =	ssettag $0x2  }
0x20b: {  	s0 =	rddreg [dreg:$0x0];
	s2 =	stileid.u32  }
0x20c: {  	s1 =	rddreg [dreg:$0x1];
	p0 =	sne.s32 s2, $0x0  }
0x20d: {  	s3 =	rddreg [dreg:$0x2];
	[bflag:$0x3] =	sbarrier.arrive $0xFFFF;
	s2 =	simm.s32 @!p0 $0x1C03  }
0x20e: {  	[timem:s3], [sflag:s2] =	dma.local @!p0 [hbm:s0], s1  }
0x20f: {  	s0 =	simm.s32 @!p0 $0x3  }
0x210: {  	_ =	swait.ge @!p0 [sflag:s0], s1  }
0x211: {  	s1 =	ssub.s32 @!p0 $0x0, s1;
	[sflag:s0] =	ssyncset.done @!p0 $0x0  }
0x212: {  	[sflag:s0] =	ssyncadd.s32 @!p0 s1  }
0x213: {  	[bflag:$0x3] =	sbarrier.arrive $0xFFFF  }
0x214: {  	_ =	shalt  }

// kernel: kernel.32.cloned.1.call-start
scs
__scs_entry_jumppad:
0x0: {  	(pc) =	sbr.rel $0x88, $3  }
0x1: {  	(tag) =	ssettag $0x0;
	lr =	simm.s32 $0x1  }
0x2: {  	[smem:$0x3F93] =	sst lr;
	_ =	strace $0xD0000000  }
0x3: {  	_ = 	snop  }
0x4: {  	_ = 	snop  }
0x5: {  	_ = 	snop  }
0x6: {  	_ = 	snop  }
0x7: {  	_ = 	snop  }
__scs_overlays_trampoline_lowered:
0x8: {  	[smem:$0x3FA2] =	sst s0  }
0x9: {  	[smem:$0x3FA3] =	sst s1  }
0xa: {  	[smem:$0x3FA4] =	sst s2  }
0xb: {  	[smem:$0x3FA5] =	sst s3  }
0xc: {  	[smem:$0x3FA6] =	sst s4  }
0xd: {  	[smem:$0x3FA7] =	sst s5  }
0xe: {  	[smem:$0x3FA8] =	sst s6  }
0xf: {  	[smem:$0x3FA9] =	sst s7  }
0x10: {  	[smem:$0x3FAA] =	sst s8  }
0x11: {  	[smem:$0x3FAB] =	sst s9;
	s0 =	simm.s32 @!p0 $0x0  }
0x12: {  	s1 =	sld [smem:$0x3F91];
	s0 =	simm.s32 @p0 $0x1  }
0x13: {  	[smem:$0x3FAC] =	sst s0;
	s0 =	simm.s32 @!p1 $0x0  }
0x14: {  	s2 =	sld [smem:$0x3F90];
	s0 =	simm.s32 @p1 $0x1  }
0x15: {  	[smem:$0x3FAD] =	sst s0;
	s0 =	simm.s32 @!p2 $0x0  }
0x16: {  	s3 =	sld [smem:$0x3FDB];
	s0 =	simm.s32 @p2 $0x1  }
0x17: {  	s4 =	simm.s32 $0x1BF5;
	[smem:$0x3FAF] =	sst s0  }
0x18: {  	s0 =	sld [smem:$0x3F92];
	_ =	swait.ge [sflag:s4], $0x0  }
0x19: {  	s7 =	sld [smem:$0x3F93]  }
0x1a: {  	s8 =	sadd.s32 $0xFFFFE003, lr  }
0x1b: {  	s9 =	sadd.s32 $0xFFFFFEF7, lr;
	s5 =	simm.s32 $0xFFFFFFFF;
	p2 =	slt.u32 s8, $0xFFFFF086  }
0x1c: {  	p1 =	slt.u32 s9, $0xF7A;
	s5 =	simm.s32 @!p2 $0x0  }
0x1d: {  	s5 =	simm.s32 @p1 $0x1;
	p0 =	seq.s32 s7, s2  }
0x1e: {  	s7 =	smul.u32 @!p0 $0xF7A, s2;
	p2 =	seq.s32 @!p0 s5, $0x0  }
0x1f: {  	s9 =	smul.u32 $0xF7A, s1;
	s8 =	simm.s32 @!p0 $0x1BF5;
	p2 =	por !p2, p0  }
0x20: {  	[sflag:s8] =	ssyncset.s32 @!p0 $0xFFFFF086;
	s6 =	sadd.s32 @!p0 s3, s7;
	s7 =	simm.s32 @!p0 $0x108  }
0x21: {  	s3 =	sadd.s32 s3, s9;
	s6 =	sadd.s32 @!p0 $0x88, s6;
	s7 =	simm.s32 @p2 $0x1082  }
0x22: {  	[simem:s7], [sflag:s8] =	dma.local @!p0 [hbm:s6], $0xF7A  }
0x23: {  	s9 =	sor.u32 $0xD0000000, s2;
	s6 =	simm.s32 $0x108;
	_ =	swait.ge @!p0 [sflag:s8], $0x0  }
0x24: {  	s3 =	sadd.s32 $0x88, s3;
	s6 =	simm.s32 @!p1 $0x1082;
	[sflag:s4] =	ssyncset.s32 $0xFFFFF086  }
0x25: {  	[simem:s6], [sflag:s4] =	dma.local [hbm:s3], $0xF7A  }
0x26: {  	[smem:$0x3F93] =	sst s1;
	(tag) =	ssettag s2;
	_ =	strace s9  }
0x27: {  	s1 =	sld [smem:$0x3FA3]  }
0x28: {  	s2 =	sld [smem:$0x3FA4]  }
0x29: {  	s4 =	sld [smem:$0x3FA6]  }
0x2a: {  	p0 =	seq.s32 s5, $0x0;
	s5 =	sld [smem:$0x3FA7]  }
0x2b: {  	s6 =	sld [smem:$0x3FA8]  }
0x2c: {  	s7 =	sld [smem:$0x3FA9]  }
0x2d: {  	s3 =	simm.s32 $0x108;
	s8 =	sld [smem:$0x3FAA]  }
0x2e: {  	s3 =	simm.s32 @!p0 $0x1082;
	s9 =	sld [smem:$0x3FAB]  }
0x2f: {  	lr =	sadd.s32 s0, s3;
	s0 =	sld [smem:$0x3FA2]  }
0x30: {  	s3 =	sld [smem:$0x3FA5]  }
0x31: {  	[smem:$0x3FAE] =	sst s10  }
0x32: {  	s10 =	sld [smem:$0x3FAC];
	_ =	sdelay $0x3  }
0x33: {  	p0 =	seq.s32 s10, $0x1;
	s10 =	sld [smem:$0x3FAE];
	_ =	sdelay $0x3  }
0x34: {  	[smem:$0x3FAE] =	sst s10  }
0x35: {  	s10 =	sld [smem:$0x3FAD];
	_ =	sdelay $0x3  }
0x36: {  	p1 =	seq.s32 s10, $0x1;
	s10 =	sld [smem:$0x3FAE];
	_ =	sdelay $0x3  }
0x37: {  	[smem:$0x3FAE] =	sst s10  }
0x38: {  	s10 =	sld [smem:$0x3FAF]  }
0x39: {  	_ = 	snop;
	(pc) =	sbr.ind lr, $3  }
0x3a: {  	_ = 	snop  }
0x3b: {  	_ = 	snop  }
0x3c: {  	p2 =	seq.s32 s10, $0x1;
	s10 =	sld [smem:$0x3FAE]  }
0x3d: {  	_ =	shalt  }
0x3e: {  	_ =	shalt  }
0x3f: {  	_ =	shalt  }
0x40: {  	_ =	shalt  }
0x41: {  	_ =	shalt  }
0x42: {  	_ =	shalt  }
0x43: {  	_ =	shalt  }
0x44: {  	_ =	shalt  }
0x45: {  	_ =	shalt  }
0x46: {  	_ =	shalt  }
0x47: {  	_ =	shalt  }
0x48: {  	_ =	shalt  }
0x49: {  	_ =	shalt  }
0x4a: {  	_ =	shalt  }
0x4b: {  	_ =	shalt  }
0x4c: {  	_ =	shalt  }
0x4d: {  	_ =	shalt  }
0x4e: {  	_ =	shalt  }
0x4f: {  	_ =	shalt  }
0x50: {  	_ =	shalt  }
0x51: {  	_ =	shalt  }
0x52: {  	_ =	shalt  }
0x53: {  	_ =	shalt  }
0x54: {  	_ =	shalt  }
0x55: {  	_ =	shalt  }
0x56: {  	_ =	shalt  }
0x57: {  	_ =	shalt  }
0x58: {  	_ =	shalt  }
0x59: {  	_ =	shalt  }
0x5a: {  	_ =	shalt  }
0x5b: {  	_ =	shalt  }
0x5c: {  	_ =	shalt  }
0x5d: {  	_ =	shalt  }
0x5e: {  	_ =	shalt  }
0x5f: {  	_ =	shalt  }
0x60: {  	_ =	shalt  }
0x61: {  	_ =	shalt  }
0x62: {  	_ =	shalt  }
0x63: {  	_ =	shalt  }
0x64: {  	_ =	shalt  }
0x65: {  	_ =	shalt  }
0x66: {  	_ =	shalt  }
0x67: {  	_ =	shalt  }
0x68: {  	_ =	shalt  }
0x69: {  	_ =	shalt  }
0x6a: {  	_ =	shalt  }
0x6b: {  	_ =	shalt  }
0x6c: {  	_ =	shalt  }
0x6d: {  	_ =	shalt  }
0x6e: {  	_ =	shalt  }
0x6f: {  	_ =	shalt  }
0x70: {  	_ =	shalt  }
0x71: {  	_ =	shalt  }
0x72: {  	_ =	shalt  }
0x73: {  	_ =	shalt  }
0x74: {  	_ =	shalt  }
0x75: {  	_ =	shalt  }
0x76: {  	_ =	shalt  }
0x77: {  	_ =	shalt  }
0x78: {  	_ =	shalt  }
0x79: {  	_ =	shalt  }
0x7a: {  	_ =	shalt  }
0x7b: {  	_ =	shalt  }
0x7c: {  	_ =	shalt  }
0x7d: {  	_ =	shalt  }
0x7e: {  	_ =	shalt  }
0x7f: {  	_ =	shalt  }
0x80: {  	_ =	shalt  }
0x81: {  	_ =	shalt  }
0x82: {  	_ =	shalt  }
0x83: {  	_ =	shalt  }
0x84: {  	_ =	shalt  }
0x85: {  	_ =	shalt  }
0x86: {  	_ =	shalt  }
0x87: {  	_ =	shalt  }
.Lfunc_end0:
.L_simem_size_0:
called_computation.4_lowered:
.L_overlay_start_0:
0x88: {  	s2 =	sld [smem:$0x3FD9]  }
0x89: {  	s3 =	sld [smem:$0x3FFE];
	_ =	sdelay $0x1  }
0x8a: {  	s1 =	srdreg.scid  }
0x8b: {  	s0 =	sand.u32 $0x1, s1  }
0x8c: {  	s16 =	sshll.u32 s0, $0xA;
	s2 =	sadd.s32 s3, s2  }
0x8d: {  	s2 =	sadd.s32 s2, s16  }
0x8e: {  	[smem:$0x3FBA] =	sst s2  }
0x8f: {  	_ = 	snop  }
0x90: {  	(tm) =	ssettm $0x1  }
0x91: {  	s17 =	sld [smem:$0x3FFB];
	_ =	sdelay $0x3  }
0x92: {  	_ =	strace s17  }
0x93: {  	s2 =	sld [smem:$0x3FFC];
	_ =	sdelay $0x3  }
0x94: {  	_ =	strace s2  }
0x95: {  	s2 =	sld [smem:$0x3FFD];
	_ =	sdelay $0x3  }
0x96: {  	_ =	strace s2  }
0x97: {  	_ =	strace $0x8FFFFFFF  }
0x98: {  	s18 =	sld [smem:$0x3FDB];
	_ =	sdelay $0x1  }
0x99: {  	s19 =	simm.s32 $_scs_section_size  }
0x9a: {  	s4 =	simm.s32 $_size__tile_overlayer_lowered;
	s5 =	simm.s32 $_tile_overlayer_lowered  }
0x9b: {  	s22 =	simm.s32 $0x1BFF;
	s21 =	sshll.u32 s5, $0x1;
	s2 =	sadd.s32 s19, s18  }
0x9c: {  	s6 =	simm.s32 $0x0;
	s20 =	sshll.u32 s4, $0x1;
	s4 =	sadd.s32 s21, s2  }
0x9d: {  	[timem:s6], [sflag:s22] =	dma.local [hbm:s4], s20  }
0x9e: {  	_ =	swait.ge [sflag:s22], s20  }
0x9f: {  	s3 =	ssub.s32 $0x0, s20;
	[sflag:s22] =	ssyncset.done $0x0  }
0xa0: {  	[sflag:s22] =	ssyncadd.s32 s3;
	_ =	sdelay $0x1  }
0xa1: {  	s23 =	simm.s32 $0x1B8B  }
0xa2: {  	_ =	swait.ge [sflag:s23], $0x1  }
0xa3: {  	[sflag:s23] =	ssyncset.done $0x0  }
0xa4: {  	s25 =	simm.s32 $0x1B8E;
	s24 =	sld [smem:$0x3FFE];
	[sflag:s23] =	ssyncadd.s32 $0xFFFFFFFF  }
0xa5: {  	s26 =	simm.s32 $execute0_lowered;
	[smem:$0x3FD2] =	sst s25  }
0xa6: {  	s4 =	sshll.u32 s26, $0x1;
	_ =	strace $0x80000052;
	[dreg:$0x1] =	wrdreg $0xFFFFFFFF  }
0xa7: {  	s28 =	simm.s32 $_size_execute0_lowered;
	s2 =	sadd.s32 s2, s4;
	[dreg:$0x0] =	wrdreg $0x0  }
0xa8: {  	s4 =	sshll.u32 s28, $0x1;
	[dreg:$0x2] =	wrdreg s2  }
0xa9: {  	[dreg:$0x3] =	wrdreg s4  }
0xaa: {  	[dreg:$0x4] =	wrdreg $0xC0  }
0xab: {  	_ =	task [dreg:s6], $0x5FFFF  }
0xac: {  	[dreg:$0x1] =	wrdreg $0xFFFFFFFF  }
0xad: {  	[dreg:$0x0] =	wrdreg $0x60  }
0xae: {  	[dreg:$0x2] =	wrdreg s24  }
0xaf: {  	[dreg:$0x3] =	wrdreg $0x81800  }
0xb0: {  	[dreg:$0x4] =	wrdreg $0x9  }
0xb1: {  	_ =	task.clear_ibuf [dreg:s6], $0x5FFFF;
	_ =	strace $0x90000052  }
0xb2: {  	s29 =	simm.s32 $0x9;
	_ =	strace $0x80000054  }
0xb3: {  	_ =	swait.ge [sflag:s29], $0x1  }
0xb4: {  	[sflag:s29] =	ssyncadd.s32 $0xFFFFFFFF  }
0xb5: {  	_ =	strace $0x90000054  }
0xb6: {  	_ =	sfence  }
0xb7: {  	s30 =	sld [smem:$0x0];
	_ =	sdelay $0x2  }
0xb8: {  	s31 =	sshll.u32 s1, $0xD;
	s1 =	sshrl.u32 s1, $0x2  }
0xb9: {  	s3 =	sand.u32 $0x4000, s31;
	s1 =	sadd.s32 s1, s30  }
0xba: {  	s0 =	sor.u32 s3, s0;
	s1 =	sshll.u32 s1, $0x11  }
0xbb: {  	s0 =	sor.u32 s1, s0  }
0xbc: {  	s0 =	sadd.s32 $0x8F2B, s0  }
0xbd: {  	[sflag:s0] =	ssyncadd.remote.s32 $0x1  }
0xbe: {  	_ =	sfence.sel $0xFFFF  }
0xbf: {  	[dreg:$0x0] =	wrdreg $0xFFFFFFFF;
	(pc) =	sbr.abs _section_cstart, $3  }
0xc0: {  	[dreg:$0x1] =	wrdreg $0xFFFFFFFF  }
0xc1: {  	_ =	task.clear_ibuf [dreg:s6], $0x2FFFF;
	_ =	strace $0x9FFFFFFF  }
0xc2: {  	(tm) =	ssettm $0x7FFFFFFF  }
0xc3: {  	_ =	shalt  }
tec
execute0_lowered:
.L_overlay_start_1:
0x0: {  	(tag) =	ssettag $0x1  }
0x1: {  	s0 =	rddreg [dreg:$0x0]  }
0x2: {  	s1 =	rddreg [dreg:$0x1];
	s3 =	simm.s32 $0x0;
	s2 =	srdreg.scid  }
0x3: {  	s20 =	stileid.u32;
	s28 =	simm.s32 $0x80;
	s29 =	simm.s32 $0x180  }
0x4: {  	s30 =	simm.s32 $0x4180;
	s31 =	simm.s32 $0x1;
	[smem:$0x7FF] =	sst s3  }
0x5: {  	s4 =	sadd.s32 $0xB9200, s0;
	s8 =	smul.u32 $0x280, s20;
	s5 =	sadd.s32 $0xE1200, s0  }
0x6: {  	s2 =	sand.u32 $0x1, s2;
	s6 =	sadd.s32 $0x159200, s0;
	s7 =	sadd.s32 $0x181200, s0  }
0x7: {  	s10 =	sadd.s32 $0xA200, s0;
	s11 =	sadd.s32 $0xCA00, s0;
	s13 =	smul.u32 $0x50000, s20  }
0x8: {  	s12 =	sadd.s32 $0x7A00, s0;
	s15 =	smul.u32 $0x1400, s20;
	s19 =	sadd.s32 $0xF200, s0  }
0x9: {  	_ =	strace $0x80000053;
	s9 =	smul.u32 $0x2800, s2;
	s14 =	ssub.s32 $0x2, s2  }
0xa: {  	p0 =	sne.s32 s2, $0x0;
	s2 =	simm.s32 $0x2;
	s16 =	sshrl.u32 s14, $0x1  }
0xb: {  	s13 =	sshrl.u32 s13, $0x2;
	s23 =	sshrl.u32 s15, $0x3;
	s9 =	sadd.s32 s8, s9  }
0xc: {  	s25 =	ssub.s32 s14, s16;
	s15 =	sadd.s32 s10, s23;
	s24 =	sadd.s32 $0x270, s23  }
0xd: {  	s26 =	sadd.s32 $0x260, s23;
	s14 =	sadd.s32 s12, s23;
	[dreg:$0x3] =	wrdreg s15  }
0xe: {  	s16 =	sadd.s32 s8, s10;
	[dreg:$0x4] =	wrdreg s14;
	s17 =	sadd.s32 s11, s24  }
0xf: {  	s9 =	sshll.u32 s9, $0x4;
	s18 =	sadd.s32 s11, s26;
	[dreg:$0x5] =	wrdreg s17  }
0x10: {  	s21 =	sadd.s32 s10, s24;
	s22 =	sadd.s32 s19, s24;
	[dreg:$0x6] =	wrdreg s18  }
0x11: {  	s23 =	sadd.s32 s19, s26;
	s24 =	sadd.s32 s12, s24;
	[dreg:$0x7] =	wrdreg s21  }
0x12: {  	s19 =	sadd.s32 s8, s19;
	s26 =	sshll.u32 s20, $0x6;
	[dreg:$0x8] =	wrdreg s22  }
.Ltmp0:
0x13: {  	s20 =	sadd.s32 $0x16A00, s0;
	[dreg:$0x9] =	wrdreg s23;
	(pc) =	sbr.rel .LBB2_1-.Ltmp0, $4  }
0x14: {  	s25 =	smax.u32 s25, $0x1;
	s9 =	sadd.s32 s9, s0;
	[dreg:$0xa] =	wrdreg s24  }
0x15: {  	s17 =	sadd.s32 s8, s11;
	s18 =	sadd.s32 s8, s12;
	s21 =	sadd.s32 s13, s1  }
0x16: {  	s22 =	sor.u32 $0x1C03, s26;
	s26 =	simm.s32 $0x3;
	s0 =	simm.s32 $0x100  }
0x17: {  	s8 =	simm.s32 $0x0;
	s23 =	sadd.s32 $0x1A9200, s9;
	s24 =	sadd.s32 $0x1F9200, s9  }
.LBB2_14:
0x18: {  	s11 =	sadd.s32 $0x10, s12;
	[sflag:s26] =	ssyncadd.s32 $0xFFFFC000  }
0x19: {  	[tilespmem:s28], [sflag:$0x3] =	stream.linear.gather [hbm4b:s11+s3], $0x80, $0x38;
	[tilespmem:$0x1C180] =	vst v63  }
0x1a: {  	_ =	swait.ge [sflag:s26], $0x80  }
0x1b: {  	[sflag:s26] =	ssyncset.done $0x0  }
0x1c: {  	[sflag:s26] =	ssyncadd.s32 $0xFFFFFF80  }
0x1d: {  	[tilespmem:s30], [sflag:$0x2] =	stream.indirect.gather [hbm4b:s7+s28], $0x80, s28, s28, $0xb8;
	[tilespmem:$0x1C180] =	vst v63  }
0x1e: {  	_ =	swait.ge [sflag:s31], $0x4000  }
0x1f: {  	[sflag:s31] =	ssyncset.done $0x0  }
0x20: {  	s10 =	sadd.s32 s10, s19;
	[sflag:s31] =	ssyncadd.s32 $0xFFFFC000  }
0x21: {  	[tilespmem:s0], [sflag:$0x3] =	stream.linear.gather [hbm4b:s10+s3], $0x80, $0x38;
	[tilespmem:$0x1C180] =	vst v63  }
0x22: {  	_ =	swait.ge [sflag:s26], $0x80  }
0x23: {  	[sflag:s26] =	ssyncset.done $0x0  }
0x24: {  	[sflag:s26] =	ssyncadd.s32 $0xFFFFFF80  }
0x25: {  	[spmem:s1] =	stream.indirect.scatter.add.f32 [tilespmem:s29], [sflag:$0x3], $0x80, s0, s28, $0xb8;
	[tilespmem:$0x1C180] =	vst v63  }
0x26: {  	_ =	swait.ge [sflag:s26], $0x4000  }
0x27: {  	[sflag:s26] =	ssyncset.done $0x0  }
0x28: {  	s15 =	sadd.s32 $0x20, s12;
	[sflag:s26] =	ssyncadd.s32 $0xFFFFC000  }
0x29: {  	[tilespmem:s3], [sflag:$0x3] =	stream.linear.gather [hbm4b:s15+s3], $0x80, $0x38;
	[tilespmem:$0x1C180] =	vst v63  }
0x2a: {  	_ =	swait.ge [sflag:s26], $0x80  }
0x2b: {  	[sflag:s26] =	ssyncset.done $0x0  }
0x2c: {  	[sflag:s26] =	ssyncadd.s32 $0xFFFFFF80  }
0x2d: {  	[tilespmem:s29], [sflag:$0x1] =	stream.indirect.gather [hbm4b:s7+s28], $0x80, s3, s28, $0xb8;
	[tilespmem:$0x1C180] =	vst v63  }
0x2e: {  	_ =	swait.ge [sflag:s2], $0x4000  }
0x2f: {  	[sflag:s2] =	ssyncset.done $0x0  }
0x30: {  	s10 =	sadd.s32 $0x10, s10;
	[sflag:s2] =	ssyncadd.s32 $0xFFFFC000  }
0x31: {  	[tilespmem:s0], [sflag:$0x3] =	stream.linear.gather [hbm4b:s10+s3], $0x80, $0x38;
	[tilespmem:$0x1C180] =	vst v63  }
0x32: {  	_ =	swait.ge [sflag:s26], $0x80  }
0x33: {  	[sflag:s26] =	ssyncset.done $0x0  }
0x34: {  	[sflag:s26] =	ssyncadd.s32 $0xFFFFFF80  }
0x35: {  	[spmem:s1] =	stream.indirect.scatter.add.f32 [tilespmem:s30], [sflag:$0x3], $0x80, s0, s28, $0xb8;
	[tilespmem:$0x1C180] =	vst v63  }
0x36: {  	_ =	swait.ge [sflag:s26], $0x4000  }
0x37: {  	[sflag:s26] =	ssyncset.done $0x0  }
0x38: {  	s10 =	smov.u32 s7;
	[sflag:s26] =	ssyncadd.s32 $0xFFFFC000  }
.LBB2_15:
0x39: {  	s11 =	rddreg [dreg:$0xa]  }
0x3a: {  	[tilespmem:s28], [sflag:$0x3] =	stream.linear.gather [hbm4b:s11+s3], $0x80, $0x38;
	[tilespmem:$0x1C180] =	vst v63  }
0x3b: {  	_ =	swait.ge [sflag:s26], $0x80  }
0x3c: {  	[sflag:s26] =	ssyncset.done $0x0  }
0x3d: {  	[sflag:s26] =	ssyncadd.s32 $0xFFFFFF80  }
0x3e: {  	[tilespmem:s30], [sflag:$0x2] =	stream.indirect.gather [hbm4b:s10+s28], $0x80, s28, s28, $0xb8;
	[tilespmem:$0x1C180] =	vst v63  }
0x3f: {  	_ =	swait.ge [sflag:s31], $0x4000  }
0x40: {  	[sflag:s31] =	ssyncset.done $0x0  }
0x41: {  	s14 =	rddreg [dreg:$0x9];
	[sflag:s31] =	ssyncadd.s32 $0xFFFFC000  }
0x42: {  	[tilespmem:s0], [sflag:$0x3] =	stream.linear.gather [hbm4b:s14+s3], $0x80, $0x38;
	[tilespmem:$0x1C180] =	vst v63  }
0x43: {  	_ =	swait.ge [sflag:s26], $0x80  }
0x44: {  	[sflag:s26] =	ssyncset.done $0x0  }
0x45: {  	[sflag:s26] =	ssyncadd.s32 $0xFFFFFF80  }
0x46: {  	[spmem:s1] =	stream.indirect.scatter.add.f32 [tilespmem:s29], [sflag:$0x3], $0x80, s0, s28, $0xb8;
	[tilespmem:$0x1C180] =	vst v63  }
0x47: {  	_ =	swait.ge [sflag:s26], $0x4000  }
0x48: {  	[sflag:s26] =	ssyncset.done $0x0  }
0x49: {  	[sflag:s26] =	ssyncadd.s32 $0xFFFFC000  }
0x4a: {  	_ =	swait.ge [sflag:s2], $0x4000  }
0x4b: {  	[sflag:s2] =	ssyncset.done $0x0  }
0x4c: {  	s15 =	rddreg [dreg:$0x8];
	[sflag:s2] =	ssyncadd.s32 $0xFFFFC000  }
0x4d: {  	[tilespmem:s0], [sflag:$0x3] =	stream.linear.gather [hbm4b:s15+s3], $0x80, $0x38;
	[tilespmem:$0x1C180] =	vst v63  }
0x4e: {  	_ =	swait.ge [sflag:s26], $0x80  }
0x4f: {  	[sflag:s26] =	ssyncset.done $0x0  }
0x50: {  	[sflag:s26] =	ssyncadd.s32 $0xFFFFFF80  }
0x51: {  	[spmem:s1] =	stream.indirect.scatter.add.f32 [tilespmem:s30], [sflag:$0x3], $0x80, s0, s28, $0xb8;
	[tilespmem:$0x1C180] =	vst v63  }
0x52: {  	_ =	swait.ge [sflag:s26], $0x4000  }
0x53: {  	[sflag:s26] =	ssyncset.done $0x0  }
0x54: {  	s8 =	sadd.s32 $0x1, s8;
	[sflag:s26] =	ssyncadd.s32 $0xFFFFC000  }
0x55: {  	p1 =	sne.s32 s8, s25;
	[bflag:$0x0] =	sbarrier.arrive $0xFFFF  }
0x56: {  	[hbm:s24], [sflag:s22] =	dma.local [spmem:s9], $0x2800  }
.Ltmp1:
0x57: {  	_ =	swait.ge [sflag:s26], $0x2800;
	(pc) =	sbr.rel @!p1 .LBB2_16-.Ltmp1, $3  }
0x58: {  	[sflag:s26] =	ssyncset.done $0x0  }
0x59: {  	[sflag:s26] =	ssyncadd.s32 $0xFFFFD800  }
0x5a: {  	[bflag:$0x0] =	sbarrier.arrive $0xFFFF;
	_ =	sdelay $0x1  }
.LBB2_1:
0x5b: {  	s9 =	sshrl.u32 s21, $0x3  }
0x5c: {  	[spmem:s9], [sflag:s22] =	dma.local [hbm:s20], $0x2800  }
0x5d: {  	_ =	swait.ge [sflag:s26], $0x2800  }
0x5e: {  	[sflag:s26] =	ssyncset.done $0x0  }
0x5f: {  	[sflag:s26] =	ssyncadd.s32 $0xFFFFD800  }
0x60: {  	[bflag:$0x0] =	sbarrier.arrive $0xFFFF  }
.Ltmp2:
0x61: {  	s10 =	rddreg [dreg:$0x3];
	(pc) =	sbr.rel @p0 .LBB2_5-.Ltmp2, $4  }
0x62: {  	[tilespmem:s3], [sflag:$0x3] =	stream.linear.gather [hbm4b:s10+s3], $0x80, $0x38;
	[tilespmem:$0x1C180] =	vst v63  }
0x63: {  	_ =	swait.ge [sflag:s26], $0x80  }
0x64: {  	[sflag:s26] =	ssyncset.done $0x0  }
0x65: {  	s10 =	simm.s32 $0x0;
	[sflag:s26] =	ssyncadd.s32 $0xFFFFFF80  }
0x66: {  	[tilespmem:s29], [sflag:$0x1] =	stream.indirect.gather [hbm4b:s4+s28], $0x80, s10, s28, $0xb8;
	[tilespmem:$0x1C180] =	vst v63  }
0x67: {  	s13 =	sadd.s32 $0x0, s16  }
0x68: {  	s11 =	sadd.s32 $0x10, s13  }
0x69: {  	[tilespmem:s28], [sflag:$0x3] =	stream.linear.gather [hbm4b:s11+s3], $0x80, $0x38;
	[tilespmem:$0x1C180] =	vst v63  }
0x6a: {  	_ =	swait.ge [sflag:s26], $0x80  }
0x6b: {  	[sflag:s26] =	ssyncset.done $0x0  }
0x6c: {  	[sflag:s26] =	ssyncadd.s32 $0xFFFFFF80  }
0x6d: {  	[tilespmem:s30], [sflag:$0x2] =	stream.indirect.gather [hbm4b:s4+s28], $0x80, s28, s28, $0xb8;
	[tilespmem:$0x1C180] =	vst v63  }
0x6e: {  	_ =	swait.ge [sflag:s31], $0x4000  }
0x6f: {  	[sflag:s31] =	ssyncset.done $0x0  }
0x70: {  	s14 =	sadd.s32 $0x0, s17;
	[sflag:s31] =	ssyncadd.s32 $0xFFFFC000  }
0x71: {  	[tilespmem:s0], [sflag:$0x3] =	stream.linear.gather [hbm4b:s14+s3], $0x80, $0x38;
	[tilespmem:$0x1C180] =	vst v63  }
0x72: {  	_ =	swait.ge [sflag:s26], $0x80  }
0x73: {  	[sflag:s26] =	ssyncset.done $0x0  }
0x74: {  	[sflag:s26] =	ssyncadd.s32 $0xFFFFFF80  }
0x75: {  	[spmem:s1] =	stream.indirect.scatter.add.f32 [tilespmem:s29], [sflag:$0x3], $0x80, s0, s28, $0xb8;
	[tilespmem:$0x1C180] =	vst v63  }
0x76: {  	_ =	swait.ge [sflag:s26], $0x4000  }
0x77: {  	[sflag:s26] =	ssyncset.done $0x0  }
0x78: {  	s10 =	sadd.s32 $0x20, s13;
	[sflag:s26] =	ssyncadd.s32 $0xFFFFC000  }
0x79: {  	[tilespmem:s3], [sflag:$0x3] =	stream.linear.gather [hbm4b:s10+s3], $0x80, $0x38;
	[tilespmem:$0x1C180] =	vst v63  }
0x7a: {  	_ =	swait.ge [sflag:s26], $0x80  }
0x7b: {  	[sflag:s26] =	ssyncset.done $0x0  }
0x7c: {  	[sflag:s26] =	ssyncadd.s32 $0xFFFFFF80  }
0x7d: {  	[tilespmem:s29], [sflag:$0x1] =	stream.indirect.gather [hbm4b:s4+s28], $0x80, s3, s28, $0xb8;
	[tilespmem:$0x1C180] =	vst v63  }
0x7e: {  	_ =	swait.ge [sflag:s2], $0x4000  }
0x7f: {  	[sflag:s2] =	ssyncset.done $0x0  }
0x80: {  	s15 =	sadd.s32 $0x10, s14;
	[sflag:s2] =	ssyncadd.s32 $0xFFFFC000  }
0x81: {  	[tilespmem:s0], [sflag:$0x3] =	stream.linear.gather [hbm4b:s15+s3], $0x80, $0x38;
	[tilespmem:$0x1C180] =	vst v63  }
0x82: {  	_ =	swait.ge [sflag:s26], $0x80  }
0x83: {  	[sflag:s26] =	ssyncset.done $0x0  }
0x84: {  	[sflag:s26] =	ssyncadd.s32 $0xFFFFFF80  }
0x85: {  	[spmem:s1] =	stream.indirect.scatter.add.f32 [tilespmem:s30], [sflag:$0x3], $0x80, s0, s28, $0xb8;
	[tilespmem:$0x1C180] =	vst v63  }
0x86: {  	s12 =	sadd.s32 $0x20, s16;
	_ =	swait.ge [sflag:s26], $0x4000  }
0x87: {  	s11 =	simm.s32 $0x40;
	s10 =	simm.s32 $0x20;
	[sflag:s26] =	ssyncset.done $0x0  }
.LBB2_3:
0x88: {  	s14 =	sadd.s32 $0x10, s12  }
0x89: {  	[sflag:s26] =	ssyncadd.s32 $0xFFFFC000;
	s15 =	smov.u32 s11;
	s13 =	sadd.s32 $0x20, s11  }
0x8a: {  	[tilespmem:s28], [sflag:$0x3] =	stream.linear.gather [hbm4b:s14+s3], $0x80, $0x38;
	[tilespmem:$0x1C180] =	vst v63  }
0x8b: {  	p1 =	seq.s32 s11, $0x240;
	_ =	swait.ge [sflag:s26], $0x80  }
0x8c: {  	[sflag:s26] =	ssyncset.done $0x0  }
0x8d: {  	[sflag:s26] =	ssyncadd.s32 $0xFFFFFF80  }
0x8e: {  	[tilespmem:s30], [sflag:$0x2] =	stream.indirect.gather [hbm4b:s4+s28], $0x80, s28, s28, $0xb8;
	[tilespmem:$0x1C180] =	vst v63  }
0x8f: {  	_ =	swait.ge [sflag:s31], $0x4000  }
0x90: {  	[sflag:s31] =	ssyncset.done $0x0  }
0x91: {  	s11 =	sadd.s32 s10, s17;
	s10 =	smov.u32 s15;
	[sflag:s31] =	ssyncadd.s32 $0xFFFFC000  }
0x92: {  	[tilespmem:s0], [sflag:$0x3] =	stream.linear.gather [hbm4b:s11+s3], $0x80, $0x38;
	[tilespmem:$0x1C180] =	vst v63  }
0x93: {  	_ =	swait.ge [sflag:s26], $0x80  }
0x94: {  	[sflag:s26] =	ssyncset.done $0x0  }
0x95: {  	[sflag:s26] =	ssyncadd.s32 $0xFFFFFF80  }
0x96: {  	[spmem:s1] =	stream.indirect.scatter.add.f32 [tilespmem:s29], [sflag:$0x3], $0x80, s0, s28, $0xb8;
	[tilespmem:$0x1C180] =	vst v63  }
0x97: {  	_ =	swait.ge [sflag:s26], $0x4000  }
0x98: {  	[sflag:s26] =	ssyncset.done $0x0  }
0x99: {  	s12 =	sadd.s32 $0x20, s12;
	[sflag:s26] =	ssyncadd.s32 $0xFFFFC000  }
0x9a: {  	[tilespmem:s3], [sflag:$0x3] =	stream.linear.gather [hbm4b:s12+s3], $0x80, $0x38;
	[tilespmem:$0x1C180] =	vst v63  }
0x9b: {  	_ =	swait.ge [sflag:s26], $0x80  }
0x9c: {  	[sflag:s26] =	ssyncset.done $0x0  }
0x9d: {  	[sflag:s26] =	ssyncadd.s32 $0xFFFFFF80  }
0x9e: {  	[tilespmem:s29], [sflag:$0x1] =	stream.indirect.gather [hbm4b:s4+s28], $0x80, s3, s28, $0xb8;
	[tilespmem:$0x1C180] =	vst v63  }
0x9f: {  	_ =	swait.ge [sflag:s2], $0x4000  }
0xa0: {  	[sflag:s2] =	ssyncset.done $0x0  }
0xa1: {  	s11 =	sadd.s32 $0x10, s11;
	[sflag:s2] =	ssyncadd.s32 $0xFFFFC000  }
0xa2: {  	[tilespmem:s0], [sflag:$0x3] =	stream.linear.gather [hbm4b:s11+s3], $0x80, $0x38;
	[tilespmem:$0x1C180] =	vst v63  }
0xa3: {  	_ =	swait.ge [sflag:s26], $0x80  }
.Ltmp3:
0xa4: {  	[sflag:s26] =	ssyncset.done $0x0;
	(pc) =	sbr.rel @!p1 .LBB2_3-.Ltmp3, $4  }
0xa5: {  	[sflag:s26] =	ssyncadd.s32 $0xFFFFFF80  }
0xa6: {  	[spmem:s1] =	stream.indirect.scatter.add.f32 [tilespmem:s30], [sflag:$0x3], $0x80, s0, s28, $0xb8;
	[tilespmem:$0x1C180] =	vst v63  }
0xa7: {  	_ =	swait.ge [sflag:s26], $0x4000  }
0xa8: {  	s12 =	sadd.s32 s10, s16;
	s11 =	smov.u32 s13;
	[sflag:s26] =	ssyncset.done $0x0  }
0xa9: {  	s11 =	sadd.s32 $0x10, s12;
	[sflag:s26] =	ssyncadd.s32 $0xFFFFC000  }
0xaa: {  	[tilespmem:s28], [sflag:$0x3] =	stream.linear.gather [hbm4b:s11+s3], $0x80, $0x38;
	[tilespmem:$0x1C180] =	vst v63  }
0xab: {  	_ =	swait.ge [sflag:s26], $0x80  }
0xac: {  	[sflag:s26] =	ssyncset.done $0x0  }
0xad: {  	[sflag:s26] =	ssyncadd.s32 $0xFFFFFF80  }
0xae: {  	[tilespmem:s30], [sflag:$0x2] =	stream.indirect.gather [hbm4b:s4+s28], $0x80, s28, s28, $0xb8;
	[tilespmem:$0x1C180] =	vst v63  }
0xaf: {  	_ =	swait.ge [sflag:s31], $0x4000  }
0xb0: {  	[sflag:s31] =	ssyncset.done $0x0  }
0xb1: {  	s10 =	sadd.s32 s10, s17;
	[sflag:s31] =	ssyncadd.s32 $0xFFFFC000  }
0xb2: {  	[tilespmem:s0], [sflag:$0x3] =	stream.linear.gather [hbm4b:s10+s3], $0x80, $0x38;
	[tilespmem:$0x1C180] =	vst v63  }
0xb3: {  	_ =	swait.ge [sflag:s26], $0x80  }
0xb4: {  	[sflag:s26] =	ssyncset.done $0x0  }
0xb5: {  	[sflag:s26] =	ssyncadd.s32 $0xFFFFFF80  }
0xb6: {  	[spmem:s1] =	stream.indirect.scatter.add.f32 [tilespmem:s29], [sflag:$0x3], $0x80, s0, s28, $0xb8;
	[tilespmem:$0x1C180] =	vst v63  }
0xb7: {  	_ =	swait.ge [sflag:s26], $0x4000  }
0xb8: {  	[sflag:s26] =	ssyncset.done $0x0  }
0xb9: {  	s15 =	sadd.s32 $0x20, s12;
	[sflag:s26] =	ssyncadd.s32 $0xFFFFC000  }
0xba: {  	[tilespmem:s3], [sflag:$0x3] =	stream.linear.gather [hbm4b:s15+s3], $0x80, $0x38;
	[tilespmem:$0x1C180] =	vst v63  }
0xbb: {  	_ =	swait.ge [sflag:s26], $0x80  }
0xbc: {  	[sflag:s26] =	ssyncset.done $0x0  }
0xbd: {  	[sflag:s26] =	ssyncadd.s32 $0xFFFFFF80  }
0xbe: {  	[tilespmem:s29], [sflag:$0x1] =	stream.indirect.gather [hbm4b:s4+s28], $0x80, s3, s28, $0xb8;
	[tilespmem:$0x1C180] =	vst v63  }
0xbf: {  	_ =	swait.ge [sflag:s2], $0x4000  }
0xc0: {  	[sflag:s2] =	ssyncset.done $0x0  }
0xc1: {  	s10 =	sadd.s32 $0x10, s10;
	[sflag:s2] =	ssyncadd.s32 $0xFFFFC000  }
0xc2: {  	[tilespmem:s0], [sflag:$0x3] =	stream.linear.gather [hbm4b:s10+s3], $0x80, $0x38;
	[tilespmem:$0x1C180] =	vst v63  }
0xc3: {  	_ =	swait.ge [sflag:s26], $0x80  }
0xc4: {  	[sflag:s26] =	ssyncset.done $0x0  }
.Ltmp4:
0xc5: {  	[sflag:s26] =	ssyncadd.s32 $0xFFFFFF80;
	(pc) =	sbr.rel .LBB2_8-.Ltmp4, $4  }
0xc6: {  	[spmem:s1] =	stream.indirect.scatter.add.f32 [tilespmem:s30], [sflag:$0x3], $0x80, s0, s28, $0xb8;
	[tilespmem:$0x1C180] =	vst v63  }
0xc7: {  	_ =	swait.ge [sflag:s26], $0x4000  }
0xc8: {  	[sflag:s26] =	ssyncset.done $0x0  }
0xc9: {  	s10 =	smov.u32 s4;
	[sflag:s26] =	ssyncadd.s32 $0xFFFFC000  }
.LBB2_5:
0xca: {  	[tilespmem:s29], [sflag:$0x1] =	stream.indirect.gather [hbm4b:s5+s28], $0x80, s10, s28, $0xb8;
	[tilespmem:$0x1C180] =	vst v63  }
0xcb: {  	s13 =	sadd.s32 $0x0, s16  }
0xcc: {  	s11 =	sadd.s32 $0x10, s13  }
0xcd: {  	[tilespmem:s28], [sflag:$0x3] =	stream.linear.gather [hbm4b:s11+s3], $0x80, $0x38;
	[tilespmem:$0x1C180] =	vst v63  }
0xce: {  	_ =	swait.ge [sflag:s26], $0x80  }
0xcf: {  	[sflag:s26] =	ssyncset.done $0x0  }
0xd0: {  	[sflag:s26] =	ssyncadd.s32 $0xFFFFFF80  }
0xd1: {  	[tilespmem:s30], [sflag:$0x2] =	stream.indirect.gather [hbm4b:s5+s28], $0x80, s28, s28, $0xb8;
	[tilespmem:$0x1C180] =	vst v63  }
0xd2: {  	_ =	swait.ge [sflag:s31], $0x4000  }
0xd3: {  	[sflag:s31] =	ssyncset.done $0x0  }
0xd4: {  	s14 =	sadd.s32 $0x0, s17;
	[sflag:s31] =	ssyncadd.s32 $0xFFFFC000  }
0xd5: {  	[tilespmem:s0], [sflag:$0x3] =	stream.linear.gather [hbm4b:s14+s3], $0x80, $0x38;
	[tilespmem:$0x1C180] =	vst v63  }
0xd6: {  	_ =	swait.ge [sflag:s26], $0x80  }
0xd7: {  	[sflag:s26] =	ssyncset.done $0x0  }
0xd8: {  	[sflag:s26] =	ssyncadd.s32 $0xFFFFFF80  }
0xd9: {  	[spmem:s1] =	stream.indirect.scatter.add.f32 [tilespmem:s29], [sflag:$0x3], $0x80, s0, s28, $0xb8;
	[tilespmem:$0x1C180] =	vst v63  }
0xda: {  	_ =	swait.ge [sflag:s26], $0x4000  }
0xdb: {  	[sflag:s26] =	ssyncset.done $0x0  }
0xdc: {  	s10 =	sadd.s32 $0x20, s13;
	[sflag:s26] =	ssyncadd.s32 $0xFFFFC000  }
0xdd: {  	[tilespmem:s3], [sflag:$0x3] =	stream.linear.gather [hbm4b:s10+s3], $0x80, $0x38;
	[tilespmem:$0x1C180] =	vst v63  }
0xde: {  	_ =	swait.ge [sflag:s26], $0x80  }
0xdf: {  	[sflag:s26] =	ssyncset.done $0x0  }
0xe0: {  	[sflag:s26] =	ssyncadd.s32 $0xFFFFFF80  }
0xe1: {  	[tilespmem:s29], [sflag:$0x1] =	stream.indirect.gather [hbm4b:s5+s28], $0x80, s3, s28, $0xb8;
	[tilespmem:$0x1C180] =	vst v63  }
0xe2: {  	_ =	swait.ge [sflag:s2], $0x4000  }
0xe3: {  	[sflag:s2] =	ssyncset.done $0x0  }
0xe4: {  	s15 =	sadd.s32 $0x10, s14;
	[sflag:s2] =	ssyncadd.s32 $0xFFFFC000  }
0xe5: {  	[tilespmem:s0], [sflag:$0x3] =	stream.linear.gather [hbm4b:s15+s3], $0x80, $0x38;
	[tilespmem:$0x1C180] =	vst v63  }
0xe6: {  	_ =	swait.ge [sflag:s26], $0x80  }
0xe7: {  	[sflag:s26] =	ssyncset.done $0x0  }
0xe8: {  	[sflag:s26] =	ssyncadd.s32 $0xFFFFFF80  }
0xe9: {  	[spmem:s1] =	stream.indirect.scatter.add.f32 [tilespmem:s30], [sflag:$0x3], $0x80, s0, s28, $0xb8;
	[tilespmem:$0x1C180] =	vst v63  }
0xea: {  	s12 =	sadd.s32 $0x20, s16;
	_ =	swait.ge [sflag:s26], $0x4000  }
0xeb: {  	s13 =	simm.s32 $0x40;
	s10 =	simm.s32 $0x20;
	[sflag:s26] =	ssyncset.done $0x0  }
.LBB2_6:
0xec: {  	s14 =	sadd.s32 $0x10, s12  }
0xed: {  	[sflag:s26] =	ssyncadd.s32 $0xFFFFC000;
	s15 =	smov.u32 s13;
	s11 =	sadd.s32 $0x20, s13  }
0xee: {  	[tilespmem:s28], [sflag:$0x3] =	stream.linear.gather [hbm4b:s14+s3], $0x80, $0x38;
	[tilespmem:$0x1C180] =	vst v63  }
0xef: {  	p1 =	sne.s32 s13, $0x240;
	_ =	swait.ge [sflag:s26], $0x80  }
0xf0: {  	[sflag:s26] =	ssyncset.done $0x0  }
0xf1: {  	[sflag:s26] =	ssyncadd.s32 $0xFFFFFF80  }
0xf2: {  	[tilespmem:s30], [sflag:$0x2] =	stream.indirect.gather [hbm4b:s5+s28], $0x80, s28, s28, $0xb8;
	[tilespmem:$0x1C180] =	vst v63  }
0xf3: {  	_ =	swait.ge [sflag:s31], $0x4000  }
0xf4: {  	[sflag:s31] =	ssyncset.done $0x0  }
0xf5: {  	s13 =	sadd.s32 s10, s17;
	s10 =	smov.u32 s15;
	[sflag:s31] =	ssyncadd.s32 $0xFFFFC000  }
0xf6: {  	[tilespmem:s0], [sflag:$0x3] =	stream.linear.gather [hbm4b:s13+s3], $0x80, $0x38;
	[tilespmem:$0x1C180] =	vst v63  }
0xf7: {  	_ =	swait.ge [sflag:s26], $0x80  }
0xf8: {  	[sflag:s26] =	ssyncset.done $0x0  }
0xf9: {  	[sflag:s26] =	ssyncadd.s32 $0xFFFFFF80  }
0xfa: {  	[spmem:s1] =	stream.indirect.scatter.add.f32 [tilespmem:s29], [sflag:$0x3], $0x80, s0, s28, $0xb8;
	[tilespmem:$0x1C180] =	vst v63  }
0xfb: {  	_ =	swait.ge [sflag:s26], $0x4000  }
0xfc: {  	[sflag:s26] =	ssyncset.done $0x0  }
0xfd: {  	s12 =	sadd.s32 $0x20, s12;
	[sflag:s26] =	ssyncadd.s32 $0xFFFFC000  }
0xfe: {  	[tilespmem:s3], [sflag:$0x3] =	stream.linear.gather [hbm4b:s12+s3], $0x80, $0x38;
	[tilespmem:$0x1C180] =	vst v63  }
0xff: {  	_ =	swait.ge [sflag:s26], $0x80  }
0x100: {  	[sflag:s26] =	ssyncset.done $0x0  }
0x101: {  	[sflag:s26] =	ssyncadd.s32 $0xFFFFFF80  }
0x102: {  	[tilespmem:s29], [sflag:$0x1] =	stream.indirect.gather [hbm4b:s5+s28], $0x80, s3, s28, $0xb8;
	[tilespmem:$0x1C180] =	vst v63  }
0x103: {  	_ =	swait.ge [sflag:s2], $0x4000  }
0x104: {  	[sflag:s2] =	ssyncset.done $0x0  }
0x105: {  	s12 =	sadd.s32 $0x10, s13;
	[sflag:s2] =	ssyncadd.s32 $0xFFFFC000  }
0x106: {  	[tilespmem:s0], [sflag:$0x3] =	stream.linear.gather [hbm4b:s12+s3], $0x80, $0x38;
	[tilespmem:$0x1C180] =	vst v63  }
0x107: {  	_ =	swait.ge [sflag:s26], $0x80  }
.Ltmp5:
0x108: {  	[sflag:s26] =	ssyncset.done $0x0;
	(pc) =	sbr.rel @p1 .LBB2_6-.Ltmp5, $4  }
0x109: {  	[sflag:s26] =	ssyncadd.s32 $0xFFFFFF80  }
0x10a: {  	[spmem:s1] =	stream.indirect.scatter.add.f32 [tilespmem:s30], [sflag:$0x3], $0x80, s0, s28, $0xb8;
	[tilespmem:$0x1C180] =	vst v63  }
0x10b: {  	_ =	swait.ge [sflag:s26], $0x4000  }
0x10c: {  	s13 =	smov.u32 s11;
	s12 =	sadd.s32 s10, s16;
	[sflag:s26] =	ssyncset.done $0x0  }
0x10d: {  	s11 =	sadd.s32 $0x10, s12;
	[sflag:s26] =	ssyncadd.s32 $0xFFFFC000  }
0x10e: {  	[tilespmem:s28], [sflag:$0x3] =	stream.linear.gather [hbm4b:s11+s3], $0x80, $0x38;
	[tilespmem:$0x1C180] =	vst v63  }
0x10f: {  	_ =	swait.ge [sflag:s26], $0x80  }
0x110: {  	[sflag:s26] =	ssyncset.done $0x0  }
0x111: {  	[sflag:s26] =	ssyncadd.s32 $0xFFFFFF80  }
0x112: {  	[tilespmem:s30], [sflag:$0x2] =	stream.indirect.gather [hbm4b:s5+s28], $0x80, s28, s28, $0xb8;
	[tilespmem:$0x1C180] =	vst v63  }
0x113: {  	_ =	swait.ge [sflag:s31], $0x4000  }
0x114: {  	[sflag:s31] =	ssyncset.done $0x0  }
0x115: {  	s10 =	sadd.s32 s10, s17;
	[sflag:s31] =	ssyncadd.s32 $0xFFFFC000  }
0x116: {  	[tilespmem:s0], [sflag:$0x3] =	stream.linear.gather [hbm4b:s10+s3], $0x80, $0x38;
	[tilespmem:$0x1C180] =	vst v63  }
0x117: {  	_ =	swait.ge [sflag:s26], $0x80  }
0x118: {  	[sflag:s26] =	ssyncset.done $0x0  }
0x119: {  	[sflag:s26] =	ssyncadd.s32 $0xFFFFFF80  }
0x11a: {  	[spmem:s1] =	stream.indirect.scatter.add.f32 [tilespmem:s29], [sflag:$0x3], $0x80, s0, s28, $0xb8;
	[tilespmem:$0x1C180] =	vst v63  }
0x11b: {  	_ =	swait.ge [sflag:s26], $0x4000  }
0x11c: {  	[sflag:s26] =	ssyncset.done $0x0  }
0x11d: {  	s15 =	sadd.s32 $0x20, s12;
	[sflag:s26] =	ssyncadd.s32 $0xFFFFC000  }
0x11e: {  	[tilespmem:s3], [sflag:$0x3] =	stream.linear.gather [hbm4b:s15+s3], $0x80, $0x38;
	[tilespmem:$0x1C180] =	vst v63  }
0x11f: {  	_ =	swait.ge [sflag:s26], $0x80  }
0x120: {  	[sflag:s26] =	ssyncset.done $0x0  }
0x121: {  	[sflag:s26] =	ssyncadd.s32 $0xFFFFFF80  }
0x122: {  	[tilespmem:s29], [sflag:$0x1] =	stream.indirect.gather [hbm4b:s5+s28], $0x80, s3, s28, $0xb8;
	[tilespmem:$0x1C180] =	vst v63  }
0x123: {  	_ =	swait.ge [sflag:s2], $0x4000  }
0x124: {  	[sflag:s2] =	ssyncset.done $0x0  }
0x125: {  	s10 =	sadd.s32 $0x10, s10;
	[sflag:s2] =	ssyncadd.s32 $0xFFFFC000  }
0x126: {  	[tilespmem:s0], [sflag:$0x3] =	stream.linear.gather [hbm4b:s10+s3], $0x80, $0x38;
	[tilespmem:$0x1C180] =	vst v63  }
0x127: {  	_ =	swait.ge [sflag:s26], $0x80  }
0x128: {  	[sflag:s26] =	ssyncset.done $0x0  }
0x129: {  	[sflag:s26] =	ssyncadd.s32 $0xFFFFFF80  }
0x12a: {  	[spmem:s1] =	stream.indirect.scatter.add.f32 [tilespmem:s30], [sflag:$0x3], $0x80, s0, s28, $0xb8;
	[tilespmem:$0x1C180] =	vst v63  }
0x12b: {  	_ =	swait.ge [sflag:s26], $0x4000  }
0x12c: {  	[sflag:s26] =	ssyncset.done $0x0  }
0x12d: {  	s10 =	smov.u32 s5;
	[sflag:s26] =	ssyncadd.s32 $0xFFFFC000  }
.LBB2_8:
0x12e: {  	s11 =	rddreg [dreg:$0x7]  }
0x12f: {  	[tilespmem:s28], [sflag:$0x3] =	stream.linear.gather [hbm4b:s11+s3], $0x80, $0x38;
	[tilespmem:$0x1C180] =	vst v63  }
0x130: {  	_ =	swait.ge [sflag:s26], $0x80  }
0x131: {  	[sflag:s26] =	ssyncset.done $0x0  }
0x132: {  	[sflag:s26] =	ssyncadd.s32 $0xFFFFFF80  }
0x133: {  	[tilespmem:s30], [sflag:$0x2] =	stream.indirect.gather [hbm4b:s10+s28], $0x80, s28, s28, $0xb8;
	[tilespmem:$0x1C180] =	vst v63  }
0x134: {  	_ =	swait.ge [sflag:s31], $0x4000  }
0x135: {  	[sflag:s31] =	ssyncset.done $0x0  }
0x136: {  	s13 =	rddreg [dreg:$0x6];
	[sflag:s31] =	ssyncadd.s32 $0xFFFFC000  }
0x137: {  	[tilespmem:s0], [sflag:$0x3] =	stream.linear.gather [hbm4b:s13+s3], $0x80, $0x38;
	[tilespmem:$0x1C180] =	vst v63  }
0x138: {  	_ =	swait.ge [sflag:s26], $0x80  }
0x139: {  	[sflag:s26] =	ssyncset.done $0x0  }
0x13a: {  	[sflag:s26] =	ssyncadd.s32 $0xFFFFFF80  }
0x13b: {  	[spmem:s1] =	stream.indirect.scatter.add.f32 [tilespmem:s29], [sflag:$0x3], $0x80, s0, s28, $0xb8;
	[tilespmem:$0x1C180] =	vst v63  }
0x13c: {  	_ =	swait.ge [sflag:s26], $0x4000  }
0x13d: {  	[sflag:s26] =	ssyncset.done $0x0  }
0x13e: {  	[sflag:s26] =	ssyncadd.s32 $0xFFFFC000  }
0x13f: {  	_ =	swait.ge [sflag:s2], $0x4000  }
0x140: {  	[sflag:s2] =	ssyncset.done $0x0  }
0x141: {  	s14 =	rddreg [dreg:$0x5];
	[sflag:s2] =	ssyncadd.s32 $0xFFFFC000  }
0x142: {  	[tilespmem:s0], [sflag:$0x3] =	stream.linear.gather [hbm4b:s14+s3], $0x80, $0x38;
	[tilespmem:$0x1C180] =	vst v63  }
0x143: {  	_ =	swait.ge [sflag:s26], $0x80  }
0x144: {  	[sflag:s26] =	ssyncset.done $0x0  }
0x145: {  	[sflag:s26] =	ssyncadd.s32 $0xFFFFFF80  }
0x146: {  	[spmem:s1] =	stream.indirect.scatter.add.f32 [tilespmem:s30], [sflag:$0x3], $0x80, s0, s28, $0xb8;
	[tilespmem:$0x1C180] =	vst v63  }
0x147: {  	_ =	swait.ge [sflag:s26], $0x4000  }
0x148: {  	[sflag:s26] =	ssyncset.done $0x0  }
0x149: {  	[sflag:s26] =	ssyncadd.s32 $0xFFFFC000  }
0x14a: {  	[bflag:$0x0] =	sbarrier.arrive $0xFFFF  }
0x14b: {  	[hbm:s23], [sflag:s22] =	dma.local [spmem:s9], $0x2800  }
0x14c: {  	_ =	swait.ge [sflag:s26], $0x2800  }
0x14d: {  	[sflag:s26] =	ssyncset.done $0x0  }
0x14e: {  	[sflag:s26] =	ssyncadd.s32 $0xFFFFD800  }
0x14f: {  	[bflag:$0x0] =	sbarrier.arrive $0xFFFF  }
0x150: {  	[spmem:s9], [sflag:s22] =	dma.local [hbm:s20], $0x2800  }
0x151: {  	_ =	swait.ge [sflag:s26], $0x2800  }
0x152: {  	[sflag:s26] =	ssyncset.done $0x0  }
0x153: {  	[sflag:s26] =	ssyncadd.s32 $0xFFFFD800  }
0x154: {  	[bflag:$0x0] =	sbarrier.arrive $0xFFFF  }
.Ltmp6:
0x155: {  	s15 =	rddreg [dreg:$0x4];
	(pc) =	sbr.rel @p0 .LBB2_12-.Ltmp6, $4  }
0x156: {  	[tilespmem:s3], [sflag:$0x3] =	stream.linear.gather [hbm4b:s15+s3], $0x80, $0x38;
	[tilespmem:$0x1C180] =	vst v63  }
0x157: {  	_ =	swait.ge [sflag:s26], $0x80  }
0x158: {  	[sflag:s26] =	ssyncset.done $0x0  }
0x159: {  	s10 =	simm.s32 $0x0;
	[sflag:s26] =	ssyncadd.s32 $0xFFFFFF80  }
0x15a: {  	[tilespmem:s29], [sflag:$0x1] =	stream.indirect.gather [hbm4b:s6+s28], $0x80, s10, s28, $0xb8;
	[tilespmem:$0x1C180] =	vst v63  }
0x15b: {  	s13 =	sadd.s32 $0x0, s18  }
0x15c: {  	s11 =	sadd.s32 $0x10, s13  }
0x15d: {  	[tilespmem:s28], [sflag:$0x3] =	stream.linear.gather [hbm4b:s11+s3], $0x80, $0x38;
	[tilespmem:$0x1C180] =	vst v63  }
0x15e: {  	_ =	swait.ge [sflag:s26], $0x80  }
0x15f: {  	[sflag:s26] =	ssyncset.done $0x0  }
0x160: {  	[sflag:s26] =	ssyncadd.s32 $0xFFFFFF80  }
0x161: {  	[tilespmem:s30], [sflag:$0x2] =	stream.indirect.gather [hbm4b:s6+s28], $0x80, s28, s28, $0xb8;
	[tilespmem:$0x1C180] =	vst v63  }
0x162: {  	_ =	swait.ge [sflag:s31], $0x4000  }
0x163: {  	[sflag:s31] =	ssyncset.done $0x0  }
0x164: {  	s14 =	sadd.s32 $0x0, s19;
	[sflag:s31] =	ssyncadd.s32 $0xFFFFC000  }
0x165: {  	[tilespmem:s0], [sflag:$0x3] =	stream.linear.gather [hbm4b:s14+s3], $0x80, $0x38;
	[tilespmem:$0x1C180] =	vst v63  }
0x166: {  	_ =	swait.ge [sflag:s26], $0x80  }
0x167: {  	[sflag:s26] =	ssyncset.done $0x0  }
0x168: {  	[sflag:s26] =	ssyncadd.s32 $0xFFFFFF80  }
0x169: {  	[spmem:s1] =	stream.indirect.scatter.add.f32 [tilespmem:s29], [sflag:$0x3], $0x80, s0, s28, $0xb8;
	[tilespmem:$0x1C180] =	vst v63  }
0x16a: {  	_ =	swait.ge [sflag:s26], $0x4000  }
0x16b: {  	[sflag:s26] =	ssyncset.done $0x0  }
0x16c: {  	s10 =	sadd.s32 $0x20, s13;
	[sflag:s26] =	ssyncadd.s32 $0xFFFFC000  }
0x16d: {  	[tilespmem:s3], [sflag:$0x3] =	stream.linear.gather [hbm4b:s10+s3], $0x80, $0x38;
	[tilespmem:$0x1C180] =	vst v63  }
0x16e: {  	_ =	swait.ge [sflag:s26], $0x80  }
0x16f: {  	[sflag:s26] =	ssyncset.done $0x0  }
0x170: {  	[sflag:s26] =	ssyncadd.s32 $0xFFFFFF80  }
0x171: {  	[tilespmem:s29], [sflag:$0x1] =	stream.indirect.gather [hbm4b:s6+s28], $0x80, s3, s28, $0xb8;
	[tilespmem:$0x1C180] =	vst v63  }
0x172: {  	_ =	swait.ge [sflag:s2], $0x4000  }
0x173: {  	[sflag:s2] =	ssyncset.done $0x0  }
0x174: {  	s15 =	sadd.s32 $0x10, s14;
	[sflag:s2] =	ssyncadd.s32 $0xFFFFC000  }
0x175: {  	[tilespmem:s0], [sflag:$0x3] =	stream.linear.gather [hbm4b:s15+s3], $0x80, $0x38;
	[tilespmem:$0x1C180] =	vst v63  }
0x176: {  	_ =	swait.ge [sflag:s26], $0x80  }
0x177: {  	[sflag:s26] =	ssyncset.done $0x0  }
0x178: {  	[sflag:s26] =	ssyncadd.s32 $0xFFFFFF80  }
0x179: {  	[spmem:s1] =	stream.indirect.scatter.add.f32 [tilespmem:s30], [sflag:$0x3], $0x80, s0, s28, $0xb8;
	[tilespmem:$0x1C180] =	vst v63  }
0x17a: {  	s12 =	sadd.s32 $0x20, s18;
	_ =	swait.ge [sflag:s26], $0x4000  }
0x17b: {  	s13 =	simm.s32 $0x40;
	s10 =	simm.s32 $0x20;
	[sflag:s26] =	ssyncset.done $0x0  }
.LBB2_10:
0x17c: {  	s14 =	sadd.s32 $0x10, s12  }
0x17d: {  	[sflag:s26] =	ssyncadd.s32 $0xFFFFC000;
	s15 =	smov.u32 s13;
	s11 =	sadd.s32 $0x20, s13  }
0x17e: {  	[tilespmem:s28], [sflag:$0x3] =	stream.linear.gather [hbm4b:s14+s3], $0x80, $0x38;
	[tilespmem:$0x1C180] =	vst v63  }
0x17f: {  	p1 =	seq.s32 s13, $0x240;
	_ =	swait.ge [sflag:s26], $0x80  }
0x180: {  	[sflag:s26] =	ssyncset.done $0x0  }
0x181: {  	[sflag:s26] =	ssyncadd.s32 $0xFFFFFF80  }
0x182: {  	[tilespmem:s30], [sflag:$0x2] =	stream.indirect.gather [hbm4b:s6+s28], $0x80, s28, s28, $0xb8;
	[tilespmem:$0x1C180] =	vst v63  }
0x183: {  	_ =	swait.ge [sflag:s31], $0x4000  }
0x184: {  	[sflag:s31] =	ssyncset.done $0x0  }
0x185: {  	s13 =	sadd.s32 s10, s19;
	s10 =	smov.u32 s15;
	[sflag:s31] =	ssyncadd.s32 $0xFFFFC000  }
0x186: {  	[tilespmem:s0], [sflag:$0x3] =	stream.linear.gather [hbm4b:s13+s3], $0x80, $0x38;
	[tilespmem:$0x1C180] =	vst v63  }
0x187: {  	_ =	swait.ge [sflag:s26], $0x80  }
0x188: {  	[sflag:s26] =	ssyncset.done $0x0  }
0x189: {  	[sflag:s26] =	ssyncadd.s32 $0xFFFFFF80  }
0x18a: {  	[spmem:s1] =	stream.indirect.scatter.add.f32 [tilespmem:s29], [sflag:$0x3], $0x80, s0, s28, $0xb8;
	[tilespmem:$0x1C180] =	vst v63  }
0x18b: {  	_ =	swait.ge [sflag:s26], $0x4000  }
0x18c: {  	[sflag:s26] =	ssyncset.done $0x0  }
0x18d: {  	s12 =	sadd.s32 $0x20, s12;
	[sflag:s26] =	ssyncadd.s32 $0xFFFFC000  }
0x18e: {  	[tilespmem:s3], [sflag:$0x3] =	stream.linear.gather [hbm4b:s12+s3], $0x80, $0x38;
	[tilespmem:$0x1C180] =	vst v63  }
0x18f: {  	_ =	swait.ge [sflag:s26], $0x80  }
0x190: {  	[sflag:s26] =	ssyncset.done $0x0  }
0x191: {  	[sflag:s26] =	ssyncadd.s32 $0xFFFFFF80  }
0x192: {  	[tilespmem:s29], [sflag:$0x1] =	stream.indirect.gather [hbm4b:s6+s28], $0x80, s3, s28, $0xb8;
	[tilespmem:$0x1C180] =	vst v63  }
0x193: {  	_ =	swait.ge [sflag:s2], $0x4000  }
0x194: {  	[sflag:s2] =	ssyncset.done $0x0  }
0x195: {  	s12 =	sadd.s32 $0x10, s13;
	[sflag:s2] =	ssyncadd.s32 $0xFFFFC000  }
0x196: {  	[tilespmem:s0], [sflag:$0x3] =	stream.linear.gather [hbm4b:s12+s3], $0x80, $0x38;
	[tilespmem:$0x1C180] =	vst v63  }
0x197: {  	_ =	swait.ge [sflag:s26], $0x80  }
.Ltmp7:
0x198: {  	[sflag:s26] =	ssyncset.done $0x0;
	(pc) =	sbr.rel @!p1 .LBB2_10-.Ltmp7, $4  }
0x199: {  	[sflag:s26] =	ssyncadd.s32 $0xFFFFFF80  }
0x19a: {  	[spmem:s1] =	stream.indirect.scatter.add.f32 [tilespmem:s30], [sflag:$0x3], $0x80, s0, s28, $0xb8;
	[tilespmem:$0x1C180] =	vst v63  }
0x19b: {  	_ =	swait.ge [sflag:s26], $0x4000  }
0x19c: {  	s13 =	smov.u32 s11;
	s12 =	sadd.s32 s10, s18;
	[sflag:s26] =	ssyncset.done $0x0  }
0x19d: {  	s11 =	sadd.s32 $0x10, s12;
	[sflag:s26] =	ssyncadd.s32 $0xFFFFC000  }
0x19e: {  	[tilespmem:s28], [sflag:$0x3] =	stream.linear.gather [hbm4b:s11+s3], $0x80, $0x38;
	[tilespmem:$0x1C180] =	vst v63  }
0x19f: {  	_ =	swait.ge [sflag:s26], $0x80  }
0x1a0: {  	[sflag:s26] =	ssyncset.done $0x0  }
0x1a1: {  	[sflag:s26] =	ssyncadd.s32 $0xFFFFFF80  }
0x1a2: {  	[tilespmem:s30], [sflag:$0x2] =	stream.indirect.gather [hbm4b:s6+s28], $0x80, s28, s28, $0xb8;
	[tilespmem:$0x1C180] =	vst v63  }
0x1a3: {  	_ =	swait.ge [sflag:s31], $0x4000  }
0x1a4: {  	[sflag:s31] =	ssyncset.done $0x0  }
0x1a5: {  	s10 =	sadd.s32 s10, s19;
	[sflag:s31] =	ssyncadd.s32 $0xFFFFC000  }
0x1a6: {  	[tilespmem:s0], [sflag:$0x3] =	stream.linear.gather [hbm4b:s10+s3], $0x80, $0x38;
	[tilespmem:$0x1C180] =	vst v63  }
0x1a7: {  	_ =	swait.ge [sflag:s26], $0x80  }
0x1a8: {  	[sflag:s26] =	ssyncset.done $0x0  }
0x1a9: {  	[sflag:s26] =	ssyncadd.s32 $0xFFFFFF80  }
0x1aa: {  	[spmem:s1] =	stream.indirect.scatter.add.f32 [tilespmem:s29], [sflag:$0x3], $0x80, s0, s28, $0xb8;
	[tilespmem:$0x1C180] =	vst v63  }
0x1ab: {  	_ =	swait.ge [sflag:s26], $0x4000  }
0x1ac: {  	[sflag:s26] =	ssyncset.done $0x0  }
0x1ad: {  	s15 =	sadd.s32 $0x20, s12;
	[sflag:s26] =	ssyncadd.s32 $0xFFFFC000  }
0x1ae: {  	[tilespmem:s3], [sflag:$0x3] =	stream.linear.gather [hbm4b:s15+s3], $0x80, $0x38;
	[tilespmem:$0x1C180] =	vst v63  }
0x1af: {  	_ =	swait.ge [sflag:s26], $0x80  }
0x1b0: {  	[sflag:s26] =	ssyncset.done $0x0  }
0x1b1: {  	[sflag:s26] =	ssyncadd.s32 $0xFFFFFF80  }
0x1b2: {  	[tilespmem:s29], [sflag:$0x1] =	stream.indirect.gather [hbm4b:s6+s28], $0x80, s3, s28, $0xb8;
	[tilespmem:$0x1C180] =	vst v63  }
0x1b3: {  	_ =	swait.ge [sflag:s2], $0x4000  }
0x1b4: {  	[sflag:s2] =	ssyncset.done $0x0  }
0x1b5: {  	s10 =	sadd.s32 $0x10, s10;
	[sflag:s2] =	ssyncadd.s32 $0xFFFFC000  }
0x1b6: {  	[tilespmem:s0], [sflag:$0x3] =	stream.linear.gather [hbm4b:s10+s3], $0x80, $0x38;
	[tilespmem:$0x1C180] =	vst v63  }
0x1b7: {  	_ =	swait.ge [sflag:s26], $0x80  }
0x1b8: {  	[sflag:s26] =	ssyncset.done $0x0  }
.Ltmp8:
0x1b9: {  	[sflag:s26] =	ssyncadd.s32 $0xFFFFFF80;
	(pc) =	sbr.rel .LBB2_15-.Ltmp8, $4  }
0x1ba: {  	[spmem:s1] =	stream.indirect.scatter.add.f32 [tilespmem:s30], [sflag:$0x3], $0x80, s0, s28, $0xb8;
	[tilespmem:$0x1C180] =	vst v63  }
0x1bb: {  	_ =	swait.ge [sflag:s26], $0x4000  }
0x1bc: {  	[sflag:s26] =	ssyncset.done $0x0  }
0x1bd: {  	s10 =	smov.u32 s6;
	[sflag:s26] =	ssyncadd.s32 $0xFFFFC000  }
.LBB2_12:
0x1be: {  	[tilespmem:s29], [sflag:$0x1] =	stream.indirect.gather [hbm4b:s7+s28], $0x80, s10, s28, $0xb8;
	[tilespmem:$0x1C180] =	vst v63  }
0x1bf: {  	s13 =	sadd.s32 $0x0, s18  }
0x1c0: {  	s11 =	sadd.s32 $0x10, s13  }
0x1c1: {  	[tilespmem:s28], [sflag:$0x3] =	stream.linear.gather [hbm4b:s11+s3], $0x80, $0x38;
	[tilespmem:$0x1C180] =	vst v63  }
0x1c2: {  	_ =	swait.ge [sflag:s26], $0x80  }
0x1c3: {  	[sflag:s26] =	ssyncset.done $0x0  }
0x1c4: {  	[sflag:s26] =	ssyncadd.s32 $0xFFFFFF80  }
0x1c5: {  	[tilespmem:s30], [sflag:$0x2] =	stream.indirect.gather [hbm4b:s7+s28], $0x80, s28, s28, $0xb8;
	[tilespmem:$0x1C180] =	vst v63  }
0x1c6: {  	_ =	swait.ge [sflag:s31], $0x4000  }
0x1c7: {  	[sflag:s31] =	ssyncset.done $0x0  }
0x1c8: {  	s14 =	sadd.s32 $0x0, s19;
	[sflag:s31] =	ssyncadd.s32 $0xFFFFC000  }
0x1c9: {  	[tilespmem:s0], [sflag:$0x3] =	stream.linear.gather [hbm4b:s14+s3], $0x80, $0x38;
	[tilespmem:$0x1C180] =	vst v63  }
0x1ca: {  	_ =	swait.ge [sflag:s26], $0x80  }
0x1cb: {  	[sflag:s26] =	ssyncset.done $0x0  }
0x1cc: {  	[sflag:s26] =	ssyncadd.s32 $0xFFFFFF80  }
0x1cd: {  	[spmem:s1] =	stream.indirect.scatter.add.f32 [tilespmem:s29], [sflag:$0x3], $0x80, s0, s28, $0xb8;
	[tilespmem:$0x1C180] =	vst v63  }
0x1ce: {  	_ =	swait.ge [sflag:s26], $0x4000  }
0x1cf: {  	[sflag:s26] =	ssyncset.done $0x0  }
0x1d0: {  	s10 =	sadd.s32 $0x20, s13;
	[sflag:s26] =	ssyncadd.s32 $0xFFFFC000  }
0x1d1: {  	[tilespmem:s3], [sflag:$0x3] =	stream.linear.gather [hbm4b:s10+s3], $0x80, $0x38;
	[tilespmem:$0x1C180] =	vst v63  }
0x1d2: {  	_ =	swait.ge [sflag:s26], $0x80  }
0x1d3: {  	[sflag:s26] =	ssyncset.done $0x0  }
0x1d4: {  	[sflag:s26] =	ssyncadd.s32 $0xFFFFFF80  }
0x1d5: {  	[tilespmem:s29], [sflag:$0x1] =	stream.indirect.gather [hbm4b:s7+s28], $0x80, s3, s28, $0xb8;
	[tilespmem:$0x1C180] =	vst v63  }
0x1d6: {  	_ =	swait.ge [sflag:s2], $0x4000  }
0x1d7: {  	[sflag:s2] =	ssyncset.done $0x0  }
0x1d8: {  	s15 =	sadd.s32 $0x10, s14;
	[sflag:s2] =	ssyncadd.s32 $0xFFFFC000  }
0x1d9: {  	[tilespmem:s0], [sflag:$0x3] =	stream.linear.gather [hbm4b:s15+s3], $0x80, $0x38;
	[tilespmem:$0x1C180] =	vst v63  }
0x1da: {  	_ =	swait.ge [sflag:s26], $0x80  }
0x1db: {  	[sflag:s26] =	ssyncset.done $0x0  }
0x1dc: {  	[sflag:s26] =	ssyncadd.s32 $0xFFFFFF80  }
0x1dd: {  	[spmem:s1] =	stream.indirect.scatter.add.f32 [tilespmem:s30], [sflag:$0x3], $0x80, s0, s28, $0xb8;
	[tilespmem:$0x1C180] =	vst v63  }
0x1de: {  	s12 =	sadd.s32 $0x20, s18;
	_ =	swait.ge [sflag:s26], $0x4000  }
0x1df: {  	s13 =	simm.s32 $0x40;
	s10 =	simm.s32 $0x20;
	[sflag:s26] =	ssyncset.done $0x0  }
.LBB2_13:
0x1e0: {  	s14 =	sadd.s32 $0x10, s12  }
0x1e1: {  	[sflag:s26] =	ssyncadd.s32 $0xFFFFC000;
	s15 =	smov.u32 s13;
	s11 =	sadd.s32 $0x20, s13  }
0x1e2: {  	[tilespmem:s28], [sflag:$0x3] =	stream.linear.gather [hbm4b:s14+s3], $0x80, $0x38;
	[tilespmem:$0x1C180] =	vst v63  }
0x1e3: {  	p1 =	sne.s32 s13, $0x240;
	_ =	swait.ge [sflag:s26], $0x80  }
0x1e4: {  	[sflag:s26] =	ssyncset.done $0x0  }
0x1e5: {  	[sflag:s26] =	ssyncadd.s32 $0xFFFFFF80  }
0x1e6: {  	[tilespmem:s30], [sflag:$0x2] =	stream.indirect.gather [hbm4b:s7+s28], $0x80, s28, s28, $0xb8;
	[tilespmem:$0x1C180] =	vst v63  }
0x1e7: {  	_ =	swait.ge [sflag:s31], $0x4000  }
0x1e8: {  	[sflag:s31] =	ssyncset.done $0x0  }
0x1e9: {  	s13 =	sadd.s32 s10, s19;
	s10 =	smov.u32 s15;
	[sflag:s31] =	ssyncadd.s32 $0xFFFFC000  }
0x1ea: {  	[tilespmem:s0], [sflag:$0x3] =	stream.linear.gather [hbm4b:s13+s3], $0x80, $0x38;
	[tilespmem:$0x1C180] =	vst v63  }
0x1eb: {  	_ =	swait.ge [sflag:s26], $0x80  }
0x1ec: {  	[sflag:s26] =	ssyncset.done $0x0  }
0x1ed: {  	[sflag:s26] =	ssyncadd.s32 $0xFFFFFF80  }
0x1ee: {  	[spmem:s1] =	stream.indirect.scatter.add.f32 [tilespmem:s29], [sflag:$0x3], $0x80, s0, s28, $0xb8;
	[tilespmem:$0x1C180] =	vst v63  }
0x1ef: {  	_ =	swait.ge [sflag:s26], $0x4000  }
0x1f0: {  	[sflag:s26] =	ssyncset.done $0x0  }
0x1f1: {  	s12 =	sadd.s32 $0x20, s12;
	[sflag:s26] =	ssyncadd.s32 $0xFFFFC000  }
0x1f2: {  	[tilespmem:s3], [sflag:$0x3] =	stream.linear.gather [hbm4b:s12+s3], $0x80, $0x38;
	[tilespmem:$0x1C180] =	vst v63  }
0x1f3: {  	_ =	swait.ge [sflag:s26], $0x80  }
0x1f4: {  	[sflag:s26] =	ssyncset.done $0x0  }
0x1f5: {  	[sflag:s26] =	ssyncadd.s32 $0xFFFFFF80  }
0x1f6: {  	[tilespmem:s29], [sflag:$0x1] =	stream.indirect.gather [hbm4b:s7+s28], $0x80, s3, s28, $0xb8;
	[tilespmem:$0x1C180] =	vst v63  }
0x1f7: {  	_ =	swait.ge [sflag:s2], $0x4000  }
0x1f8: {  	[sflag:s2] =	ssyncset.done $0x0  }
0x1f9: {  	s12 =	sadd.s32 $0x10, s13;
	[sflag:s2] =	ssyncadd.s32 $0xFFFFC000  }
0x1fa: {  	[tilespmem:s0], [sflag:$0x3] =	stream.linear.gather [hbm4b:s12+s3], $0x80, $0x38;
	[tilespmem:$0x1C180] =	vst v63  }
0x1fb: {  	_ =	swait.ge [sflag:s26], $0x80  }
.Ltmp9:
0x1fc: {  	[sflag:s26] =	ssyncset.done $0x0;
	(pc) =	sbr.rel @p1 .LBB2_13-.Ltmp9, $4  }
0x1fd: {  	[sflag:s26] =	ssyncadd.s32 $0xFFFFFF80  }
0x1fe: {  	[spmem:s1] =	stream.indirect.scatter.add.f32 [tilespmem:s30], [sflag:$0x3], $0x80, s0, s28, $0xb8;
	[tilespmem:$0x1C180] =	vst v63  }
0x1ff: {  	_ =	swait.ge [sflag:s26], $0x4000  }
0x200: {  	s13 =	smov.u32 s11;
	s12 =	sadd.s32 s10, s18;
	[sflag:s26] =	ssyncset.done $0x0  }
.Ltmp10:
0x201: {  	_ = 	snop;
	(pc) =	sbr.rel .LBB2_14-.Ltmp10, $1  }
0x202: {  	_ =	sdelay $0x3  }
.LBB2_16:
0x203: {  	_ =	sfence.sel $0x180000  }
0x204: {  	[bflag:$0x0] =	sbarrier.arrive $0xFFFF  }
0x205: {  	_ =	strace $0x90000053  }
0x206: {  	s0 =	stileid.u32;
	[bflag:$0x2] =	sbarrier.arrive $0xFFFF  }
0x207: {  	p0 =	sne.s32 s0, $0x0;
	s0 =	rddreg [dreg:$0x2]  }
0x208: {  	s0 =	sadd.s32 @!p0 $0x100000, s0  }
0x209: {  	[sflag:s0] =	ssyncadd.tile.s32 @!p0 $0x1;
	_ =	shalt  }
.Lfunc_end2:
_tile_overlayer_lowered:
.L_overlay_start_2:
0x20a: {  	(tag) =	ssettag $0x2  }
0x20b: {  	s0 =	rddreg [dreg:$0x0];
	s2 =	stileid.u32  }
0x20c: {  	s1 =	rddreg [dreg:$0x1];
	p0 =	sne.s32 s2, $0x0  }
0x20d: {  	s3 =	rddreg [dreg:$0x2];
	[bflag:$0x3] =	sbarrier.arrive $0xFFFF;
	s2 =	simm.s32 @!p0 $0x1C03  }
0x20e: {  	[timem:s3], [sflag:s2] =	dma.local @!p0 [hbm:s0], s1  }
0x20f: {  	s0 =	simm.s32 @!p0 $0x3  }
0x210: {  	_ =	swait.ge @!p0 [sflag:s0], s1  }
0x211: {  	s1 =	ssub.s32 @!p0 $0x0, s1;
	[sflag:s0] =	ssyncset.done @!p0 $0x0  }
0x212: {  	[sflag:s0] =	ssyncadd.s32 @!p0 s1  }
0x213: {  	[bflag:$0x3] =	sbarrier.arrive $0xFFFF  }
0x214: {  	_ =	shalt  }

</sc_bundles>
